<compile_context>
chip_gen: v7x
topology: tpu7x:2x2x1
jax: 0.10.2.dev20260603
libtpu: 0.0.44.dev20260713+nightly
codegen_flags: <defaults>
</compile_context>

<pallas_src>
import functools

import jax
import jax.numpy as jnp
from jax import lax
from jax.experimental import pallas as pl
from jax.experimental.pallas import tpu as pltpu
from jax.experimental.pallas import tpu_sc as plsc

N = 10000
K = 16
P = 8
NCH = N // P
NW = 32
TR = 400
NT = N // TR
F32 = jnp.float32


def _sc_gather_rows(CW, tc_tiling=True, nrows=N * K):
  mesh = plsc.VectorSubcoreMesh(core_axis_name="c", subcore_axis_name="s")
  cp = None if tc_tiling else pltpu.CompilerParams(use_tc_tiling_on_sc=False)
  pts = P if CW >= 64 else 40
  ng = pts * K // 128
  nch = nrows // (pts * K)

  @functools.partial(
      pl.kernel,
      out_type=jax.ShapeDtypeStruct((nrows, CW), F32),
      mesh=mesh,
      compiler_params=cp,
      scratch_types=[
          pltpu.VMEM((pts * K,), jnp.int32),
          pltpu.VMEM((pts * K, CW), F32),
          pltpu.SemaphoreType.DMA,
      ],
      name=f"sc_gather_rows_{CW}")
  def k(src_hbm, idx_hbm, out_hbm, idx_v, rows_v, sem):
    wid = lax.axis_index("s") * 2 + lax.axis_index("c")

    def do_chunk(j, carry):
      ch = wid + NW * j

      @pl.when(ch < nch)
      def _():
        base = ch * (pts * K)
        pltpu.sync_copy(idx_hbm.at[pl.ds(base, pts * K)], idx_v)
        descs = [
            pltpu.async_copy(src_hbm.at[idx_v.at[pl.ds(i * 128, 128)]],
                             rows_v.at[pl.ds(i * 128, 128)], sem)
            for i in range(ng)
        ]
        for d in descs:
          d.wait()
        pltpu.sync_copy(rows_v, out_hbm.at[pl.ds(base, pts * K)])
      return carry

    lax.fori_loop(0, (nch + NW - 1) // NW, do_chunk, 0)

  return k


def _lrelu(x):
  return jnp.where(x > 0, x, 0.2 * x)


def _row(spec_cols):
  return pl.BlockSpec((TR, spec_cols), lambda *g: (g[-1], 0))


def _whole(r, c):
  return pl.BlockSpec((r, c), lambda *g: (0, 0))


def _dot(a, b):
  return jnp.dot(a, b, preferred_element_type=F32)


def _dot_hi(a, b):
  return jnp.dot(a, b, preferred_element_type=F32,
                 precision=lax.Precision.HIGHEST)


NH = N // 2
TRE = 200
NTE = NH // TRE


def _tc_edge_p0(CW, O_w, O_j, h):
  OT = O_w + O_j

  def body(nb_ref, x_ref, w_ref, m_ref, acc_ref):
    t = pl.program_id(0)
    nb = nb_ref[...]
    x = x_ref[...]
    xb = jnp.broadcast_to(x[:, None, :], (TRE, K, CW))
    e = jnp.concatenate([nb - xb, xb], axis=2).reshape(TRE * K, 2 * CW)
    y3 = _dot(e, w_ref[...]).reshape(TRE, K, OT)
    m_ref[...] = jnp.max(y3, axis=1)
    yw = y3[:, :, :O_w]

    @pl.when(t == 0)
    def _():
      acc_ref[...] = jnp.zeros_like(acc_ref)
    acc_ref[0:1] += jnp.sum(jnp.sum(yw, axis=1), axis=0, keepdims=True)
    acc_ref[1:2] += jnp.sum(jnp.sum(yw * yw, axis=1), axis=0, keepdims=True)

  return pl.pallas_call(
      body, grid=(NTE,),
      in_specs=[pl.BlockSpec((TRE, K, CW), lambda t: (t, 0, 0)),
                pl.BlockSpec((TRE, CW), lambda t: (t + h * NTE, 0)),
                pl.BlockSpec((2 * CW, OT), lambda t: (0, 0))],
      out_specs=[pl.BlockSpec((TRE, OT), lambda t: (t, 0)),
                 pl.BlockSpec((2, O_w), lambda t: (0, 0))],
      out_shape=[jax.ShapeDtypeStruct((NH, OT), F32),
                 jax.ShapeDtypeStruct((2, O_w), F32)],
  )


def _tc_edge_p1(O_w, O_j, bn_eps=1e-5):
  OT = O_w + O_j

  def body(m_ref, sa_ref, sb_ref, bj_ref, h_ref):
    cnt = float(N * K)
    mean = (sa_ref[0:1] + sb_ref[0:1]) / cnt
    ey2 = (sa_ref[1:2] + sb_ref[1:2]) / cnt
    sd = jnp.sqrt(ey2 - mean * mean + bn_eps)
    m = m_ref[...]
    h_w = _lrelu((m[:, :O_w] - mean) / sd)
    h_j = _lrelu(m[:, O_w:] + bj_ref[...])
    h_ref[...] = jnp.concatenate([h_w, h_j], axis=1)

  return pl.pallas_call(
      body, grid=(NTE,),
      in_specs=[pl.BlockSpec((TRE, OT), lambda t: (t, 0)),
                pl.BlockSpec((2, O_w), lambda t: (0, 0)),
                pl.BlockSpec((2, O_w), lambda t: (0, 0)),
                pl.BlockSpec((1, O_j), lambda t: (0, 0))],
      out_specs=pl.BlockSpec((TRE, OT), lambda t: (t, 0)),
      out_shape=jax.ShapeDtypeStruct((NH, OT), F32),
  )


def _edge_layer(CW, O_w, O_j, tc_tiling=True):
  gat = _sc_gather_rows(CW, tc_tiling=tc_tiling, nrows=NH * K)
  p0a = _tc_edge_p0(CW, O_w, O_j, 0)
  p0b = _tc_edge_p0(CW, O_w, O_j, 1)
  p1 = _tc_edge_p1(O_w, O_j)

  def f(src, idxflat, w1cat, w2cat, bj):
    wcat = jnp.concatenate([w1cat, w2cat], axis=0)
    nba = gat(src, idxflat[:NH * K]).reshape(NH, K, CW)
    nbb = gat(src, idxflat[NH * K:]).reshape(NH, K, CW)
    ma, sa = p0a(nba, src, wcat)
    mb, sb = p0b(nbb, src, wcat)
    ha = p1(ma, sa, sb, bj)
    hb = p1(mb, sa, sb, bj)
    return jnp.concatenate([ha, hb], axis=0)
  return f


def _tc_gc():
  def body(x0_ref, h1_ref, h2_ref, h3_ref, gw_ref, zg_ref, zs_ref, zq_ref):
    t = pl.program_id(0)
    local = jnp.concatenate(
        [x0_ref[...], h1_ref[...], h2_ref[...], h3_ref[...]], axis=1)
    zg = _dot(local, gw_ref[...])
    zg_ref[...] = zg

    @pl.when(t == 0)
    def _():
      zs_ref[...] = jnp.zeros_like(zs_ref)
      zq_ref[...] = jnp.zeros_like(zq_ref)
    zs_ref[...] += jnp.sum(zg, axis=0, keepdims=True)
    zq_ref[...] += jnp.sum(zg * zg, axis=0, keepdims=True)

  one = lambda c: pl.BlockSpec((1, c), lambda t: (0, 0))
  return pl.pallas_call(
      body, grid=(NT,),
      in_specs=[_row(8), _row(64), _row(128), _row(256), _whole(456, 512)],
      out_specs=[_row(512), one(512), one(512)],
      out_shape=[jax.ShapeDtypeStruct((N, 512), F32),
                 jax.ShapeDtypeStruct((1, 512), F32),
                 jax.ShapeDtypeStruct((1, 512), F32)],
  )


def _tc_gred():
  def body(zg_ref, zs_ref, zq_ref, wg1_ref, wg2_ref,
           gmax_ref, gmean_ref, c1_ref, mx_acc, sm_acc):
    t = pl.program_id(0)

    @pl.when(t == 0)
    def _():
      mx_acc[...] = jnp.full_like(mx_acc, -1e30)
      sm_acc[...] = jnp.zeros_like(sm_acc)

    mean = zs_ref[...] / N
    var = zq_ref[...] / N - mean * mean
    g = _lrelu((zg_ref[...] - mean) / jnp.sqrt(var + 1e-5))
    mx_acc[...] = jnp.maximum(mx_acc[...], jnp.max(g, axis=0, keepdims=True))
    sm_acc[...] += jnp.sum(g, axis=0, keepdims=True)

    @pl.when(t == NT - 1)
    def _():
      gmax = mx_acc[...]
      gmean = sm_acc[...] / N
      gmax_ref[...] = gmax
      gmean_ref[...] = gmean
      c1_ref[...] = _dot(gmax, wg1_ref[...]) + _dot(gmean, wg2_ref[...])

  one = lambda c: pl.BlockSpec((1, c), lambda t: (0, 0))
  return pl.pallas_call(
      body, grid=(NT,),
      in_specs=[_row(512), one(512), one(512),
                _whole(512, 1024), _whole(512, 1024)],
      out_specs=[one(512), one(512), one(1024)],
      out_shape=[jax.ShapeDtypeStruct((1, 512), F32),
                 jax.ShapeDtypeStruct((1, 512), F32),
                 jax.ShapeDtypeStruct((1, 1024), F32)],
      scratch_shapes=[pltpu.VMEM((1, 512), F32), pltpu.VMEM((1, 512), F32)],
  )


def _tc_wm1():
  def body(x0_ref, h1_ref, h2_ref, h3_ref, c1_ref, wl_ref,
           z_ref, zs_ref, zq_ref):
    t = pl.program_id(0)
    local = jnp.concatenate(
        [x0_ref[...], h1_ref[...], h2_ref[...], h3_ref[...]], axis=1)
    z = _dot(local, wl_ref[...]) + c1_ref[...]
    z_ref[...] = z

    @pl.when(t == 0)
    def _():
      zs_ref[...] = jnp.zeros_like(zs_ref)
      zq_ref[...] = jnp.zeros_like(zq_ref)
    zs_ref[...] += jnp.sum(z, axis=0, keepdims=True)
    zq_ref[...] += jnp.sum(z * z, axis=0, keepdims=True)

  one = lambda c: pl.BlockSpec((1, c), lambda t: (0, 0))
  return pl.pallas_call(
      body, grid=(NT,),
      in_specs=[_row(8), _row(64), _row(128), _row(256),
                one(1024), _whole(456, 1024)],
      out_specs=[_row(1024), one(1024), one(1024)],
      out_shape=[jax.ShapeDtypeStruct((N, 1024), F32),
                 jax.ShapeDtypeStruct((1, 1024), F32),
                 jax.ShapeDtypeStruct((1, 1024), F32)],
  )


def _tc_wm_mid(Ci, Co):
  def body(z_ref, zs_ref, zq_ref, w_ref, z2_ref, z2s_ref, z2q_ref):
    t = pl.program_id(0)
    mean = zs_ref[...] / N
    var = zq_ref[...] / N - mean * mean
    a = _lrelu((z_ref[...] - mean) / jnp.sqrt(var + 1e-5))
    z2 = _dot(a, w_ref[...])
    z2_ref[...] = z2

    @pl.when(t == 0)
    def _():
      z2s_ref[...] = jnp.zeros_like(z2s_ref)
      z2q_ref[...] = jnp.zeros_like(z2q_ref)
    z2s_ref[...] += jnp.sum(z2, axis=0, keepdims=True)
    z2q_ref[...] += jnp.sum(z2 * z2, axis=0, keepdims=True)

  one = lambda c: pl.BlockSpec((1, c), lambda t: (0, 0))
  return pl.pallas_call(
      body, grid=(NT,),
      in_specs=[_row(Ci), one(Ci), one(Ci), _whole(Ci, Co)],
      out_specs=[_row(Co), one(Co), one(Co)],
      out_shape=[jax.ShapeDtypeStruct((N, Co), F32),
                 jax.ShapeDtypeStruct((1, Co), F32),
                 jax.ShapeDtypeStruct((1, Co), F32)],
  )


def _tc_wm4():
  def body(z_ref, zs_ref, zq_ref, w4_ref, b4_ref,
           x0_ref, h1_ref, h2_ref, h3_ref, att_ref, jn_ref):
    t = pl.program_id(0)
    mean = zs_ref[...] / N
    var = zq_ref[...] / N - mean * mean
    a = _lrelu((z_ref[...] - mean) / jnp.sqrt(var + 1e-5))
    att = _dot(a, w4_ref[...]) + b4_ref[...]
    att_ref[...] = att
    rowmax = jnp.max(att, axis=1, keepdims=True)
    wb = (att == rowmax).astype(F32)
    feat = jnp.concatenate(
        [x0_ref[...], h1_ref[...], h2_ref[...], h3_ref[...]], axis=1)
    jn = lax.dot_general(wb, feat, (((0,), (0,)), ((), ())),
                         preferred_element_type=F32)

    @pl.when(t == 0)
    def _():
      jn_ref[...] = jnp.zeros_like(jn_ref)
    jn_ref[...] += jn

  one = lambda c: pl.BlockSpec((1, c), lambda t: (0, 0))
  return pl.pallas_call(
      body, grid=(NT,),
      in_specs=[_row(64), one(64), one(64), _whole(64, 32), one(32),
                _row(8), _row(64), _row(128), _row(256)],
      out_specs=[_row(32), pl.BlockSpec((32, 456), lambda t: (0, 0))],
      out_shape=[jax.ShapeDtypeStruct((N, 32), F32),
                 jax.ShapeDtypeStruct((32, 456), F32)],
  )


def _tc_skel():
  def body(jn_ref, sidx_ref,
           s1w_ref, s1b_ref, s2w_ref, s2b_ref, s3w_ref, s3b_ref,
           m1w_ref, m1b_ref, m2w_ref, m2b_ref, m3w_ref, m3b_ref, out_ref):
    iota_m = lax.broadcasted_iota(jnp.int32, (32, 32), 1)

    def edge_layer(X, wcat, b):
      mx = None
      for kk in range(4):
        sc = sidx_ref[:, kk:kk + 1]
        pk = (sc == iota_m).astype(F32)
        nb = _dot_hi(pk, X)
        e = jnp.concatenate([nb - X, X], axis=1)
        yk = _dot(e, wcat) + b
        mx = yk if mx is None else jnp.maximum(mx, yk)
      return _lrelu(mx)

    jn = jn_ref[...]
    jp = jn * (1.0 / (jn[:, 3:4] + 1e-5))
    v1 = edge_layer(jp, s1w_ref[...], s1b_ref[...])
    v2 = edge_layer(v1, s2w_ref[...], s2b_ref[...])
    v3 = edge_layer(v2, s3w_ref[...], s3b_ref[...])
    jcat = jnp.concatenate([v1, v2, v3], axis=1)
    j1 = _lrelu(_dot(jcat, m1w_ref[...]) + m1b_ref[...])
    j2 = _lrelu(_dot(j1, m2w_ref[...]) + m2b_ref[...])
    out_ref[...] = _dot(j2, m3w_ref[...]) + m3b_ref[...]

  one = lambda c: pl.BlockSpec((1, c), lambda: (0, 0))
  w = lambda r, c: pl.BlockSpec((r, c), lambda: (0, 0))
  return pl.pallas_call(
      body,
      in_specs=[w(32, 456), w(32, 8),
                w(912, 256), one(256),
                w(512, 128), one(128),
                w(256, 64), one(64),
                w(448, 512), one(512), w(512, 256), one(256),
                w(256, 8), one(8)],
      out_specs=w(32, 8),
      out_shape=jax.ShapeDtypeStruct((32, 8), F32),
  )


def _pad_rows(w, rows):
  return jnp.concatenate(
      [w, jnp.zeros((rows - w.shape[0], w.shape[1]), w.dtype)], axis=0)


def _expand451(wt):
  return jnp.concatenate(
      [wt[:3], jnp.zeros((5, wt.shape[1]), wt.dtype), wt[3:]], axis=0)


def _blockdiag(a, b):
  za = jnp.zeros((a.shape[0], b.shape[1]), F32)
  zb = jnp.zeros((b.shape[0], a.shape[1]), F32)
  return jnp.concatenate([jnp.concatenate([a, za], axis=1),
                          jnp.concatenate([zb, b], axis=1)], axis=0)


def kernel(V, params, facesOneRingIdx, skeletonOneRingIdx):
  p = params
  x0 = V[0].astype(F32)
  x0p = jnp.concatenate(
      [x0, jnp.ones((N, 1), F32), jnp.zeros((N, 4), F32)], axis=1)
  idxflat = facesOneRingIdx[0].astype(jnp.int32).reshape(N * K)

  def ew(name):
    w = p[name]
    c = w.shape[1] // 2
    return w[:, :c].T, w[:, c:].T

  w1w, w2w = ew('wn_g0_w')
  w1j, w2j = ew('jn_g0_w')
  wcat1 = _pad_rows(jnp.concatenate([w1w, w1j], axis=1), 8)
  wcat2 = _pad_rows(jnp.concatenate([w2w, w2j], axis=1), 8)
  hh1 = _edge_layer(8, 64, 64, tc_tiling=False)(
      x0p, idxflat, wcat1, wcat2, p['jn_g0_b'][None])

  w1w, w2w = ew('wn_g1_w')
  w1j, w2j = ew('jn_g1_w')
  hh2 = _edge_layer(128, 128, 128)(
      hh1, idxflat, _blockdiag(w1w, w1j), _blockdiag(w2w, w2j),
      p['jn_g1_b'][None])

  w1w, w2w = ew('wn_g2_w')
  w1j, w2j = ew('jn_g2_w')
  hh3 = _edge_layer(256, 256, 256)(
      hh2, idxflat, _blockdiag(w1w, w1j), _blockdiag(w2w, w2j),
      p['jn_g2_b'][None])

  h1, jh1 = hh1[:, :64], hh1[:, 64:]
  h2, jh2 = hh2[:, :128], hh2[:, 128:]
  h3, jh3 = hh3[:, :256], hh3[:, 256:]

  gcw = _expand451(p['gc_w'].T)
  zg, zs, zq = _tc_gc()(x0p, h1, h2, h3, gcw)
  gmax, gmean, c1 = _tc_gred()(zg, zs, zq,
                               p['wm1_w'][:, :512].T,
                               p['wm1_w'][:, 512:1024].T)
  wl = _expand451(p['wm1_w'][:, 1024:].T)
  z1, z1s, z1q = _tc_wm1()(x0p, h1, h2, h3, c1, wl)
  z2, z2s, z2q = _tc_wm_mid(1024, 256)(z1, z1s, z1q, p['wm2_w'].T)
  z3, z3s, z3q = _tc_wm_mid(256, 64)(z2, z2s, z2q, p['wm3_w'].T)

  w4p = jnp.concatenate([p['wm4_w'].T, jnp.zeros((64, 8), F32)], axis=1)
  b4p = jnp.concatenate([p['wm4_b'], jnp.full((8,), -1e9, F32)])[None]
  attp, jn_acc = _tc_wm4()(z3, z3s, z3q, w4p, b4p, x0p, jh1, jh2, jh3)
  att = attp[:, :24].T[None]

  sidx = skeletonOneRingIdx[0].astype(jnp.int32)
  sidxp = jnp.pad(sidx, ((0, 8), (0, 4)))
  s1w = jnp.concatenate([_expand451(p['sk1_w'][:, :451].T),
                         _expand451(p['sk1_w'][:, 451:].T)], axis=0)
  s2w = p['sk2_w'].T
  s3w = p['sk3_w'].T
  jm3w = jnp.concatenate([p['jm3_w'].T, jnp.zeros((256, 5), F32)], axis=1)
  jm3b = jnp.concatenate([p['jm3_b'], jnp.zeros((5,), F32)])[None]
  joints_p = _tc_skel()(
      jn_acc, sidxp,
      s1w, p['sk1_b'][None], s2w, p['sk2_b'][None], s3w, p['sk3_b'][None],
      p['jm1_w'].T, p['jm1_b'][None], p['jm2_w'].T, p['jm2_b'][None],
      jm3w, jm3b)
  joints = joints_p[:24, :3][None]
  return joints, att

# --- scband reference (transcript-rebuilt; emitter-appended) ---
"""Pipeline reference for scband-skinning-net-9474697855030 (READ-ONLY COPY).

The authoritative reference and input builder live on the scoring server;
editing this copy changes nothing except your own understanding.
"""

import jax, jax.numpy as jnp
import numpy as np

LAYERS = [64, 128, 256]

def _lrelu(x):
    return jnp.where(x > 0, x, 0.2 * x)

def _conv(x, w, b=None):
    # x: [B, C, ...], w: [O, C] (1x1 conv)
    y = jnp.einsum('oc,bc...->bo...', w, x)
    if b is not None:
        y = y + b.reshape((1, -1) + (1,) * (y.ndim - 2))
    return y

def _bn(x, gamma, beta):
    axes = (0,) + tuple(range(2, x.ndim))
    mean = x.mean(axes, keepdims=True)
    var = x.var(axes, keepdims=True)
    xh = (x - mean) / jnp.sqrt(var + 1e-5)
    shp = (1, -1) + (1,) * (x.ndim - 2)
    return xh * gamma.reshape(shp) + beta.reshape(shp)

def _edge_features(x, idx):
    # x [B,C,N], idx [B,N,K] -> [B,2C,N,K] edge features (x_j - x_i, x_i)
    xt = jnp.transpose(x, (0, 2, 1))
    nb = jax.vmap(lambda f, i: f[i])(xt, idx)  # gather neighbors [B,N,K,C]
    ctr = jnp.broadcast_to(xt[:, :, None, :], nb.shape)
    e = jnp.concatenate([nb - ctr, ctr], axis=-1)
    return jnp.transpose(e, (0, 3, 1, 2))

def _dgcnn_layer(x, idx, w, b=None, gamma=None, beta=None):
    e = _edge_features(x, idx)
    y = _conv(e, w, b)
    if gamma is not None:
        y = _bn(y, gamma, beta)
    y = _lrelu(y)
    return y.max(axis=-1)

def _geonet(x, idx, p, prefix, use_bn):
    outs = [x]
    h = x
    for i in range(len(LAYERS)):
        if use_bn:
            h = _dgcnn_layer(h, idx, p[prefix + str(i) + '_w'], None, p[prefix + str(i) + '_gamma'], p[prefix + str(i) + '_beta'])
        else:
            h = _dgcnn_layer(h, idx, p[prefix + str(i) + '_w'], p[prefix + str(i) + '_b'])
        outs.append(h)
    return jnp.concatenate(outs, axis=1)

def _forward(V, params, facesOneRingIdx, skeletonOneRingIdx):
    p = params
    B, N, _ = V.shape
    x = jnp.transpose(V, (0, 2, 1))  # [B,3,N]
    # --- WeightBindingNet ---
    local = _geonet(x, facesOneRingIdx, p, 'wn_g', True)  # [B,451,N]
    g = _lrelu(_bn(_conv(local, p['gc_w']), p['gc_gamma'], p['gc_beta']))  # [B,512,N]
    gmax = jnp.broadcast_to(g.max(axis=-1, keepdims=True), g.shape)
    gmean = jnp.broadcast_to(g.mean(axis=-1, keepdims=True), g.shape)
    a = jnp.concatenate([gmax, gmean, local], axis=1)  # [B,1475,N]
    a = _lrelu(_bn(_conv(a, p['wm1_w']), p['wm1_gamma'], p['wm1_beta']))
    a = _lrelu(_bn(_conv(a, p['wm2_w']), p['wm2_gamma'], p['wm2_beta']))
    a = _lrelu(_bn(_conv(a, p['wm3_w']), p['wm3_gamma'], p['wm3_beta']))
    att = _conv(a, p['wm4_w'], p['wm4_b'])  # [B,24,N]
    # W = one-hot argmax of detached attentions
    Wd = jax.lax.stop_gradient(att)
    Wb = (Wd == Wd.max(axis=1, keepdims=True)).astype(jnp.float32)  # [B,24,N]
    # --- JointNet ---
    feat = _geonet(x, facesOneRingIdx, p, 'jn_g', False)  # [B,451,N]
    feat = jnp.transpose(feat, (0, 2, 1))  # [B,N,451]
    J = jnp.einsum('bjn,bnc->bjc', Wb, feat)  # [B,24,451]
    J = J / (Wb.sum(axis=-1)[:, :, None] + 1e-5)
    J = jnp.transpose(J, (0, 2, 1))  # [B,451,24]
    sidx = jnp.broadcast_to(skeletonOneRingIdx, (B,) + skeletonOneRingIdx.shape[1:])
    V1 = _dgcnn_layer(J, sidx, p['sk1_w'], p['sk1_b'])   # [B,256,24]
    V2 = _dgcnn_layer(V1, sidx, p['sk2_w'], p['sk2_b'])  # [B,128,24]
    V3 = _dgcnn_layer(V2, sidx, p['sk3_w'], p['sk3_b'])  # [B,64,24]
    j = jnp.concatenate([V1, V2, V3], axis=1)  # [B,448,24]
    j = _lrelu(_conv(j, p['jm1_w'], p['jm1_b']))
    j = _lrelu(_conv(j, p['jm2_w'], p['jm2_b']))
    j = _conv(j, p['jm3_w'], p['jm3_b'])  # [B,3,24]
    joints = jnp.transpose(j, (0, 2, 1))  # [B,24,3]
    return joints, att

def setup_inputs(seed: int = 0):
    key = jax.random.key(seed)
    ks = jax.random.split(key, 64)
    B, N, K = 1, 10000, 16
    JNUM, KS = 24, 4
    V = jax.random.normal(ks[0], (B, N, 3), dtype=jnp.float32)
    facesOneRingIdx = jax.random.randint(ks[1], (B, N, K), 0, N)
    skeletonOneRingIdx = jax.random.randint(ks[2], (1, JNUM, KS), 0, JNUM)
    dsum = 3 + sum(LAYERS)  # 451
    p = {}
    ctr = [3]
    def w(shape):
        ctr[0] += 1
        return jax.random.normal(ks[ctr[0]], shape, dtype=jnp.float32) * 0.05
    cin = 3
    for li, cout in enumerate(LAYERS):
        p['wn_g' + str(li) + '_w'] = w((cout, 2 * cin))
        p['wn_g' + str(li) + '_gamma'] = jnp.ones((cout,), jnp.float32)
        p['wn_g' + str(li) + '_beta'] = jnp.zeros((cout,), jnp.float32)
        p['jn_g' + str(li) + '_w'] = w((cout, 2 * cin))
        p['jn_g' + str(li) + '_b'] = jnp.zeros((cout,), jnp.float32)
        cin = cout
    p['gc_w'] = w((512, dsum)); p['gc_gamma'] = jnp.ones((512,), jnp.float32); p['gc_beta'] = jnp.zeros((512,), jnp.float32)
    p['wm1_w'] = w((1024, 1024 + dsum)); p['wm1_gamma'] = jnp.ones((1024,), jnp.float32); p['wm1_beta'] = jnp.zeros((1024,), jnp.float32)
    p['wm2_w'] = w((256, 1024)); p['wm2_gamma'] = jnp.ones((256,), jnp.float32); p['wm2_beta'] = jnp.zeros((256,), jnp.float32)
    p['wm3_w'] = w((64, 256)); p['wm3_gamma'] = jnp.ones((64,), jnp.float32); p['wm3_beta'] = jnp.zeros((64,), jnp.float32)
    p['wm4_w'] = w((24, 64)); p['wm4_b'] = jnp.zeros((24,), jnp.float32)
    p['sk1_w'] = w((256, 2 * dsum)); p['sk1_b'] = jnp.zeros((256,), jnp.float32)
    p['sk2_w'] = w((128, 512)); p['sk2_b'] = jnp.zeros((128,), jnp.float32)
    p['sk3_w'] = w((64, 256)); p['sk3_b'] = jnp.zeros((64,), jnp.float32)
    p['jm1_w'] = w((512, 448)); p['jm1_b'] = jnp.zeros((512,), jnp.float32)
    p['jm2_w'] = w((256, 512)); p['jm2_b'] = jnp.zeros((256,), jnp.float32)
    p['jm3_w'] = w((3, 256)); p['jm3_b'] = jnp.zeros((3,), jnp.float32)
    return {"V": V, "params": p, "facesOneRingIdx": facesOneRingIdx, "skeletonOneRingIdx": skeletonOneRingIdx}

def reference(V, params, facesOneRingIdx, skeletonOneRingIdx):
    return _forward(V, params, facesOneRingIdx, skeletonOneRingIdx)

if __name__ == "__main__":
    import jax
    _d = setup_inputs()
    print(jax.jit(kernel)(*tuple(_d.values())))

</pallas_src>

<mosaic_0001>
#map = affine_map<(d0, d1) -> (0, 0)>
#map1 = affine_map<(d0, d1) -> (0)>
module attributes {stable_mosaic.version = 14 : i64} {
  func.func @sc_gather_rows_128(%arg0: i32, %arg1: i32, %arg2: memref<10000x128xf32, #tpu.memory_space<hbm>>, %arg3: memref<80000xi32, #tpu.memory_space<hbm>>, %arg4: memref<80000x128xf32, #tpu.memory_space<hbm>>, %arg5: memref<128xi32, #tpu.memory_space<vmem>>, %arg6: memref<128x128xf32, #tpu.memory_space<vmem>>, %arg7: memref<!tpu.dma_semaphore, #tpu.memory_space<semaphore_mem>>) attributes {dimension_semantics = [#tpu.dimension_semantics<core_parallel>, #tpu.dimension_semantics<subcore_parallel>], iteration_bounds = array<i64: 2, 16>, scalar_prefetch = 0 : i64, scratch_operands = 3 : i64, tpu.core_type = #tpu.core_type<sc_vector_subcore>, window_params = [{transform_indices = #map}, {transform_indices = #map1}, {transform_indices = #map}]} {
    %mul3A = arith.constant 2 : i32
    %mul3A_0 = arith.muli %arg1, %mul3A : i32
    %add3A = arith.addi %mul3A_0, %arg0 : i32
    %scan3A = arith.constant 0 : i32
    %scan3A_1 = arith.constant 0 : i32
    %scan3A_2 = arith.constant 20 : i32
    %scan3A_3 = arith.addi %scan3A_1, %scan3A_2 : i32
    %scan3A_4 = arith.constant 1 : i32
    scf.for %scan3A_6 = %scan3A_1 to %scan3A_3 step %scan3A_4  : i32 {
      %mul3A_7 = arith.constant 32 : i32
      %mul3A_8 = arith.muli %mul3A_7, %scan3A_6 : i32
      %add3A_9 = arith.addi %add3A, %mul3A_8 : i32
      %lt3A = arith.constant 625 : i32
      %lt3A_10 = arith.cmpi slt, %add3A_9, %lt3A : i32
      %convert_element_type3A = arith.extui %lt3A_10 : i1 to i32
      %cond3A = arith.constant 0 : i32
      %cond3A_11 = arith.cmpi ne, %convert_element_type3A, %cond3A : i32
      scf.if %cond3A_11 {
        %mul3A_12 = arith.constant 128 : i32
        %mul3A_13 = arith.muli %add3A_9, %mul3A_12 : i32
        "tpu.region"() ({
          %run_scoped3A = tpu.sem_alloc : memref<!tpu.dma_semaphore, #tpu.memory_space<semaphore_mem>>
          %dma_start3A_28 = tpu.memref_slice %arg3[%mul3A_13] : memref<80000xi32, #tpu.memory_space<hbm>> -> memref<128xi32, #tpu.memory_space<hbm>>
          %dma_start3A_29 = tpu.memref_slice %arg3[%mul3A_13] : memref<80000xi32, #tpu.memory_space<hbm>> -> memref<128xi32, #tpu.memory_space<hbm>>
          tpu.enqueue_dma source(%dma_start3A_29 : memref<128xi32, #tpu.memory_space<hbm>>) target(%arg5 : memref<128xi32, #tpu.memory_space<vmem>>) target_semaphore(%run_scoped3A : memref<!tpu.dma_semaphore, #tpu.memory_space<semaphore_mem>>)
          %dma_wait3A_30 = tpu.memref_slice %arg3[%mul3A_13] : memref<80000xi32, #tpu.memory_space<hbm>> -> memref<128xi32, #tpu.memory_space<hbm>>
          %dma_wait3A_31 = tpu.memref_slice %arg3[%mul3A_13] : memref<80000xi32, #tpu.memory_space<hbm>> -> memref<128xi32, #tpu.memory_space<hbm>>
          tpu.wait_dma2 semaphore(%run_scoped3A : memref<!tpu.dma_semaphore, #tpu.memory_space<semaphore_mem>>) src(%dma_wait3A_31 : memref<128xi32, #tpu.memory_space<hbm>>) dst(%arg5 : memref<128xi32, #tpu.memory_space<vmem>>)
          tpu.yield
        }) : () -> ()
        %dma_start3A = arith.constant 0 : i32
        %dma_start3A_14 = arith.constant 0 : i32
        %dma_start3A_15 = tpu.memref_slice %arg6[%dma_start3A, %dma_start3A_14] : memref<128x128xf32, #tpu.memory_space<vmem>> -> memref<128x128xf32, #tpu.memory_space<vmem>>
        %dma_start3A_16 = arith.constant 0 : i32
        %dma_start3A_17 = tpu.memref_slice %arg5[%dma_start3A_16] : memref<128xi32, #tpu.memory_space<vmem>> -> memref<128xi32, #tpu.memory_space<vmem>>
        %dma_start3A_18 = arith.constant 0 : i32
        %dma_start3A_19 = arith.constant 0 : i32
        %dma_start3A_20 = tpu.memref_slice %arg2[%dma_start3A_18, %dma_start3A_19] : memref<10000x128xf32, #tpu.memory_space<hbm>> -> memref<10000x128xf32, #tpu.memory_space<hbm>>
        tpu.enqueue_indirect_dma source(%dma_start3A_20 : memref<10000x128xf32, #tpu.memory_space<hbm>>) target(%dma_start3A_15 : memref<128x128xf32, #tpu.memory_space<vmem>>) offsets(%dma_start3A_17 : memref<128xi32, #tpu.memory_space<vmem>>) semaphore(%arg7 : memref<!tpu.dma_semaphore, #tpu.memory_space<semaphore_mem>>)
        %dma_wait3A = arith.constant 0 : i32
        %dma_wait3A_21 = arith.constant 0 : i32
        %dma_wait3A_22 = tpu.memref_slice %arg6[%dma_wait3A, %dma_wait3A_21] : memref<128x128xf32, #tpu.memory_space<vmem>> -> memref<128x128xf32, #tpu.memory_space<vmem>>
        %dma_wait3A_23 = arith.constant 0 : i32
        %dma_wait3A_24 = tpu.memref_slice %arg5[%dma_wait3A_23] : memref<128xi32, #tpu.memory_space<vmem>> -> memref<128xi32, #tpu.memory_space<vmem>>
        %dma_wait3A_25 = arith.constant 0 : i32
        %dma_wait3A_26 = arith.constant 0 : i32
        %dma_wait3A_27 = tpu.memref_slice %arg2[%dma_wait3A_25, %dma_wait3A_26] : memref<10000x128xf32, #tpu.memory_space<hbm>> -> memref<10000x128xf32, #tpu.memory_space<hbm>>
        tpu.wait_indirect_dma semaphore(%arg7 : memref<!tpu.dma_semaphore, #tpu.memory_space<semaphore_mem>>) src(%dma_wait3A_27 : memref<10000x128xf32, #tpu.memory_space<hbm>>) dst(%dma_wait3A_22 : memref<128x128xf32, #tpu.memory_space<vmem>>)
        "tpu.region"() ({
          %run_scoped3A = tpu.sem_alloc : memref<!tpu.dma_semaphore, #tpu.memory_space<semaphore_mem>>
          %dma_start3A_28 = arith.constant 0 : i32
          %dma_start3A_29 = tpu.memref_slice %arg4[%mul3A_13, %dma_start3A_28] : memref<80000x128xf32, #tpu.memory_space<hbm>> -> memref<128x128xf32, #tpu.memory_space<hbm>>
          %dma_start3A_30 = arith.constant 0 : i32
          %dma_start3A_31 = tpu.memref_slice %arg4[%mul3A_13, %dma_start3A_30] : memref<80000x128xf32, #tpu.memory_space<hbm>> -> memref<128x128xf32, #tpu.memory_space<hbm>>
          tpu.enqueue_dma source(%arg6 : memref<128x128xf32, #tpu.memory_space<vmem>>) target(%dma_start3A_31 : memref<128x128xf32, #tpu.memory_space<hbm>>) target_semaphore(%run_scoped3A : memref<!tpu.dma_semaphore, #tpu.memory_space<semaphore_mem>>)
          %dma_wait3A_32 = arith.constant 0 : i32
          %dma_wait3A_33 = tpu.memref_slice %arg4[%mul3A_13, %dma_wait3A_32] : memref<80000x128xf32, #tpu.memory_space<hbm>> -> memref<128x128xf32, #tpu.memory_space<hbm>>
          %dma_wait3A_34 = arith.constant 0 : i32
          %dma_wait3A_35 = tpu.memref_slice %arg4[%mul3A_13, %dma_wait3A_34] : memref<80000x128xf32, #tpu.memory_space<hbm>> -> memref<128x128xf32, #tpu.memory_space<hbm>>
          tpu.wait_dma2 semaphore(%run_scoped3A : memref<!tpu.dma_semaphore, #tpu.memory_space<semaphore_mem>>) src(%arg6 : memref<128x128xf32, #tpu.memory_space<vmem>>) dst(%dma_wait3A_35 : memref<128x128xf32, #tpu.memory_space<hbm>>)
          tpu.yield
        }) : () -> ()
      } else {
      }
    }
    %scan3A_5 = arith.constant 20 : i32
    return
  }
}

#map = affine_map<(d0, d1) -> (0, 0)>
#map1 = affine_map<(d0, d1) -> (0)>
module attributes {stable_mosaic.version = 14 : i64} {
  func.func @sc_gather_rows_8(%arg0: i32, %arg1: i32, %arg2: memref<10000x8xf32, #tpu.memory_space<hbm>>, %arg3: memref<80000xi32, #tpu.memory_space<hbm>>, %arg4: memref<80000x8xf32, #tpu.memory_space<hbm>>, %arg5: memref<640xi32, #tpu.memory_space<vmem>>, %arg6: memref<640x8xf32, #tpu.memory_space<vmem>>, %arg7: memref<!tpu.dma_semaphore, #tpu.memory_space<semaphore_mem>>) attributes {dimension_semantics = [#tpu.dimension_semantics<core_parallel>, #tpu.dimension_semantics<subcore_parallel>], iteration_bounds = array<i64: 2, 16>, scalar_prefetch = 0 : i64, scratch_operands = 3 : i64, tpu.core_type = #tpu.core_type<sc_vector_subcore>, window_params = [{transform_indices = #map}, {transform_indices = #map1}, {transform_indices = #map}]} {
    %mul3A = arith.constant 2 : i32
    %mul3A_0 = arith.muli %arg1, %mul3A : i32
    %add3A = arith.addi %mul3A_0, %arg0 : i32
    %scan3A = arith.constant 0 : i32
    %scan3A_1 = arith.constant 0 : i32
    %scan3A_2 = arith.constant 4 : i32
    %scan3A_3 = arith.addi %scan3A_1, %scan3A_2 : i32
    %scan3A_4 = arith.constant 1 : i32
    scf.for %scan3A_6 = %scan3A_1 to %scan3A_3 step %scan3A_4  : i32 {
      %mul3A_7 = arith.constant 32 : i32
      %mul3A_8 = arith.muli %mul3A_7, %scan3A_6 : i32
      %add3A_9 = arith.addi %add3A, %mul3A_8 : i32
      %lt3A = arith.constant 125 : i32
      %lt3A_10 = arith.cmpi slt, %add3A_9, %lt3A : i32
      %convert_element_type3A = arith.extui %lt3A_10 : i1 to i32
      %cond3A = arith.constant 0 : i32
      %cond3A_11 = arith.cmpi ne, %convert_element_type3A, %cond3A : i32
      scf.if %cond3A_11 {
        %mul3A_12 = arith.constant 640 : i32
        %mul3A_13 = arith.muli %add3A_9, %mul3A_12 : i32
        "tpu.region"() ({
          %run_scoped3A = tpu.sem_alloc : memref<!tpu.dma_semaphore, #tpu.memory_space<semaphore_mem>>
          %dma_start3A_92 = tpu.memref_slice %arg3[%mul3A_13] : memref<80000xi32, #tpu.memory_space<hbm>> -> memref<640xi32, #tpu.memory_space<hbm>>
          %dma_start3A_93 = tpu.memref_slice %arg3[%mul3A_13] : memref<80000xi32, #tpu.memory_space<hbm>> -> memref<640xi32, #tpu.memory_space<hbm>>
          tpu.enqueue_dma source(%dma_start3A_93 : memref<640xi32, #tpu.memory_space<hbm>>) target(%arg5 : memref<640xi32, #tpu.memory_space<vmem>>) target_semaphore(%run_scoped3A : memref<!tpu.dma_semaphore, #tpu.memory_space<semaphore_mem>>)
          %dma_wait3A_94 = tpu.memref_slice %arg3[%mul3A_13] : memref<80000xi32, #tpu.memory_space<hbm>> -> memref<640xi32, #tpu.memory_space<hbm>>
          %dma_wait3A_95 = tpu.memref_slice %arg3[%mul3A_13] : memref<80000xi32, #tpu.memory_space<hbm>> -> memref<640xi32, #tpu.memory_space<hbm>>
          tpu.wait_dma2 semaphore(%run_scoped3A : memref<!tpu.dma_semaphore, #tpu.memory_space<semaphore_mem>>) src(%dma_wait3A_95 : memref<640xi32, #tpu.memory_space<hbm>>) dst(%arg5 : memref<640xi32, #tpu.memory_space<vmem>>)
          tpu.yield
        }) : () -> ()
        %dma_start3A = arith.constant 0 : i32
        %dma_start3A_14 = arith.constant 0 : i32
        %dma_start3A_15 = tpu.memref_slice %arg6[%dma_start3A, %dma_start3A_14] : memref<640x8xf32, #tpu.memory_space<vmem>> -> memref<128x8xf32, #tpu.memory_space<vmem>>
        %dma_start3A_16 = arith.constant 0 : i32
        %dma_start3A_17 = tpu.memref_slice %arg5[%dma_start3A_16] : memref<640xi32, #tpu.memory_space<vmem>> -> memref<128xi32, #tpu.memory_space<vmem>>
        %dma_start3A_18 = arith.constant 0 : i32
        %dma_start3A_19 = arith.constant 0 : i32
        %dma_start3A_20 = tpu.memref_slice %arg2[%dma_start3A_18, %dma_start3A_19] : memref<10000x8xf32, #tpu.memory_space<hbm>> -> memref<10000x8xf32, #tpu.memory_space<hbm>>
        tpu.enqueue_indirect_dma source(%dma_start3A_20 : memref<10000x8xf32, #tpu.memory_space<hbm>>) target(%dma_start3A_15 : memref<128x8xf32, #tpu.memory_space<vmem>>) offsets(%dma_start3A_17 : memref<128xi32, #tpu.memory_space<vmem>>) semaphore(%arg7 : memref<!tpu.dma_semaphore, #tpu.memory_space<semaphore_mem>>)
        %dma_start3A_21 = arith.constant 128 : i32
        %dma_start3A_22 = arith.constant 0 : i32
        %dma_start3A_23 = tpu.memref_slice %arg6[%dma_start3A_21, %dma_start3A_22] : memref<640x8xf32, #tpu.memory_space<vmem>> -> memref<128x8xf32, #tpu.memory_space<vmem>>
        %dma_start3A_24 = arith.constant 128 : i32
        %dma_start3A_25 = tpu.memref_slice %arg5[%dma_start3A_24] : memref<640xi32, #tpu.memory_space<vmem>> -> memref<128xi32, #tpu.memory_space<vmem>>
        %dma_start3A_26 = arith.constant 0 : i32
        %dma_start3A_27 = arith.constant 0 : i32
        %dma_start3A_28 = tpu.memref_slice %arg2[%dma_start3A_26, %dma_start3A_27] : memref<10000x8xf32, #tpu.memory_space<hbm>> -> memref<10000x8xf32, #tpu.memory_space<hbm>>
        tpu.enqueue_indirect_dma source(%dma_start3A_28 : memref<10000x8xf32, #tpu.memory_space<hbm>>) target(%dma_start3A_23 : memref<128x8xf32, #tpu.memory_space<vmem>>) offsets(%dma_start3A_25 : memref<128xi32, #tpu.memory_space<vmem>>) semaphore(%arg7 : memref<!tpu.dma_semaphore, #tpu.memory_space<semaphore_mem>>)
        %dma_start3A_29 = arith.constant 256 : i32
        %dma_start3A_30 = arith.constant 0 : i32
        %dma_start3A_31 = tpu.memref_slice %arg6[%dma_start3A_29, %dma_start3A_30] : memref<640x8xf32, #tpu.memory_space<vmem>> -> memref<128x8xf32, #tpu.memory_space<vmem>>
        %dma_start3A_32 = arith.constant 256 : i32
        %dma_start3A_33 = tpu.memref_slice %arg5[%dma_start3A_32] : memref<640xi32, #tpu.memory_space<vmem>> -> memref<128xi32, #tpu.memory_space<vmem>>
        %dma_start3A_34 = arith.constant 0 : i32
        %dma_start3A_35 = arith.constant 0 : i32
        %dma_start3A_36 = tpu.memref_slice %arg2[%dma_start3A_34, %dma_start3A_35] : memref<10000x8xf32, #tpu.memory_space<hbm>> -> memref<10000x8xf32, #tpu.memory_space<hbm>>
        tpu.enqueue_indirect_dma source(%dma_start3A_36 : memref<10000x8xf32, #tpu.memory_space<hbm>>) target(%dma_start3A_31 : memref<128x8xf32, #tpu.memory_space<vmem>>) offsets(%dma_start3A_33 : memref<128xi32, #tpu.memory_space<vmem>>) semaphore(%arg7 : memref<!tpu.dma_semaphore, #tpu.memory_space<semaphore_mem>>)
        %dma_start3A_37 = arith.constant 384 : i32
        %dma_start3A_38 = arith.constant 0 : i32
        %dma_start3A_39 = tpu.memref_slice %arg6[%dma_start3A_37, %dma_start3A_38] : memref<640x8xf32, #tpu.memory_space<vmem>> -> memref<128x8xf32, #tpu.memory_space<vmem>>
        %dma_start3A_40 = arith.constant 384 : i32
        %dma_start3A_41 = tpu.memref_slice %arg5[%dma_start3A_40] : memref<640xi32, #tpu.memory_space<vmem>> -> memref<128xi32, #tpu.memory_space<vmem>>
        %dma_start3A_42 = arith.constant 0 : i32
        %dma_start3A_43 = arith.constant 0 : i32
        %dma_start3A_44 = tpu.memref_slice %arg2[%dma_start3A_42, %dma_start3A_43] : memref<10000x8xf32, #tpu.memory_space<hbm>> -> memref<10000x8xf32, #tpu.memory_space<hbm>>
        tpu.enqueue_indirect_dma source(%dma_start3A_44 : memref<10000x8xf32, #tpu.memory_space<hbm>>) target(%dma_start3A_39 : memref<128x8xf32, #tpu.memory_space<vmem>>) offsets(%dma_start3A_41 : memref<128xi32, #tpu.memory_space<vmem>>) semaphore(%arg7 : memref<!tpu.dma_semaphore, #tpu.memory_space<semaphore_mem>>)
        %dma_start3A_45 = arith.constant 512 : i32
        %dma_start3A_46 = arith.constant 0 : i32
        %dma_start3A_47 = tpu.memref_slice %arg6[%dma_start3A_45, %dma_start3A_46] : memref<640x8xf32, #tpu.memory_space<vmem>> -> memref<128x8xf32, #tpu.memory_space<vmem>>
        %dma_start3A_48 = arith.constant 512 : i32
        %dma_start3A_49 = tpu.memref_slice %arg5[%dma_start3A_48] : memref<640xi32, #tpu.memory_space<vmem>> -> memref<128xi32, #tpu.memory_space<vmem>>
        %dma_start3A_50 = arith.constant 0 : i32
        %dma_start3A_51 = arith.constant 0 : i32
        %dma_start3A_52 = tpu.memref_slice %arg2[%dma_start3A_50, %dma_start3A_51] : memref<10000x8xf32, #tpu.memory_space<hbm>> -> memref<10000x8xf32, #tpu.memory_space<hbm>>
        tpu.enqueue_indirect_dma source(%dma_start3A_52 : memref<10000x8xf32, #tpu.memory_space<hbm>>) target(%dma_start3A_47 : memref<128x8xf32, #tpu.memory_space<vmem>>) offsets(%dma_start3A_49 : memref<128xi32, #tpu.memory_space<vmem>>) semaphore(%arg7 : memref<!tpu.dma_semaphore, #tpu.memory_space<semaphore_mem>>)
        %dma_wait3A = arith.constant 0 : i32
        %dma_wait3A_53 = arith.constant 0 : i32
        %dma_wait3A_54 = tpu.memref_slice %arg6[%dma_wait3A, %dma_wait3A_53] : memref<640x8xf32, #tpu.memory_space<vmem>> -> memref<128x8xf32, #tpu.memory_space<vmem>>
        %dma_wait3A_55 = arith.constant 0 : i32
        %dma_wait3A_56 = tpu.memref_slice %arg5[%dma_wait3A_55] : memref<640xi32, #tpu.memory_space<vmem>> -> memref<128xi32, #tpu.memory_space<vmem>>
        %dma_wait3A_57 = arith.constant 0 : i32
        %dma_wait3A_58 = arith.constant 0 : i32
        %dma_wait3A_59 = tpu.memref_slice %arg2[%dma_wait3A_57, %dma_wait3A_58] : memref<10000x8xf32, #tpu.memory_space<hbm>> -> memref<10000x8xf32, #tpu.memory_space<hbm>>
        tpu.wait_indirect_dma semaphore(%arg7 : memref<!tpu.dma_semaphore, #tpu.memory_space<semaphore_mem>>) src(%dma_wait3A_59 : memref<10000x8xf32, #tpu.memory_space<hbm>>) dst(%dma_wait3A_54 : memref<128x8xf32, #tpu.memory_space<vmem>>)
        %dma_wait3A_60 = arith.constant 128 : i32
        %dma_wait3A_61 = arith.constant 0 : i32
        %dma_wait3A_62 = tpu.memref_slice %arg6[%dma_wait3A_60, %dma_wait3A_61] : memref<640x8xf32, #tpu.memory_space<vmem>> -> memref<128x8xf32, #tpu.memory_space<vmem>>
        %dma_wait3A_63 = arith.constant 128 : i32
        %dma_wait3A_64 = tpu.memref_slice %arg5[%dma_wait3A_63] : memref<640xi32, #tpu.memory_space<vmem>> -> memref<128xi32, #tpu.memory_space<vmem>>
        %dma_wait3A_65 = arith.constant 0 : i32
        %dma_wait3A_66 = arith.constant 0 : i32
        %dma_wait3A_67 = tpu.memref_slice %arg2[%dma_wait3A_65, %dma_wait3A_66] : memref<10000x8xf32, #tpu.memory_space<hbm>> -> memref<10000x8xf32, #tpu.memory_space<hbm>>
        tpu.wait_indirect_dma semaphore(%arg7 : memref<!tpu.dma_semaphore, #tpu.memory_space<semaphore_mem>>) src(%dma_wait3A_67 : memref<10000x8xf32, #tpu.memory_space<hbm>>) dst(%dma_wait3A_62 : memref<128x8xf32, #tpu.memory_space<vmem>>)
        %dma_wait3A_68 = arith.constant 256 : i32
        %dma_wait3A_69 = arith.constant 0 : i32
        %dma_wait3A_70 = tpu.memref_slice %arg6[%dma_wait3A_68, %dma_wait3A_69] : memref<640x8xf32, #tpu.memory_space<vmem>> -> memref<128x8xf32, #tpu.memory_space<vmem>>
        %dma_wait3A_71 = arith.constant 256 : i32
        %dma_wait3A_72 = tpu.memref_slice %arg5[%dma_wait3A_71] : memref<640xi32, #tpu.memory_space<vmem>> -> memref<128xi32, #tpu.memory_space<vmem>>
        %dma_wait3A_73 = arith.constant 0 : i32
        %dma_wait3A_74 = arith.constant 0 : i32
        %dma_wait3A_75 = tpu.memref_slice %arg2[%dma_wait3A_73, %dma_wait3A_74] : memref<10000x8xf32, #tpu.memory_space<hbm>> -> memref<10000x8xf32, #tpu.memory_space<hbm>>
        tpu.wait_indirect_dma semaphore(%arg7 : memref<!tpu.dma_semaphore, #tpu.memory_space<semaphore_mem>>) src(%dma_wait3A_75 : memref<10000x8xf32, #tpu.memory_space<hbm>>) dst(%dma_wait3A_70 : memref<128x8xf32, #tpu.memory_space<vmem>>)
        %dma_wait3A_76 = arith.constant 384 : i32
        %dma_wait3A_77 = arith.constant 0 : i32
        %dma_wait3A_78 = tpu.memref_slice %arg6[%dma_wait3A_76, %dma_wait3A_77] : memref<640x8xf32, #tpu.memory_space<vmem>> -> memref<128x8xf32, #tpu.memory_space<vmem>>
        %dma_wait3A_79 = arith.constant 384 : i32
        %dma_wait3A_80 = tpu.memref_slice %arg5[%dma_wait3A_79] : memref<640xi32, #tpu.memory_space<vmem>> -> memref<128xi32, #tpu.memory_space<vmem>>
        %dma_wait3A_81 = arith.constant 0 : i32
        %dma_wait3A_82 = arith.constant 0 : i32
        %dma_wait3A_83 = tpu.memref_slice %arg2[%dma_wait3A_81, %dma_wait3A_82] : memref<10000x8xf32, #tpu.memory_space<hbm>> -> memref<10000x8xf32, #tpu.memory_space<hbm>>
        tpu.wait_indirect_dma semaphore(%arg7 : memref<!tpu.dma_semaphore, #tpu.memory_space<semaphore_mem>>) src(%dma_wait3A_83 : memref<10000x8xf32, #tpu.memory_space<hbm>>) dst(%dma_wait3A_78 : memref<128x8xf32, #tpu.memory_space<vmem>>)
        %dma_wait3A_84 = arith.constant 512 : i32
        %dma_wait3A_85 = arith.constant 0 : i32
        %dma_wait3A_86 = tpu.memref_slice %arg6[%dma_wait3A_84, %dma_wait3A_85] : memref<640x8xf32, #tpu.memory_space<vmem>> -> memref<128x8xf32, #tpu.memory_space<vmem>>
        %dma_wait3A_87 = arith.constant 512 : i32
        %dma_wait3A_88 = tpu.memref_slice %arg5[%dma_wait3A_87] : memref<640xi32, #tpu.memory_space<vmem>> -> memref<128xi32, #tpu.memory_space<vmem>>
        %dma_wait3A_89 = arith.constant 0 : i32
        %dma_wait3A_90 = arith.constant 0 : i32
        %dma_wait3A_91 = tpu.memref_slice %arg2[%dma_wait3A_89, %dma_wait3A_90] : memref<10000x8xf32, #tpu.memory_space<hbm>> -> memref<10000x8xf32, #tpu.memory_space<hbm>>
        tpu.wait_indirect_dma semaphore(%arg7 : memref<!tpu.dma_semaphore, #tpu.memory_space<semaphore_mem>>) src(%dma_wait3A_91 : memref<10000x8xf32, #tpu.memory_space<hbm>>) dst(%dma_wait3A_86 : memref<128x8xf32, #tpu.memory_space<vmem>>)
        "tpu.region"() ({
          %run_scoped3A = tpu.sem_alloc : memref<!tpu.dma_semaphore, #tpu.memory_space<semaphore_mem>>
          %dma_start3A_92 = arith.constant 0 : i32
          %dma_start3A_93 = tpu.memref_slice %arg4[%mul3A_13, %dma_start3A_92] : memref<80000x8xf32, #tpu.memory_space<hbm>> -> memref<640x8xf32, #tpu.memory_space<hbm>>
          %dma_start3A_94 = arith.constant 0 : i32
          %dma_start3A_95 = tpu.memref_slice %arg4[%mul3A_13, %dma_start3A_94] : memref<80000x8xf32, #tpu.memory_space<hbm>> -> memref<640x8xf32, #tpu.memory_space<hbm>>
          tpu.enqueue_dma source(%arg6 : memref<640x8xf32, #tpu.memory_space<vmem>>) target(%dma_start3A_95 : memref<640x8xf32, #tpu.memory_space<hbm>>) target_semaphore(%run_scoped3A : memref<!tpu.dma_semaphore, #tpu.memory_space<semaphore_mem>>)
          %dma_wait3A_96 = arith.constant 0 : i32
          %dma_wait3A_97 = tpu.memref_slice %arg4[%mul3A_13, %dma_wait3A_96] : memref<80000x8xf32, #tpu.memory_space<hbm>> -> memref<640x8xf32, #tpu.memory_space<hbm>>
          %dma_wait3A_98 = arith.constant 0 : i32
          %dma_wait3A_99 = tpu.memref_slice %arg4[%mul3A_13, %dma_wait3A_98] : memref<80000x8xf32, #tpu.memory_space<hbm>> -> memref<640x8xf32, #tpu.memory_space<hbm>>
          tpu.wait_dma2 semaphore(%run_scoped3A : memref<!tpu.dma_semaphore, #tpu.memory_space<semaphore_mem>>) src(%arg6 : memref<640x8xf32, #tpu.memory_space<vmem>>) dst(%dma_wait3A_99 : memref<640x8xf32, #tpu.memory_space<hbm>>)
          tpu.yield
        }) : () -> ()
      } else {
      }
    }
    %scan3A_5 = arith.constant 4 : i32
    return
  }
}

#map = affine_map<(d0, d1) -> (0, 0)>
#map1 = affine_map<(d0, d1) -> (0)>
module attributes {stable_mosaic.version = 14 : i64} {
  func.func @sc_gather_rows_8(%arg0: i32, %arg1: i32, %arg2: memref<10000x8xf32, #tpu.memory_space<hbm>>, %arg3: memref<80000xi32, #tpu.memory_space<hbm>>, %arg4: memref<80000x8xf32, #tpu.memory_space<hbm>>, %arg5: memref<640xi32, #tpu.memory_space<vmem>>, %arg6: memref<640x8xf32, #tpu.memory_space<vmem>>, %arg7: memref<!tpu.dma_semaphore, #tpu.memory_space<semaphore_mem>>) attributes {dimension_semantics = [#tpu.dimension_semantics<core_parallel>, #tpu.dimension_semantics<subcore_parallel>], iteration_bounds = array<i64: 2, 16>, scalar_prefetch = 0 : i64, scratch_operands = 3 : i64, tpu.core_type = #tpu.core_type<sc_vector_subcore>, window_params = [{transform_indices = #map}, {transform_indices = #map1}, {transform_indices = #map}]} {
    %mul3A = arith.constant 2 : i32
    %mul3A_0 = arith.muli %arg1, %mul3A : i32
    %add3A = arith.addi %mul3A_0, %arg0 : i32
    %scan3A = arith.constant 0 : i32
    %scan3A_1 = arith.constant 0 : i32
    %scan3A_2 = arith.constant 4 : i32
    %scan3A_3 = arith.addi %scan3A_1, %scan3A_2 : i32
    %scan3A_4 = arith.constant 1 : i32
    scf.for %scan3A_6 = %scan3A_1 to %scan3A_3 step %scan3A_4  : i32 {
      %mul3A_7 = arith.constant 32 : i32
      %mul3A_8 = arith.muli %mul3A_7, %scan3A_6 : i32
      %add3A_9 = arith.addi %add3A, %mul3A_8 : i32
      %lt3A = arith.constant 125 : i32
      %lt3A_10 = arith.cmpi slt, %add3A_9, %lt3A : i32
      %convert_element_type3A = arith.extui %lt3A_10 : i1 to i32
      %cond3A = arith.constant 0 : i32
      %cond3A_11 = arith.cmpi ne, %convert_element_type3A, %cond3A : i32
      scf.if %cond3A_11 {
        %mul3A_12 = arith.constant 640 : i32
        %mul3A_13 = arith.muli %add3A_9, %mul3A_12 : i32
        "tpu.region"() ({
          %run_scoped3A = tpu.sem_alloc : memref<!tpu.dma_semaphore, #tpu.memory_space<semaphore_mem>>
          %dma_start3A_92 = tpu.memref_slice %arg3[%mul3A_13] : memref<80000xi32, #tpu.memory_space<hbm>> -> memref<640xi32, #tpu.memory_space<hbm>>
          %dma_start3A_93 = tpu.memref_slice %arg3[%mul3A_13] : memref<80000xi32, #tpu.memory_space<hbm>> -> memref<640xi32, #tpu.memory_space<hbm>>
          tpu.enqueue_dma source(%dma_start3A_93 : memref<640xi32, #tpu.memory_space<hbm>>) target(%arg5 : memref<640xi32, #tpu.memory_space<vmem>>) target_semaphore(%run_scoped3A : memref<!tpu.dma_semaphore, #tpu.memory_space<semaphore_mem>>)
          %dma_wait3A_94 = tpu.memref_slice %arg3[%mul3A_13] : memref<80000xi32, #tpu.memory_space<hbm>> -> memref<640xi32, #tpu.memory_space<hbm>>
          %dma_wait3A_95 = tpu.memref_slice %arg3[%mul3A_13] : memref<80000xi32, #tpu.memory_space<hbm>> -> memref<640xi32, #tpu.memory_space<hbm>>
          tpu.wait_dma2 semaphore(%run_scoped3A : memref<!tpu.dma_semaphore, #tpu.memory_space<semaphore_mem>>) src(%dma_wait3A_95 : memref<640xi32, #tpu.memory_space<hbm>>) dst(%arg5 : memref<640xi32, #tpu.memory_space<vmem>>)
          tpu.yield
        }) : () -> ()
        %dma_start3A = arith.constant 0 : i32
        %dma_start3A_14 = arith.constant 0 : i32
        %dma_start3A_15 = tpu.memref_slice %arg6[%dma_start3A, %dma_start3A_14] : memref<640x8xf32, #tpu.memory_space<vmem>> -> memref<128x8xf32, #tpu.memory_space<vmem>>
        %dma_start3A_16 = arith.constant 0 : i32
        %dma_start3A_17 = tpu.memref_slice %arg5[%dma_start3A_16] : memref<640xi32, #tpu.memory_space<vmem>> -> memref<128xi32, #tpu.memory_space<vmem>>
        %dma_start3A_18 = arith.constant 0 : i32
        %dma_start3A_19 = arith.constant 0 : i32
        %dma_start3A_20 = tpu.memref_slice %arg2[%dma_start3A_18, %dma_start3A_19] : memref<10000x8xf32, #tpu.memory_space<hbm>> -> memref<10000x8xf32, #tpu.memory_space<hbm>>
        tpu.enqueue_indirect_dma source(%dma_start3A_20 : memref<10000x8xf32, #tpu.memory_space<hbm>>) target(%dma_start3A_15 : memref<128x8xf32, #tpu.memory_space<vmem>>) offsets(%dma_start3A_17 : memref<128xi32, #tpu.memory_space<vmem>>) semaphore(%arg7 : memref<!tpu.dma_semaphore, #tpu.memory_space<semaphore_mem>>)
        %dma_start3A_21 = arith.constant 128 : i32
        %dma_start3A_22 = arith.constant 0 : i32
        %dma_start3A_23 = tpu.memref_slice %arg6[%dma_start3A_21, %dma_start3A_22] : memref<640x8xf32, #tpu.memory_space<vmem>> -> memref<128x8xf32, #tpu.memory_space<vmem>>
        %dma_start3A_24 = arith.constant 128 : i32
        %dma_start3A_25 = tpu.memref_slice %arg5[%dma_start3A_24] : memref<640xi32, #tpu.memory_space<vmem>> -> memref<128xi32, #tpu.memory_space<vmem>>
        %dma_start3A_26 = arith.constant 0 : i32
        %dma_start3A_27 = arith.constant 0 : i32
        %dma_start3A_28 = tpu.memref_slice %arg2[%dma_start3A_26, %dma_start3A_27] : memref<10000x8xf32, #tpu.memory_space<hbm>> -> memref<10000x8xf32, #tpu.memory_space<hbm>>
        tpu.enqueue_indirect_dma source(%dma_start3A_28 : memref<10000x8xf32, #tpu.memory_space<hbm>>) target(%dma_start3A_23 : memref<128x8xf32, #tpu.memory_space<vmem>>) offsets(%dma_start3A_25 : memref<128xi32, #tpu.memory_space<vmem>>) semaphore(%arg7 : memref<!tpu.dma_semaphore, #tpu.memory_space<semaphore_mem>>)
        %dma_start3A_29 = arith.constant 256 : i32
        %dma_start3A_30 = arith.constant 0 : i32
        %dma_start3A_31 = tpu.memref_slice %arg6[%dma_start3A_29, %dma_start3A_30] : memref<640x8xf32, #tpu.memory_space<vmem>> -> memref<128x8xf32, #tpu.memory_space<vmem>>
        %dma_start3A_32 = arith.constant 256 : i32
        %dma_start3A_33 = tpu.memref_slice %arg5[%dma_start3A_32] : memref<640xi32, #tpu.memory_space<vmem>> -> memref<128xi32, #tpu.memory_space<vmem>>
        %dma_start3A_34 = arith.constant 0 : i32
        %dma_start3A_35 = arith.constant 0 : i32
        %dma_start3A_36 = tpu.memref_slice %arg2[%dma_start3A_34, %dma_start3A_35] : memref<10000x8xf32, #tpu.memory_space<hbm>> -> memref<10000x8xf32, #tpu.memory_space<hbm>>
        tpu.enqueue_indirect_dma source(%dma_start3A_36 : memref<10000x8xf32, #tpu.memory_space<hbm>>) target(%dma_start3A_31 : memref<128x8xf32, #tpu.memory_space<vmem>>) offsets(%dma_start3A_33 : memref<128xi32, #tpu.memory_space<vmem>>) semaphore(%arg7 : memref<!tpu.dma_semaphore, #tpu.memory_space<semaphore_mem>>)
        %dma_start3A_37 = arith.constant 384 : i32
        %dma_start3A_38 = arith.constant 0 : i32
        %dma_start3A_39 = tpu.memref_slice %arg6[%dma_start3A_37, %dma_start3A_38] : memref<640x8xf32, #tpu.memory_space<vmem>> -> memref<128x8xf32, #tpu.memory_space<vmem>>
        %dma_start3A_40 = arith.constant 384 : i32
        %dma_start3A_41 = tpu.memref_slice %arg5[%dma_start3A_40] : memref<640xi32, #tpu.memory_space<vmem>> -> memref<128xi32, #tpu.memory_space<vmem>>
        %dma_start3A_42 = arith.constant 0 : i32
        %dma_start3A_43 = arith.constant 0 : i32
        %dma_start3A_44 = tpu.memref_slice %arg2[%dma_start3A_42, %dma_start3A_43] : memref<10000x8xf32, #tpu.memory_space<hbm>> -> memref<10000x8xf32, #tpu.memory_space<hbm>>
        tpu.enqueue_indirect_dma source(%dma_start3A_44 : memref<10000x8xf32, #tpu.memory_space<hbm>>) target(%dma_start3A_39 : memref<128x8xf32, #tpu.memory_space<vmem>>) offsets(%dma_start3A_41 : memref<128xi32, #tpu.memory_space<vmem>>) semaphore(%arg7 : memref<!tpu.dma_semaphore, #tpu.memory_space<semaphore_mem>>)
        %dma_start3A_45 = arith.constant 512 : i32
        %dma_start3A_46 = arith.constant 0 : i32
        %dma_start3A_47 = tpu.memref_slice %arg6[%dma_start3A_45, %dma_start3A_46] : memref<640x8xf32, #tpu.memory_space<vmem>> -> memref<128x8xf32, #tpu.memory_space<vmem>>
        %dma_start3A_48 = arith.constant 512 : i32
        %dma_start3A_49 = tpu.memref_slice %arg5[%dma_start3A_48] : memref<640xi32, #tpu.memory_space<vmem>> -> memref<128xi32, #tpu.memory_space<vmem>>
        %dma_start3A_50 = arith.constant 0 : i32
        %dma_start3A_51 = arith.constant 0 : i32
        %dma_start3A_52 = tpu.memref_slice %arg2[%dma_start3A_50, %dma_start3A_51] : memref<10000x8xf32, #tpu.memory_space<hbm>> -> memref<10000x8xf32, #tpu.memory_space<hbm>>
        tpu.enqueue_indirect_dma source(%dma_start3A_52 : memref<10000x8xf32, #tpu.memory_space<hbm>>) target(%dma_start3A_47 : memref<128x8xf32, #tpu.memory_space<vmem>>) offsets(%dma_start3A_49 : memref<128xi32, #tpu.memory_space<vmem>>) semaphore(%arg7 : memref<!tpu.dma_semaphore, #tpu.memory_space<semaphore_mem>>)
        %dma_wait3A = arith.constant 0 : i32
        %dma_wait3A_53 = arith.constant 0 : i32
        %dma_wait3A_54 = tpu.memref_slice %arg6[%dma_wait3A, %dma_wait3A_53] : memref<640x8xf32, #tpu.memory_space<vmem>> -> memref<128x8xf32, #tpu.memory_space<vmem>>
        %dma_wait3A_55 = arith.constant 0 : i32
        %dma_wait3A_56 = tpu.memref_slice %arg5[%dma_wait3A_55] : memref<640xi32, #tpu.memory_space<vmem>> -> memref<128xi32, #tpu.memory_space<vmem>>
        %dma_wait3A_57 = arith.constant 0 : i32
        %dma_wait3A_58 = arith.constant 0 : i32
        %dma_wait3A_59 = tpu.memref_slice %arg2[%dma_wait3A_57, %dma_wait3A_58] : memref<10000x8xf32, #tpu.memory_space<hbm>> -> memref<10000x8xf32, #tpu.memory_space<hbm>>
        tpu.wait_indirect_dma semaphore(%arg7 : memref<!tpu.dma_semaphore, #tpu.memory_space<semaphore_mem>>) src(%dma_wait3A_59 : memref<10000x8xf32, #tpu.memory_space<hbm>>) dst(%dma_wait3A_54 : memref<128x8xf32, #tpu.memory_space<vmem>>)
        %dma_wait3A_60 = arith.constant 128 : i32
        %dma_wait3A_61 = arith.constant 0 : i32
        %dma_wait3A_62 = tpu.memref_slice %arg6[%dma_wait3A_60, %dma_wait3A_61] : memref<640x8xf32, #tpu.memory_space<vmem>> -> memref<128x8xf32, #tpu.memory_space<vmem>>
        %dma_wait3A_63 = arith.constant 128 : i32
        %dma_wait3A_64 = tpu.memref_slice %arg5[%dma_wait3A_63] : memref<640xi32, #tpu.memory_space<vmem>> -> memref<128xi32, #tpu.memory_space<vmem>>
        %dma_wait3A_65 = arith.constant 0 : i32
        %dma_wait3A_66 = arith.constant 0 : i32
        %dma_wait3A_67 = tpu.memref_slice %arg2[%dma_wait3A_65, %dma_wait3A_66] : memref<10000x8xf32, #tpu.memory_space<hbm>> -> memref<10000x8xf32, #tpu.memory_space<hbm>>
        tpu.wait_indirect_dma semaphore(%arg7 : memref<!tpu.dma_semaphore, #tpu.memory_space<semaphore_mem>>) src(%dma_wait3A_67 : memref<10000x8xf32, #tpu.memory_space<hbm>>) dst(%dma_wait3A_62 : memref<128x8xf32, #tpu.memory_space<vmem>>)
        %dma_wait3A_68 = arith.constant 256 : i32
        %dma_wait3A_69 = arith.constant 0 : i32
        %dma_wait3A_70 = tpu.memref_slice %arg6[%dma_wait3A_68, %dma_wait3A_69] : memref<640x8xf32, #tpu.memory_space<vmem>> -> memref<128x8xf32, #tpu.memory_space<vmem>>
        %dma_wait3A_71 = arith.constant 256 : i32
        %dma_wait3A_72 = tpu.memref_slice %arg5[%dma_wait3A_71] : memref<640xi32, #tpu.memory_space<vmem>> -> memref<128xi32, #tpu.memory_space<vmem>>
        %dma_wait3A_73 = arith.constant 0 : i32
        %dma_wait3A_74 = arith.constant 0 : i32
        %dma_wait3A_75 = tpu.memref_slice %arg2[%dma_wait3A_73, %dma_wait3A_74] : memref<10000x8xf32, #tpu.memory_space<hbm>> -> memref<10000x8xf32, #tpu.memory_space<hbm>>
        tpu.wait_indirect_dma semaphore(%arg7 : memref<!tpu.dma_semaphore, #tpu.memory_space<semaphore_mem>>) src(%dma_wait3A_75 : memref<10000x8xf32, #tpu.memory_space<hbm>>) dst(%dma_wait3A_70 : memref<128x8xf32, #tpu.memory_space<vmem>>)
        %dma_wait3A_76 = arith.constant 384 : i32
        %dma_wait3A_77 = arith.constant 0 : i32
        %dma_wait3A_78 = tpu.memref_slice %arg6[%dma_wait3A_76, %dma_wait3A_77] : memref<640x8xf32, #tpu.memory_space<vmem>> -> memref<128x8xf32, #tpu.memory_space<vmem>>
        %dma_wait3A_79 = arith.constant 384 : i32
        %dma_wait3A_80 = tpu.memref_slice %arg5[%dma_wait3A_79] : memref<640xi32, #tpu.memory_space<vmem>> -> memref<128xi32, #tpu.memory_space<vmem>>
        %dma_wait3A_81 = arith.constant 0 : i32
        %dma_wait3A_82 = arith.constant 0 : i32
        %dma_wait3A_83 = tpu.memref_slice %arg2[%dma_wait3A_81, %dma_wait3A_82] : memref<10000x8xf32, #tpu.memory_space<hbm>> -> memref<10000x8xf32, #tpu.memory_space<hbm>>
        tpu.wait_indirect_dma semaphore(%arg7 : memref<!tpu.dma_semaphore, #tpu.memory_space<semaphore_mem>>) src(%dma_wait3A_83 : memref<10000x8xf32, #tpu.memory_space<hbm>>) dst(%dma_wait3A_78 : memref<128x8xf32, #tpu.memory_space<vmem>>)
        %dma_wait3A_84 = arith.constant 512 : i32
        %dma_wait3A_85 = arith.constant 0 : i32
        %dma_wait3A_86 = tpu.memref_slice %arg6[%dma_wait3A_84, %dma_wait3A_85] : memref<640x8xf32, #tpu.memory_space<vmem>> -> memref<128x8xf32, #tpu.memory_space<vmem>>
        %dma_wait3A_87 = arith.constant 512 : i32
        %dma_wait3A_88 = tpu.memref_slice %arg5[%dma_wait3A_87] : memref<640xi32, #tpu.memory_space<vmem>> -> memref<128xi32, #tpu.memory_space<vmem>>
        %dma_wait3A_89 = arith.constant 0 : i32
        %dma_wait3A_90 = arith.constant 0 : i32
        %dma_wait3A_91 = tpu.memref_slice %arg2[%dma_wait3A_89, %dma_wait3A_90] : memref<10000x8xf32, #tpu.memory_space<hbm>> -> memref<10000x8xf32, #tpu.memory_space<hbm>>
        tpu.wait_indirect_dma semaphore(%arg7 : memref<!tpu.dma_semaphore, #tpu.memory_space<semaphore_mem>>) src(%dma_wait3A_91 : memref<10000x8xf32, #tpu.memory_space<hbm>>) dst(%dma_wait3A_86 : memref<128x8xf32, #tpu.memory_space<vmem>>)
        "tpu.region"() ({
          %run_scoped3A = tpu.sem_alloc : memref<!tpu.dma_semaphore, #tpu.memory_space<semaphore_mem>>
          %dma_start3A_92 = arith.constant 0 : i32
          %dma_start3A_93 = tpu.memref_slice %arg4[%mul3A_13, %dma_start3A_92] : memref<80000x8xf32, #tpu.memory_space<hbm>> -> memref<640x8xf32, #tpu.memory_space<hbm>>
          %dma_start3A_94 = arith.constant 0 : i32
          %dma_start3A_95 = tpu.memref_slice %arg4[%mul3A_13, %dma_start3A_94] : memref<80000x8xf32, #tpu.memory_space<hbm>> -> memref<640x8xf32, #tpu.memory_space<hbm>>
          tpu.enqueue_dma source(%arg6 : memref<640x8xf32, #tpu.memory_space<vmem>>) target(%dma_start3A_95 : memref<640x8xf32, #tpu.memory_space<hbm>>) target_semaphore(%run_scoped3A : memref<!tpu.dma_semaphore, #tpu.memory_space<semaphore_mem>>)
          %dma_wait3A_96 = arith.constant 0 : i32
          %dma_wait3A_97 = tpu.memref_slice %arg4[%mul3A_13, %dma_wait3A_96] : memref<80000x8xf32, #tpu.memory_space<hbm>> -> memref<640x8xf32, #tpu.memory_space<hbm>>
          %dma_wait3A_98 = arith.constant 0 : i32
          %dma_wait3A_99 = tpu.memref_slice %arg4[%mul3A_13, %dma_wait3A_98] : memref<80000x8xf32, #tpu.memory_space<hbm>> -> memref<640x8xf32, #tpu.memory_space<hbm>>
          tpu.wait_dma2 semaphore(%run_scoped3A : memref<!tpu.dma_semaphore, #tpu.memory_space<semaphore_mem>>) src(%arg6 : memref<640x8xf32, #tpu.memory_space<vmem>>) dst(%dma_wait3A_99 : memref<640x8xf32, #tpu.memory_space<hbm>>)
          tpu.yield
        }) : () -> ()
      } else {
      }
    }
    %scan3A_5 = arith.constant 4 : i32
    return
  }
}

#map = affine_map<(d0, d1) -> (0, 0)>
#map1 = affine_map<(d0, d1) -> (0)>
module attributes {stable_mosaic.version = 14 : i64} {
  func.func @sc_gather_rows_128(%arg0: i32, %arg1: i32, %arg2: memref<10000x128xf32, #tpu.memory_space<hbm>>, %arg3: memref<80000xi32, #tpu.memory_space<hbm>>, %arg4: memref<80000x128xf32, #tpu.memory_space<hbm>>, %arg5: memref<128xi32, #tpu.memory_space<vmem>>, %arg6: memref<128x128xf32, #tpu.memory_space<vmem>>, %arg7: memref<!tpu.dma_semaphore, #tpu.memory_space<semaphore_mem>>) attributes {dimension_semantics = [#tpu.dimension_semantics<core_parallel>, #tpu.dimension_semantics<subcore_parallel>], iteration_bounds = array<i64: 2, 16>, scalar_prefetch = 0 : i64, scratch_operands = 3 : i64, tpu.core_type = #tpu.core_type<sc_vector_subcore>, window_params = [{transform_indices = #map}, {transform_indices = #map1}, {transform_indices = #map}]} {
    %mul3A = arith.constant 2 : i32
    %mul3A_0 = arith.muli %arg1, %mul3A : i32
    %add3A = arith.addi %mul3A_0, %arg0 : i32
    %scan3A = arith.constant 0 : i32
    %scan3A_1 = arith.constant 0 : i32
    %scan3A_2 = arith.constant 20 : i32
    %scan3A_3 = arith.addi %scan3A_1, %scan3A_2 : i32
    %scan3A_4 = arith.constant 1 : i32
    scf.for %scan3A_6 = %scan3A_1 to %scan3A_3 step %scan3A_4  : i32 {
      %mul3A_7 = arith.constant 32 : i32
      %mul3A_8 = arith.muli %mul3A_7, %scan3A_6 : i32
      %add3A_9 = arith.addi %add3A, %mul3A_8 : i32
      %lt3A = arith.constant 625 : i32
      %lt3A_10 = arith.cmpi slt, %add3A_9, %lt3A : i32
      %convert_element_type3A = arith.extui %lt3A_10 : i1 to i32
      %cond3A = arith.constant 0 : i32
      %cond3A_11 = arith.cmpi ne, %convert_element_type3A, %cond3A : i32
      scf.if %cond3A_11 {
        %mul3A_12 = arith.constant 128 : i32
        %mul3A_13 = arith.muli %add3A_9, %mul3A_12 : i32
        "tpu.region"() ({
          %run_scoped3A = tpu.sem_alloc : memref<!tpu.dma_semaphore, #tpu.memory_space<semaphore_mem>>
          %dma_start3A_28 = tpu.memref_slice %arg3[%mul3A_13] : memref<80000xi32, #tpu.memory_space<hbm>> -> memref<128xi32, #tpu.memory_space<hbm>>
          %dma_start3A_29 = tpu.memref_slice %arg3[%mul3A_13] : memref<80000xi32, #tpu.memory_space<hbm>> -> memref<128xi32, #tpu.memory_space<hbm>>
          tpu.enqueue_dma source(%dma_start3A_29 : memref<128xi32, #tpu.memory_space<hbm>>) target(%arg5 : memref<128xi32, #tpu.memory_space<vmem>>) target_semaphore(%run_scoped3A : memref<!tpu.dma_semaphore, #tpu.memory_space<semaphore_mem>>)
          %dma_wait3A_30 = tpu.memref_slice %arg3[%mul3A_13] : memref<80000xi32, #tpu.memory_space<hbm>> -> memref<128xi32, #tpu.memory_space<hbm>>
          %dma_wait3A_31 = tpu.memref_slice %arg3[%mul3A_13] : memref<80000xi32, #tpu.memory_space<hbm>> -> memref<128xi32, #tpu.memory_space<hbm>>
          tpu.wait_dma2 semaphore(%run_scoped3A : memref<!tpu.dma_semaphore, #tpu.memory_space<semaphore_mem>>) src(%dma_wait3A_31 : memref<128xi32, #tpu.memory_space<hbm>>) dst(%arg5 : memref<128xi32, #tpu.memory_space<vmem>>)
          tpu.yield
        }) : () -> ()
        %dma_start3A = arith.constant 0 : i32
        %dma_start3A_14 = arith.constant 0 : i32
        %dma_start3A_15 = tpu.memref_slice %arg6[%dma_start3A, %dma_start3A_14] : memref<128x128xf32, #tpu.memory_space<vmem>> -> memref<128x128xf32, #tpu.memory_space<vmem>>
        %dma_start3A_16 = arith.constant 0 : i32
        %dma_start3A_17 = tpu.memref_slice %arg5[%dma_start3A_16] : memref<128xi32, #tpu.memory_space<vmem>> -> memref<128xi32, #tpu.memory_space<vmem>>
        %dma_start3A_18 = arith.constant 0 : i32
        %dma_start3A_19 = arith.constant 0 : i32
        %dma_start3A_20 = tpu.memref_slice %arg2[%dma_start3A_18, %dma_start3A_19] : memref<10000x128xf32, #tpu.memory_space<hbm>> -> memref<10000x128xf32, #tpu.memory_space<hbm>>
        tpu.enqueue_indirect_dma source(%dma_start3A_20 : memref<10000x128xf32, #tpu.memory_space<hbm>>) target(%dma_start3A_15 : memref<128x128xf32, #tpu.memory_space<vmem>>) offsets(%dma_start3A_17 : memref<128xi32, #tpu.memory_space<vmem>>) semaphore(%arg7 : memref<!tpu.dma_semaphore, #tpu.memory_space<semaphore_mem>>)
        %dma_wait3A = arith.constant 0 : i32
        %dma_wait3A_21 = arith.constant 0 : i32
        %dma_wait3A_22 = tpu.memref_slice %arg6[%dma_wait3A, %dma_wait3A_21] : memref<128x128xf32, #tpu.memory_space<vmem>> -> memref<128x128xf32, #tpu.memory_space<vmem>>
        %dma_wait3A_23 = arith.constant 0 : i32
        %dma_wait3A_24 = tpu.memref_slice %arg5[%dma_wait3A_23] : memref<128xi32, #tpu.memory_space<vmem>> -> memref<128xi32, #tpu.memory_space<vmem>>
        %dma_wait3A_25 = arith.constant 0 : i32
        %dma_wait3A_26 = arith.constant 0 : i32
        %dma_wait3A_27 = tpu.memref_slice %arg2[%dma_wait3A_25, %dma_wait3A_26] : memref<10000x128xf32, #tpu.memory_space<hbm>> -> memref<10000x128xf32, #tpu.memory_space<hbm>>
        tpu.wait_indirect_dma semaphore(%arg7 : memref<!tpu.dma_semaphore, #tpu.memory_space<semaphore_mem>>) src(%dma_wait3A_27 : memref<10000x128xf32, #tpu.memory_space<hbm>>) dst(%dma_wait3A_22 : memref<128x128xf32, #tpu.memory_space<vmem>>)
        "tpu.region"() ({
          %run_scoped3A = tpu.sem_alloc : memref<!tpu.dma_semaphore, #tpu.memory_space<semaphore_mem>>
          %dma_start3A_28 = arith.constant 0 : i32
          %dma_start3A_29 = tpu.memref_slice %arg4[%mul3A_13, %dma_start3A_28] : memref<80000x128xf32, #tpu.memory_space<hbm>> -> memref<128x128xf32, #tpu.memory_space<hbm>>
          %dma_start3A_30 = arith.constant 0 : i32
          %dma_start3A_31 = tpu.memref_slice %arg4[%mul3A_13, %dma_start3A_30] : memref<80000x128xf32, #tpu.memory_space<hbm>> -> memref<128x128xf32, #tpu.memory_space<hbm>>
          tpu.enqueue_dma source(%arg6 : memref<128x128xf32, #tpu.memory_space<vmem>>) target(%dma_start3A_31 : memref<128x128xf32, #tpu.memory_space<hbm>>) target_semaphore(%run_scoped3A : memref<!tpu.dma_semaphore, #tpu.memory_space<semaphore_mem>>)
          %dma_wait3A_32 = arith.constant 0 : i32
          %dma_wait3A_33 = tpu.memref_slice %arg4[%mul3A_13, %dma_wait3A_32] : memref<80000x128xf32, #tpu.memory_space<hbm>> -> memref<128x128xf32, #tpu.memory_space<hbm>>
          %dma_wait3A_34 = arith.constant 0 : i32
          %dma_wait3A_35 = tpu.memref_slice %arg4[%mul3A_13, %dma_wait3A_34] : memref<80000x128xf32, #tpu.memory_space<hbm>> -> memref<128x128xf32, #tpu.memory_space<hbm>>
          tpu.wait_dma2 semaphore(%run_scoped3A : memref<!tpu.dma_semaphore, #tpu.memory_space<semaphore_mem>>) src(%arg6 : memref<128x128xf32, #tpu.memory_space<vmem>>) dst(%dma_wait3A_35 : memref<128x128xf32, #tpu.memory_space<hbm>>)
          tpu.yield
        }) : () -> ()
      } else {
      }
    }
    %scan3A_5 = arith.constant 20 : i32
    return
  }
}

#map = affine_map<(d0, d1) -> (0, 0)>
#map1 = affine_map<(d0, d1) -> (0)>
module attributes {stable_mosaic.version = 14 : i64} {
  func.func @sc_gather_rows_256(%arg0: i32, %arg1: i32, %arg2: memref<10000x256xf32, #tpu.memory_space<hbm>>, %arg3: memref<80000xi32, #tpu.memory_space<hbm>>, %arg4: memref<80000x256xf32, #tpu.memory_space<hbm>>, %arg5: memref<128xi32, #tpu.memory_space<vmem>>, %arg6: memref<128x256xf32, #tpu.memory_space<vmem>>, %arg7: memref<!tpu.dma_semaphore, #tpu.memory_space<semaphore_mem>>) attributes {dimension_semantics = [#tpu.dimension_semantics<core_parallel>, #tpu.dimension_semantics<subcore_parallel>], iteration_bounds = array<i64: 2, 16>, scalar_prefetch = 0 : i64, scratch_operands = 3 : i64, tpu.core_type = #tpu.core_type<sc_vector_subcore>, window_params = [{transform_indices = #map}, {transform_indices = #map1}, {transform_indices = #map}]} {
    %mul3A = arith.constant 2 : i32
    %mul3A_0 = arith.muli %arg1, %mul3A : i32
    %add3A = arith.addi %mul3A_0, %arg0 : i32
    %scan3A = arith.constant 0 : i32
    %scan3A_1 = arith.constant 0 : i32
    %scan3A_2 = arith.constant 20 : i32
    %scan3A_3 = arith.addi %scan3A_1, %scan3A_2 : i32
    %scan3A_4 = arith.constant 1 : i32
    scf.for %scan3A_6 = %scan3A_1 to %scan3A_3 step %scan3A_4  : i32 {
      %mul3A_7 = arith.constant 32 : i32
      %mul3A_8 = arith.muli %mul3A_7, %scan3A_6 : i32
      %add3A_9 = arith.addi %add3A, %mul3A_8 : i32
      %lt3A = arith.constant 625 : i32
      %lt3A_10 = arith.cmpi slt, %add3A_9, %lt3A : i32
      %convert_element_type3A = arith.extui %lt3A_10 : i1 to i32
      %cond3A = arith.constant 0 : i32
      %cond3A_11 = arith.cmpi ne, %convert_element_type3A, %cond3A : i32
      scf.if %cond3A_11 {
        %mul3A_12 = arith.constant 128 : i32
        %mul3A_13 = arith.muli %add3A_9, %mul3A_12 : i32
        "tpu.region"() ({
          %run_scoped3A = tpu.sem_alloc : memref<!tpu.dma_semaphore, #tpu.memory_space<semaphore_mem>>
          %dma_start3A_28 = tpu.memref_slice %arg3[%mul3A_13] : memref<80000xi32, #tpu.memory_space<hbm>> -> memref<128xi32, #tpu.memory_space<hbm>>
          %dma_start3A_29 = tpu.memref_slice %arg3[%mul3A_13] : memref<80000xi32, #tpu.memory_space<hbm>> -> memref<128xi32, #tpu.memory_space<hbm>>
          tpu.enqueue_dma source(%dma_start3A_29 : memref<128xi32, #tpu.memory_space<hbm>>) target(%arg5 : memref<128xi32, #tpu.memory_space<vmem>>) target_semaphore(%run_scoped3A : memref<!tpu.dma_semaphore, #tpu.memory_space<semaphore_mem>>)
          %dma_wait3A_30 = tpu.memref_slice %arg3[%mul3A_13] : memref<80000xi32, #tpu.memory_space<hbm>> -> memref<128xi32, #tpu.memory_space<hbm>>
          %dma_wait3A_31 = tpu.memref_slice %arg3[%mul3A_13] : memref<80000xi32, #tpu.memory_space<hbm>> -> memref<128xi32, #tpu.memory_space<hbm>>
          tpu.wait_dma2 semaphore(%run_scoped3A : memref<!tpu.dma_semaphore, #tpu.memory_space<semaphore_mem>>) src(%dma_wait3A_31 : memref<128xi32, #tpu.memory_space<hbm>>) dst(%arg5 : memref<128xi32, #tpu.memory_space<vmem>>)
          tpu.yield
        }) : () -> ()
        %dma_start3A = arith.constant 0 : i32
        %dma_start3A_14 = arith.constant 0 : i32
        %dma_start3A_15 = tpu.memref_slice %arg6[%dma_start3A, %dma_start3A_14] : memref<128x256xf32, #tpu.memory_space<vmem>> -> memref<128x256xf32, #tpu.memory_space<vmem>>
        %dma_start3A_16 = arith.constant 0 : i32
        %dma_start3A_17 = tpu.memref_slice %arg5[%dma_start3A_16] : memref<128xi32, #tpu.memory_space<vmem>> -> memref<128xi32, #tpu.memory_space<vmem>>
        %dma_start3A_18 = arith.constant 0 : i32
        %dma_start3A_19 = arith.constant 0 : i32
        %dma_start3A_20 = tpu.memref_slice %arg2[%dma_start3A_18, %dma_start3A_19] : memref<10000x256xf32, #tpu.memory_space<hbm>> -> memref<10000x256xf32, #tpu.memory_space<hbm>>
        tpu.enqueue_indirect_dma source(%dma_start3A_20 : memref<10000x256xf32, #tpu.memory_space<hbm>>) target(%dma_start3A_15 : memref<128x256xf32, #tpu.memory_space<vmem>>) offsets(%dma_start3A_17 : memref<128xi32, #tpu.memory_space<vmem>>) semaphore(%arg7 : memref<!tpu.dma_semaphore, #tpu.memory_space<semaphore_mem>>)
        %dma_wait3A = arith.constant 0 : i32
        %dma_wait3A_21 = arith.constant 0 : i32
        %dma_wait3A_22 = tpu.memref_slice %arg6[%dma_wait3A, %dma_wait3A_21] : memref<128x256xf32, #tpu.memory_space<vmem>> -> memref<128x256xf32, #tpu.memory_space<vmem>>
        %dma_wait3A_23 = arith.constant 0 : i32
        %dma_wait3A_24 = tpu.memref_slice %arg5[%dma_wait3A_23] : memref<128xi32, #tpu.memory_space<vmem>> -> memref<128xi32, #tpu.memory_space<vmem>>
        %dma_wait3A_25 = arith.constant 0 : i32
        %dma_wait3A_26 = arith.constant 0 : i32
        %dma_wait3A_27 = tpu.memref_slice %arg2[%dma_wait3A_25, %dma_wait3A_26] : memref<10000x256xf32, #tpu.memory_space<hbm>> -> memref<10000x256xf32, #tpu.memory_space<hbm>>
        tpu.wait_indirect_dma semaphore(%arg7 : memref<!tpu.dma_semaphore, #tpu.memory_space<semaphore_mem>>) src(%dma_wait3A_27 : memref<10000x256xf32, #tpu.memory_space<hbm>>) dst(%dma_wait3A_22 : memref<128x256xf32, #tpu.memory_space<vmem>>)
        "tpu.region"() ({
          %run_scoped3A = tpu.sem_alloc : memref<!tpu.dma_semaphore, #tpu.memory_space<semaphore_mem>>
          %dma_start3A_28 = arith.constant 0 : i32
          %dma_start3A_29 = tpu.memref_slice %arg4[%mul3A_13, %dma_start3A_28] : memref<80000x256xf32, #tpu.memory_space<hbm>> -> memref<128x256xf32, #tpu.memory_space<hbm>>
          %dma_start3A_30 = arith.constant 0 : i32
          %dma_start3A_31 = tpu.memref_slice %arg4[%mul3A_13, %dma_start3A_30] : memref<80000x256xf32, #tpu.memory_space<hbm>> -> memref<128x256xf32, #tpu.memory_space<hbm>>
          tpu.enqueue_dma source(%arg6 : memref<128x256xf32, #tpu.memory_space<vmem>>) target(%dma_start3A_31 : memref<128x256xf32, #tpu.memory_space<hbm>>) target_semaphore(%run_scoped3A : memref<!tpu.dma_semaphore, #tpu.memory_space<semaphore_mem>>)
          %dma_wait3A_32 = arith.constant 0 : i32
          %dma_wait3A_33 = tpu.memref_slice %arg4[%mul3A_13, %dma_wait3A_32] : memref<80000x256xf32, #tpu.memory_space<hbm>> -> memref<128x256xf32, #tpu.memory_space<hbm>>
          %dma_wait3A_34 = arith.constant 0 : i32
          %dma_wait3A_35 = tpu.memref_slice %arg4[%mul3A_13, %dma_wait3A_34] : memref<80000x256xf32, #tpu.memory_space<hbm>> -> memref<128x256xf32, #tpu.memory_space<hbm>>
          tpu.wait_dma2 semaphore(%run_scoped3A : memref<!tpu.dma_semaphore, #tpu.memory_space<semaphore_mem>>) src(%arg6 : memref<128x256xf32, #tpu.memory_space<vmem>>) dst(%dma_wait3A_35 : memref<128x256xf32, #tpu.memory_space<hbm>>)
          tpu.yield
        }) : () -> ()
      } else {
      }
    }
    %scan3A_5 = arith.constant 20 : i32
    return
  }
}

#map = affine_map<(d0, d1) -> (0, 0)>
#map1 = affine_map<(d0, d1) -> (0)>
module attributes {stable_mosaic.version = 14 : i64} {
  func.func @sc_gather_rows_256(%arg0: i32, %arg1: i32, %arg2: memref<10000x256xf32, #tpu.memory_space<hbm>>, %arg3: memref<80000xi32, #tpu.memory_space<hbm>>, %arg4: memref<80000x256xf32, #tpu.memory_space<hbm>>, %arg5: memref<128xi32, #tpu.memory_space<vmem>>, %arg6: memref<128x256xf32, #tpu.memory_space<vmem>>, %arg7: memref<!tpu.dma_semaphore, #tpu.memory_space<semaphore_mem>>) attributes {dimension_semantics = [#tpu.dimension_semantics<core_parallel>, #tpu.dimension_semantics<subcore_parallel>], iteration_bounds = array<i64: 2, 16>, scalar_prefetch = 0 : i64, scratch_operands = 3 : i64, tpu.core_type = #tpu.core_type<sc_vector_subcore>, window_params = [{transform_indices = #map}, {transform_indices = #map1}, {transform_indices = #map}]} {
    %mul3A = arith.constant 2 : i32
    %mul3A_0 = arith.muli %arg1, %mul3A : i32
    %add3A = arith.addi %mul3A_0, %arg0 : i32
    %scan3A = arith.constant 0 : i32
    %scan3A_1 = arith.constant 0 : i32
    %scan3A_2 = arith.constant 20 : i32
    %scan3A_3 = arith.addi %scan3A_1, %scan3A_2 : i32
    %scan3A_4 = arith.constant 1 : i32
    scf.for %scan3A_6 = %scan3A_1 to %scan3A_3 step %scan3A_4  : i32 {
      %mul3A_7 = arith.constant 32 : i32
      %mul3A_8 = arith.muli %mul3A_7, %scan3A_6 : i32
      %add3A_9 = arith.addi %add3A, %mul3A_8 : i32
      %lt3A = arith.constant 625 : i32
      %lt3A_10 = arith.cmpi slt, %add3A_9, %lt3A : i32
      %convert_element_type3A = arith.extui %lt3A_10 : i1 to i32
      %cond3A = arith.constant 0 : i32
      %cond3A_11 = arith.cmpi ne, %convert_element_type3A, %cond3A : i32
      scf.if %cond3A_11 {
        %mul3A_12 = arith.constant 128 : i32
        %mul3A_13 = arith.muli %add3A_9, %mul3A_12 : i32
        "tpu.region"() ({
          %run_scoped3A = tpu.sem_alloc : memref<!tpu.dma_semaphore, #tpu.memory_space<semaphore_mem>>
          %dma_start3A_28 = tpu.memref_slice %arg3[%mul3A_13] : memref<80000xi32, #tpu.memory_space<hbm>> -> memref<128xi32, #tpu.memory_space<hbm>>
          %dma_start3A_29 = tpu.memref_slice %arg3[%mul3A_13] : memref<80000xi32, #tpu.memory_space<hbm>> -> memref<128xi32, #tpu.memory_space<hbm>>
          tpu.enqueue_dma source(%dma_start3A_29 : memref<128xi32, #tpu.memory_space<hbm>>) target(%arg5 : memref<128xi32, #tpu.memory_space<vmem>>) target_semaphore(%run_scoped3A : memref<!tpu.dma_semaphore, #tpu.memory_space<semaphore_mem>>)
          %dma_wait3A_30 = tpu.memref_slice %arg3[%mul3A_13] : memref<80000xi32, #tpu.memory_space<hbm>> -> memref<128xi32, #tpu.memory_space<hbm>>
          %dma_wait3A_31 = tpu.memref_slice %arg3[%mul3A_13] : memref<80000xi32, #tpu.memory_space<hbm>> -> memref<128xi32, #tpu.memory_space<hbm>>
          tpu.wait_dma2 semaphore(%run_scoped3A : memref<!tpu.dma_semaphore, #tpu.memory_space<semaphore_mem>>) src(%dma_wait3A_31 : memref<128xi32, #tpu.memory_space<hbm>>) dst(%arg5 : memref<128xi32, #tpu.memory_space<vmem>>)
          tpu.yield
        }) : () -> ()
        %dma_start3A = arith.constant 0 : i32
        %dma_start3A_14 = arith.constant 0 : i32
        %dma_start3A_15 = tpu.memref_slice %arg6[%dma_start3A, %dma_start3A_14] : memref<128x256xf32, #tpu.memory_space<vmem>> -> memref<128x256xf32, #tpu.memory_space<vmem>>
        %dma_start3A_16 = arith.constant 0 : i32
        %dma_start3A_17 = tpu.memref_slice %arg5[%dma_start3A_16] : memref<128xi32, #tpu.memory_space<vmem>> -> memref<128xi32, #tpu.memory_space<vmem>>
        %dma_start3A_18 = arith.constant 0 : i32
        %dma_start3A_19 = arith.constant 0 : i32
        %dma_start3A_20 = tpu.memref_slice %arg2[%dma_start3A_18, %dma_start3A_19] : memref<10000x256xf32, #tpu.memory_space<hbm>> -> memref<10000x256xf32, #tpu.memory_space<hbm>>
        tpu.enqueue_indirect_dma source(%dma_start3A_20 : memref<10000x256xf32, #tpu.memory_space<hbm>>) target(%dma_start3A_15 : memref<128x256xf32, #tpu.memory_space<vmem>>) offsets(%dma_start3A_17 : memref<128xi32, #tpu.memory_space<vmem>>) semaphore(%arg7 : memref<!tpu.dma_semaphore, #tpu.memory_space<semaphore_mem>>)
        %dma_wait3A = arith.constant 0 : i32
        %dma_wait3A_21 = arith.constant 0 : i32
        %dma_wait3A_22 = tpu.memref_slice %arg6[%dma_wait3A, %dma_wait3A_21] : memref<128x256xf32, #tpu.memory_space<vmem>> -> memref<128x256xf32, #tpu.memory_space<vmem>>
        %dma_wait3A_23 = arith.constant 0 : i32
        %dma_wait3A_24 = tpu.memref_slice %arg5[%dma_wait3A_23] : memref<128xi32, #tpu.memory_space<vmem>> -> memref<128xi32, #tpu.memory_space<vmem>>
        %dma_wait3A_25 = arith.constant 0 : i32
        %dma_wait3A_26 = arith.constant 0 : i32
        %dma_wait3A_27 = tpu.memref_slice %arg2[%dma_wait3A_25, %dma_wait3A_26] : memref<10000x256xf32, #tpu.memory_space<hbm>> -> memref<10000x256xf32, #tpu.memory_space<hbm>>
        tpu.wait_indirect_dma semaphore(%arg7 : memref<!tpu.dma_semaphore, #tpu.memory_space<semaphore_mem>>) src(%dma_wait3A_27 : memref<10000x256xf32, #tpu.memory_space<hbm>>) dst(%dma_wait3A_22 : memref<128x256xf32, #tpu.memory_space<vmem>>)
        "tpu.region"() ({
          %run_scoped3A = tpu.sem_alloc : memref<!tpu.dma_semaphore, #tpu.memory_space<semaphore_mem>>
          %dma_start3A_28 = arith.constant 0 : i32
          %dma_start3A_29 = tpu.memref_slice %arg4[%mul3A_13, %dma_start3A_28] : memref<80000x256xf32, #tpu.memory_space<hbm>> -> memref<128x256xf32, #tpu.memory_space<hbm>>
          %dma_start3A_30 = arith.constant 0 : i32
          %dma_start3A_31 = tpu.memref_slice %arg4[%mul3A_13, %dma_start3A_30] : memref<80000x256xf32, #tpu.memory_space<hbm>> -> memref<128x256xf32, #tpu.memory_space<hbm>>
          tpu.enqueue_dma source(%arg6 : memref<128x256xf32, #tpu.memory_space<vmem>>) target(%dma_start3A_31 : memref<128x256xf32, #tpu.memory_space<hbm>>) target_semaphore(%run_scoped3A : memref<!tpu.dma_semaphore, #tpu.memory_space<semaphore_mem>>)
          %dma_wait3A_32 = arith.constant 0 : i32
          %dma_wait3A_33 = tpu.memref_slice %arg4[%mul3A_13, %dma_wait3A_32] : memref<80000x256xf32, #tpu.memory_space<hbm>> -> memref<128x256xf32, #tpu.memory_space<hbm>>
          %dma_wait3A_34 = arith.constant 0 : i32
          %dma_wait3A_35 = tpu.memref_slice %arg4[%mul3A_13, %dma_wait3A_34] : memref<80000x256xf32, #tpu.memory_space<hbm>> -> memref<128x256xf32, #tpu.memory_space<hbm>>
          tpu.wait_dma2 semaphore(%run_scoped3A : memref<!tpu.dma_semaphore, #tpu.memory_space<semaphore_mem>>) src(%arg6 : memref<128x256xf32, #tpu.memory_space<vmem>>) dst(%dma_wait3A_35 : memref<128x256xf32, #tpu.memory_space<hbm>>)
          tpu.yield
        }) : () -> ()
      } else {
      }
    }
    %scan3A_5 = arith.constant 20 : i32
    return
  }
}

module attributes {stable_mosaic.version = 14 : i64} {
  func.func @body(%arg0: i32, %arg1: memref<200x16x8xf32, #tpu.memory_space<vmem>>, %arg2: memref<200x8xf32, #tpu.memory_space<vmem>>, %arg3: memref<16x128xf32, #tpu.memory_space<vmem>>, %arg4: memref<200x128xf32, #tpu.memory_space<vmem>>, %arg5: memref<2x64xf32, #tpu.memory_space<vmem>>) attributes {dimension_semantics = [#tpu.dimension_semantics<arbitrary>], iteration_bounds = array<i64: 25>, scalar_prefetch = 0 : i64, scratch_operands = 0 : i64, tpu.core_type = #tpu.core_type<tc>, window_params = [{transform_indices = @transform_0, window_bounds = array<i64: 200, 16, 8>}, {transform_indices = @transform_1, window_bounds = array<i64: 200, 8>}, {pipeline_mode = #tpu.pipeline_mode<synchronous>, transform_indices = @transform_2, window_bounds = array<i64: 16, 128>}, {transform_indices = @transform_3, window_bounds = array<i64: 200, 128>}, {pipeline_mode = #tpu.pipeline_mode<synchronous>, transform_indices = @transform_4, window_bounds = array<i64: 2, 64>}]} {
    %get3A = arith.constant 0 : index
    %get3A_0 = arith.constant 0 : index
    %get3A_1 = arith.constant 0 : index
    %get3A_2 = vector.load %arg1[%get3A, %get3A_0, %get3A_1] : memref<200x16x8xf32, #tpu.memory_space<vmem>>, vector<200x16x8xf32>
    %get3A_3 = arith.constant 0 : index
    %get3A_4 = arith.constant 0 : index
    %get3A_5 = vector.load %arg2[%get3A_3, %get3A_4] : memref<200x8xf32, #tpu.memory_space<vmem>>, vector<200x8xf32>
    %broadcast_in_dim3A = vector.shape_cast %get3A_5 : vector<200x8xf32> to vector<200x1x8xf32>
    %broadcast_in_dim3A_6 = vector.shape_cast %broadcast_in_dim3A : vector<200x1x8xf32> to vector<200x1x8xf32>
    %broadcast_in_dim3A_7 = vector.broadcast %broadcast_in_dim3A_6 : vector<200x1x8xf32> to vector<200x16x8xf32>
    %sub3A = arith.subf %get3A_2, %broadcast_in_dim3A_7 : vector<200x16x8xf32>
    %concatenate3A = tpu.concatenate %sub3A, %broadcast_in_dim3A_7 in 2 : vector<200x16x8xf32>, vector<200x16x8xf32> -> vector<200x16x16xf32>
    %reshape3A = vector.shape_cast %concatenate3A : vector<200x16x16xf32> to vector<3200x16xf32>
    %get3A_8 = arith.constant 0 : index
    %get3A_9 = arith.constant 0 : index
    %get3A_10 = vector.load %arg3[%get3A_8, %get3A_9] : memref<16x128xf32, #tpu.memory_space<vmem>>, vector<16x128xf32>
    %dot_general3A = arith.constant dense<0.000000e+00> : vector<3200x128xf32>
    %dot_general3A_11 = tpu.matmul %reshape3A, %get3A_10, %dot_general3A {dimension_numbers = #tpu.dot_dimension_numbers<[1], [0], [0], [1], [0, 0, 1, 1], [], []>, transpose_lhs_hint = false} : vector<3200x16xf32>, vector<16x128xf32>, vector<3200x128xf32> -> vector<3200x128xf32>
    %reshape3A_12 = vector.shape_cast %dot_general3A_11 : vector<3200x128xf32> to vector<200x16x128xf32>
    %reduce_max3A = arith.constant dense<0xFF800000> : vector<200x128xf32>
    %reduce_max3A_13 = vector.multi_reduction <maximumf>, %reshape3A_12, %reduce_max3A [1] : vector<200x16x128xf32> to vector<200x128xf32>
    %swap3A = arith.constant 0 : index
    %swap3A_14 = arith.constant 0 : index
    %swap3A_15 = vector.load %arg4[%swap3A, %swap3A_14] : memref<200x128xf32, #tpu.memory_space<vmem>>, vector<200x128xf32>
    tpu.vector_store %arg4[%swap3A, %swap3A_14], %reduce_max3A_13 {strides = array<i32>} : memref<200x128xf32, #tpu.memory_space<vmem>>, vector<200x128xf32>,
    %slice3A = vector.extract_strided_slice %reshape3A_12 {offsets = [0, 0, 0], sizes = [200, 16, 64], strides = [1, 1, 1]} : vector<200x16x128xf32> to vector<200x16x64xf32>
    %eq3A = arith.constant 0 : i32
    %eq3A_16 = arith.cmpi eq, %arg0, %eq3A : i32
    %convert_element_type3A = arith.extui %eq3A_16 : i1 to i32
    %cond3A = arith.constant 0 : i32
    %cond3A_17 = arith.cmpi ne, %convert_element_type3A, %cond3A : i32
    scf.if %cond3A_17 {
      %broadcast_in_dim3A_40 = arith.constant 0.000000e+00 : f32
      %broadcast_in_dim3A_41 = vector.broadcast %broadcast_in_dim3A_40 : f32 to vector<2x64xf32>
      %swap3A_42 = arith.constant 0 : index
      %swap3A_43 = arith.constant 0 : index
      %swap3A_44 = vector.load %arg5[%swap3A_42, %swap3A_43] : memref<2x64xf32, #tpu.memory_space<vmem>>, vector<2x64xf32>
      tpu.vector_store %arg5[%swap3A_42, %swap3A_43], %broadcast_in_dim3A_41 {strides = array<i32>} : memref<2x64xf32, #tpu.memory_space<vmem>>, vector<2x64xf32>,
    } else {
    }
    %get3A_18 = arith.constant 0 : index
    %get3A_19 = arith.constant 0 : index
    %get3A_20 = vector.load %arg5[%get3A_18, %get3A_19] : memref<2x64xf32, #tpu.memory_space<vmem>>, vector<1x64xf32>
    %reduce_sum3A = arith.constant dense<0.000000e+00> : vector<200x64xf32>
    %reduce_sum3A_21 = vector.multi_reduction <add>, %slice3A, %reduce_sum3A [1] : vector<200x16x64xf32> to vector<200x64xf32>
    %reduce_sum3A_22 = arith.constant dense<0.000000e+00> : vector<64xf32>
    %reduce_sum3A_23 = vector.multi_reduction <add>, %reduce_sum3A_21, %reduce_sum3A_22 [0] : vector<200x64xf32> to vector<64xf32>
    %broadcast_in_dim3A_24 = vector.shape_cast %reduce_sum3A_23 : vector<64xf32> to vector<1x64xf32>
    %add3A = arith.addf %get3A_20, %broadcast_in_dim3A_24 : vector<1x64xf32>
    %swap3A_25 = arith.constant 0 : index
    %swap3A_26 = arith.constant 0 : index
    %swap3A_27 = vector.load %arg5[%swap3A_25, %swap3A_26] : memref<2x64xf32, #tpu.memory_space<vmem>>, vector<1x64xf32>
    tpu.vector_store %arg5[%swap3A_25, %swap3A_26], %add3A {strides = array<i32>} : memref<2x64xf32, #tpu.memory_space<vmem>>, vector<1x64xf32>,
    %get3A_28 = arith.constant 1 : index
    %get3A_29 = arith.constant 0 : index
    %get3A_30 = vector.load %arg5[%get3A_28, %get3A_29] : memref<2x64xf32, #tpu.memory_space<vmem>>, vector<1x64xf32>
    %mul3A = arith.mulf %slice3A, %slice3A : vector<200x16x64xf32>
    %reduce_sum3A_31 = arith.constant dense<0.000000e+00> : vector<200x64xf32>
    %reduce_sum3A_32 = vector.multi_reduction <add>, %mul3A, %reduce_sum3A_31 [1] : vector<200x16x64xf32> to vector<200x64xf32>
    %reduce_sum3A_33 = arith.constant dense<0.000000e+00> : vector<64xf32>
    %reduce_sum3A_34 = vector.multi_reduction <add>, %reduce_sum3A_32, %reduce_sum3A_33 [0] : vector<200x64xf32> to vector<64xf32>
    %broadcast_in_dim3A_35 = vector.shape_cast %reduce_sum3A_34 : vector<64xf32> to vector<1x64xf32>
    %add3A_36 = arith.addf %get3A_30, %broadcast_in_dim3A_35 : vector<1x64xf32>
    %swap3A_37 = arith.constant 1 : index
    %swap3A_38 = arith.constant 0 : index
    %swap3A_39 = vector.load %arg5[%swap3A_37, %swap3A_38] : memref<2x64xf32, #tpu.memory_space<vmem>>, vector<1x64xf32>
    tpu.vector_store %arg5[%swap3A_37, %swap3A_38], %add3A_36 {strides = array<i32>} : memref<2x64xf32, #tpu.memory_space<vmem>>, vector<1x64xf32>,
    return
  }
  func.func @transform_0(%arg0: i32) -> (i32, i32, i32) {
    %c0_i32 = arith.constant 0 : i32
    %c0_i32_0 = arith.constant 0 : i32
    %c0_i32_1 = arith.constant 0 : i32
    return %arg0, %c0_i32, %c0_i32_0 : i32, i32, i32
  }
  func.func @transform_1(%arg0: i32) -> (i32, i32) {
    %add3A = arith.constant 25 : i32
    %add3A_0 = arith.addi %arg0, %add3A : i32
    %c0_i32 = arith.constant 0 : i32
    %c0_i32_1 = arith.constant 0 : i32
    return %add3A_0, %c0_i32 : i32, i32
  }
  func.func @transform_2(%arg0: i32) -> (i32, i32) {
    %c0_i32 = arith.constant 0 : i32
    %c0_i32_0 = arith.constant 0 : i32
    %c0_i32_1 = arith.constant 0 : i32
    return %c0_i32, %c0_i32_0 : i32, i32
  }
  func.func @transform_3(%arg0: i32) -> (i32, i32) {
    %c0_i32 = arith.constant 0 : i32
    %c0_i32_0 = arith.constant 0 : i32
    return %arg0, %c0_i32 : i32, i32
  }
  func.func @transform_4(%arg0: i32) -> (i32, i32) {
    %c0_i32 = arith.constant 0 : i32
    %c0_i32_0 = arith.constant 0 : i32
    %c0_i32_1 = arith.constant 0 : i32
    return %c0_i32, %c0_i32_0 : i32, i32
  }
}

module attributes {stable_mosaic.version = 14 : i64} {
  func.func @body(%arg0: i32, %arg1: memref<200x16x8xf32, #tpu.memory_space<vmem>>, %arg2: memref<200x8xf32, #tpu.memory_space<vmem>>, %arg3: memref<16x128xf32, #tpu.memory_space<vmem>>, %arg4: memref<200x128xf32, #tpu.memory_space<vmem>>, %arg5: memref<2x64xf32, #tpu.memory_space<vmem>>) attributes {dimension_semantics = [#tpu.dimension_semantics<arbitrary>], iteration_bounds = array<i64: 25>, scalar_prefetch = 0 : i64, scratch_operands = 0 : i64, tpu.core_type = #tpu.core_type<tc>, window_params = [{transform_indices = @transform_0, window_bounds = array<i64: 200, 16, 8>}, {transform_indices = @transform_1, window_bounds = array<i64: 200, 8>}, {pipeline_mode = #tpu.pipeline_mode<synchronous>, transform_indices = @transform_2, window_bounds = array<i64: 16, 128>}, {transform_indices = @transform_3, window_bounds = array<i64: 200, 128>}, {pipeline_mode = #tpu.pipeline_mode<synchronous>, transform_indices = @transform_4, window_bounds = array<i64: 2, 64>}]} {
    %get3A = arith.constant 0 : index
    %get3A_0 = arith.constant 0 : index
    %get3A_1 = arith.constant 0 : index
    %get3A_2 = vector.load %arg1[%get3A, %get3A_0, %get3A_1] : memref<200x16x8xf32, #tpu.memory_space<vmem>>, vector<200x16x8xf32>
    %get3A_3 = arith.constant 0 : index
    %get3A_4 = arith.constant 0 : index
    %get3A_5 = vector.load %arg2[%get3A_3, %get3A_4] : memref<200x8xf32, #tpu.memory_space<vmem>>, vector<200x8xf32>
    %broadcast_in_dim3A = vector.shape_cast %get3A_5 : vector<200x8xf32> to vector<200x1x8xf32>
    %broadcast_in_dim3A_6 = vector.shape_cast %broadcast_in_dim3A : vector<200x1x8xf32> to vector<200x1x8xf32>
    %broadcast_in_dim3A_7 = vector.broadcast %broadcast_in_dim3A_6 : vector<200x1x8xf32> to vector<200x16x8xf32>
    %sub3A = arith.subf %get3A_2, %broadcast_in_dim3A_7 : vector<200x16x8xf32>
    %concatenate3A = tpu.concatenate %sub3A, %broadcast_in_dim3A_7 in 2 : vector<200x16x8xf32>, vector<200x16x8xf32> -> vector<200x16x16xf32>
    %reshape3A = vector.shape_cast %concatenate3A : vector<200x16x16xf32> to vector<3200x16xf32>
    %get3A_8 = arith.constant 0 : index
    %get3A_9 = arith.constant 0 : index
    %get3A_10 = vector.load %arg3[%get3A_8, %get3A_9] : memref<16x128xf32, #tpu.memory_space<vmem>>, vector<16x128xf32>
    %dot_general3A = arith.constant dense<0.000000e+00> : vector<3200x128xf32>
    %dot_general3A_11 = tpu.matmul %reshape3A, %get3A_10, %dot_general3A {dimension_numbers = #tpu.dot_dimension_numbers<[1], [0], [0], [1], [0, 0, 1, 1], [], []>, transpose_lhs_hint = false} : vector<3200x16xf32>, vector<16x128xf32>, vector<3200x128xf32> -> vector<3200x128xf32>
    %reshape3A_12 = vector.shape_cast %dot_general3A_11 : vector<3200x128xf32> to vector<200x16x128xf32>
    %reduce_max3A = arith.constant dense<0xFF800000> : vector<200x128xf32>
    %reduce_max3A_13 = vector.multi_reduction <maximumf>, %reshape3A_12, %reduce_max3A [1] : vector<200x16x128xf32> to vector<200x128xf32>
    %swap3A = arith.constant 0 : index
    %swap3A_14 = arith.constant 0 : index
    %swap3A_15 = vector.load %arg4[%swap3A, %swap3A_14] : memref<200x128xf32, #tpu.memory_space<vmem>>, vector<200x128xf32>
    tpu.vector_store %arg4[%swap3A, %swap3A_14], %reduce_max3A_13 {strides = array<i32>} : memref<200x128xf32, #tpu.memory_space<vmem>>, vector<200x128xf32>,
    %slice3A = vector.extract_strided_slice %reshape3A_12 {offsets = [0, 0, 0], sizes = [200, 16, 64], strides = [1, 1, 1]} : vector<200x16x128xf32> to vector<200x16x64xf32>
    %eq3A = arith.constant 0 : i32
    %eq3A_16 = arith.cmpi eq, %arg0, %eq3A : i32
    %convert_element_type3A = arith.extui %eq3A_16 : i1 to i32
    %cond3A = arith.constant 0 : i32
    %cond3A_17 = arith.cmpi ne, %convert_element_type3A, %cond3A : i32
    scf.if %cond3A_17 {
      %broadcast_in_dim3A_40 = arith.constant 0.000000e+00 : f32
      %broadcast_in_dim3A_41 = vector.broadcast %broadcast_in_dim3A_40 : f32 to vector<2x64xf32>
      %swap3A_42 = arith.constant 0 : index
      %swap3A_43 = arith.constant 0 : index
      %swap3A_44 = vector.load %arg5[%swap3A_42, %swap3A_43] : memref<2x64xf32, #tpu.memory_space<vmem>>, vector<2x64xf32>
      tpu.vector_store %arg5[%swap3A_42, %swap3A_43], %broadcast_in_dim3A_41 {strides = array<i32>} : memref<2x64xf32, #tpu.memory_space<vmem>>, vector<2x64xf32>,
    } else {
    }
    %get3A_18 = arith.constant 0 : index
    %get3A_19 = arith.constant 0 : index
    %get3A_20 = vector.load %arg5[%get3A_18, %get3A_19] : memref<2x64xf32, #tpu.memory_space<vmem>>, vector<1x64xf32>
    %reduce_sum3A = arith.constant dense<0.000000e+00> : vector<200x64xf32>
    %reduce_sum3A_21 = vector.multi_reduction <add>, %slice3A, %reduce_sum3A [1] : vector<200x16x64xf32> to vector<200x64xf32>
    %reduce_sum3A_22 = arith.constant dense<0.000000e+00> : vector<64xf32>
    %reduce_sum3A_23 = vector.multi_reduction <add>, %reduce_sum3A_21, %reduce_sum3A_22 [0] : vector<200x64xf32> to vector<64xf32>
    %broadcast_in_dim3A_24 = vector.shape_cast %reduce_sum3A_23 : vector<64xf32> to vector<1x64xf32>
    %add3A = arith.addf %get3A_20, %broadcast_in_dim3A_24 : vector<1x64xf32>
    %swap3A_25 = arith.constant 0 : index
    %swap3A_26 = arith.constant 0 : index
    %swap3A_27 = vector.load %arg5[%swap3A_25, %swap3A_26] : memref<2x64xf32, #tpu.memory_space<vmem>>, vector<1x64xf32>
    tpu.vector_store %arg5[%swap3A_25, %swap3A_26], %add3A {strides = array<i32>} : memref<2x64xf32, #tpu.memory_space<vmem>>, vector<1x64xf32>,
    %get3A_28 = arith.constant 1 : index
    %get3A_29 = arith.constant 0 : index
    %get3A_30 = vector.load %arg5[%get3A_28, %get3A_29] : memref<2x64xf32, #tpu.memory_space<vmem>>, vector<1x64xf32>
    %mul3A = arith.mulf %slice3A, %slice3A : vector<200x16x64xf32>
    %reduce_sum3A_31 = arith.constant dense<0.000000e+00> : vector<200x64xf32>
    %reduce_sum3A_32 = vector.multi_reduction <add>, %mul3A, %reduce_sum3A_31 [1] : vector<200x16x64xf32> to vector<200x64xf32>
    %reduce_sum3A_33 = arith.constant dense<0.000000e+00> : vector<64xf32>
    %reduce_sum3A_34 = vector.multi_reduction <add>, %reduce_sum3A_32, %reduce_sum3A_33 [0] : vector<200x64xf32> to vector<64xf32>
    %broadcast_in_dim3A_35 = vector.shape_cast %reduce_sum3A_34 : vector<64xf32> to vector<1x64xf32>
    %add3A_36 = arith.addf %get3A_30, %broadcast_in_dim3A_35 : vector<1x64xf32>
    %swap3A_37 = arith.constant 1 : index
    %swap3A_38 = arith.constant 0 : index
    %swap3A_39 = vector.load %arg5[%swap3A_37, %swap3A_38] : memref<2x64xf32, #tpu.memory_space<vmem>>, vector<1x64xf32>
    tpu.vector_store %arg5[%swap3A_37, %swap3A_38], %add3A_36 {strides = array<i32>} : memref<2x64xf32, #tpu.memory_space<vmem>>, vector<1x64xf32>,
    return
  }
  func.func @transform_0(%arg0: i32) -> (i32, i32, i32) {
    %c0_i32 = arith.constant 0 : i32
    %c0_i32_0 = arith.constant 0 : i32
    %c0_i32_1 = arith.constant 0 : i32
    return %arg0, %c0_i32, %c0_i32_0 : i32, i32, i32
  }
  func.func @transform_1(%arg0: i32) -> (i32, i32) {
    %add3A = arith.constant 0 : i32
    %add3A_0 = arith.addi %arg0, %add3A : i32
    %c0_i32 = arith.constant 0 : i32
    %c0_i32_1 = arith.constant 0 : i32
    return %add3A_0, %c0_i32 : i32, i32
  }
  func.func @transform_2(%arg0: i32) -> (i32, i32) {
    %c0_i32 = arith.constant 0 : i32
    %c0_i32_0 = arith.constant 0 : i32
    %c0_i32_1 = arith.constant 0 : i32
    return %c0_i32, %c0_i32_0 : i32, i32
  }
  func.func @transform_3(%arg0: i32) -> (i32, i32) {
    %c0_i32 = arith.constant 0 : i32
    %c0_i32_0 = arith.constant 0 : i32
    return %arg0, %c0_i32 : i32, i32
  }
  func.func @transform_4(%arg0: i32) -> (i32, i32) {
    %c0_i32 = arith.constant 0 : i32
    %c0_i32_0 = arith.constant 0 : i32
    %c0_i32_1 = arith.constant 0 : i32
    return %c0_i32, %c0_i32_0 : i32, i32
  }
}

module attributes {stable_mosaic.version = 14 : i64} {
  func.func @body(%arg0: i32, %arg1: memref<200x128xf32, #tpu.memory_space<vmem>>, %arg2: memref<2x64xf32, #tpu.memory_space<vmem>>, %arg3: memref<2x64xf32, #tpu.memory_space<vmem>>, %arg4: memref<1x64xf32, #tpu.memory_space<vmem>>, %arg5: memref<200x128xf32, #tpu.memory_space<vmem>>) attributes {dimension_semantics = [#tpu.dimension_semantics<arbitrary>], iteration_bounds = array<i64: 25>, scalar_prefetch = 0 : i64, scratch_operands = 0 : i64, tpu.core_type = #tpu.core_type<tc>, window_params = [{transform_indices = @transform_0, window_bounds = array<i64: 200, 128>}, {pipeline_mode = #tpu.pipeline_mode<synchronous>, transform_indices = @transform_1, window_bounds = array<i64: 2, 64>}, {pipeline_mode = #tpu.pipeline_mode<synchronous>, transform_indices = @transform_2, window_bounds = array<i64: 2, 64>}, {pipeline_mode = #tpu.pipeline_mode<synchronous>, transform_indices = @transform_3, window_bounds = array<i64: 1, 64>}, {transform_indices = @transform_4, window_bounds = array<i64: 200, 128>}]} {
    %get3A = arith.constant 0 : index
    %get3A_0 = arith.constant 0 : index
    %get3A_1 = vector.load %arg2[%get3A, %get3A_0] : memref<2x64xf32, #tpu.memory_space<vmem>>, vector<1x64xf32>
    %get3A_2 = arith.constant 0 : index
    %get3A_3 = arith.constant 0 : index
    %get3A_4 = vector.load %arg3[%get3A_2, %get3A_3] : memref<2x64xf32, #tpu.memory_space<vmem>>, vector<1x64xf32>
    %add3A = arith.addf %get3A_1, %get3A_4 : vector<1x64xf32>
    %div3A = arith.constant 1.600000e+05 : f32
    %div3A_5 = vector.broadcast %div3A : f32 to vector<1x64xf32>
    %div3A_6 = arith.divf %add3A, %div3A_5 : vector<1x64xf32>
    %get3A_7 = arith.constant 1 : index
    %get3A_8 = arith.constant 0 : index
    %get3A_9 = vector.load %arg2[%get3A_7, %get3A_8] : memref<2x64xf32, #tpu.memory_space<vmem>>, vector<1x64xf32>
    %get3A_10 = arith.constant 1 : index
    %get3A_11 = arith.constant 0 : index
    %get3A_12 = vector.load %arg3[%get3A_10, %get3A_11] : memref<2x64xf32, #tpu.memory_space<vmem>>, vector<1x64xf32>
    %add3A_13 = arith.addf %get3A_9, %get3A_12 : vector<1x64xf32>
    %div3A_14 = arith.constant 1.600000e+05 : f32
    %div3A_15 = vector.broadcast %div3A_14 : f32 to vector<1x64xf32>
    %div3A_16 = arith.divf %add3A_13, %div3A_15 : vector<1x64xf32>
    %mul3A = arith.mulf %div3A_6, %div3A_6 : vector<1x64xf32>
    %sub3A = arith.subf %div3A_16, %mul3A : vector<1x64xf32>
    %add3A_17 = arith.constant 9.99999974E-6 : f32
    %add3A_18 = vector.broadcast %add3A_17 : f32 to vector<1x64xf32>
    %add3A_19 = arith.addf %sub3A, %add3A_18 : vector<1x64xf32>
    %sqrt3A = math.sqrt %add3A_19 : vector<1x64xf32>
    %get3A_20 = arith.constant 0 : index
    %get3A_21 = arith.constant 0 : index
    %get3A_22 = vector.load %arg1[%get3A_20, %get3A_21] : memref<200x128xf32, #tpu.memory_space<vmem>>, vector<200x128xf32>
    %slice3A = vector.extract_strided_slice %get3A_22 {offsets = [0, 0], sizes = [200, 64], strides = [1, 1]} : vector<200x128xf32> to vector<200x64xf32>
    %sub3A_23 = vector.broadcast %div3A_6 : vector<1x64xf32> to vector<200x64xf32>
    %sub3A_24 = arith.subf %slice3A, %sub3A_23 : vector<200x64xf32>
    %div3A_25 = vector.broadcast %sqrt3A : vector<1x64xf32> to vector<200x64xf32>
    %div3A_26 = arith.divf %sub3A_24, %div3A_25 : vector<200x64xf32>
    %gt3A = arith.constant 0.000000e+00 : f32
    %gt3A_27 = vector.broadcast %gt3A : f32 to vector<200x64xf32>
    %gt3A_28 = arith.cmpf ogt, %div3A_26, %gt3A_27 : vector<200x64xf32>
    %mul3A_29 = arith.constant 2.000000e-01 : f32
    %mul3A_30 = vector.broadcast %mul3A_29 : f32 to vector<200x64xf32>
    %mul3A_31 = arith.mulf %mul3A_30, %div3A_26 : vector<200x64xf32>
    %select_n3A = arith.select %gt3A_28, %div3A_26, %mul3A_31 : vector<200x64xi1>, vector<200x64xf32>
    %slice3A_32 = vector.extract_strided_slice %get3A_22 {offsets = [0, 64], sizes = [200, 64], strides = [1, 1]} : vector<200x128xf32> to vector<200x64xf32>
    %get3A_33 = arith.constant 0 : index
    %get3A_34 = arith.constant 0 : index
    %get3A_35 = vector.load %arg4[%get3A_33, %get3A_34] : memref<1x64xf32, #tpu.memory_space<vmem>>, vector<1x64xf32>
    %add3A_36 = vector.broadcast %get3A_35 : vector<1x64xf32> to vector<200x64xf32>
    %add3A_37 = arith.addf %slice3A_32, %add3A_36 : vector<200x64xf32>
    %gt3A_38 = arith.constant 0.000000e+00 : f32
    %gt3A_39 = vector.broadcast %gt3A_38 : f32 to vector<200x64xf32>
    %gt3A_40 = arith.cmpf ogt, %add3A_37, %gt3A_39 : vector<200x64xf32>
    %mul3A_41 = arith.constant 2.000000e-01 : f32
    %mul3A_42 = vector.broadcast %mul3A_41 : f32 to vector<200x64xf32>
    %mul3A_43 = arith.mulf %mul3A_42, %add3A_37 : vector<200x64xf32>
    %select_n3A_44 = arith.select %gt3A_40, %add3A_37, %mul3A_43 : vector<200x64xi1>, vector<200x64xf32>
    %concatenate3A = tpu.concatenate %select_n3A, %select_n3A_44 in 1 : vector<200x64xf32>, vector<200x64xf32> -> vector<200x128xf32>
    %swap3A = arith.constant 0 : index
    %swap3A_45 = arith.constant 0 : index
    %swap3A_46 = vector.load %arg5[%swap3A, %swap3A_45] : memref<200x128xf32, #tpu.memory_space<vmem>>, vector<200x128xf32>
    tpu.vector_store %arg5[%swap3A, %swap3A_45], %concatenate3A {strides = array<i32>} : memref<200x128xf32, #tpu.memory_space<vmem>>, vector<200x128xf32>,
    return
  }
  func.func @transform_0(%arg0: i32) -> (i32, i32) {
    %c0_i32 = arith.constant 0 : i32
    %c0_i32_0 = arith.constant 0 : i32
    return %arg0, %c0_i32 : i32, i32
  }
  func.func @transform_1(%arg0: i32) -> (i32, i32) {
    %c0_i32 = arith.constant 0 : i32
    %c0_i32_0 = arith.constant 0 : i32
    %c0_i32_1 = arith.constant 0 : i32
    return %c0_i32, %c0_i32_0 : i32, i32
  }
  func.func @transform_2(%arg0: i32) -> (i32, i32) {
    %c0_i32 = arith.constant 0 : i32
    %c0_i32_0 = arith.constant 0 : i32
    %c0_i32_1 = arith.constant 0 : i32
    return %c0_i32, %c0_i32_0 : i32, i32
  }
  func.func @transform_3(%arg0: i32) -> (i32, i32) {
    %c0_i32 = arith.constant 0 : i32
    %c0_i32_0 = arith.constant 0 : i32
    %c0_i32_1 = arith.constant 0 : i32
    return %c0_i32, %c0_i32_0 : i32, i32
  }
  func.func @transform_4(%arg0: i32) -> (i32, i32) {
    %c0_i32 = arith.constant 0 : i32
    %c0_i32_0 = arith.constant 0 : i32
    return %arg0, %c0_i32 : i32, i32
  }
}

module attributes {stable_mosaic.version = 14 : i64} {
  func.func @body(%arg0: i32, %arg1: memref<200x16x128xf32, #tpu.memory_space<vmem>>, %arg2: memref<200x128xf32, #tpu.memory_space<vmem>>, %arg3: memref<256x256xf32, #tpu.memory_space<vmem>>, %arg4: memref<200x256xf32, #tpu.memory_space<vmem>>, %arg5: memref<2x128xf32, #tpu.memory_space<vmem>>) attributes {dimension_semantics = [#tpu.dimension_semantics<arbitrary>], iteration_bounds = array<i64: 25>, scalar_prefetch = 0 : i64, scratch_operands = 0 : i64, tpu.core_type = #tpu.core_type<tc>, window_params = [{transform_indices = @transform_0, window_bounds = array<i64: 200, 16, 128>}, {transform_indices = @transform_1, window_bounds = array<i64: 200, 128>}, {pipeline_mode = #tpu.pipeline_mode<synchronous>, transform_indices = @transform_2, window_bounds = array<i64: 256, 256>}, {transform_indices = @transform_3, window_bounds = array<i64: 200, 256>}, {pipeline_mode = #tpu.pipeline_mode<synchronous>, transform_indices = @transform_4, window_bounds = array<i64: 2, 128>}]} {
    %get3A = arith.constant 0 : index
    %get3A_0 = arith.constant 0 : index
    %get3A_1 = arith.constant 0 : index
    %get3A_2 = vector.load %arg1[%get3A, %get3A_0, %get3A_1] : memref<200x16x128xf32, #tpu.memory_space<vmem>>, vector<200x16x128xf32>
    %get3A_3 = arith.constant 0 : index
    %get3A_4 = arith.constant 0 : index
    %get3A_5 = vector.load %arg2[%get3A_3, %get3A_4] : memref<200x128xf32, #tpu.memory_space<vmem>>, vector<200x128xf32>
    %broadcast_in_dim3A = vector.shape_cast %get3A_5 : vector<200x128xf32> to vector<200x1x128xf32>
    %broadcast_in_dim3A_6 = vector.shape_cast %broadcast_in_dim3A : vector<200x1x128xf32> to vector<200x1x128xf32>
    %broadcast_in_dim3A_7 = vector.broadcast %broadcast_in_dim3A_6 : vector<200x1x128xf32> to vector<200x16x128xf32>
    %sub3A = arith.subf %get3A_2, %broadcast_in_dim3A_7 : vector<200x16x128xf32>
    %concatenate3A = tpu.concatenate %sub3A, %broadcast_in_dim3A_7 in 2 : vector<200x16x128xf32>, vector<200x16x128xf32> -> vector<200x16x256xf32>
    %reshape3A = vector.shape_cast %concatenate3A : vector<200x16x256xf32> to vector<3200x256xf32>
    %get3A_8 = arith.constant 0 : index
    %get3A_9 = arith.constant 0 : index
    %get3A_10 = vector.load %arg3[%get3A_8, %get3A_9] : memref<256x256xf32, #tpu.memory_space<vmem>>, vector<256x256xf32>
    %dot_general3A = arith.constant dense<0.000000e+00> : vector<3200x256xf32>
    %dot_general3A_11 = tpu.matmul %reshape3A, %get3A_10, %dot_general3A {dimension_numbers = #tpu.dot_dimension_numbers<[1], [0], [0], [1], [0, 0, 1, 1], [], []>, transpose_lhs_hint = false} : vector<3200x256xf32>, vector<256x256xf32>, vector<3200x256xf32> -> vector<3200x256xf32>
    %reshape3A_12 = vector.shape_cast %dot_general3A_11 : vector<3200x256xf32> to vector<200x16x256xf32>
    %reduce_max3A = arith.constant dense<0xFF800000> : vector<200x256xf32>
    %reduce_max3A_13 = vector.multi_reduction <maximumf>, %reshape3A_12, %reduce_max3A [1] : vector<200x16x256xf32> to vector<200x256xf32>
    %swap3A = arith.constant 0 : index
    %swap3A_14 = arith.constant 0 : index
    %swap3A_15 = vector.load %arg4[%swap3A, %swap3A_14] : memref<200x256xf32, #tpu.memory_space<vmem>>, vector<200x256xf32>
    tpu.vector_store %arg4[%swap3A, %swap3A_14], %reduce_max3A_13 {strides = array<i32>} : memref<200x256xf32, #tpu.memory_space<vmem>>, vector<200x256xf32>,
    %slice3A = vector.extract_strided_slice %reshape3A_12 {offsets = [0, 0, 0], sizes = [200, 16, 128], strides = [1, 1, 1]} : vector<200x16x256xf32> to vector<200x16x128xf32>
    %eq3A = arith.constant 0 : i32
    %eq3A_16 = arith.cmpi eq, %arg0, %eq3A : i32
    %convert_element_type3A = arith.extui %eq3A_16 : i1 to i32
    %cond3A = arith.constant 0 : i32
    %cond3A_17 = arith.cmpi ne, %convert_element_type3A, %cond3A : i32
    scf.if %cond3A_17 {
      %broadcast_in_dim3A_40 = arith.constant 0.000000e+00 : f32
      %broadcast_in_dim3A_41 = vector.broadcast %broadcast_in_dim3A_40 : f32 to vector<2x128xf32>
      %swap3A_42 = arith.constant 0 : index
      %swap3A_43 = arith.constant 0 : index
      %swap3A_44 = vector.load %arg5[%swap3A_42, %swap3A_43] : memref<2x128xf32, #tpu.memory_space<vmem>>, vector<2x128xf32>
      tpu.vector_store %arg5[%swap3A_42, %swap3A_43], %broadcast_in_dim3A_41 {strides = array<i32>} : memref<2x128xf32, #tpu.memory_space<vmem>>, vector<2x128xf32>,
    } else {
    }
    %get3A_18 = arith.constant 0 : index
    %get3A_19 = arith.constant 0 : index
    %get3A_20 = vector.load %arg5[%get3A_18, %get3A_19] : memref<2x128xf32, #tpu.memory_space<vmem>>, vector<1x128xf32>
    %reduce_sum3A = arith.constant dense<0.000000e+00> : vector<200x128xf32>
    %reduce_sum3A_21 = vector.multi_reduction <add>, %slice3A, %reduce_sum3A [1] : vector<200x16x128xf32> to vector<200x128xf32>
    %reduce_sum3A_22 = arith.constant dense<0.000000e+00> : vector<128xf32>
    %reduce_sum3A_23 = vector.multi_reduction <add>, %reduce_sum3A_21, %reduce_sum3A_22 [0] : vector<200x128xf32> to vector<128xf32>
    %broadcast_in_dim3A_24 = vector.shape_cast %reduce_sum3A_23 : vector<128xf32> to vector<1x128xf32>
    %add3A = arith.addf %get3A_20, %broadcast_in_dim3A_24 : vector<1x128xf32>
    %swap3A_25 = arith.constant 0 : index
    %swap3A_26 = arith.constant 0 : index
    %swap3A_27 = vector.load %arg5[%swap3A_25, %swap3A_26] : memref<2x128xf32, #tpu.memory_space<vmem>>, vector<1x128xf32>
    tpu.vector_store %arg5[%swap3A_25, %swap3A_26], %add3A {strides = array<i32>} : memref<2x128xf32, #tpu.memory_space<vmem>>, vector<1x128xf32>,
    %get3A_28 = arith.constant 1 : index
    %get3A_29 = arith.constant 0 : index
    %get3A_30 = vector.load %arg5[%get3A_28, %get3A_29] : memref<2x128xf32, #tpu.memory_space<vmem>>, vector<1x128xf32>
    %mul3A = arith.mulf %slice3A, %slice3A : vector<200x16x128xf32>
    %reduce_sum3A_31 = arith.constant dense<0.000000e+00> : vector<200x128xf32>
    %reduce_sum3A_32 = vector.multi_reduction <add>, %mul3A, %reduce_sum3A_31 [1] : vector<200x16x128xf32> to vector<200x128xf32>
    %reduce_sum3A_33 = arith.constant dense<0.000000e+00> : vector<128xf32>
    %reduce_sum3A_34 = vector.multi_reduction <add>, %reduce_sum3A_32, %reduce_sum3A_33 [0] : vector<200x128xf32> to vector<128xf32>
    %broadcast_in_dim3A_35 = vector.shape_cast %reduce_sum3A_34 : vector<128xf32> to vector<1x128xf32>
    %add3A_36 = arith.addf %get3A_30, %broadcast_in_dim3A_35 : vector<1x128xf32>
    %swap3A_37 = arith.constant 1 : index
    %swap3A_38 = arith.constant 0 : index
    %swap3A_39 = vector.load %arg5[%swap3A_37, %swap3A_38] : memref<2x128xf32, #tpu.memory_space<vmem>>, vector<1x128xf32>
    tpu.vector_store %arg5[%swap3A_37, %swap3A_38], %add3A_36 {strides = array<i32>} : memref<2x128xf32, #tpu.memory_space<vmem>>, vector<1x128xf32>,
    return
  }
  func.func @transform_0(%arg0: i32) -> (i32, i32, i32) {
    %c0_i32 = arith.constant 0 : i32
    %c0_i32_0 = arith.constant 0 : i32
    %c0_i32_1 = arith.constant 0 : i32
    return %arg0, %c0_i32, %c0_i32_0 : i32, i32, i32
  }
  func.func @transform_1(%arg0: i32) -> (i32, i32) {
    %add3A = arith.constant 25 : i32
    %add3A_0 = arith.addi %arg0, %add3A : i32
    %c0_i32 = arith.constant 0 : i32
    %c0_i32_1 = arith.constant 0 : i32
    return %add3A_0, %c0_i32 : i32, i32
  }
  func.func @transform_2(%arg0: i32) -> (i32, i32) {
    %c0_i32 = arith.constant 0 : i32
    %c0_i32_0 = arith.constant 0 : i32
    %c0_i32_1 = arith.constant 0 : i32
    return %c0_i32, %c0_i32_0 : i32, i32
  }
  func.func @transform_3(%arg0: i32) -> (i32, i32) {
    %c0_i32 = arith.constant 0 : i32
    %c0_i32_0 = arith.constant 0 : i32
    return %arg0, %c0_i32 : i32, i32
  }
  func.func @transform_4(%arg0: i32) -> (i32, i32) {
    %c0_i32 = arith.constant 0 : i32
    %c0_i32_0 = arith.constant 0 : i32
    %c0_i32_1 = arith.constant 0 : i32
    return %c0_i32, %c0_i32_0 : i32, i32
  }
}

module attributes {stable_mosaic.version = 14 : i64} {
  func.func @body(%arg0: i32, %arg1: memref<200x16x128xf32, #tpu.memory_space<vmem>>, %arg2: memref<200x128xf32, #tpu.memory_space<vmem>>, %arg3: memref<256x256xf32, #tpu.memory_space<vmem>>, %arg4: memref<200x256xf32, #tpu.memory_space<vmem>>, %arg5: memref<2x128xf32, #tpu.memory_space<vmem>>) attributes {dimension_semantics = [#tpu.dimension_semantics<arbitrary>], iteration_bounds = array<i64: 25>, scalar_prefetch = 0 : i64, scratch_operands = 0 : i64, tpu.core_type = #tpu.core_type<tc>, window_params = [{transform_indices = @transform_0, window_bounds = array<i64: 200, 16, 128>}, {transform_indices = @transform_1, window_bounds = array<i64: 200, 128>}, {pipeline_mode = #tpu.pipeline_mode<synchronous>, transform_indices = @transform_2, window_bounds = array<i64: 256, 256>}, {transform_indices = @transform_3, window_bounds = array<i64: 200, 256>}, {pipeline_mode = #tpu.pipeline_mode<synchronous>, transform_indices = @transform_4, window_bounds = array<i64: 2, 128>}]} {
    %get3A = arith.constant 0 : index
    %get3A_0 = arith.constant 0 : index
    %get3A_1 = arith.constant 0 : index
    %get3A_2 = vector.load %arg1[%get3A, %get3A_0, %get3A_1] : memref<200x16x128xf32, #tpu.memory_space<vmem>>, vector<200x16x128xf32>
    %get3A_3 = arith.constant 0 : index
    %get3A_4 = arith.constant 0 : index
    %get3A_5 = vector.load %arg2[%get3A_3, %get3A_4] : memref<200x128xf32, #tpu.memory_space<vmem>>, vector<200x128xf32>
    %broadcast_in_dim3A = vector.shape_cast %get3A_5 : vector<200x128xf32> to vector<200x1x128xf32>
    %broadcast_in_dim3A_6 = vector.shape_cast %broadcast_in_dim3A : vector<200x1x128xf32> to vector<200x1x128xf32>
    %broadcast_in_dim3A_7 = vector.broadcast %broadcast_in_dim3A_6 : vector<200x1x128xf32> to vector<200x16x128xf32>
    %sub3A = arith.subf %get3A_2, %broadcast_in_dim3A_7 : vector<200x16x128xf32>
    %concatenate3A = tpu.concatenate %sub3A, %broadcast_in_dim3A_7 in 2 : vector<200x16x128xf32>, vector<200x16x128xf32> -> vector<200x16x256xf32>
    %reshape3A = vector.shape_cast %concatenate3A : vector<200x16x256xf32> to vector<3200x256xf32>
    %get3A_8 = arith.constant 0 : index
    %get3A_9 = arith.constant 0 : index
    %get3A_10 = vector.load %arg3[%get3A_8, %get3A_9] : memref<256x256xf32, #tpu.memory_space<vmem>>, vector<256x256xf32>
    %dot_general3A = arith.constant dense<0.000000e+00> : vector<3200x256xf32>
    %dot_general3A_11 = tpu.matmul %reshape3A, %get3A_10, %dot_general3A {dimension_numbers = #tpu.dot_dimension_numbers<[1], [0], [0], [1], [0, 0, 1, 1], [], []>, transpose_lhs_hint = false} : vector<3200x256xf32>, vector<256x256xf32>, vector<3200x256xf32> -> vector<3200x256xf32>
    %reshape3A_12 = vector.shape_cast %dot_general3A_11 : vector<3200x256xf32> to vector<200x16x256xf32>
    %reduce_max3A = arith.constant dense<0xFF800000> : vector<200x256xf32>
    %reduce_max3A_13 = vector.multi_reduction <maximumf>, %reshape3A_12, %reduce_max3A [1] : vector<200x16x256xf32> to vector<200x256xf32>
    %swap3A = arith.constant 0 : index
    %swap3A_14 = arith.constant 0 : index
    %swap3A_15 = vector.load %arg4[%swap3A, %swap3A_14] : memref<200x256xf32, #tpu.memory_space<vmem>>, vector<200x256xf32>
    tpu.vector_store %arg4[%swap3A, %swap3A_14], %reduce_max3A_13 {strides = array<i32>} : memref<200x256xf32, #tpu.memory_space<vmem>>, vector<200x256xf32>,
    %slice3A = vector.extract_strided_slice %reshape3A_12 {offsets = [0, 0, 0], sizes = [200, 16, 128], strides = [1, 1, 1]} : vector<200x16x256xf32> to vector<200x16x128xf32>
    %eq3A = arith.constant 0 : i32
    %eq3A_16 = arith.cmpi eq, %arg0, %eq3A : i32
    %convert_element_type3A = arith.extui %eq3A_16 : i1 to i32
    %cond3A = arith.constant 0 : i32
    %cond3A_17 = arith.cmpi ne, %convert_element_type3A, %cond3A : i32
    scf.if %cond3A_17 {
      %broadcast_in_dim3A_40 = arith.constant 0.000000e+00 : f32
      %broadcast_in_dim3A_41 = vector.broadcast %broadcast_in_dim3A_40 : f32 to vector<2x128xf32>
      %swap3A_42 = arith.constant 0 : index
      %swap3A_43 = arith.constant 0 : index
      %swap3A_44 = vector.load %arg5[%swap3A_42, %swap3A_43] : memref<2x128xf32, #tpu.memory_space<vmem>>, vector<2x128xf32>
      tpu.vector_store %arg5[%swap3A_42, %swap3A_43], %broadcast_in_dim3A_41 {strides = array<i32>} : memref<2x128xf32, #tpu.memory_space<vmem>>, vector<2x128xf32>,
    } else {
    }
    %get3A_18 = arith.constant 0 : index
    %get3A_19 = arith.constant 0 : index
    %get3A_20 = vector.load %arg5[%get3A_18, %get3A_19] : memref<2x128xf32, #tpu.memory_space<vmem>>, vector<1x128xf32>
    %reduce_sum3A = arith.constant dense<0.000000e+00> : vector<200x128xf32>
    %reduce_sum3A_21 = vector.multi_reduction <add>, %slice3A, %reduce_sum3A [1] : vector<200x16x128xf32> to vector<200x128xf32>
    %reduce_sum3A_22 = arith.constant dense<0.000000e+00> : vector<128xf32>
    %reduce_sum3A_23 = vector.multi_reduction <add>, %reduce_sum3A_21, %reduce_sum3A_22 [0] : vector<200x128xf32> to vector<128xf32>
    %broadcast_in_dim3A_24 = vector.shape_cast %reduce_sum3A_23 : vector<128xf32> to vector<1x128xf32>
    %add3A = arith.addf %get3A_20, %broadcast_in_dim3A_24 : vector<1x128xf32>
    %swap3A_25 = arith.constant 0 : index
    %swap3A_26 = arith.constant 0 : index
    %swap3A_27 = vector.load %arg5[%swap3A_25, %swap3A_26] : memref<2x128xf32, #tpu.memory_space<vmem>>, vector<1x128xf32>
    tpu.vector_store %arg5[%swap3A_25, %swap3A_26], %add3A {strides = array<i32>} : memref<2x128xf32, #tpu.memory_space<vmem>>, vector<1x128xf32>,
    %get3A_28 = arith.constant 1 : index
    %get3A_29 = arith.constant 0 : index
    %get3A_30 = vector.load %arg5[%get3A_28, %get3A_29] : memref<2x128xf32, #tpu.memory_space<vmem>>, vector<1x128xf32>
    %mul3A = arith.mulf %slice3A, %slice3A : vector<200x16x128xf32>
    %reduce_sum3A_31 = arith.constant dense<0.000000e+00> : vector<200x128xf32>
    %reduce_sum3A_32 = vector.multi_reduction <add>, %mul3A, %reduce_sum3A_31 [1] : vector<200x16x128xf32> to vector<200x128xf32>
    %reduce_sum3A_33 = arith.constant dense<0.000000e+00> : vector<128xf32>
    %reduce_sum3A_34 = vector.multi_reduction <add>, %reduce_sum3A_32, %reduce_sum3A_33 [0] : vector<200x128xf32> to vector<128xf32>
    %broadcast_in_dim3A_35 = vector.shape_cast %reduce_sum3A_34 : vector<128xf32> to vector<1x128xf32>
    %add3A_36 = arith.addf %get3A_30, %broadcast_in_dim3A_35 : vector<1x128xf32>
    %swap3A_37 = arith.constant 1 : index
    %swap3A_38 = arith.constant 0 : index
    %swap3A_39 = vector.load %arg5[%swap3A_37, %swap3A_38] : memref<2x128xf32, #tpu.memory_space<vmem>>, vector<1x128xf32>
    tpu.vector_store %arg5[%swap3A_37, %swap3A_38], %add3A_36 {strides = array<i32>} : memref<2x128xf32, #tpu.memory_space<vmem>>, vector<1x128xf32>,
    return
  }
  func.func @transform_0(%arg0: i32) -> (i32, i32, i32) {
    %c0_i32 = arith.constant 0 : i32
    %c0_i32_0 = arith.constant 0 : i32
    %c0_i32_1 = arith.constant 0 : i32
    return %arg0, %c0_i32, %c0_i32_0 : i32, i32, i32
  }
  func.func @transform_1(%arg0: i32) -> (i32, i32) {
    %add3A = arith.constant 0 : i32
    %add3A_0 = arith.addi %arg0, %add3A : i32
    %c0_i32 = arith.constant 0 : i32
    %c0_i32_1 = arith.constant 0 : i32
    return %add3A_0, %c0_i32 : i32, i32
  }
  func.func @transform_2(%arg0: i32) -> (i32, i32) {
    %c0_i32 = arith.constant 0 : i32
    %c0_i32_0 = arith.constant 0 : i32
    %c0_i32_1 = arith.constant 0 : i32
    return %c0_i32, %c0_i32_0 : i32, i32
  }
  func.func @transform_3(%arg0: i32) -> (i32, i32) {
    %c0_i32 = arith.constant 0 : i32
    %c0_i32_0 = arith.constant 0 : i32
    return %arg0, %c0_i32 : i32, i32
  }
  func.func @transform_4(%arg0: i32) -> (i32, i32) {
    %c0_i32 = arith.constant 0 : i32
    %c0_i32_0 = arith.constant 0 : i32
    %c0_i32_1 = arith.constant 0 : i32
    return %c0_i32, %c0_i32_0 : i32, i32
  }
}

module attributes {stable_mosaic.version = 14 : i64} {
  func.func @body(%arg0: i32, %arg1: memref<200x256xf32, #tpu.memory_space<vmem>>, %arg2: memref<2x128xf32, #tpu.memory_space<vmem>>, %arg3: memref<2x128xf32, #tpu.memory_space<vmem>>, %arg4: memref<1x128xf32, #tpu.memory_space<vmem>>, %arg5: memref<200x256xf32, #tpu.memory_space<vmem>>) attributes {dimension_semantics = [#tpu.dimension_semantics<arbitrary>], iteration_bounds = array<i64: 25>, scalar_prefetch = 0 : i64, scratch_operands = 0 : i64, tpu.core_type = #tpu.core_type<tc>, window_params = [{transform_indices = @transform_0, window_bounds = array<i64: 200, 256>}, {pipeline_mode = #tpu.pipeline_mode<synchronous>, transform_indices = @transform_1, window_bounds = array<i64: 2, 128>}, {pipeline_mode = #tpu.pipeline_mode<synchronous>, transform_indices = @transform_2, window_bounds = array<i64: 2, 128>}, {pipeline_mode = #tpu.pipeline_mode<synchronous>, transform_indices = @transform_3, window_bounds = array<i64: 1, 128>}, {transform_indices = @transform_4, window_bounds = array<i64: 200, 256>}]} {
    %get3A = arith.constant 0 : index
    %get3A_0 = arith.constant 0 : index
    %get3A_1 = vector.load %arg2[%get3A, %get3A_0] : memref<2x128xf32, #tpu.memory_space<vmem>>, vector<1x128xf32>
    %get3A_2 = arith.constant 0 : index
    %get3A_3 = arith.constant 0 : index
    %get3A_4 = vector.load %arg3[%get3A_2, %get3A_3] : memref<2x128xf32, #tpu.memory_space<vmem>>, vector<1x128xf32>
    %add3A = arith.addf %get3A_1, %get3A_4 : vector<1x128xf32>
    %div3A = arith.constant 1.600000e+05 : f32
    %div3A_5 = vector.broadcast %div3A : f32 to vector<1x128xf32>
    %div3A_6 = arith.divf %add3A, %div3A_5 : vector<1x128xf32>
    %get3A_7 = arith.constant 1 : index
    %get3A_8 = arith.constant 0 : index
    %get3A_9 = vector.load %arg2[%get3A_7, %get3A_8] : memref<2x128xf32, #tpu.memory_space<vmem>>, vector<1x128xf32>
    %get3A_10 = arith.constant 1 : index
    %get3A_11 = arith.constant 0 : index
    %get3A_12 = vector.load %arg3[%get3A_10, %get3A_11] : memref<2x128xf32, #tpu.memory_space<vmem>>, vector<1x128xf32>
    %add3A_13 = arith.addf %get3A_9, %get3A_12 : vector<1x128xf32>
    %div3A_14 = arith.constant 1.600000e+05 : f32
    %div3A_15 = vector.broadcast %div3A_14 : f32 to vector<1x128xf32>
    %div3A_16 = arith.divf %add3A_13, %div3A_15 : vector<1x128xf32>
    %mul3A = arith.mulf %div3A_6, %div3A_6 : vector<1x128xf32>
    %sub3A = arith.subf %div3A_16, %mul3A : vector<1x128xf32>
    %add3A_17 = arith.constant 9.99999974E-6 : f32
    %add3A_18 = vector.broadcast %add3A_17 : f32 to vector<1x128xf32>
    %add3A_19 = arith.addf %sub3A, %add3A_18 : vector<1x128xf32>
    %sqrt3A = math.sqrt %add3A_19 : vector<1x128xf32>
    %get3A_20 = arith.constant 0 : index
    %get3A_21 = arith.constant 0 : index
    %get3A_22 = vector.load %arg1[%get3A_20, %get3A_21] : memref<200x256xf32, #tpu.memory_space<vmem>>, vector<200x256xf32>
    %slice3A = vector.extract_strided_slice %get3A_22 {offsets = [0, 0], sizes = [200, 128], strides = [1, 1]} : vector<200x256xf32> to vector<200x128xf32>
    %sub3A_23 = vector.broadcast %div3A_6 : vector<1x128xf32> to vector<200x128xf32>
    %sub3A_24 = arith.subf %slice3A, %sub3A_23 : vector<200x128xf32>
    %div3A_25 = vector.broadcast %sqrt3A : vector<1x128xf32> to vector<200x128xf32>
    %div3A_26 = arith.divf %sub3A_24, %div3A_25 : vector<200x128xf32>
    %gt3A = arith.constant 0.000000e+00 : f32
    %gt3A_27 = vector.broadcast %gt3A : f32 to vector<200x128xf32>
    %gt3A_28 = arith.cmpf ogt, %div3A_26, %gt3A_27 : vector<200x128xf32>
    %mul3A_29 = arith.constant 2.000000e-01 : f32
    %mul3A_30 = vector.broadcast %mul3A_29 : f32 to vector<200x128xf32>
    %mul3A_31 = arith.mulf %mul3A_30, %div3A_26 : vector<200x128xf32>
    %select_n3A = arith.select %gt3A_28, %div3A_26, %mul3A_31 : vector<200x128xi1>, vector<200x128xf32>
    %slice3A_32 = vector.extract_strided_slice %get3A_22 {offsets = [0, 128], sizes = [200, 128], strides = [1, 1]} : vector<200x256xf32> to vector<200x128xf32>
    %get3A_33 = arith.constant 0 : index
    %get3A_34 = arith.constant 0 : index
    %get3A_35 = vector.load %arg4[%get3A_33, %get3A_34] : memref<1x128xf32, #tpu.memory_space<vmem>>, vector<1x128xf32>
    %add3A_36 = vector.broadcast %get3A_35 : vector<1x128xf32> to vector<200x128xf32>
    %add3A_37 = arith.addf %slice3A_32, %add3A_36 : vector<200x128xf32>
    %gt3A_38 = arith.constant 0.000000e+00 : f32
    %gt3A_39 = vector.broadcast %gt3A_38 : f32 to vector<200x128xf32>
    %gt3A_40 = arith.cmpf ogt, %add3A_37, %gt3A_39 : vector<200x128xf32>
    %mul3A_41 = arith.constant 2.000000e-01 : f32
    %mul3A_42 = vector.broadcast %mul3A_41 : f32 to vector<200x128xf32>
    %mul3A_43 = arith.mulf %mul3A_42, %add3A_37 : vector<200x128xf32>
    %select_n3A_44 = arith.select %gt3A_40, %add3A_37, %mul3A_43 : vector<200x128xi1>, vector<200x128xf32>
    %concatenate3A = tpu.concatenate %select_n3A, %select_n3A_44 in 1 : vector<200x128xf32>, vector<200x128xf32> -> vector<200x256xf32>
    %swap3A = arith.constant 0 : index
    %swap3A_45 = arith.constant 0 : index
    %swap3A_46 = vector.load %arg5[%swap3A, %swap3A_45] : memref<200x256xf32, #tpu.memory_space<vmem>>, vector<200x256xf32>
    tpu.vector_store %arg5[%swap3A, %swap3A_45], %concatenate3A {strides = array<i32>} : memref<200x256xf32, #tpu.memory_space<vmem>>, vector<200x256xf32>,
    return
  }
  func.func @transform_0(%arg0: i32) -> (i32, i32) {
    %c0_i32 = arith.constant 0 : i32
    %c0_i32_0 = arith.constant 0 : i32
    return %arg0, %c0_i32 : i32, i32
  }
  func.func @transform_1(%arg0: i32) -> (i32, i32) {
    %c0_i32 = arith.constant 0 : i32
    %c0_i32_0 = arith.constant 0 : i32
    %c0_i32_1 = arith.constant 0 : i32
    return %c0_i32, %c0_i32_0 : i32, i32
  }
  func.func @transform_2(%arg0: i32) -> (i32, i32) {
    %c0_i32 = arith.constant 0 : i32
    %c0_i32_0 = arith.constant 0 : i32
    %c0_i32_1 = arith.constant 0 : i32
    return %c0_i32, %c0_i32_0 : i32, i32
  }
  func.func @transform_3(%arg0: i32) -> (i32, i32) {
    %c0_i32 = arith.constant 0 : i32
    %c0_i32_0 = arith.constant 0 : i32
    %c0_i32_1 = arith.constant 0 : i32
    return %c0_i32, %c0_i32_0 : i32, i32
  }
  func.func @transform_4(%arg0: i32) -> (i32, i32) {
    %c0_i32 = arith.constant 0 : i32
    %c0_i32_0 = arith.constant 0 : i32
    return %arg0, %c0_i32 : i32, i32
  }
}

module attributes {stable_mosaic.version = 14 : i64} {
  func.func @body(%arg0: i32, %arg1: memref<200x16x256xf32, #tpu.memory_space<vmem>>, %arg2: memref<200x256xf32, #tpu.memory_space<vmem>>, %arg3: memref<512x512xf32, #tpu.memory_space<vmem>>, %arg4: memref<200x512xf32, #tpu.memory_space<vmem>>, %arg5: memref<2x256xf32, #tpu.memory_space<vmem>>) attributes {dimension_semantics = [#tpu.dimension_semantics<arbitrary>], iteration_bounds = array<i64: 25>, scalar_prefetch = 0 : i64, scratch_operands = 0 : i64, tpu.core_type = #tpu.core_type<tc>, window_params = [{transform_indices = @transform_0, window_bounds = array<i64: 200, 16, 256>}, {transform_indices = @transform_1, window_bounds = array<i64: 200, 256>}, {pipeline_mode = #tpu.pipeline_mode<synchronous>, transform_indices = @transform_2, window_bounds = array<i64: 512, 512>}, {transform_indices = @transform_3, window_bounds = array<i64: 200, 512>}, {pipeline_mode = #tpu.pipeline_mode<synchronous>, transform_indices = @transform_4, window_bounds = array<i64: 2, 256>}]} {
    %get3A = arith.constant 0 : index
    %get3A_0 = arith.constant 0 : index
    %get3A_1 = arith.constant 0 : index
    %get3A_2 = vector.load %arg1[%get3A, %get3A_0, %get3A_1] : memref<200x16x256xf32, #tpu.memory_space<vmem>>, vector<200x16x256xf32>
    %get3A_3 = arith.constant 0 : index
    %get3A_4 = arith.constant 0 : index
    %get3A_5 = vector.load %arg2[%get3A_3, %get3A_4] : memref<200x256xf32, #tpu.memory_space<vmem>>, vector<200x256xf32>
    %broadcast_in_dim3A = vector.shape_cast %get3A_5 : vector<200x256xf32> to vector<200x1x256xf32>
    %broadcast_in_dim3A_6 = vector.shape_cast %broadcast_in_dim3A : vector<200x1x256xf32> to vector<200x1x256xf32>
    %broadcast_in_dim3A_7 = vector.broadcast %broadcast_in_dim3A_6 : vector<200x1x256xf32> to vector<200x16x256xf32>
    %sub3A = arith.subf %get3A_2, %broadcast_in_dim3A_7 : vector<200x16x256xf32>
    %concatenate3A = tpu.concatenate %sub3A, %broadcast_in_dim3A_7 in 2 : vector<200x16x256xf32>, vector<200x16x256xf32> -> vector<200x16x512xf32>
    %reshape3A = vector.shape_cast %concatenate3A : vector<200x16x512xf32> to vector<3200x512xf32>
    %get3A_8 = arith.constant 0 : index
    %get3A_9 = arith.constant 0 : index
    %get3A_10 = vector.load %arg3[%get3A_8, %get3A_9] : memref<512x512xf32, #tpu.memory_space<vmem>>, vector<512x512xf32>
    %dot_general3A = arith.constant dense<0.000000e+00> : vector<3200x512xf32>
    %dot_general3A_11 = tpu.matmul %reshape3A, %get3A_10, %dot_general3A {dimension_numbers = #tpu.dot_dimension_numbers<[1], [0], [0], [1], [0, 0, 1, 1], [], []>, transpose_lhs_hint = false} : vector<3200x512xf32>, vector<512x512xf32>, vector<3200x512xf32> -> vector<3200x512xf32>
    %reshape3A_12 = vector.shape_cast %dot_general3A_11 : vector<3200x512xf32> to vector<200x16x512xf32>
    %reduce_max3A = arith.constant dense<0xFF800000> : vector<200x512xf32>
    %reduce_max3A_13 = vector.multi_reduction <maximumf>, %reshape3A_12, %reduce_max3A [1] : vector<200x16x512xf32> to vector<200x512xf32>
    %swap3A = arith.constant 0 : index
    %swap3A_14 = arith.constant 0 : index
    %swap3A_15 = vector.load %arg4[%swap3A, %swap3A_14] : memref<200x512xf32, #tpu.memory_space<vmem>>, vector<200x512xf32>
    tpu.vector_store %arg4[%swap3A, %swap3A_14], %reduce_max3A_13 {strides = array<i32>} : memref<200x512xf32, #tpu.memory_space<vmem>>, vector<200x512xf32>,
    %slice3A = vector.extract_strided_slice %reshape3A_12 {offsets = [0, 0, 0], sizes = [200, 16, 256], strides = [1, 1, 1]} : vector<200x16x512xf32> to vector<200x16x256xf32>
    %eq3A = arith.constant 0 : i32
    %eq3A_16 = arith.cmpi eq, %arg0, %eq3A : i32
    %convert_element_type3A = arith.extui %eq3A_16 : i1 to i32
    %cond3A = arith.constant 0 : i32
    %cond3A_17 = arith.cmpi ne, %convert_element_type3A, %cond3A : i32
    scf.if %cond3A_17 {
      %broadcast_in_dim3A_40 = arith.constant 0.000000e+00 : f32
      %broadcast_in_dim3A_41 = vector.broadcast %broadcast_in_dim3A_40 : f32 to vector<2x256xf32>
      %swap3A_42 = arith.constant 0 : index
      %swap3A_43 = arith.constant 0 : index
      %swap3A_44 = vector.load %arg5[%swap3A_42, %swap3A_43] : memref<2x256xf32, #tpu.memory_space<vmem>>, vector<2x256xf32>
      tpu.vector_store %arg5[%swap3A_42, %swap3A_43], %broadcast_in_dim3A_41 {strides = array<i32>} : memref<2x256xf32, #tpu.memory_space<vmem>>, vector<2x256xf32>,
    } else {
    }
    %get3A_18 = arith.constant 0 : index
    %get3A_19 = arith.constant 0 : index
    %get3A_20 = vector.load %arg5[%get3A_18, %get3A_19] : memref<2x256xf32, #tpu.memory_space<vmem>>, vector<1x256xf32>
    %reduce_sum3A = arith.constant dense<0.000000e+00> : vector<200x256xf32>
    %reduce_sum3A_21 = vector.multi_reduction <add>, %slice3A, %reduce_sum3A [1] : vector<200x16x256xf32> to vector<200x256xf32>
    %reduce_sum3A_22 = arith.constant dense<0.000000e+00> : vector<256xf32>
    %reduce_sum3A_23 = vector.multi_reduction <add>, %reduce_sum3A_21, %reduce_sum3A_22 [0] : vector<200x256xf32> to vector<256xf32>
    %broadcast_in_dim3A_24 = vector.shape_cast %reduce_sum3A_23 : vector<256xf32> to vector<1x256xf32>
    %add3A = arith.addf %get3A_20, %broadcast_in_dim3A_24 : vector<1x256xf32>
    %swap3A_25 = arith.constant 0 : index
    %swap3A_26 = arith.constant 0 : index
    %swap3A_27 = vector.load %arg5[%swap3A_25, %swap3A_26] : memref<2x256xf32, #tpu.memory_space<vmem>>, vector<1x256xf32>
    tpu.vector_store %arg5[%swap3A_25, %swap3A_26], %add3A {strides = array<i32>} : memref<2x256xf32, #tpu.memory_space<vmem>>, vector<1x256xf32>,
    %get3A_28 = arith.constant 1 : index
    %get3A_29 = arith.constant 0 : index
    %get3A_30 = vector.load %arg5[%get3A_28, %get3A_29] : memref<2x256xf32, #tpu.memory_space<vmem>>, vector<1x256xf32>
    %mul3A = arith.mulf %slice3A, %slice3A : vector<200x16x256xf32>
    %reduce_sum3A_31 = arith.constant dense<0.000000e+00> : vector<200x256xf32>
    %reduce_sum3A_32 = vector.multi_reduction <add>, %mul3A, %reduce_sum3A_31 [1] : vector<200x16x256xf32> to vector<200x256xf32>
    %reduce_sum3A_33 = arith.constant dense<0.000000e+00> : vector<256xf32>
    %reduce_sum3A_34 = vector.multi_reduction <add>, %reduce_sum3A_32, %reduce_sum3A_33 [0] : vector<200x256xf32> to vector<256xf32>
    %broadcast_in_dim3A_35 = vector.shape_cast %reduce_sum3A_34 : vector<256xf32> to vector<1x256xf32>
    %add3A_36 = arith.addf %get3A_30, %broadcast_in_dim3A_35 : vector<1x256xf32>
    %swap3A_37 = arith.constant 1 : index
    %swap3A_38 = arith.constant 0 : index
    %swap3A_39 = vector.load %arg5[%swap3A_37, %swap3A_38] : memref<2x256xf32, #tpu.memory_space<vmem>>, vector<1x256xf32>
    tpu.vector_store %arg5[%swap3A_37, %swap3A_38], %add3A_36 {strides = array<i32>} : memref<2x256xf32, #tpu.memory_space<vmem>>, vector<1x256xf32>,
    return
  }
  func.func @transform_0(%arg0: i32) -> (i32, i32, i32) {
    %c0_i32 = arith.constant 0 : i32
    %c0_i32_0 = arith.constant 0 : i32
    %c0_i32_1 = arith.constant 0 : i32
    return %arg0, %c0_i32, %c0_i32_0 : i32, i32, i32
  }
  func.func @transform_1(%arg0: i32) -> (i32, i32) {
    %add3A = arith.constant 0 : i32
    %add3A_0 = arith.addi %arg0, %add3A : i32
    %c0_i32 = arith.constant 0 : i32
    %c0_i32_1 = arith.constant 0 : i32
    return %add3A_0, %c0_i32 : i32, i32
  }
  func.func @transform_2(%arg0: i32) -> (i32, i32) {
    %c0_i32 = arith.constant 0 : i32
    %c0_i32_0 = arith.constant 0 : i32
    %c0_i32_1 = arith.constant 0 : i32
    return %c0_i32, %c0_i32_0 : i32, i32
  }
  func.func @transform_3(%arg0: i32) -> (i32, i32) {
    %c0_i32 = arith.constant 0 : i32
    %c0_i32_0 = arith.constant 0 : i32
    return %arg0, %c0_i32 : i32, i32
  }
  func.func @transform_4(%arg0: i32) -> (i32, i32) {
    %c0_i32 = arith.constant 0 : i32
    %c0_i32_0 = arith.constant 0 : i32
    %c0_i32_1 = arith.constant 0 : i32
    return %c0_i32, %c0_i32_0 : i32, i32
  }
}

module attributes {stable_mosaic.version = 14 : i64} {
  func.func @body(%arg0: i32, %arg1: memref<200x16x256xf32, #tpu.memory_space<vmem>>, %arg2: memref<200x256xf32, #tpu.memory_space<vmem>>, %arg3: memref<512x512xf32, #tpu.memory_space<vmem>>, %arg4: memref<200x512xf32, #tpu.memory_space<vmem>>, %arg5: memref<2x256xf32, #tpu.memory_space<vmem>>) attributes {dimension_semantics = [#tpu.dimension_semantics<arbitrary>], iteration_bounds = array<i64: 25>, scalar_prefetch = 0 : i64, scratch_operands = 0 : i64, tpu.core_type = #tpu.core_type<tc>, window_params = [{transform_indices = @transform_0, window_bounds = array<i64: 200, 16, 256>}, {transform_indices = @transform_1, window_bounds = array<i64: 200, 256>}, {pipeline_mode = #tpu.pipeline_mode<synchronous>, transform_indices = @transform_2, window_bounds = array<i64: 512, 512>}, {transform_indices = @transform_3, window_bounds = array<i64: 200, 512>}, {pipeline_mode = #tpu.pipeline_mode<synchronous>, transform_indices = @transform_4, window_bounds = array<i64: 2, 256>}]} {
    %get3A = arith.constant 0 : index
    %get3A_0 = arith.constant 0 : index
    %get3A_1 = arith.constant 0 : index
    %get3A_2 = vector.load %arg1[%get3A, %get3A_0, %get3A_1] : memref<200x16x256xf32, #tpu.memory_space<vmem>>, vector<200x16x256xf32>
    %get3A_3 = arith.constant 0 : index
    %get3A_4 = arith.constant 0 : index
    %get3A_5 = vector.load %arg2[%get3A_3, %get3A_4] : memref<200x256xf32, #tpu.memory_space<vmem>>, vector<200x256xf32>
    %broadcast_in_dim3A = vector.shape_cast %get3A_5 : vector<200x256xf32> to vector<200x1x256xf32>
    %broadcast_in_dim3A_6 = vector.shape_cast %broadcast_in_dim3A : vector<200x1x256xf32> to vector<200x1x256xf32>
    %broadcast_in_dim3A_7 = vector.broadcast %broadcast_in_dim3A_6 : vector<200x1x256xf32> to vector<200x16x256xf32>
    %sub3A = arith.subf %get3A_2, %broadcast_in_dim3A_7 : vector<200x16x256xf32>
    %concatenate3A = tpu.concatenate %sub3A, %broadcast_in_dim3A_7 in 2 : vector<200x16x256xf32>, vector<200x16x256xf32> -> vector<200x16x512xf32>
    %reshape3A = vector.shape_cast %concatenate3A : vector<200x16x512xf32> to vector<3200x512xf32>
    %get3A_8 = arith.constant 0 : index
    %get3A_9 = arith.constant 0 : index
    %get3A_10 = vector.load %arg3[%get3A_8, %get3A_9] : memref<512x512xf32, #tpu.memory_space<vmem>>, vector<512x512xf32>
    %dot_general3A = arith.constant dense<0.000000e+00> : vector<3200x512xf32>
    %dot_general3A_11 = tpu.matmul %reshape3A, %get3A_10, %dot_general3A {dimension_numbers = #tpu.dot_dimension_numbers<[1], [0], [0], [1], [0, 0, 1, 1], [], []>, transpose_lhs_hint = false} : vector<3200x512xf32>, vector<512x512xf32>, vector<3200x512xf32> -> vector<3200x512xf32>
    %reshape3A_12 = vector.shape_cast %dot_general3A_11 : vector<3200x512xf32> to vector<200x16x512xf32>
    %reduce_max3A = arith.constant dense<0xFF800000> : vector<200x512xf32>
    %reduce_max3A_13 = vector.multi_reduction <maximumf>, %reshape3A_12, %reduce_max3A [1] : vector<200x16x512xf32> to vector<200x512xf32>
    %swap3A = arith.constant 0 : index
    %swap3A_14 = arith.constant 0 : index
    %swap3A_15 = vector.load %arg4[%swap3A, %swap3A_14] : memref<200x512xf32, #tpu.memory_space<vmem>>, vector<200x512xf32>
    tpu.vector_store %arg4[%swap3A, %swap3A_14], %reduce_max3A_13 {strides = array<i32>} : memref<200x512xf32, #tpu.memory_space<vmem>>, vector<200x512xf32>,
    %slice3A = vector.extract_strided_slice %reshape3A_12 {offsets = [0, 0, 0], sizes = [200, 16, 256], strides = [1, 1, 1]} : vector<200x16x512xf32> to vector<200x16x256xf32>
    %eq3A = arith.constant 0 : i32
    %eq3A_16 = arith.cmpi eq, %arg0, %eq3A : i32
    %convert_element_type3A = arith.extui %eq3A_16 : i1 to i32
    %cond3A = arith.constant 0 : i32
    %cond3A_17 = arith.cmpi ne, %convert_element_type3A, %cond3A : i32
    scf.if %cond3A_17 {
      %broadcast_in_dim3A_40 = arith.constant 0.000000e+00 : f32
      %broadcast_in_dim3A_41 = vector.broadcast %broadcast_in_dim3A_40 : f32 to vector<2x256xf32>
      %swap3A_42 = arith.constant 0 : index
      %swap3A_43 = arith.constant 0 : index
      %swap3A_44 = vector.load %arg5[%swap3A_42, %swap3A_43] : memref<2x256xf32, #tpu.memory_space<vmem>>, vector<2x256xf32>
      tpu.vector_store %arg5[%swap3A_42, %swap3A_43], %broadcast_in_dim3A_41 {strides = array<i32>} : memref<2x256xf32, #tpu.memory_space<vmem>>, vector<2x256xf32>,
    } else {
    }
    %get3A_18 = arith.constant 0 : index
    %get3A_19 = arith.constant 0 : index
    %get3A_20 = vector.load %arg5[%get3A_18, %get3A_19] : memref<2x256xf32, #tpu.memory_space<vmem>>, vector<1x256xf32>
    %reduce_sum3A = arith.constant dense<0.000000e+00> : vector<200x256xf32>
    %reduce_sum3A_21 = vector.multi_reduction <add>, %slice3A, %reduce_sum3A [1] : vector<200x16x256xf32> to vector<200x256xf32>
    %reduce_sum3A_22 = arith.constant dense<0.000000e+00> : vector<256xf32>
    %reduce_sum3A_23 = vector.multi_reduction <add>, %reduce_sum3A_21, %reduce_sum3A_22 [0] : vector<200x256xf32> to vector<256xf32>
    %broadcast_in_dim3A_24 = vector.shape_cast %reduce_sum3A_23 : vector<256xf32> to vector<1x256xf32>
    %add3A = arith.addf %get3A_20, %broadcast_in_dim3A_24 : vector<1x256xf32>
    %swap3A_25 = arith.constant 0 : index
    %swap3A_26 = arith.constant 0 : index
    %swap3A_27 = vector.load %arg5[%swap3A_25, %swap3A_26] : memref<2x256xf32, #tpu.memory_space<vmem>>, vector<1x256xf32>
    tpu.vector_store %arg5[%swap3A_25, %swap3A_26], %add3A {strides = array<i32>} : memref<2x256xf32, #tpu.memory_space<vmem>>, vector<1x256xf32>,
    %get3A_28 = arith.constant 1 : index
    %get3A_29 = arith.constant 0 : index
    %get3A_30 = vector.load %arg5[%get3A_28, %get3A_29] : memref<2x256xf32, #tpu.memory_space<vmem>>, vector<1x256xf32>
    %mul3A = arith.mulf %slice3A, %slice3A : vector<200x16x256xf32>
    %reduce_sum3A_31 = arith.constant dense<0.000000e+00> : vector<200x256xf32>
    %reduce_sum3A_32 = vector.multi_reduction <add>, %mul3A, %reduce_sum3A_31 [1] : vector<200x16x256xf32> to vector<200x256xf32>
    %reduce_sum3A_33 = arith.constant dense<0.000000e+00> : vector<256xf32>
    %reduce_sum3A_34 = vector.multi_reduction <add>, %reduce_sum3A_32, %reduce_sum3A_33 [0] : vector<200x256xf32> to vector<256xf32>
    %broadcast_in_dim3A_35 = vector.shape_cast %reduce_sum3A_34 : vector<256xf32> to vector<1x256xf32>
    %add3A_36 = arith.addf %get3A_30, %broadcast_in_dim3A_35 : vector<1x256xf32>
    %swap3A_37 = arith.constant 1 : index
    %swap3A_38 = arith.constant 0 : index
    %swap3A_39 = vector.load %arg5[%swap3A_37, %swap3A_38] : memref<2x256xf32, #tpu.memory_space<vmem>>, vector<1x256xf32>
    tpu.vector_store %arg5[%swap3A_37, %swap3A_38], %add3A_36 {strides = array<i32>} : memref<2x256xf32, #tpu.memory_space<vmem>>, vector<1x256xf32>,
    return
  }
  func.func @transform_0(%arg0: i32) -> (i32, i32, i32) {
    %c0_i32 = arith.constant 0 : i32
    %c0_i32_0 = arith.constant 0 : i32
    %c0_i32_1 = arith.constant 0 : i32
    return %arg0, %c0_i32, %c0_i32_0 : i32, i32, i32
  }
  func.func @transform_1(%arg0: i32) -> (i32, i32) {
    %add3A = arith.constant 25 : i32
    %add3A_0 = arith.addi %arg0, %add3A : i32
    %c0_i32 = arith.constant 0 : i32
    %c0_i32_1 = arith.constant 0 : i32
    return %add3A_0, %c0_i32 : i32, i32
  }
  func.func @transform_2(%arg0: i32) -> (i32, i32) {
    %c0_i32 = arith.constant 0 : i32
    %c0_i32_0 = arith.constant 0 : i32
    %c0_i32_1 = arith.constant 0 : i32
    return %c0_i32, %c0_i32_0 : i32, i32
  }
  func.func @transform_3(%arg0: i32) -> (i32, i32) {
    %c0_i32 = arith.constant 0 : i32
    %c0_i32_0 = arith.constant 0 : i32
    return %arg0, %c0_i32 : i32, i32
  }
  func.func @transform_4(%arg0: i32) -> (i32, i32) {
    %c0_i32 = arith.constant 0 : i32
    %c0_i32_0 = arith.constant 0 : i32
    %c0_i32_1 = arith.constant 0 : i32
    return %c0_i32, %c0_i32_0 : i32, i32
  }
}

module attributes {stable_mosaic.version = 14 : i64} {
  func.func @body(%arg0: i32, %arg1: memref<200x512xf32, #tpu.memory_space<vmem>>, %arg2: memref<2x256xf32, #tpu.memory_space<vmem>>, %arg3: memref<2x256xf32, #tpu.memory_space<vmem>>, %arg4: memref<1x256xf32, #tpu.memory_space<vmem>>, %arg5: memref<200x512xf32, #tpu.memory_space<vmem>>) attributes {dimension_semantics = [#tpu.dimension_semantics<arbitrary>], iteration_bounds = array<i64: 25>, scalar_prefetch = 0 : i64, scratch_operands = 0 : i64, tpu.core_type = #tpu.core_type<tc>, window_params = [{transform_indices = @transform_0, window_bounds = array<i64: 200, 512>}, {pipeline_mode = #tpu.pipeline_mode<synchronous>, transform_indices = @transform_1, window_bounds = array<i64: 2, 256>}, {pipeline_mode = #tpu.pipeline_mode<synchronous>, transform_indices = @transform_2, window_bounds = array<i64: 2, 256>}, {pipeline_mode = #tpu.pipeline_mode<synchronous>, transform_indices = @transform_3, window_bounds = array<i64: 1, 256>}, {transform_indices = @transform_4, window_bounds = array<i64: 200, 512>}]} {
    %get3A = arith.constant 0 : index
    %get3A_0 = arith.constant 0 : index
    %get3A_1 = vector.load %arg2[%get3A, %get3A_0] : memref<2x256xf32, #tpu.memory_space<vmem>>, vector<1x256xf32>
    %get3A_2 = arith.constant 0 : index
    %get3A_3 = arith.constant 0 : index
    %get3A_4 = vector.load %arg3[%get3A_2, %get3A_3] : memref<2x256xf32, #tpu.memory_space<vmem>>, vector<1x256xf32>
    %add3A = arith.addf %get3A_1, %get3A_4 : vector<1x256xf32>
    %div3A = arith.constant 1.600000e+05 : f32
    %div3A_5 = vector.broadcast %div3A : f32 to vector<1x256xf32>
    %div3A_6 = arith.divf %add3A, %div3A_5 : vector<1x256xf32>
    %get3A_7 = arith.constant 1 : index
    %get3A_8 = arith.constant 0 : index
    %get3A_9 = vector.load %arg2[%get3A_7, %get3A_8] : memref<2x256xf32, #tpu.memory_space<vmem>>, vector<1x256xf32>
    %get3A_10 = arith.constant 1 : index
    %get3A_11 = arith.constant 0 : index
    %get3A_12 = vector.load %arg3[%get3A_10, %get3A_11] : memref<2x256xf32, #tpu.memory_space<vmem>>, vector<1x256xf32>
    %add3A_13 = arith.addf %get3A_9, %get3A_12 : vector<1x256xf32>
    %div3A_14 = arith.constant 1.600000e+05 : f32
    %div3A_15 = vector.broadcast %div3A_14 : f32 to vector<1x256xf32>
    %div3A_16 = arith.divf %add3A_13, %div3A_15 : vector<1x256xf32>
    %mul3A = arith.mulf %div3A_6, %div3A_6 : vector<1x256xf32>
    %sub3A = arith.subf %div3A_16, %mul3A : vector<1x256xf32>
    %add3A_17 = arith.constant 9.99999974E-6 : f32
    %add3A_18 = vector.broadcast %add3A_17 : f32 to vector<1x256xf32>
    %add3A_19 = arith.addf %sub3A, %add3A_18 : vector<1x256xf32>
    %sqrt3A = math.sqrt %add3A_19 : vector<1x256xf32>
    %get3A_20 = arith.constant 0 : index
    %get3A_21 = arith.constant 0 : index
    %get3A_22 = vector.load %arg1[%get3A_20, %get3A_21] : memref<200x512xf32, #tpu.memory_space<vmem>>, vector<200x512xf32>
    %slice3A = vector.extract_strided_slice %get3A_22 {offsets = [0, 0], sizes = [200, 256], strides = [1, 1]} : vector<200x512xf32> to vector<200x256xf32>
    %sub3A_23 = vector.broadcast %div3A_6 : vector<1x256xf32> to vector<200x256xf32>
    %sub3A_24 = arith.subf %slice3A, %sub3A_23 : vector<200x256xf32>
    %div3A_25 = vector.broadcast %sqrt3A : vector<1x256xf32> to vector<200x256xf32>
    %div3A_26 = arith.divf %sub3A_24, %div3A_25 : vector<200x256xf32>
    %gt3A = arith.constant 0.000000e+00 : f32
    %gt3A_27 = vector.broadcast %gt3A : f32 to vector<200x256xf32>
    %gt3A_28 = arith.cmpf ogt, %div3A_26, %gt3A_27 : vector<200x256xf32>
    %mul3A_29 = arith.constant 2.000000e-01 : f32
    %mul3A_30 = vector.broadcast %mul3A_29 : f32 to vector<200x256xf32>
    %mul3A_31 = arith.mulf %mul3A_30, %div3A_26 : vector<200x256xf32>
    %select_n3A = arith.select %gt3A_28, %div3A_26, %mul3A_31 : vector<200x256xi1>, vector<200x256xf32>
    %slice3A_32 = vector.extract_strided_slice %get3A_22 {offsets = [0, 256], sizes = [200, 256], strides = [1, 1]} : vector<200x512xf32> to vector<200x256xf32>
    %get3A_33 = arith.constant 0 : index
    %get3A_34 = arith.constant 0 : index
    %get3A_35 = vector.load %arg4[%get3A_33, %get3A_34] : memref<1x256xf32, #tpu.memory_space<vmem>>, vector<1x256xf32>
    %add3A_36 = vector.broadcast %get3A_35 : vector<1x256xf32> to vector<200x256xf32>
    %add3A_37 = arith.addf %slice3A_32, %add3A_36 : vector<200x256xf32>
    %gt3A_38 = arith.constant 0.000000e+00 : f32
    %gt3A_39 = vector.broadcast %gt3A_38 : f32 to vector<200x256xf32>
    %gt3A_40 = arith.cmpf ogt, %add3A_37, %gt3A_39 : vector<200x256xf32>
    %mul3A_41 = arith.constant 2.000000e-01 : f32
    %mul3A_42 = vector.broadcast %mul3A_41 : f32 to vector<200x256xf32>
    %mul3A_43 = arith.mulf %mul3A_42, %add3A_37 : vector<200x256xf32>
    %select_n3A_44 = arith.select %gt3A_40, %add3A_37, %mul3A_43 : vector<200x256xi1>, vector<200x256xf32>
    %concatenate3A = tpu.concatenate %select_n3A, %select_n3A_44 in 1 : vector<200x256xf32>, vector<200x256xf32> -> vector<200x512xf32>
    %swap3A = arith.constant 0 : index
    %swap3A_45 = arith.constant 0 : index
    %swap3A_46 = vector.load %arg5[%swap3A, %swap3A_45] : memref<200x512xf32, #tpu.memory_space<vmem>>, vector<200x512xf32>
    tpu.vector_store %arg5[%swap3A, %swap3A_45], %concatenate3A {strides = array<i32>} : memref<200x512xf32, #tpu.memory_space<vmem>>, vector<200x512xf32>,
    return
  }
  func.func @transform_0(%arg0: i32) -> (i32, i32) {
    %c0_i32 = arith.constant 0 : i32
    %c0_i32_0 = arith.constant 0 : i32
    return %arg0, %c0_i32 : i32, i32
  }
  func.func @transform_1(%arg0: i32) -> (i32, i32) {
    %c0_i32 = arith.constant 0 : i32
    %c0_i32_0 = arith.constant 0 : i32
    %c0_i32_1 = arith.constant 0 : i32
    return %c0_i32, %c0_i32_0 : i32, i32
  }
  func.func @transform_2(%arg0: i32) -> (i32, i32) {
    %c0_i32 = arith.constant 0 : i32
    %c0_i32_0 = arith.constant 0 : i32
    %c0_i32_1 = arith.constant 0 : i32
    return %c0_i32, %c0_i32_0 : i32, i32
  }
  func.func @transform_3(%arg0: i32) -> (i32, i32) {
    %c0_i32 = arith.constant 0 : i32
    %c0_i32_0 = arith.constant 0 : i32
    %c0_i32_1 = arith.constant 0 : i32
    return %c0_i32, %c0_i32_0 : i32, i32
  }
  func.func @transform_4(%arg0: i32) -> (i32, i32) {
    %c0_i32 = arith.constant 0 : i32
    %c0_i32_0 = arith.constant 0 : i32
    return %arg0, %c0_i32 : i32, i32
  }
}

module attributes {stable_mosaic.version = 14 : i64} {
  func.func @body(%arg0: i32, %arg1: memref<400x8xf32, #tpu.memory_space<vmem>>, %arg2: memref<400x64xf32, #tpu.memory_space<vmem>>, %arg3: memref<400x128xf32, #tpu.memory_space<vmem>>, %arg4: memref<400x256xf32, #tpu.memory_space<vmem>>, %arg5: memref<456x512xf32, #tpu.memory_space<vmem>>, %arg6: memref<400x512xf32, #tpu.memory_space<vmem>>, %arg7: memref<1x512xf32, #tpu.memory_space<vmem>>, %arg8: memref<1x512xf32, #tpu.memory_space<vmem>>) attributes {dimension_semantics = [#tpu.dimension_semantics<arbitrary>], iteration_bounds = array<i64: 25>, scalar_prefetch = 0 : i64, scratch_operands = 0 : i64, tpu.core_type = #tpu.core_type<tc>, window_params = [{transform_indices = @transform_0, window_bounds = array<i64: 400, 8>}, {transform_indices = @transform_1, window_bounds = array<i64: 400, 64>}, {transform_indices = @transform_2, window_bounds = array<i64: 400, 128>}, {transform_indices = @transform_3, window_bounds = array<i64: 400, 256>}, {pipeline_mode = #tpu.pipeline_mode<synchronous>, transform_indices = @transform_4, window_bounds = array<i64: 456, 512>}, {transform_indices = @transform_5, window_bounds = array<i64: 400, 512>}, {pipeline_mode = #tpu.pipeline_mode<synchronous>, transform_indices = @transform_6, window_bounds = array<i64: 1, 512>}, {pipeline_mode = #tpu.pipeline_mode<synchronous>, transform_indices = @transform_7, window_bounds = array<i64: 1, 512>}]} {
    %get3A = arith.constant 0 : index
    %get3A_0 = arith.constant 0 : index
    %get3A_1 = vector.load %arg1[%get3A, %get3A_0] : memref<400x8xf32, #tpu.memory_space<vmem>>, vector<400x8xf32>
    %get3A_2 = arith.constant 0 : index
    %get3A_3 = arith.constant 0 : index
    %get3A_4 = vector.load %arg2[%get3A_2, %get3A_3] : memref<400x64xf32, #tpu.memory_space<vmem>>, vector<400x64xf32>
    %get3A_5 = arith.constant 0 : index
    %get3A_6 = arith.constant 0 : index
    %get3A_7 = vector.load %arg3[%get3A_5, %get3A_6] : memref<400x128xf32, #tpu.memory_space<vmem>>, vector<400x128xf32>
    %get3A_8 = arith.constant 0 : index
    %get3A_9 = arith.constant 0 : index
    %get3A_10 = vector.load %arg4[%get3A_8, %get3A_9] : memref<400x256xf32, #tpu.memory_space<vmem>>, vector<400x256xf32>
    %concatenate3A = tpu.concatenate %get3A_1, %get3A_4, %get3A_7, %get3A_10 in 1 : vector<400x8xf32>, vector<400x64xf32>, vector<400x128xf32>, vector<400x256xf32> -> vector<400x456xf32>
    %get3A_11 = arith.constant 0 : index
    %get3A_12 = arith.constant 0 : index
    %get3A_13 = vector.load %arg5[%get3A_11, %get3A_12] : memref<456x512xf32, #tpu.memory_space<vmem>>, vector<456x512xf32>
    %dot_general3A = arith.constant dense<0.000000e+00> : vector<400x512xf32>
    %dot_general3A_14 = tpu.matmul %concatenate3A, %get3A_13, %dot_general3A {dimension_numbers = #tpu.dot_dimension_numbers<[1], [0], [0], [1], [0, 0, 1, 1], [], []>, transpose_lhs_hint = false} : vector<400x456xf32>, vector<456x512xf32>, vector<400x512xf32> -> vector<400x512xf32>
    %swap3A = arith.constant 0 : index
    %swap3A_15 = arith.constant 0 : index
    %swap3A_16 = vector.load %arg6[%swap3A, %swap3A_15] : memref<400x512xf32, #tpu.memory_space<vmem>>, vector<400x512xf32>
    tpu.vector_store %arg6[%swap3A, %swap3A_15], %dot_general3A_14 {strides = array<i32>} : memref<400x512xf32, #tpu.memory_space<vmem>>, vector<400x512xf32>,
    %eq3A = arith.constant 0 : i32
    %eq3A_17 = arith.cmpi eq, %arg0, %eq3A : i32
    %convert_element_type3A = arith.extui %eq3A_17 : i1 to i32
    %cond3A = arith.constant 0 : i32
    %cond3A_18 = arith.cmpi ne, %convert_element_type3A, %cond3A : i32
    scf.if %cond3A_18 {
      %broadcast_in_dim3A_36 = arith.constant 0.000000e+00 : f32
      %broadcast_in_dim3A_37 = vector.broadcast %broadcast_in_dim3A_36 : f32 to vector<1x512xf32>
      %swap3A_38 = arith.constant 0 : index
      %swap3A_39 = arith.constant 0 : index
      %swap3A_40 = vector.load %arg7[%swap3A_38, %swap3A_39] : memref<1x512xf32, #tpu.memory_space<vmem>>, vector<1x512xf32>
      tpu.vector_store %arg7[%swap3A_38, %swap3A_39], %broadcast_in_dim3A_37 {strides = array<i32>} : memref<1x512xf32, #tpu.memory_space<vmem>>, vector<1x512xf32>,
      %broadcast_in_dim3A_41 = arith.constant 0.000000e+00 : f32
      %broadcast_in_dim3A_42 = vector.broadcast %broadcast_in_dim3A_41 : f32 to vector<1x512xf32>
      %swap3A_43 = arith.constant 0 : index
      %swap3A_44 = arith.constant 0 : index
      %swap3A_45 = vector.load %arg8[%swap3A_43, %swap3A_44] : memref<1x512xf32, #tpu.memory_space<vmem>>, vector<1x512xf32>
      tpu.vector_store %arg8[%swap3A_43, %swap3A_44], %broadcast_in_dim3A_42 {strides = array<i32>} : memref<1x512xf32, #tpu.memory_space<vmem>>, vector<1x512xf32>,
    } else {
    }
    %get3A_19 = arith.constant 0 : index
    %get3A_20 = arith.constant 0 : index
    %get3A_21 = vector.load %arg7[%get3A_19, %get3A_20] : memref<1x512xf32, #tpu.memory_space<vmem>>, vector<1x512xf32>
    %reduce_sum3A = arith.constant dense<0.000000e+00> : vector<512xf32>
    %reduce_sum3A_22 = vector.multi_reduction <add>, %dot_general3A_14, %reduce_sum3A [0] : vector<400x512xf32> to vector<512xf32>
    %broadcast_in_dim3A = vector.shape_cast %reduce_sum3A_22 : vector<512xf32> to vector<1x512xf32>
    %add3A = arith.addf %get3A_21, %broadcast_in_dim3A : vector<1x512xf32>
    %swap3A_23 = arith.constant 0 : index
    %swap3A_24 = arith.constant 0 : index
    %swap3A_25 = vector.load %arg7[%swap3A_23, %swap3A_24] : memref<1x512xf32, #tpu.memory_space<vmem>>, vector<1x512xf32>
    tpu.vector_store %arg7[%swap3A_23, %swap3A_24], %add3A {strides = array<i32>} : memref<1x512xf32, #tpu.memory_space<vmem>>, vector<1x512xf32>,
    %get3A_26 = arith.constant 0 : index
    %get3A_27 = arith.constant 0 : index
    %get3A_28 = vector.load %arg8[%get3A_26, %get3A_27] : memref<1x512xf32, #tpu.memory_space<vmem>>, vector<1x512xf32>
    %mul3A = arith.mulf %dot_general3A_14, %dot_general3A_14 : vector<400x512xf32>
    %reduce_sum3A_29 = arith.constant dense<0.000000e+00> : vector<512xf32>
    %reduce_sum3A_30 = vector.multi_reduction <add>, %mul3A, %reduce_sum3A_29 [0] : vector<400x512xf32> to vector<512xf32>
    %broadcast_in_dim3A_31 = vector.shape_cast %reduce_sum3A_30 : vector<512xf32> to vector<1x512xf32>
    %add3A_32 = arith.addf %get3A_28, %broadcast_in_dim3A_31 : vector<1x512xf32>
    %swap3A_33 = arith.constant 0 : index
    %swap3A_34 = arith.constant 0 : index
    %swap3A_35 = vector.load %arg8[%swap3A_33, %swap3A_34] : memref<1x512xf32, #tpu.memory_space<vmem>>, vector<1x512xf32>
    tpu.vector_store %arg8[%swap3A_33, %swap3A_34], %add3A_32 {strides = array<i32>} : memref<1x512xf32, #tpu.memory_space<vmem>>, vector<1x512xf32>,
    return
  }
  func.func @transform_0(%arg0: i32) -> (i32, i32) {
    %c0_i32 = arith.constant 0 : i32
    %c0_i32_0 = arith.constant 0 : i32
    return %arg0, %c0_i32 : i32, i32
  }
  func.func @transform_1(%arg0: i32) -> (i32, i32) {
    %c0_i32 = arith.constant 0 : i32
    %c0_i32_0 = arith.constant 0 : i32
    return %arg0, %c0_i32 : i32, i32
  }
  func.func @transform_2(%arg0: i32) -> (i32, i32) {
    %c0_i32 = arith.constant 0 : i32
    %c0_i32_0 = arith.constant 0 : i32
    return %arg0, %c0_i32 : i32, i32
  }
  func.func @transform_3(%arg0: i32) -> (i32, i32) {
    %c0_i32 = arith.constant 0 : i32
    %c0_i32_0 = arith.constant 0 : i32
    return %arg0, %c0_i32 : i32, i32
  }
  func.func @transform_4(%arg0: i32) -> (i32, i32) {
    %c0_i32 = arith.constant 0 : i32
    %c0_i32_0 = arith.constant 0 : i32
    %c0_i32_1 = arith.constant 0 : i32
    return %c0_i32, %c0_i32_0 : i32, i32
  }
  func.func @transform_5(%arg0: i32) -> (i32, i32) {
    %c0_i32 = arith.constant 0 : i32
    %c0_i32_0 = arith.constant 0 : i32
    return %arg0, %c0_i32 : i32, i32
  }
  func.func @transform_6(%arg0: i32) -> (i32, i32) {
    %c0_i32 = arith.constant 0 : i32
    %c0_i32_0 = arith.constant 0 : i32
    %c0_i32_1 = arith.constant 0 : i32
    return %c0_i32, %c0_i32_0 : i32, i32
  }
  func.func @transform_7(%arg0: i32) -> (i32, i32) {
    %c0_i32 = arith.constant 0 : i32
    %c0_i32_0 = arith.constant 0 : i32
    %c0_i32_1 = arith.constant 0 : i32
    return %c0_i32, %c0_i32_0 : i32, i32
  }
}

module attributes {stable_mosaic.version = 14 : i64} {
  func.func @body(%arg0: i32, %arg1: memref<400x512xf32, #tpu.memory_space<vmem>>, %arg2: memref<1x512xf32, #tpu.memory_space<vmem>>, %arg3: memref<1x512xf32, #tpu.memory_space<vmem>>, %arg4: memref<512x1024xf32, #tpu.memory_space<vmem>>, %arg5: memref<512x1024xf32, #tpu.memory_space<vmem>>, %arg6: memref<1x512xf32, #tpu.memory_space<vmem>>, %arg7: memref<1x512xf32, #tpu.memory_space<vmem>>, %arg8: memref<1x1024xf32, #tpu.memory_space<vmem>>, %arg9: memref<1x512xf32, #tpu.memory_space<vmem>>, %arg10: memref<1x512xf32, #tpu.memory_space<vmem>>) attributes {dimension_semantics = [#tpu.dimension_semantics<arbitrary>], iteration_bounds = array<i64: 25>, scalar_prefetch = 0 : i64, scratch_operands = 2 : i64, tpu.core_type = #tpu.core_type<tc>, window_params = [{transform_indices = @transform_0, window_bounds = array<i64: 400, 512>}, {pipeline_mode = #tpu.pipeline_mode<synchronous>, transform_indices = @transform_1, window_bounds = array<i64: 1, 512>}, {pipeline_mode = #tpu.pipeline_mode<synchronous>, transform_indices = @transform_2, window_bounds = array<i64: 1, 512>}, {pipeline_mode = #tpu.pipeline_mode<synchronous>, transform_indices = @transform_3, window_bounds = array<i64: 512, 1024>}, {pipeline_mode = #tpu.pipeline_mode<synchronous>, transform_indices = @transform_4, window_bounds = array<i64: 512, 1024>}, {pipeline_mode = #tpu.pipeline_mode<synchronous>, transform_indices = @transform_5, window_bounds = array<i64: 1, 512>}, {pipeline_mode = #tpu.pipeline_mode<synchronous>, transform_indices = @transform_6, window_bounds = array<i64: 1, 512>}, {pipeline_mode = #tpu.pipeline_mode<synchronous>, transform_indices = @transform_7, window_bounds = array<i64: 1, 1024>}]} {
    %eq3A = arith.constant 0 : i32
    %eq3A_0 = arith.cmpi eq, %arg0, %eq3A : i32
    %convert_element_type3A = arith.extui %eq3A_0 : i1 to i32
    %cond3A = arith.constant 0 : i32
    %cond3A_1 = arith.cmpi ne, %convert_element_type3A, %cond3A : i32
    scf.if %cond3A_1 {
      %broadcast_in_dim3A_46 = arith.constant -1.000000e+30 : f32
      %broadcast_in_dim3A_47 = vector.broadcast %broadcast_in_dim3A_46 : f32 to vector<1x512xf32>
      %swap3A_48 = arith.constant 0 : index
      %swap3A_49 = arith.constant 0 : index
      %swap3A_50 = vector.load %arg9[%swap3A_48, %swap3A_49] : memref<1x512xf32, #tpu.memory_space<vmem>>, vector<1x512xf32>
      tpu.vector_store %arg9[%swap3A_48, %swap3A_49], %broadcast_in_dim3A_47 {strides = array<i32>} : memref<1x512xf32, #tpu.memory_space<vmem>>, vector<1x512xf32>,
      %broadcast_in_dim3A_51 = arith.constant 0.000000e+00 : f32
      %broadcast_in_dim3A_52 = vector.broadcast %broadcast_in_dim3A_51 : f32 to vector<1x512xf32>
      %swap3A_53 = arith.constant 0 : index
      %swap3A_54 = arith.constant 0 : index
      %swap3A_55 = vector.load %arg10[%swap3A_53, %swap3A_54] : memref<1x512xf32, #tpu.memory_space<vmem>>, vector<1x512xf32>
      tpu.vector_store %arg10[%swap3A_53, %swap3A_54], %broadcast_in_dim3A_52 {strides = array<i32>} : memref<1x512xf32, #tpu.memory_space<vmem>>, vector<1x512xf32>,
    } else {
    }
    %get3A = arith.constant 0 : index
    %get3A_2 = arith.constant 0 : index
    %get3A_3 = vector.load %arg2[%get3A, %get3A_2] : memref<1x512xf32, #tpu.memory_space<vmem>>, vector<1x512xf32>
    %div3A = arith.constant 1.000000e+04 : f32
    %div3A_4 = vector.broadcast %div3A : f32 to vector<1x512xf32>
    %div3A_5 = arith.divf %get3A_3, %div3A_4 : vector<1x512xf32>
    %get3A_6 = arith.constant 0 : index
    %get3A_7 = arith.constant 0 : index
    %get3A_8 = vector.load %arg3[%get3A_6, %get3A_7] : memref<1x512xf32, #tpu.memory_space<vmem>>, vector<1x512xf32>
    %div3A_9 = arith.constant 1.000000e+04 : f32
    %div3A_10 = vector.broadcast %div3A_9 : f32 to vector<1x512xf32>
    %div3A_11 = arith.divf %get3A_8, %div3A_10 : vector<1x512xf32>
    %mul3A = arith.mulf %div3A_5, %div3A_5 : vector<1x512xf32>
    %sub3A = arith.subf %div3A_11, %mul3A : vector<1x512xf32>
    %get3A_12 = arith.constant 0 : index
    %get3A_13 = arith.constant 0 : index
    %get3A_14 = vector.load %arg1[%get3A_12, %get3A_13] : memref<400x512xf32, #tpu.memory_space<vmem>>, vector<400x512xf32>
    %sub3A_15 = vector.broadcast %div3A_5 : vector<1x512xf32> to vector<400x512xf32>
    %sub3A_16 = arith.subf %get3A_14, %sub3A_15 : vector<400x512xf32>
    %add3A = arith.constant 9.99999974E-6 : f32
    %add3A_17 = vector.broadcast %add3A : f32 to vector<1x512xf32>
    %add3A_18 = arith.addf %sub3A, %add3A_17 : vector<1x512xf32>
    %sqrt3A = math.sqrt %add3A_18 : vector<1x512xf32>
    %div3A_19 = vector.broadcast %sqrt3A : vector<1x512xf32> to vector<400x512xf32>
    %div3A_20 = arith.divf %sub3A_16, %div3A_19 : vector<400x512xf32>
    %gt3A = arith.constant 0.000000e+00 : f32
    %gt3A_21 = vector.broadcast %gt3A : f32 to vector<400x512xf32>
    %gt3A_22 = arith.cmpf ogt, %div3A_20, %gt3A_21 : vector<400x512xf32>
    %mul3A_23 = arith.constant 2.000000e-01 : f32
    %mul3A_24 = vector.broadcast %mul3A_23 : f32 to vector<400x512xf32>
    %mul3A_25 = arith.mulf %mul3A_24, %div3A_20 : vector<400x512xf32>
    %select_n3A = arith.select %gt3A_22, %div3A_20, %mul3A_25 : vector<400x512xi1>, vector<400x512xf32>
    %get3A_26 = arith.constant 0 : index
    %get3A_27 = arith.constant 0 : index
    %get3A_28 = vector.load %arg9[%get3A_26, %get3A_27] : memref<1x512xf32, #tpu.memory_space<vmem>>, vector<1x512xf32>
    %reduce_max3A = arith.constant dense<0xFF800000> : vector<512xf32>
    %reduce_max3A_29 = vector.multi_reduction <maximumf>, %select_n3A, %reduce_max3A [0] : vector<400x512xf32> to vector<512xf32>
    %broadcast_in_dim3A = vector.shape_cast %reduce_max3A_29 : vector<512xf32> to vector<1x512xf32>
    %max3A = arith.maximumf %get3A_28, %broadcast_in_dim3A : vector<1x512xf32>
    %swap3A = arith.constant 0 : index
    %swap3A_30 = arith.constant 0 : index
    %swap3A_31 = vector.load %arg9[%swap3A, %swap3A_30] : memref<1x512xf32, #tpu.memory_space<vmem>>, vector<1x512xf32>
    tpu.vector_store %arg9[%swap3A, %swap3A_30], %max3A {strides = array<i32>} : memref<1x512xf32, #tpu.memory_space<vmem>>, vector<1x512xf32>,
    %get3A_32 = arith.constant 0 : index
    %get3A_33 = arith.constant 0 : index
    %get3A_34 = vector.load %arg10[%get3A_32, %get3A_33] : memref<1x512xf32, #tpu.memory_space<vmem>>, vector<1x512xf32>
    %reduce_sum3A = arith.constant dense<0.000000e+00> : vector<512xf32>
    %reduce_sum3A_35 = vector.multi_reduction <add>, %select_n3A, %reduce_sum3A [0] : vector<400x512xf32> to vector<512xf32>
    %broadcast_in_dim3A_36 = vector.shape_cast %reduce_sum3A_35 : vector<512xf32> to vector<1x512xf32>
    %add3A_37 = arith.addf %get3A_34, %broadcast_in_dim3A_36 : vector<1x512xf32>
    %swap3A_38 = arith.constant 0 : index
    %swap3A_39 = arith.constant 0 : index
    %swap3A_40 = vector.load %arg10[%swap3A_38, %swap3A_39] : memref<1x512xf32, #tpu.memory_space<vmem>>, vector<1x512xf32>
    tpu.vector_store %arg10[%swap3A_38, %swap3A_39], %add3A_37 {strides = array<i32>} : memref<1x512xf32, #tpu.memory_space<vmem>>, vector<1x512xf32>,
    %eq3A_41 = arith.constant 24 : i32
    %eq3A_42 = arith.cmpi eq, %arg0, %eq3A_41 : i32
    %convert_element_type3A_43 = arith.extui %eq3A_42 : i1 to i32
    %cond3A_44 = arith.constant 0 : i32
    %cond3A_45 = arith.cmpi ne, %convert_element_type3A_43, %cond3A_44 : i32
    scf.if %cond3A_45 {
      %get3A_46 = arith.constant 0 : index
      %get3A_47 = arith.constant 0 : index
      %get3A_48 = vector.load %arg9[%get3A_46, %get3A_47] : memref<1x512xf32, #tpu.memory_space<vmem>>, vector<1x512xf32>
      %get3A_49 = arith.constant 0 : index
      %get3A_50 = arith.constant 0 : index
      %get3A_51 = vector.load %arg10[%get3A_49, %get3A_50] : memref<1x512xf32, #tpu.memory_space<vmem>>, vector<1x512xf32>
      %div3A_52 = arith.constant 1.000000e+04 : f32
      %div3A_53 = vector.broadcast %div3A_52 : f32 to vector<1x512xf32>
      %div3A_54 = arith.divf %get3A_51, %div3A_53 : vector<1x512xf32>
      %swap3A_55 = arith.constant 0 : index
      %swap3A_56 = arith.constant 0 : index
      %swap3A_57 = vector.load %arg6[%swap3A_55, %swap3A_56] : memref<1x512xf32, #tpu.memory_space<vmem>>, vector<1x512xf32>
      tpu.vector_store %arg6[%swap3A_55, %swap3A_56], %get3A_48 {strides = array<i32>} : memref<1x512xf32, #tpu.memory_space<vmem>>, vector<1x512xf32>,
      %swap3A_58 = arith.constant 0 : index
      %swap3A_59 = arith.constant 0 : index
      %swap3A_60 = vector.load %arg7[%swap3A_58, %swap3A_59] : memref<1x512xf32, #tpu.memory_space<vmem>>, vector<1x512xf32>
      tpu.vector_store %arg7[%swap3A_58, %swap3A_59], %div3A_54 {strides = array<i32>} : memref<1x512xf32, #tpu.memory_space<vmem>>, vector<1x512xf32>,
      %get3A_61 = arith.constant 0 : index
      %get3A_62 = arith.constant 0 : index
      %get3A_63 = vector.load %arg4[%get3A_61, %get3A_62] : memref<512x1024xf32, #tpu.memory_space<vmem>>, vector<512x1024xf32>
      %dot_general3A = arith.constant dense<0.000000e+00> : vector<1x1024xf32>
      %dot_general3A_64 = tpu.matmul %get3A_48, %get3A_63, %dot_general3A {dimension_numbers = #tpu.dot_dimension_numbers<[1], [0], [0], [1], [0, 0, 1, 1], [], []>, transpose_lhs_hint = false} : vector<1x512xf32>, vector<512x1024xf32>, vector<1x1024xf32> -> vector<1x1024xf32>
      %get3A_65 = arith.constant 0 : index
      %get3A_66 = arith.constant 0 : index
      %get3A_67 = vector.load %arg5[%get3A_65, %get3A_66] : memref<512x1024xf32, #tpu.memory_space<vmem>>, vector<512x1024xf32>
      %dot_general3A_68 = arith.constant dense<0.000000e+00> : vector<1x1024xf32>
      %dot_general3A_69 = tpu.matmul %div3A_54, %get3A_67, %dot_general3A_68 {dimension_numbers = #tpu.dot_dimension_numbers<[1], [0], [0], [1], [0, 0, 1, 1], [], []>, transpose_lhs_hint = false} : vector<1x512xf32>, vector<512x1024xf32>, vector<1x1024xf32> -> vector<1x1024xf32>
      %add3A_70 = arith.addf %dot_general3A_64, %dot_general3A_69 : vector<1x1024xf32>
      %swap3A_71 = arith.constant 0 : index
      %swap3A_72 = arith.constant 0 : index
      %swap3A_73 = vector.load %arg8[%swap3A_71, %swap3A_72] : memref<1x1024xf32, #tpu.memory_space<vmem>>, vector<1x1024xf32>
      tpu.vector_store %arg8[%swap3A_71, %swap3A_72], %add3A_70 {strides = array<i32>} : memref<1x1024xf32, #tpu.memory_space<vmem>>, vector<1x1024xf32>,
    } else {
    }
    return
  }
  func.func @transform_0(%arg0: i32) -> (i32, i32) {
    %c0_i32 = arith.constant 0 : i32
    %c0_i32_0 = arith.constant 0 : i32
    return %arg0, %c0_i32 : i32, i32
  }
  func.func @transform_1(%arg0: i32) -> (i32, i32) {
    %c0_i32 = arith.constant 0 : i32
    %c0_i32_0 = arith.constant 0 : i32
    %c0_i32_1 = arith.constant 0 : i32
    return %c0_i32, %c0_i32_0 : i32, i32
  }
  func.func @transform_2(%arg0: i32) -> (i32, i32) {
    %c0_i32 = arith.constant 0 : i32
    %c0_i32_0 = arith.constant 0 : i32
    %c0_i32_1 = arith.constant 0 : i32
    return %c0_i32, %c0_i32_0 : i32, i32
  }
  func.func @transform_3(%arg0: i32) -> (i32, i32) {
    %c0_i32 = arith.constant 0 : i32
    %c0_i32_0 = arith.constant 0 : i32
    %c0_i32_1 = arith.constant 0 : i32
    return %c0_i32, %c0_i32_0 : i32, i32
  }
  func.func @transform_4(%arg0: i32) -> (i32, i32) {
    %c0_i32 = arith.constant 0 : i32
    %c0_i32_0 = arith.constant 0 : i32
    %c0_i32_1 = arith.constant 0 : i32
    return %c0_i32, %c0_i32_0 : i32, i32
  }
  func.func @transform_5(%arg0: i32) -> (i32, i32) {
    %c0_i32 = arith.constant 0 : i32
    %c0_i32_0 = arith.constant 0 : i32
    %c0_i32_1 = arith.constant 0 : i32
    return %c0_i32, %c0_i32_0 : i32, i32
  }
  func.func @transform_6(%arg0: i32) -> (i32, i32) {
    %c0_i32 = arith.constant 0 : i32
    %c0_i32_0 = arith.constant 0 : i32
    %c0_i32_1 = arith.constant 0 : i32
    return %c0_i32, %c0_i32_0 : i32, i32
  }
  func.func @transform_7(%arg0: i32) -> (i32, i32) {
    %c0_i32 = arith.constant 0 : i32
    %c0_i32_0 = arith.constant 0 : i32
    %c0_i32_1 = arith.constant 0 : i32
    return %c0_i32, %c0_i32_0 : i32, i32
  }
}

module attributes {stable_mosaic.version = 14 : i64} {
  func.func @body(%arg0: i32, %arg1: memref<400x8xf32, #tpu.memory_space<vmem>>, %arg2: memref<400x64xf32, #tpu.memory_space<vmem>>, %arg3: memref<400x128xf32, #tpu.memory_space<vmem>>, %arg4: memref<400x256xf32, #tpu.memory_space<vmem>>, %arg5: memref<1x1024xf32, #tpu.memory_space<vmem>>, %arg6: memref<456x1024xf32, #tpu.memory_space<vmem>>, %arg7: memref<400x1024xf32, #tpu.memory_space<vmem>>, %arg8: memref<1x1024xf32, #tpu.memory_space<vmem>>, %arg9: memref<1x1024xf32, #tpu.memory_space<vmem>>) attributes {dimension_semantics = [#tpu.dimension_semantics<arbitrary>], iteration_bounds = array<i64: 25>, scalar_prefetch = 0 : i64, scratch_operands = 0 : i64, tpu.core_type = #tpu.core_type<tc>, window_params = [{transform_indices = @transform_0, window_bounds = array<i64: 400, 8>}, {transform_indices = @transform_1, window_bounds = array<i64: 400, 64>}, {transform_indices = @transform_2, window_bounds = array<i64: 400, 128>}, {transform_indices = @transform_3, window_bounds = array<i64: 400, 256>}, {pipeline_mode = #tpu.pipeline_mode<synchronous>, transform_indices = @transform_4, window_bounds = array<i64: 1, 1024>}, {pipeline_mode = #tpu.pipeline_mode<synchronous>, transform_indices = @transform_5, window_bounds = array<i64: 456, 1024>}, {transform_indices = @transform_6, window_bounds = array<i64: 400, 1024>}, {pipeline_mode = #tpu.pipeline_mode<synchronous>, transform_indices = @transform_7, window_bounds = array<i64: 1, 1024>}, {pipeline_mode = #tpu.pipeline_mode<synchronous>, transform_indices = @transform_8, window_bounds = array<i64: 1, 1024>}]} {
    %get3A = arith.constant 0 : index
    %get3A_0 = arith.constant 0 : index
    %get3A_1 = vector.load %arg1[%get3A, %get3A_0] : memref<400x8xf32, #tpu.memory_space<vmem>>, vector<400x8xf32>
    %get3A_2 = arith.constant 0 : index
    %get3A_3 = arith.constant 0 : index
    %get3A_4 = vector.load %arg2[%get3A_2, %get3A_3] : memref<400x64xf32, #tpu.memory_space<vmem>>, vector<400x64xf32>
    %get3A_5 = arith.constant 0 : index
    %get3A_6 = arith.constant 0 : index
    %get3A_7 = vector.load %arg3[%get3A_5, %get3A_6] : memref<400x128xf32, #tpu.memory_space<vmem>>, vector<400x128xf32>
    %get3A_8 = arith.constant 0 : index
    %get3A_9 = arith.constant 0 : index
    %get3A_10 = vector.load %arg4[%get3A_8, %get3A_9] : memref<400x256xf32, #tpu.memory_space<vmem>>, vector<400x256xf32>
    %concatenate3A = tpu.concatenate %get3A_1, %get3A_4, %get3A_7, %get3A_10 in 1 : vector<400x8xf32>, vector<400x64xf32>, vector<400x128xf32>, vector<400x256xf32> -> vector<400x456xf32>
    %get3A_11 = arith.constant 0 : index
    %get3A_12 = arith.constant 0 : index
    %get3A_13 = vector.load %arg6[%get3A_11, %get3A_12] : memref<456x1024xf32, #tpu.memory_space<vmem>>, vector<456x1024xf32>
    %dot_general3A = arith.constant dense<0.000000e+00> : vector<400x1024xf32>
    %dot_general3A_14 = tpu.matmul %concatenate3A, %get3A_13, %dot_general3A {dimension_numbers = #tpu.dot_dimension_numbers<[1], [0], [0], [1], [0, 0, 1, 1], [], []>, transpose_lhs_hint = false} : vector<400x456xf32>, vector<456x1024xf32>, vector<400x1024xf32> -> vector<400x1024xf32>
    %get3A_15 = arith.constant 0 : index
    %get3A_16 = arith.constant 0 : index
    %get3A_17 = vector.load %arg5[%get3A_15, %get3A_16] : memref<1x1024xf32, #tpu.memory_space<vmem>>, vector<1x1024xf32>
    %add3A = vector.broadcast %get3A_17 : vector<1x1024xf32> to vector<400x1024xf32>
    %add3A_18 = arith.addf %dot_general3A_14, %add3A : vector<400x1024xf32>
    %swap3A = arith.constant 0 : index
    %swap3A_19 = arith.constant 0 : index
    %swap3A_20 = vector.load %arg7[%swap3A, %swap3A_19] : memref<400x1024xf32, #tpu.memory_space<vmem>>, vector<400x1024xf32>
    tpu.vector_store %arg7[%swap3A, %swap3A_19], %add3A_18 {strides = array<i32>} : memref<400x1024xf32, #tpu.memory_space<vmem>>, vector<400x1024xf32>,
    %eq3A = arith.constant 0 : i32
    %eq3A_21 = arith.cmpi eq, %arg0, %eq3A : i32
    %convert_element_type3A = arith.extui %eq3A_21 : i1 to i32
    %cond3A = arith.constant 0 : i32
    %cond3A_22 = arith.cmpi ne, %convert_element_type3A, %cond3A : i32
    scf.if %cond3A_22 {
      %broadcast_in_dim3A_41 = arith.constant 0.000000e+00 : f32
      %broadcast_in_dim3A_42 = vector.broadcast %broadcast_in_dim3A_41 : f32 to vector<1x1024xf32>
      %swap3A_43 = arith.constant 0 : index
      %swap3A_44 = arith.constant 0 : index
      %swap3A_45 = vector.load %arg8[%swap3A_43, %swap3A_44] : memref<1x1024xf32, #tpu.memory_space<vmem>>, vector<1x1024xf32>
      tpu.vector_store %arg8[%swap3A_43, %swap3A_44], %broadcast_in_dim3A_42 {strides = array<i32>} : memref<1x1024xf32, #tpu.memory_space<vmem>>, vector<1x1024xf32>,
      %broadcast_in_dim3A_46 = arith.constant 0.000000e+00 : f32
      %broadcast_in_dim3A_47 = vector.broadcast %broadcast_in_dim3A_46 : f32 to vector<1x1024xf32>
      %swap3A_48 = arith.constant 0 : index
      %swap3A_49 = arith.constant 0 : index
      %swap3A_50 = vector.load %arg9[%swap3A_48, %swap3A_49] : memref<1x1024xf32, #tpu.memory_space<vmem>>, vector<1x1024xf32>
      tpu.vector_store %arg9[%swap3A_48, %swap3A_49], %broadcast_in_dim3A_47 {strides = array<i32>} : memref<1x1024xf32, #tpu.memory_space<vmem>>, vector<1x1024xf32>,
    } else {
    }
    %get3A_23 = arith.constant 0 : index
    %get3A_24 = arith.constant 0 : index
    %get3A_25 = vector.load %arg8[%get3A_23, %get3A_24] : memref<1x1024xf32, #tpu.memory_space<vmem>>, vector<1x1024xf32>
    %reduce_sum3A = arith.constant dense<0.000000e+00> : vector<1024xf32>
    %reduce_sum3A_26 = vector.multi_reduction <add>, %add3A_18, %reduce_sum3A [0] : vector<400x1024xf32> to vector<1024xf32>
    %broadcast_in_dim3A = vector.shape_cast %reduce_sum3A_26 : vector<1024xf32> to vector<1x1024xf32>
    %add3A_27 = arith.addf %get3A_25, %broadcast_in_dim3A : vector<1x1024xf32>
    %swap3A_28 = arith.constant 0 : index
    %swap3A_29 = arith.constant 0 : index
    %swap3A_30 = vector.load %arg8[%swap3A_28, %swap3A_29] : memref<1x1024xf32, #tpu.memory_space<vmem>>, vector<1x1024xf32>
    tpu.vector_store %arg8[%swap3A_28, %swap3A_29], %add3A_27 {strides = array<i32>} : memref<1x1024xf32, #tpu.memory_space<vmem>>, vector<1x1024xf32>,
    %get3A_31 = arith.constant 0 : index
    %get3A_32 = arith.constant 0 : index
    %get3A_33 = vector.load %arg9[%get3A_31, %get3A_32] : memref<1x1024xf32, #tpu.memory_space<vmem>>, vector<1x1024xf32>
    %mul3A = arith.mulf %add3A_18, %add3A_18 : vector<400x1024xf32>
    %reduce_sum3A_34 = arith.constant dense<0.000000e+00> : vector<1024xf32>
    %reduce_sum3A_35 = vector.multi_reduction <add>, %mul3A, %reduce_sum3A_34 [0] : vector<400x1024xf32> to vector<1024xf32>
    %broadcast_in_dim3A_36 = vector.shape_cast %reduce_sum3A_35 : vector<1024xf32> to vector<1x1024xf32>
    %add3A_37 = arith.addf %get3A_33, %broadcast_in_dim3A_36 : vector<1x1024xf32>
    %swap3A_38 = arith.constant 0 : index
    %swap3A_39 = arith.constant 0 : index
    %swap3A_40 = vector.load %arg9[%swap3A_38, %swap3A_39] : memref<1x1024xf32, #tpu.memory_space<vmem>>, vector<1x1024xf32>
    tpu.vector_store %arg9[%swap3A_38, %swap3A_39], %add3A_37 {strides = array<i32>} : memref<1x1024xf32, #tpu.memory_space<vmem>>, vector<1x1024xf32>,
    return
  }
  func.func @transform_0(%arg0: i32) -> (i32, i32) {
    %c0_i32 = arith.constant 0 : i32
    %c0_i32_0 = arith.constant 0 : i32
    return %arg0, %c0_i32 : i32, i32
  }
  func.func @transform_1(%arg0: i32) -> (i32, i32) {
    %c0_i32 = arith.constant 0 : i32
    %c0_i32_0 = arith.constant 0 : i32
    return %arg0, %c0_i32 : i32, i32
  }
  func.func @transform_2(%arg0: i32) -> (i32, i32) {
    %c0_i32 = arith.constant 0 : i32
    %c0_i32_0 = arith.constant 0 : i32
    return %arg0, %c0_i32 : i32, i32
  }
  func.func @transform_3(%arg0: i32) -> (i32, i32) {
    %c0_i32 = arith.constant 0 : i32
    %c0_i32_0 = arith.constant 0 : i32
    return %arg0, %c0_i32 : i32, i32
  }
  func.func @transform_4(%arg0: i32) -> (i32, i32) {
    %c0_i32 = arith.constant 0 : i32
    %c0_i32_0 = arith.constant 0 : i32
    %c0_i32_1 = arith.constant 0 : i32
    return %c0_i32, %c0_i32_0 : i32, i32
  }
  func.func @transform_5(%arg0: i32) -> (i32, i32) {
    %c0_i32 = arith.constant 0 : i32
    %c0_i32_0 = arith.constant 0 : i32
    %c0_i32_1 = arith.constant 0 : i32
    return %c0_i32, %c0_i32_0 : i32, i32
  }
  func.func @transform_6(%arg0: i32) -> (i32, i32) {
    %c0_i32 = arith.constant 0 : i32
    %c0_i32_0 = arith.constant 0 : i32
    return %arg0, %c0_i32 : i32, i32
  }
  func.func @transform_7(%arg0: i32) -> (i32, i32) {
    %c0_i32 = arith.constant 0 : i32
    %c0_i32_0 = arith.constant 0 : i32
    %c0_i32_1 = arith.constant 0 : i32
    return %c0_i32, %c0_i32_0 : i32, i32
  }
  func.func @transform_8(%arg0: i32) -> (i32, i32) {
    %c0_i32 = arith.constant 0 : i32
    %c0_i32_0 = arith.constant 0 : i32
    %c0_i32_1 = arith.constant 0 : i32
    return %c0_i32, %c0_i32_0 : i32, i32
  }
}

module attributes {stable_mosaic.version = 14 : i64} {
  func.func @body(%arg0: i32, %arg1: memref<400x1024xf32, #tpu.memory_space<vmem>>, %arg2: memref<1x1024xf32, #tpu.memory_space<vmem>>, %arg3: memref<1x1024xf32, #tpu.memory_space<vmem>>, %arg4: memref<1024x256xf32, #tpu.memory_space<vmem>>, %arg5: memref<400x256xf32, #tpu.memory_space<vmem>>, %arg6: memref<1x256xf32, #tpu.memory_space<vmem>>, %arg7: memref<1x256xf32, #tpu.memory_space<vmem>>) attributes {dimension_semantics = [#tpu.dimension_semantics<arbitrary>], iteration_bounds = array<i64: 25>, scalar_prefetch = 0 : i64, scratch_operands = 0 : i64, tpu.core_type = #tpu.core_type<tc>, window_params = [{transform_indices = @transform_0, window_bounds = array<i64: 400, 1024>}, {pipeline_mode = #tpu.pipeline_mode<synchronous>, transform_indices = @transform_1, window_bounds = array<i64: 1, 1024>}, {pipeline_mode = #tpu.pipeline_mode<synchronous>, transform_indices = @transform_2, window_bounds = array<i64: 1, 1024>}, {pipeline_mode = #tpu.pipeline_mode<synchronous>, transform_indices = @transform_3, window_bounds = array<i64: 1024, 256>}, {transform_indices = @transform_4, window_bounds = array<i64: 400, 256>}, {pipeline_mode = #tpu.pipeline_mode<synchronous>, transform_indices = @transform_5, window_bounds = array<i64: 1, 256>}, {pipeline_mode = #tpu.pipeline_mode<synchronous>, transform_indices = @transform_6, window_bounds = array<i64: 1, 256>}]} {
    %get3A = arith.constant 0 : index
    %get3A_0 = arith.constant 0 : index
    %get3A_1 = vector.load %arg2[%get3A, %get3A_0] : memref<1x1024xf32, #tpu.memory_space<vmem>>, vector<1x1024xf32>
    %div3A = arith.constant 1.000000e+04 : f32
    %div3A_2 = vector.broadcast %div3A : f32 to vector<1x1024xf32>
    %div3A_3 = arith.divf %get3A_1, %div3A_2 : vector<1x1024xf32>
    %get3A_4 = arith.constant 0 : index
    %get3A_5 = arith.constant 0 : index
    %get3A_6 = vector.load %arg3[%get3A_4, %get3A_5] : memref<1x1024xf32, #tpu.memory_space<vmem>>, vector<1x1024xf32>
    %div3A_7 = arith.constant 1.000000e+04 : f32
    %div3A_8 = vector.broadcast %div3A_7 : f32 to vector<1x1024xf32>
    %div3A_9 = arith.divf %get3A_6, %div3A_8 : vector<1x1024xf32>
    %mul3A = arith.mulf %div3A_3, %div3A_3 : vector<1x1024xf32>
    %sub3A = arith.subf %div3A_9, %mul3A : vector<1x1024xf32>
    %get3A_10 = arith.constant 0 : index
    %get3A_11 = arith.constant 0 : index
    %get3A_12 = vector.load %arg1[%get3A_10, %get3A_11] : memref<400x1024xf32, #tpu.memory_space<vmem>>, vector<400x1024xf32>
    %sub3A_13 = vector.broadcast %div3A_3 : vector<1x1024xf32> to vector<400x1024xf32>
    %sub3A_14 = arith.subf %get3A_12, %sub3A_13 : vector<400x1024xf32>
    %add3A = arith.constant 9.99999974E-6 : f32
    %add3A_15 = vector.broadcast %add3A : f32 to vector<1x1024xf32>
    %add3A_16 = arith.addf %sub3A, %add3A_15 : vector<1x1024xf32>
    %sqrt3A = math.sqrt %add3A_16 : vector<1x1024xf32>
    %div3A_17 = vector.broadcast %sqrt3A : vector<1x1024xf32> to vector<400x1024xf32>
    %div3A_18 = arith.divf %sub3A_14, %div3A_17 : vector<400x1024xf32>
    %gt3A = arith.constant 0.000000e+00 : f32
    %gt3A_19 = vector.broadcast %gt3A : f32 to vector<400x1024xf32>
    %gt3A_20 = arith.cmpf ogt, %div3A_18, %gt3A_19 : vector<400x1024xf32>
    %mul3A_21 = arith.constant 2.000000e-01 : f32
    %mul3A_22 = vector.broadcast %mul3A_21 : f32 to vector<400x1024xf32>
    %mul3A_23 = arith.mulf %mul3A_22, %div3A_18 : vector<400x1024xf32>
    %select_n3A = arith.select %gt3A_20, %div3A_18, %mul3A_23 : vector<400x1024xi1>, vector<400x1024xf32>
    %get3A_24 = arith.constant 0 : index
    %get3A_25 = arith.constant 0 : index
    %get3A_26 = vector.load %arg4[%get3A_24, %get3A_25] : memref<1024x256xf32, #tpu.memory_space<vmem>>, vector<1024x256xf32>
    %dot_general3A = arith.constant dense<0.000000e+00> : vector<400x256xf32>
    %dot_general3A_27 = tpu.matmul %select_n3A, %get3A_26, %dot_general3A {dimension_numbers = #tpu.dot_dimension_numbers<[1], [0], [0], [1], [0, 0, 1, 1], [], []>, transpose_lhs_hint = false} : vector<400x1024xf32>, vector<1024x256xf32>, vector<400x256xf32> -> vector<400x256xf32>
    %swap3A = arith.constant 0 : index
    %swap3A_28 = arith.constant 0 : index
    %swap3A_29 = vector.load %arg5[%swap3A, %swap3A_28] : memref<400x256xf32, #tpu.memory_space<vmem>>, vector<400x256xf32>
    tpu.vector_store %arg5[%swap3A, %swap3A_28], %dot_general3A_27 {strides = array<i32>} : memref<400x256xf32, #tpu.memory_space<vmem>>, vector<400x256xf32>,
    %eq3A = arith.constant 0 : i32
    %eq3A_30 = arith.cmpi eq, %arg0, %eq3A : i32
    %convert_element_type3A = arith.extui %eq3A_30 : i1 to i32
    %cond3A = arith.constant 0 : i32
    %cond3A_31 = arith.cmpi ne, %convert_element_type3A, %cond3A : i32
    scf.if %cond3A_31 {
      %broadcast_in_dim3A_51 = arith.constant 0.000000e+00 : f32
      %broadcast_in_dim3A_52 = vector.broadcast %broadcast_in_dim3A_51 : f32 to vector<1x256xf32>
      %swap3A_53 = arith.constant 0 : index
      %swap3A_54 = arith.constant 0 : index
      %swap3A_55 = vector.load %arg6[%swap3A_53, %swap3A_54] : memref<1x256xf32, #tpu.memory_space<vmem>>, vector<1x256xf32>
      tpu.vector_store %arg6[%swap3A_53, %swap3A_54], %broadcast_in_dim3A_52 {strides = array<i32>} : memref<1x256xf32, #tpu.memory_space<vmem>>, vector<1x256xf32>,
      %broadcast_in_dim3A_56 = arith.constant 0.000000e+00 : f32
      %broadcast_in_dim3A_57 = vector.broadcast %broadcast_in_dim3A_56 : f32 to vector<1x256xf32>
      %swap3A_58 = arith.constant 0 : index
      %swap3A_59 = arith.constant 0 : index
      %swap3A_60 = vector.load %arg7[%swap3A_58, %swap3A_59] : memref<1x256xf32, #tpu.memory_space<vmem>>, vector<1x256xf32>
      tpu.vector_store %arg7[%swap3A_58, %swap3A_59], %broadcast_in_dim3A_57 {strides = array<i32>} : memref<1x256xf32, #tpu.memory_space<vmem>>, vector<1x256xf32>,
    } else {
    }
    %get3A_32 = arith.constant 0 : index
    %get3A_33 = arith.constant 0 : index
    %get3A_34 = vector.load %arg6[%get3A_32, %get3A_33] : memref<1x256xf32, #tpu.memory_space<vmem>>, vector<1x256xf32>
    %reduce_sum3A = arith.constant dense<0.000000e+00> : vector<256xf32>
    %reduce_sum3A_35 = vector.multi_reduction <add>, %dot_general3A_27, %reduce_sum3A [0] : vector<400x256xf32> to vector<256xf32>
    %broadcast_in_dim3A = vector.shape_cast %reduce_sum3A_35 : vector<256xf32> to vector<1x256xf32>
    %add3A_36 = arith.addf %get3A_34, %broadcast_in_dim3A : vector<1x256xf32>
    %swap3A_37 = arith.constant 0 : index
    %swap3A_38 = arith.constant 0 : index
    %swap3A_39 = vector.load %arg6[%swap3A_37, %swap3A_38] : memref<1x256xf32, #tpu.memory_space<vmem>>, vector<1x256xf32>
    tpu.vector_store %arg6[%swap3A_37, %swap3A_38], %add3A_36 {strides = array<i32>} : memref<1x256xf32, #tpu.memory_space<vmem>>, vector<1x256xf32>,
    %get3A_40 = arith.constant 0 : index
    %get3A_41 = arith.constant 0 : index
    %get3A_42 = vector.load %arg7[%get3A_40, %get3A_41] : memref<1x256xf32, #tpu.memory_space<vmem>>, vector<1x256xf32>
    %mul3A_43 = arith.mulf %dot_general3A_27, %dot_general3A_27 : vector<400x256xf32>
    %reduce_sum3A_44 = arith.constant dense<0.000000e+00> : vector<256xf32>
    %reduce_sum3A_45 = vector.multi_reduction <add>, %mul3A_43, %reduce_sum3A_44 [0] : vector<400x256xf32> to vector<256xf32>
    %broadcast_in_dim3A_46 = vector.shape_cast %reduce_sum3A_45 : vector<256xf32> to vector<1x256xf32>
    %add3A_47 = arith.addf %get3A_42, %broadcast_in_dim3A_46 : vector<1x256xf32>
    %swap3A_48 = arith.constant 0 : index
    %swap3A_49 = arith.constant 0 : index
    %swap3A_50 = vector.load %arg7[%swap3A_48, %swap3A_49] : memref<1x256xf32, #tpu.memory_space<vmem>>, vector<1x256xf32>
    tpu.vector_store %arg7[%swap3A_48, %swap3A_49], %add3A_47 {strides = array<i32>} : memref<1x256xf32, #tpu.memory_space<vmem>>, vector<1x256xf32>,
    return
  }
  func.func @transform_0(%arg0: i32) -> (i32, i32) {
    %c0_i32 = arith.constant 0 : i32
    %c0_i32_0 = arith.constant 0 : i32
    return %arg0, %c0_i32 : i32, i32
  }
  func.func @transform_1(%arg0: i32) -> (i32, i32) {
    %c0_i32 = arith.constant 0 : i32
    %c0_i32_0 = arith.constant 0 : i32
    %c0_i32_1 = arith.constant 0 : i32
    return %c0_i32, %c0_i32_0 : i32, i32
  }
  func.func @transform_2(%arg0: i32) -> (i32, i32) {
    %c0_i32 = arith.constant 0 : i32
    %c0_i32_0 = arith.constant 0 : i32
    %c0_i32_1 = arith.constant 0 : i32
    return %c0_i32, %c0_i32_0 : i32, i32
  }
  func.func @transform_3(%arg0: i32) -> (i32, i32) {
    %c0_i32 = arith.constant 0 : i32
    %c0_i32_0 = arith.constant 0 : i32
    %c0_i32_1 = arith.constant 0 : i32
    return %c0_i32, %c0_i32_0 : i32, i32
  }
  func.func @transform_4(%arg0: i32) -> (i32, i32) {
    %c0_i32 = arith.constant 0 : i32
    %c0_i32_0 = arith.constant 0 : i32
    return %arg0, %c0_i32 : i32, i32
  }
  func.func @transform_5(%arg0: i32) -> (i32, i32) {
    %c0_i32 = arith.constant 0 : i32
    %c0_i32_0 = arith.constant 0 : i32
    %c0_i32_1 = arith.constant 0 : i32
    return %c0_i32, %c0_i32_0 : i32, i32
  }
  func.func @transform_6(%arg0: i32) -> (i32, i32) {
    %c0_i32 = arith.constant 0 : i32
    %c0_i32_0 = arith.constant 0 : i32
    %c0_i32_1 = arith.constant 0 : i32
    return %c0_i32, %c0_i32_0 : i32, i32
  }
}

module attributes {stable_mosaic.version = 14 : i64} {
  func.func @body(%arg0: i32, %arg1: memref<400x256xf32, #tpu.memory_space<vmem>>, %arg2: memref<1x256xf32, #tpu.memory_space<vmem>>, %arg3: memref<1x256xf32, #tpu.memory_space<vmem>>, %arg4: memref<256x64xf32, #tpu.memory_space<vmem>>, %arg5: memref<400x64xf32, #tpu.memory_space<vmem>>, %arg6: memref<1x64xf32, #tpu.memory_space<vmem>>, %arg7: memref<1x64xf32, #tpu.memory_space<vmem>>) attributes {dimension_semantics = [#tpu.dimension_semantics<arbitrary>], iteration_bounds = array<i64: 25>, scalar_prefetch = 0 : i64, scratch_operands = 0 : i64, tpu.core_type = #tpu.core_type<tc>, window_params = [{transform_indices = @transform_0, window_bounds = array<i64: 400, 256>}, {pipeline_mode = #tpu.pipeline_mode<synchronous>, transform_indices = @transform_1, window_bounds = array<i64: 1, 256>}, {pipeline_mode = #tpu.pipeline_mode<synchronous>, transform_indices = @transform_2, window_bounds = array<i64: 1, 256>}, {pipeline_mode = #tpu.pipeline_mode<synchronous>, transform_indices = @transform_3, window_bounds = array<i64: 256, 64>}, {transform_indices = @transform_4, window_bounds = array<i64: 400, 64>}, {pipeline_mode = #tpu.pipeline_mode<synchronous>, transform_indices = @transform_5, window_bounds = array<i64: 1, 64>}, {pipeline_mode = #tpu.pipeline_mode<synchronous>, transform_indices = @transform_6, window_bounds = array<i64: 1, 64>}]} {
    %get3A = arith.constant 0 : index
    %get3A_0 = arith.constant 0 : index
    %get3A_1 = vector.load %arg2[%get3A, %get3A_0] : memref<1x256xf32, #tpu.memory_space<vmem>>, vector<1x256xf32>
    %div3A = arith.constant 1.000000e+04 : f32
    %div3A_2 = vector.broadcast %div3A : f32 to vector<1x256xf32>
    %div3A_3 = arith.divf %get3A_1, %div3A_2 : vector<1x256xf32>
    %get3A_4 = arith.constant 0 : index
    %get3A_5 = arith.constant 0 : index
    %get3A_6 = vector.load %arg3[%get3A_4, %get3A_5] : memref<1x256xf32, #tpu.memory_space<vmem>>, vector<1x256xf32>
    %div3A_7 = arith.constant 1.000000e+04 : f32
    %div3A_8 = vector.broadcast %div3A_7 : f32 to vector<1x256xf32>
    %div3A_9 = arith.divf %get3A_6, %div3A_8 : vector<1x256xf32>
    %mul3A = arith.mulf %div3A_3, %div3A_3 : vector<1x256xf32>
    %sub3A = arith.subf %div3A_9, %mul3A : vector<1x256xf32>
    %get3A_10 = arith.constant 0 : index
    %get3A_11 = arith.constant 0 : index
    %get3A_12 = vector.load %arg1[%get3A_10, %get3A_11] : memref<400x256xf32, #tpu.memory_space<vmem>>, vector<400x256xf32>
    %sub3A_13 = vector.broadcast %div3A_3 : vector<1x256xf32> to vector<400x256xf32>
    %sub3A_14 = arith.subf %get3A_12, %sub3A_13 : vector<400x256xf32>
    %add3A = arith.constant 9.99999974E-6 : f32
    %add3A_15 = vector.broadcast %add3A : f32 to vector<1x256xf32>
    %add3A_16 = arith.addf %sub3A, %add3A_15 : vector<1x256xf32>
    %sqrt3A = math.sqrt %add3A_16 : vector<1x256xf32>
    %div3A_17 = vector.broadcast %sqrt3A : vector<1x256xf32> to vector<400x256xf32>
    %div3A_18 = arith.divf %sub3A_14, %div3A_17 : vector<400x256xf32>
    %gt3A = arith.constant 0.000000e+00 : f32
    %gt3A_19 = vector.broadcast %gt3A : f32 to vector<400x256xf32>
    %gt3A_20 = arith.cmpf ogt, %div3A_18, %gt3A_19 : vector<400x256xf32>
    %mul3A_21 = arith.constant 2.000000e-01 : f32
    %mul3A_22 = vector.broadcast %mul3A_21 : f32 to vector<400x256xf32>
    %mul3A_23 = arith.mulf %mul3A_22, %div3A_18 : vector<400x256xf32>
    %select_n3A = arith.select %gt3A_20, %div3A_18, %mul3A_23 : vector<400x256xi1>, vector<400x256xf32>
    %get3A_24 = arith.constant 0 : index
    %get3A_25 = arith.constant 0 : index
    %get3A_26 = vector.load %arg4[%get3A_24, %get3A_25] : memref<256x64xf32, #tpu.memory_space<vmem>>, vector<256x64xf32>
    %dot_general3A = arith.constant dense<0.000000e+00> : vector<400x64xf32>
    %dot_general3A_27 = tpu.matmul %select_n3A, %get3A_26, %dot_general3A {dimension_numbers = #tpu.dot_dimension_numbers<[1], [0], [0], [1], [0, 0, 1, 1], [], []>, transpose_lhs_hint = false} : vector<400x256xf32>, vector<256x64xf32>, vector<400x64xf32> -> vector<400x64xf32>
    %swap3A = arith.constant 0 : index
    %swap3A_28 = arith.constant 0 : index
    %swap3A_29 = vector.load %arg5[%swap3A, %swap3A_28] : memref<400x64xf32, #tpu.memory_space<vmem>>, vector<400x64xf32>
    tpu.vector_store %arg5[%swap3A, %swap3A_28], %dot_general3A_27 {strides = array<i32>} : memref<400x64xf32, #tpu.memory_space<vmem>>, vector<400x64xf32>,
    %eq3A = arith.constant 0 : i32
    %eq3A_30 = arith.cmpi eq, %arg0, %eq3A : i32
    %convert_element_type3A = arith.extui %eq3A_30 : i1 to i32
    %cond3A = arith.constant 0 : i32
    %cond3A_31 = arith.cmpi ne, %convert_element_type3A, %cond3A : i32
    scf.if %cond3A_31 {
      %broadcast_in_dim3A_51 = arith.constant 0.000000e+00 : f32
      %broadcast_in_dim3A_52 = vector.broadcast %broadcast_in_dim3A_51 : f32 to vector<1x64xf32>
      %swap3A_53 = arith.constant 0 : index
      %swap3A_54 = arith.constant 0 : index
      %swap3A_55 = vector.load %arg6[%swap3A_53, %swap3A_54] : memref<1x64xf32, #tpu.memory_space<vmem>>, vector<1x64xf32>
      tpu.vector_store %arg6[%swap3A_53, %swap3A_54], %broadcast_in_dim3A_52 {strides = array<i32>} : memref<1x64xf32, #tpu.memory_space<vmem>>, vector<1x64xf32>,
      %broadcast_in_dim3A_56 = arith.constant 0.000000e+00 : f32
      %broadcast_in_dim3A_57 = vector.broadcast %broadcast_in_dim3A_56 : f32 to vector<1x64xf32>
      %swap3A_58 = arith.constant 0 : index
      %swap3A_59 = arith.constant 0 : index
      %swap3A_60 = vector.load %arg7[%swap3A_58, %swap3A_59] : memref<1x64xf32, #tpu.memory_space<vmem>>, vector<1x64xf32>
      tpu.vector_store %arg7[%swap3A_58, %swap3A_59], %broadcast_in_dim3A_57 {strides = array<i32>} : memref<1x64xf32, #tpu.memory_space<vmem>>, vector<1x64xf32>,
    } else {
    }
    %get3A_32 = arith.constant 0 : index
    %get3A_33 = arith.constant 0 : index
    %get3A_34 = vector.load %arg6[%get3A_32, %get3A_33] : memref<1x64xf32, #tpu.memory_space<vmem>>, vector<1x64xf32>
    %reduce_sum3A = arith.constant dense<0.000000e+00> : vector<64xf32>
    %reduce_sum3A_35 = vector.multi_reduction <add>, %dot_general3A_27, %reduce_sum3A [0] : vector<400x64xf32> to vector<64xf32>
    %broadcast_in_dim3A = vector.shape_cast %reduce_sum3A_35 : vector<64xf32> to vector<1x64xf32>
    %add3A_36 = arith.addf %get3A_34, %broadcast_in_dim3A : vector<1x64xf32>
    %swap3A_37 = arith.constant 0 : index
    %swap3A_38 = arith.constant 0 : index
    %swap3A_39 = vector.load %arg6[%swap3A_37, %swap3A_38] : memref<1x64xf32, #tpu.memory_space<vmem>>, vector<1x64xf32>
    tpu.vector_store %arg6[%swap3A_37, %swap3A_38], %add3A_36 {strides = array<i32>} : memref<1x64xf32, #tpu.memory_space<vmem>>, vector<1x64xf32>,
    %get3A_40 = arith.constant 0 : index
    %get3A_41 = arith.constant 0 : index
    %get3A_42 = vector.load %arg7[%get3A_40, %get3A_41] : memref<1x64xf32, #tpu.memory_space<vmem>>, vector<1x64xf32>
    %mul3A_43 = arith.mulf %dot_general3A_27, %dot_general3A_27 : vector<400x64xf32>
    %reduce_sum3A_44 = arith.constant dense<0.000000e+00> : vector<64xf32>
    %reduce_sum3A_45 = vector.multi_reduction <add>, %mul3A_43, %reduce_sum3A_44 [0] : vector<400x64xf32> to vector<64xf32>
    %broadcast_in_dim3A_46 = vector.shape_cast %reduce_sum3A_45 : vector<64xf32> to vector<1x64xf32>
    %add3A_47 = arith.addf %get3A_42, %broadcast_in_dim3A_46 : vector<1x64xf32>
    %swap3A_48 = arith.constant 0 : index
    %swap3A_49 = arith.constant 0 : index
    %swap3A_50 = vector.load %arg7[%swap3A_48, %swap3A_49] : memref<1x64xf32, #tpu.memory_space<vmem>>, vector<1x64xf32>
    tpu.vector_store %arg7[%swap3A_48, %swap3A_49], %add3A_47 {strides = array<i32>} : memref<1x64xf32, #tpu.memory_space<vmem>>, vector<1x64xf32>,
    return
  }
  func.func @transform_0(%arg0: i32) -> (i32, i32) {
    %c0_i32 = arith.constant 0 : i32
    %c0_i32_0 = arith.constant 0 : i32
    return %arg0, %c0_i32 : i32, i32
  }
  func.func @transform_1(%arg0: i32) -> (i32, i32) {
    %c0_i32 = arith.constant 0 : i32
    %c0_i32_0 = arith.constant 0 : i32
    %c0_i32_1 = arith.constant 0 : i32
    return %c0_i32, %c0_i32_0 : i32, i32
  }
  func.func @transform_2(%arg0: i32) -> (i32, i32) {
    %c0_i32 = arith.constant 0 : i32
    %c0_i32_0 = arith.constant 0 : i32
    %c0_i32_1 = arith.constant 0 : i32
    return %c0_i32, %c0_i32_0 : i32, i32
  }
  func.func @transform_3(%arg0: i32) -> (i32, i32) {
    %c0_i32 = arith.constant 0 : i32
    %c0_i32_0 = arith.constant 0 : i32
    %c0_i32_1 = arith.constant 0 : i32
    return %c0_i32, %c0_i32_0 : i32, i32
  }
  func.func @transform_4(%arg0: i32) -> (i32, i32) {
    %c0_i32 = arith.constant 0 : i32
    %c0_i32_0 = arith.constant 0 : i32
    return %arg0, %c0_i32 : i32, i32
  }
  func.func @transform_5(%arg0: i32) -> (i32, i32) {
    %c0_i32 = arith.constant 0 : i32
    %c0_i32_0 = arith.constant 0 : i32
    %c0_i32_1 = arith.constant 0 : i32
    return %c0_i32, %c0_i32_0 : i32, i32
  }
  func.func @transform_6(%arg0: i32) -> (i32, i32) {
    %c0_i32 = arith.constant 0 : i32
    %c0_i32_0 = arith.constant 0 : i32
    %c0_i32_1 = arith.constant 0 : i32
    return %c0_i32, %c0_i32_0 : i32, i32
  }
}

module attributes {stable_mosaic.version = 14 : i64} {
  func.func @body(%arg0: i32, %arg1: memref<400x64xf32, #tpu.memory_space<vmem>>, %arg2: memref<1x64xf32, #tpu.memory_space<vmem>>, %arg3: memref<1x64xf32, #tpu.memory_space<vmem>>, %arg4: memref<64x32xf32, #tpu.memory_space<vmem>>, %arg5: memref<1x32xf32, #tpu.memory_space<vmem>>, %arg6: memref<400x8xf32, #tpu.memory_space<vmem>>, %arg7: memref<400x64xf32, #tpu.memory_space<vmem>>, %arg8: memref<400x128xf32, #tpu.memory_space<vmem>>, %arg9: memref<400x256xf32, #tpu.memory_space<vmem>>, %arg10: memref<400x32xf32, #tpu.memory_space<vmem>>, %arg11: memref<32x456xf32, #tpu.memory_space<vmem>>) attributes {dimension_semantics = [#tpu.dimension_semantics<arbitrary>], iteration_bounds = array<i64: 25>, scalar_prefetch = 0 : i64, scratch_operands = 0 : i64, tpu.core_type = #tpu.core_type<tc>, window_params = [{transform_indices = @transform_0, window_bounds = array<i64: 400, 64>}, {pipeline_mode = #tpu.pipeline_mode<synchronous>, transform_indices = @transform_1, window_bounds = array<i64: 1, 64>}, {pipeline_mode = #tpu.pipeline_mode<synchronous>, transform_indices = @transform_2, window_bounds = array<i64: 1, 64>}, {pipeline_mode = #tpu.pipeline_mode<synchronous>, transform_indices = @transform_3, window_bounds = array<i64: 64, 32>}, {pipeline_mode = #tpu.pipeline_mode<synchronous>, transform_indices = @transform_4, window_bounds = array<i64: 1, 32>}, {transform_indices = @transform_5, window_bounds = array<i64: 400, 8>}, {transform_indices = @transform_6, window_bounds = array<i64: 400, 64>}, {transform_indices = @transform_7, window_bounds = array<i64: 400, 128>}, {transform_indices = @transform_8, window_bounds = array<i64: 400, 256>}, {transform_indices = @transform_9, window_bounds = array<i64: 400, 32>}, {pipeline_mode = #tpu.pipeline_mode<synchronous>, transform_indices = @transform_10, window_bounds = array<i64: 32, 456>}]} {
    %get3A = arith.constant 0 : index
    %get3A_0 = arith.constant 0 : index
    %get3A_1 = vector.load %arg2[%get3A, %get3A_0] : memref<1x64xf32, #tpu.memory_space<vmem>>, vector<1x64xf32>
    %div3A = arith.constant 1.000000e+04 : f32
    %div3A_2 = vector.broadcast %div3A : f32 to vector<1x64xf32>
    %div3A_3 = arith.divf %get3A_1, %div3A_2 : vector<1x64xf32>
    %get3A_4 = arith.constant 0 : index
    %get3A_5 = arith.constant 0 : index
    %get3A_6 = vector.load %arg3[%get3A_4, %get3A_5] : memref<1x64xf32, #tpu.memory_space<vmem>>, vector<1x64xf32>
    %div3A_7 = arith.constant 1.000000e+04 : f32
    %div3A_8 = vector.broadcast %div3A_7 : f32 to vector<1x64xf32>
    %div3A_9 = arith.divf %get3A_6, %div3A_8 : vector<1x64xf32>
    %mul3A = arith.mulf %div3A_3, %div3A_3 : vector<1x64xf32>
    %sub3A = arith.subf %div3A_9, %mul3A : vector<1x64xf32>
    %get3A_10 = arith.constant 0 : index
    %get3A_11 = arith.constant 0 : index
    %get3A_12 = vector.load %arg1[%get3A_10, %get3A_11] : memref<400x64xf32, #tpu.memory_space<vmem>>, vector<400x64xf32>
    %sub3A_13 = vector.broadcast %div3A_3 : vector<1x64xf32> to vector<400x64xf32>
    %sub3A_14 = arith.subf %get3A_12, %sub3A_13 : vector<400x64xf32>
    %add3A = arith.constant 9.99999974E-6 : f32
    %add3A_15 = vector.broadcast %add3A : f32 to vector<1x64xf32>
    %add3A_16 = arith.addf %sub3A, %add3A_15 : vector<1x64xf32>
    %sqrt3A = math.sqrt %add3A_16 : vector<1x64xf32>
    %div3A_17 = vector.broadcast %sqrt3A : vector<1x64xf32> to vector<400x64xf32>
    %div3A_18 = arith.divf %sub3A_14, %div3A_17 : vector<400x64xf32>
    %gt3A = arith.constant 0.000000e+00 : f32
    %gt3A_19 = vector.broadcast %gt3A : f32 to vector<400x64xf32>
    %gt3A_20 = arith.cmpf ogt, %div3A_18, %gt3A_19 : vector<400x64xf32>
    %mul3A_21 = arith.constant 2.000000e-01 : f32
    %mul3A_22 = vector.broadcast %mul3A_21 : f32 to vector<400x64xf32>
    %mul3A_23 = arith.mulf %mul3A_22, %div3A_18 : vector<400x64xf32>
    %select_n3A = arith.select %gt3A_20, %div3A_18, %mul3A_23 : vector<400x64xi1>, vector<400x64xf32>
    %get3A_24 = arith.constant 0 : index
    %get3A_25 = arith.constant 0 : index
    %get3A_26 = vector.load %arg4[%get3A_24, %get3A_25] : memref<64x32xf32, #tpu.memory_space<vmem>>, vector<64x32xf32>
    %dot_general3A = arith.constant dense<0.000000e+00> : vector<400x32xf32>
    %dot_general3A_27 = tpu.matmul %select_n3A, %get3A_26, %dot_general3A {dimension_numbers = #tpu.dot_dimension_numbers<[1], [0], [0], [1], [0, 0, 1, 1], [], []>, transpose_lhs_hint = false} : vector<400x64xf32>, vector<64x32xf32>, vector<400x32xf32> -> vector<400x32xf32>
    %get3A_28 = arith.constant 0 : index
    %get3A_29 = arith.constant 0 : index
    %get3A_30 = vector.load %arg5[%get3A_28, %get3A_29] : memref<1x32xf32, #tpu.memory_space<vmem>>, vector<1x32xf32>
    %add3A_31 = vector.broadcast %get3A_30 : vector<1x32xf32> to vector<400x32xf32>
    %add3A_32 = arith.addf %dot_general3A_27, %add3A_31 : vector<400x32xf32>
    %swap3A = arith.constant 0 : index
    %swap3A_33 = arith.constant 0 : index
    %swap3A_34 = vector.load %arg10[%swap3A, %swap3A_33] : memref<400x32xf32, #tpu.memory_space<vmem>>, vector<400x32xf32>
    tpu.vector_store %arg10[%swap3A, %swap3A_33], %add3A_32 {strides = array<i32>} : memref<400x32xf32, #tpu.memory_space<vmem>>, vector<400x32xf32>,
    %reduce_max3A = arith.constant dense<0xFF800000> : vector<400xf32>
    %reduce_max3A_35 = vector.multi_reduction <maximumf>, %add3A_32, %reduce_max3A [1] : vector<400x32xf32> to vector<400xf32>
    %broadcast_in_dim3A = vector.shape_cast %reduce_max3A_35 : vector<400xf32> to vector<400x1xf32>
    %eq3A = vector.broadcast %broadcast_in_dim3A : vector<400x1xf32> to vector<400x32xf32>
    %eq3A_36 = arith.cmpf oeq, %add3A_32, %eq3A : vector<400x32xf32>
    %convert_element_type3A = arith.extui %eq3A_36 : vector<400x32xi1> to vector<400x32xi32>
    %convert_element_type3A_37 = arith.sitofp %convert_element_type3A : vector<400x32xi32> to vector<400x32xf32>
    %get3A_38 = arith.constant 0 : index
    %get3A_39 = arith.constant 0 : index
    %get3A_40 = vector.load %arg6[%get3A_38, %get3A_39] : memref<400x8xf32, #tpu.memory_space<vmem>>, vector<400x8xf32>
    %get3A_41 = arith.constant 0 : index
    %get3A_42 = arith.constant 0 : index
    %get3A_43 = vector.load %arg7[%get3A_41, %get3A_42] : memref<400x64xf32, #tpu.memory_space<vmem>>, vector<400x64xf32>
    %get3A_44 = arith.constant 0 : index
    %get3A_45 = arith.constant 0 : index
    %get3A_46 = vector.load %arg8[%get3A_44, %get3A_45] : memref<400x128xf32, #tpu.memory_space<vmem>>, vector<400x128xf32>
    %get3A_47 = arith.constant 0 : index
    %get3A_48 = arith.constant 0 : index
    %get3A_49 = vector.load %arg9[%get3A_47, %get3A_48] : memref<400x256xf32, #tpu.memory_space<vmem>>, vector<400x256xf32>
    %concatenate3A = tpu.concatenate %get3A_40, %get3A_43, %get3A_46, %get3A_49 in 1 : vector<400x8xf32>, vector<400x64xf32>, vector<400x128xf32>, vector<400x256xf32> -> vector<400x456xf32>
    %dot_general3A_50 = arith.constant dense<0.000000e+00> : vector<32x456xf32>
    %dot_general3A_51 = tpu.matmul %convert_element_type3A_37, %concatenate3A, %dot_general3A_50 {dimension_numbers = #tpu.dot_dimension_numbers<[0], [0], [1], [1], [0, 1, 1, 1], [], []>, transpose_lhs_hint = false} : vector<400x32xf32>, vector<400x456xf32>, vector<32x456xf32> -> vector<32x456xf32>
    %eq3A_52 = arith.constant 0 : i32
    %eq3A_53 = arith.cmpi eq, %arg0, %eq3A_52 : i32
    %convert_element_type3A_54 = arith.extui %eq3A_53 : i1 to i32
    %cond3A = arith.constant 0 : i32
    %cond3A_55 = arith.cmpi ne, %convert_element_type3A_54, %cond3A : i32
    scf.if %cond3A_55 {
      %broadcast_in_dim3A_63 = arith.constant 0.000000e+00 : f32
      %broadcast_in_dim3A_64 = vector.broadcast %broadcast_in_dim3A_63 : f32 to vector<32x456xf32>
      %swap3A_65 = arith.constant 0 : index
      %swap3A_66 = arith.constant 0 : index
      %swap3A_67 = vector.load %arg11[%swap3A_65, %swap3A_66] : memref<32x456xf32, #tpu.memory_space<vmem>>, vector<32x456xf32>
      tpu.vector_store %arg11[%swap3A_65, %swap3A_66], %broadcast_in_dim3A_64 {strides = array<i32>} : memref<32x456xf32, #tpu.memory_space<vmem>>, vector<32x456xf32>,
    } else {
    }
    %get3A_56 = arith.constant 0 : index
    %get3A_57 = arith.constant 0 : index
    %get3A_58 = vector.load %arg11[%get3A_56, %get3A_57] : memref<32x456xf32, #tpu.memory_space<vmem>>, vector<32x456xf32>
    %add3A_59 = arith.addf %get3A_58, %dot_general3A_51 : vector<32x456xf32>
    %swap3A_60 = arith.constant 0 : index
    %swap3A_61 = arith.constant 0 : index
    %swap3A_62 = vector.load %arg11[%swap3A_60, %swap3A_61] : memref<32x456xf32, #tpu.memory_space<vmem>>, vector<32x456xf32>
    tpu.vector_store %arg11[%swap3A_60, %swap3A_61], %add3A_59 {strides = array<i32>} : memref<32x456xf32, #tpu.memory_space<vmem>>, vector<32x456xf32>,
    return
  }
  func.func @transform_0(%arg0: i32) -> (i32, i32) {
    %c0_i32 = arith.constant 0 : i32
    %c0_i32_0 = arith.constant 0 : i32
    return %arg0, %c0_i32 : i32, i32
  }
  func.func @transform_1(%arg0: i32) -> (i32, i32) {
    %c0_i32 = arith.constant 0 : i32
    %c0_i32_0 = arith.constant 0 : i32
    %c0_i32_1 = arith.constant 0 : i32
    return %c0_i32, %c0_i32_0 : i32, i32
  }
  func.func @transform_2(%arg0: i32) -> (i32, i32) {
    %c0_i32 = arith.constant 0 : i32
    %c0_i32_0 = arith.constant 0 : i32
    %c0_i32_1 = arith.constant 0 : i32
    return %c0_i32, %c0_i32_0 : i32, i32
  }
  func.func @transform_3(%arg0: i32) -> (i32, i32) {
    %c0_i32 = arith.constant 0 : i32
    %c0_i32_0 = arith.constant 0 : i32
    %c0_i32_1 = arith.constant 0 : i32
    return %c0_i32, %c0_i32_0 : i32, i32
  }
  func.func @transform_4(%arg0: i32) -> (i32, i32) {
    %c0_i32 = arith.constant 0 : i32
    %c0_i32_0 = arith.constant 0 : i32
    %c0_i32_1 = arith.constant 0 : i32
    return %c0_i32, %c0_i32_0 : i32, i32
  }
  func.func @transform_5(%arg0: i32) -> (i32, i32) {
    %c0_i32 = arith.constant 0 : i32
    %c0_i32_0 = arith.constant 0 : i32
    return %arg0, %c0_i32 : i32, i32
  }
  func.func @transform_6(%arg0: i32) -> (i32, i32) {
    %c0_i32 = arith.constant 0 : i32
    %c0_i32_0 = arith.constant 0 : i32
    return %arg0, %c0_i32 : i32, i32
  }
  func.func @transform_7(%arg0: i32) -> (i32, i32) {
    %c0_i32 = arith.constant 0 : i32
    %c0_i32_0 = arith.constant 0 : i32
    return %arg0, %c0_i32 : i32, i32
  }
  func.func @transform_8(%arg0: i32) -> (i32, i32) {
    %c0_i32 = arith.constant 0 : i32
    %c0_i32_0 = arith.constant 0 : i32
    return %arg0, %c0_i32 : i32, i32
  }
  func.func @transform_9(%arg0: i32) -> (i32, i32) {
    %c0_i32 = arith.constant 0 : i32
    %c0_i32_0 = arith.constant 0 : i32
    return %arg0, %c0_i32 : i32, i32
  }
  func.func @transform_10(%arg0: i32) -> (i32, i32) {
    %c0_i32 = arith.constant 0 : i32
    %c0_i32_0 = arith.constant 0 : i32
    %c0_i32_1 = arith.constant 0 : i32
    return %c0_i32, %c0_i32_0 : i32, i32
  }
}

module attributes {stable_mosaic.version = 14 : i64} {
  func.func @body(%arg0: memref<32x456xf32, #tpu.memory_space<vmem>>, %arg1: memref<32x8xi32, #tpu.memory_space<vmem>>, %arg2: memref<912x256xf32, #tpu.memory_space<vmem>>, %arg3: memref<1x256xf32, #tpu.memory_space<vmem>>, %arg4: memref<512x128xf32, #tpu.memory_space<vmem>>, %arg5: memref<1x128xf32, #tpu.memory_space<vmem>>, %arg6: memref<256x64xf32, #tpu.memory_space<vmem>>, %arg7: memref<1x64xf32, #tpu.memory_space<vmem>>, %arg8: memref<448x512xf32, #tpu.memory_space<vmem>>, %arg9: memref<1x512xf32, #tpu.memory_space<vmem>>, %arg10: memref<512x256xf32, #tpu.memory_space<vmem>>, %arg11: memref<1x256xf32, #tpu.memory_space<vmem>>, %arg12: memref<256x8xf32, #tpu.memory_space<vmem>>, %arg13: memref<1x8xf32, #tpu.memory_space<vmem>>, %arg14: memref<32x8xf32, #tpu.memory_space<vmem>>) attributes {dimension_semantics = [], scalar_prefetch = 0 : i64, scratch_operands = 0 : i64, tpu.core_type = #tpu.core_type<tc>} {
    %iota3A = tpu.iota {dimensions = array<i32: 1>} : vector<32x32xi32>
    %get3A = arith.constant 0 : index
    %get3A_0 = arith.constant 0 : index
    %get3A_1 = vector.load %arg0[%get3A, %get3A_0] : memref<32x456xf32, #tpu.memory_space<vmem>>, vector<32x456xf32>
    %slice3A = vector.extract_strided_slice %get3A_1 {offsets = [0, 3], sizes = [32, 1], strides = [1, 1]} : vector<32x456xf32> to vector<32x1xf32>
    %add3A = arith.constant 9.99999974E-6 : f32
    %add3A_2 = vector.broadcast %add3A : f32 to vector<32x1xf32>
    %add3A_3 = arith.addf %slice3A, %add3A_2 : vector<32x1xf32>
    %div3A = arith.constant 1.000000e+00 : f32
    %div3A_4 = vector.broadcast %div3A : f32 to vector<32x1xf32>
    %div3A_5 = arith.divf %div3A_4, %add3A_3 : vector<32x1xf32>
    %mul3A = vector.broadcast %div3A_5 : vector<32x1xf32> to vector<32x456xf32>
    %mul3A_6 = arith.mulf %get3A_1, %mul3A : vector<32x456xf32>
    %get3A_7 = arith.constant 0 : index
    %get3A_8 = arith.constant 0 : index
    %get3A_9 = vector.load %arg2[%get3A_7, %get3A_8] : memref<912x256xf32, #tpu.memory_space<vmem>>, vector<912x256xf32>
    %get3A_10 = arith.constant 0 : index
    %get3A_11 = arith.constant 0 : index
    %get3A_12 = vector.load %arg3[%get3A_10, %get3A_11] : memref<1x256xf32, #tpu.memory_space<vmem>>, vector<1x256xf32>
    %get3A_13 = arith.constant 0 : index
    %get3A_14 = arith.constant 0 : index
    %get3A_15 = vector.load %arg1[%get3A_13, %get3A_14] : memref<32x8xi32, #tpu.memory_space<vmem>>, vector<32x1xi32>
    %eq3A = vector.broadcast %get3A_15 : vector<32x1xi32> to vector<32x32xi32>
    %eq3A_16 = arith.cmpi eq, %eq3A, %iota3A : vector<32x32xi32>
    %convert_element_type3A = arith.extui %eq3A_16 : vector<32x32xi1> to vector<32x32xi32>
    %convert_element_type3A_17 = arith.sitofp %convert_element_type3A : vector<32x32xi32> to vector<32x32xf32>
    %dot_general3A = arith.constant dense<0.000000e+00> : vector<32x456xf32>
    %dot_general3A_18 = tpu.matmul %convert_element_type3A_17, %mul3A_6, %dot_general3A {dimension_numbers = #tpu.dot_dimension_numbers<[1], [0], [0], [1], [0, 0, 1, 1], [], []>, precision = #tpu.contract_precision<fp32>, transpose_lhs_hint = false} : vector<32x32xf32>, vector<32x456xf32>, vector<32x456xf32> -> vector<32x456xf32>
    %sub3A = arith.subf %dot_general3A_18, %mul3A_6 : vector<32x456xf32>
    %concatenate3A = tpu.concatenate %sub3A, %mul3A_6 in 1 : vector<32x456xf32>, vector<32x456xf32> -> vector<32x912xf32>
    %dot_general3A_19 = arith.constant dense<0.000000e+00> : vector<32x256xf32>
    %dot_general3A_20 = tpu.matmul %concatenate3A, %get3A_9, %dot_general3A_19 {dimension_numbers = #tpu.dot_dimension_numbers<[1], [0], [0], [1], [0, 0, 1, 1], [], []>, transpose_lhs_hint = false} : vector<32x912xf32>, vector<912x256xf32>, vector<32x256xf32> -> vector<32x256xf32>
    %add3A_21 = vector.broadcast %get3A_12 : vector<1x256xf32> to vector<32x256xf32>
    %add3A_22 = arith.addf %dot_general3A_20, %add3A_21 : vector<32x256xf32>
    %get3A_23 = arith.constant 0 : index
    %get3A_24 = arith.constant 1 : index
    %get3A_25 = vector.load %arg1[%get3A_23, %get3A_24] : memref<32x8xi32, #tpu.memory_space<vmem>>, vector<32x1xi32>
    %eq3A_26 = vector.broadcast %get3A_25 : vector<32x1xi32> to vector<32x32xi32>
    %eq3A_27 = arith.cmpi eq, %eq3A_26, %iota3A : vector<32x32xi32>
    %convert_element_type3A_28 = arith.extui %eq3A_27 : vector<32x32xi1> to vector<32x32xi32>
    %convert_element_type3A_29 = arith.sitofp %convert_element_type3A_28 : vector<32x32xi32> to vector<32x32xf32>
    %dot_general3A_30 = arith.constant dense<0.000000e+00> : vector<32x456xf32>
    %dot_general3A_31 = tpu.matmul %convert_element_type3A_29, %mul3A_6, %dot_general3A_30 {dimension_numbers = #tpu.dot_dimension_numbers<[1], [0], [0], [1], [0, 0, 1, 1], [], []>, precision = #tpu.contract_precision<fp32>, transpose_lhs_hint = false} : vector<32x32xf32>, vector<32x456xf32>, vector<32x456xf32> -> vector<32x456xf32>
    %sub3A_32 = arith.subf %dot_general3A_31, %mul3A_6 : vector<32x456xf32>
    %concatenate3A_33 = tpu.concatenate %sub3A_32, %mul3A_6 in 1 : vector<32x456xf32>, vector<32x456xf32> -> vector<32x912xf32>
    %dot_general3A_34 = arith.constant dense<0.000000e+00> : vector<32x256xf32>
    %dot_general3A_35 = tpu.matmul %concatenate3A_33, %get3A_9, %dot_general3A_34 {dimension_numbers = #tpu.dot_dimension_numbers<[1], [0], [0], [1], [0, 0, 1, 1], [], []>, transpose_lhs_hint = false} : vector<32x912xf32>, vector<912x256xf32>, vector<32x256xf32> -> vector<32x256xf32>
    %add3A_36 = vector.broadcast %get3A_12 : vector<1x256xf32> to vector<32x256xf32>
    %add3A_37 = arith.addf %dot_general3A_35, %add3A_36 : vector<32x256xf32>
    %max3A = arith.maximumf %add3A_22, %add3A_37 : vector<32x256xf32>
    %get3A_38 = arith.constant 0 : index
    %get3A_39 = arith.constant 2 : index
    %get3A_40 = vector.load %arg1[%get3A_38, %get3A_39] : memref<32x8xi32, #tpu.memory_space<vmem>>, vector<32x1xi32>
    %eq3A_41 = vector.broadcast %get3A_40 : vector<32x1xi32> to vector<32x32xi32>
    %eq3A_42 = arith.cmpi eq, %eq3A_41, %iota3A : vector<32x32xi32>
    %convert_element_type3A_43 = arith.extui %eq3A_42 : vector<32x32xi1> to vector<32x32xi32>
    %convert_element_type3A_44 = arith.sitofp %convert_element_type3A_43 : vector<32x32xi32> to vector<32x32xf32>
    %dot_general3A_45 = arith.constant dense<0.000000e+00> : vector<32x456xf32>
    %dot_general3A_46 = tpu.matmul %convert_element_type3A_44, %mul3A_6, %dot_general3A_45 {dimension_numbers = #tpu.dot_dimension_numbers<[1], [0], [0], [1], [0, 0, 1, 1], [], []>, precision = #tpu.contract_precision<fp32>, transpose_lhs_hint = false} : vector<32x32xf32>, vector<32x456xf32>, vector<32x456xf32> -> vector<32x456xf32>
    %sub3A_47 = arith.subf %dot_general3A_46, %mul3A_6 : vector<32x456xf32>
    %concatenate3A_48 = tpu.concatenate %sub3A_47, %mul3A_6 in 1 : vector<32x456xf32>, vector<32x456xf32> -> vector<32x912xf32>
    %dot_general3A_49 = arith.constant dense<0.000000e+00> : vector<32x256xf32>
    %dot_general3A_50 = tpu.matmul %concatenate3A_48, %get3A_9, %dot_general3A_49 {dimension_numbers = #tpu.dot_dimension_numbers<[1], [0], [0], [1], [0, 0, 1, 1], [], []>, transpose_lhs_hint = false} : vector<32x912xf32>, vector<912x256xf32>, vector<32x256xf32> -> vector<32x256xf32>
    %add3A_51 = vector.broadcast %get3A_12 : vector<1x256xf32> to vector<32x256xf32>
    %add3A_52 = arith.addf %dot_general3A_50, %add3A_51 : vector<32x256xf32>
    %max3A_53 = arith.maximumf %max3A, %add3A_52 : vector<32x256xf32>
    %get3A_54 = arith.constant 0 : index
    %get3A_55 = arith.constant 3 : index
    %get3A_56 = vector.load %arg1[%get3A_54, %get3A_55] : memref<32x8xi32, #tpu.memory_space<vmem>>, vector<32x1xi32>
    %eq3A_57 = vector.broadcast %get3A_56 : vector<32x1xi32> to vector<32x32xi32>
    %eq3A_58 = arith.cmpi eq, %eq3A_57, %iota3A : vector<32x32xi32>
    %convert_element_type3A_59 = arith.extui %eq3A_58 : vector<32x32xi1> to vector<32x32xi32>
    %convert_element_type3A_60 = arith.sitofp %convert_element_type3A_59 : vector<32x32xi32> to vector<32x32xf32>
    %dot_general3A_61 = arith.constant dense<0.000000e+00> : vector<32x456xf32>
    %dot_general3A_62 = tpu.matmul %convert_element_type3A_60, %mul3A_6, %dot_general3A_61 {dimension_numbers = #tpu.dot_dimension_numbers<[1], [0], [0], [1], [0, 0, 1, 1], [], []>, precision = #tpu.contract_precision<fp32>, transpose_lhs_hint = false} : vector<32x32xf32>, vector<32x456xf32>, vector<32x456xf32> -> vector<32x456xf32>
    %sub3A_63 = arith.subf %dot_general3A_62, %mul3A_6 : vector<32x456xf32>
    %concatenate3A_64 = tpu.concatenate %sub3A_63, %mul3A_6 in 1 : vector<32x456xf32>, vector<32x456xf32> -> vector<32x912xf32>
    %dot_general3A_65 = arith.constant dense<0.000000e+00> : vector<32x256xf32>
    %dot_general3A_66 = tpu.matmul %concatenate3A_64, %get3A_9, %dot_general3A_65 {dimension_numbers = #tpu.dot_dimension_numbers<[1], [0], [0], [1], [0, 0, 1, 1], [], []>, transpose_lhs_hint = false} : vector<32x912xf32>, vector<912x256xf32>, vector<32x256xf32> -> vector<32x256xf32>
    %add3A_67 = vector.broadcast %get3A_12 : vector<1x256xf32> to vector<32x256xf32>
    %add3A_68 = arith.addf %dot_general3A_66, %add3A_67 : vector<32x256xf32>
    %max3A_69 = arith.maximumf %max3A_53, %add3A_68 : vector<32x256xf32>
    %gt3A = arith.constant 0.000000e+00 : f32
    %gt3A_70 = vector.broadcast %gt3A : f32 to vector<32x256xf32>
    %gt3A_71 = arith.cmpf ogt, %max3A_69, %gt3A_70 : vector<32x256xf32>
    %mul3A_72 = arith.constant 2.000000e-01 : f32
    %mul3A_73 = vector.broadcast %mul3A_72 : f32 to vector<32x256xf32>
    %mul3A_74 = arith.mulf %mul3A_73, %max3A_69 : vector<32x256xf32>
    %select_n3A = arith.select %gt3A_71, %max3A_69, %mul3A_74 : vector<32x256xi1>, vector<32x256xf32>
    %get3A_75 = arith.constant 0 : index
    %get3A_76 = arith.constant 0 : index
    %get3A_77 = vector.load %arg4[%get3A_75, %get3A_76] : memref<512x128xf32, #tpu.memory_space<vmem>>, vector<512x128xf32>
    %get3A_78 = arith.constant 0 : index
    %get3A_79 = arith.constant 0 : index
    %get3A_80 = vector.load %arg5[%get3A_78, %get3A_79] : memref<1x128xf32, #tpu.memory_space<vmem>>, vector<1x128xf32>
    %get3A_81 = arith.constant 0 : index
    %get3A_82 = arith.constant 0 : index
    %get3A_83 = vector.load %arg1[%get3A_81, %get3A_82] : memref<32x8xi32, #tpu.memory_space<vmem>>, vector<32x1xi32>
    %eq3A_84 = vector.broadcast %get3A_83 : vector<32x1xi32> to vector<32x32xi32>
    %eq3A_85 = arith.cmpi eq, %eq3A_84, %iota3A : vector<32x32xi32>
    %convert_element_type3A_86 = arith.extui %eq3A_85 : vector<32x32xi1> to vector<32x32xi32>
    %convert_element_type3A_87 = arith.sitofp %convert_element_type3A_86 : vector<32x32xi32> to vector<32x32xf32>
    %dot_general3A_88 = arith.constant dense<0.000000e+00> : vector<32x256xf32>
    %dot_general3A_89 = tpu.matmul %convert_element_type3A_87, %select_n3A, %dot_general3A_88 {dimension_numbers = #tpu.dot_dimension_numbers<[1], [0], [0], [1], [0, 0, 1, 1], [], []>, precision = #tpu.contract_precision<fp32>, transpose_lhs_hint = false} : vector<32x32xf32>, vector<32x256xf32>, vector<32x256xf32> -> vector<32x256xf32>
    %sub3A_90 = arith.subf %dot_general3A_89, %select_n3A : vector<32x256xf32>
    %concatenate3A_91 = tpu.concatenate %sub3A_90, %select_n3A in 1 : vector<32x256xf32>, vector<32x256xf32> -> vector<32x512xf32>
    %dot_general3A_92 = arith.constant dense<0.000000e+00> : vector<32x128xf32>
    %dot_general3A_93 = tpu.matmul %concatenate3A_91, %get3A_77, %dot_general3A_92 {dimension_numbers = #tpu.dot_dimension_numbers<[1], [0], [0], [1], [0, 0, 1, 1], [], []>, transpose_lhs_hint = false} : vector<32x512xf32>, vector<512x128xf32>, vector<32x128xf32> -> vector<32x128xf32>
    %add3A_94 = vector.broadcast %get3A_80 : vector<1x128xf32> to vector<32x128xf32>
    %add3A_95 = arith.addf %dot_general3A_93, %add3A_94 : vector<32x128xf32>
    %get3A_96 = arith.constant 0 : index
    %get3A_97 = arith.constant 1 : index
    %get3A_98 = vector.load %arg1[%get3A_96, %get3A_97] : memref<32x8xi32, #tpu.memory_space<vmem>>, vector<32x1xi32>
    %eq3A_99 = vector.broadcast %get3A_98 : vector<32x1xi32> to vector<32x32xi32>
    %eq3A_100 = arith.cmpi eq, %eq3A_99, %iota3A : vector<32x32xi32>
    %convert_element_type3A_101 = arith.extui %eq3A_100 : vector<32x32xi1> to vector<32x32xi32>
    %convert_element_type3A_102 = arith.sitofp %convert_element_type3A_101 : vector<32x32xi32> to vector<32x32xf32>
    %dot_general3A_103 = arith.constant dense<0.000000e+00> : vector<32x256xf32>
    %dot_general3A_104 = tpu.matmul %convert_element_type3A_102, %select_n3A, %dot_general3A_103 {dimension_numbers = #tpu.dot_dimension_numbers<[1], [0], [0], [1], [0, 0, 1, 1], [], []>, precision = #tpu.contract_precision<fp32>, transpose_lhs_hint = false} : vector<32x32xf32>, vector<32x256xf32>, vector<32x256xf32> -> vector<32x256xf32>
    %sub3A_105 = arith.subf %dot_general3A_104, %select_n3A : vector<32x256xf32>
    %concatenate3A_106 = tpu.concatenate %sub3A_105, %select_n3A in 1 : vector<32x256xf32>, vector<32x256xf32> -> vector<32x512xf32>
    %dot_general3A_107 = arith.constant dense<0.000000e+00> : vector<32x128xf32>
    %dot_general3A_108 = tpu.matmul %concatenate3A_106, %get3A_77, %dot_general3A_107 {dimension_numbers = #tpu.dot_dimension_numbers<[1], [0], [0], [1], [0, 0, 1, 1], [], []>, transpose_lhs_hint = false} : vector<32x512xf32>, vector<512x128xf32>, vector<32x128xf32> -> vector<32x128xf32>
    %add3A_109 = vector.broadcast %get3A_80 : vector<1x128xf32> to vector<32x128xf32>
    %add3A_110 = arith.addf %dot_general3A_108, %add3A_109 : vector<32x128xf32>
    %max3A_111 = arith.maximumf %add3A_95, %add3A_110 : vector<32x128xf32>
    %get3A_112 = arith.constant 0 : index
    %get3A_113 = arith.constant 2 : index
    %get3A_114 = vector.load %arg1[%get3A_112, %get3A_113] : memref<32x8xi32, #tpu.memory_space<vmem>>, vector<32x1xi32>
    %eq3A_115 = vector.broadcast %get3A_114 : vector<32x1xi32> to vector<32x32xi32>
    %eq3A_116 = arith.cmpi eq, %eq3A_115, %iota3A : vector<32x32xi32>
    %convert_element_type3A_117 = arith.extui %eq3A_116 : vector<32x32xi1> to vector<32x32xi32>
    %convert_element_type3A_118 = arith.sitofp %convert_element_type3A_117 : vector<32x32xi32> to vector<32x32xf32>
    %dot_general3A_119 = arith.constant dense<0.000000e+00> : vector<32x256xf32>
    %dot_general3A_120 = tpu.matmul %convert_element_type3A_118, %select_n3A, %dot_general3A_119 {dimension_numbers = #tpu.dot_dimension_numbers<[1], [0], [0], [1], [0, 0, 1, 1], [], []>, precision = #tpu.contract_precision<fp32>, transpose_lhs_hint = false} : vector<32x32xf32>, vector<32x256xf32>, vector<32x256xf32> -> vector<32x256xf32>
    %sub3A_121 = arith.subf %dot_general3A_120, %select_n3A : vector<32x256xf32>
    %concatenate3A_122 = tpu.concatenate %sub3A_121, %select_n3A in 1 : vector<32x256xf32>, vector<32x256xf32> -> vector<32x512xf32>
    %dot_general3A_123 = arith.constant dense<0.000000e+00> : vector<32x128xf32>
    %dot_general3A_124 = tpu.matmul %concatenate3A_122, %get3A_77, %dot_general3A_123 {dimension_numbers = #tpu.dot_dimension_numbers<[1], [0], [0], [1], [0, 0, 1, 1], [], []>, transpose_lhs_hint = false} : vector<32x512xf32>, vector<512x128xf32>, vector<32x128xf32> -> vector<32x128xf32>
    %add3A_125 = vector.broadcast %get3A_80 : vector<1x128xf32> to vector<32x128xf32>
    %add3A_126 = arith.addf %dot_general3A_124, %add3A_125 : vector<32x128xf32>
    %max3A_127 = arith.maximumf %max3A_111, %add3A_126 : vector<32x128xf32>
    %get3A_128 = arith.constant 0 : index
    %get3A_129 = arith.constant 3 : index
    %get3A_130 = vector.load %arg1[%get3A_128, %get3A_129] : memref<32x8xi32, #tpu.memory_space<vmem>>, vector<32x1xi32>
    %eq3A_131 = vector.broadcast %get3A_130 : vector<32x1xi32> to vector<32x32xi32>
    %eq3A_132 = arith.cmpi eq, %eq3A_131, %iota3A : vector<32x32xi32>
    %convert_element_type3A_133 = arith.extui %eq3A_132 : vector<32x32xi1> to vector<32x32xi32>
    %convert_element_type3A_134 = arith.sitofp %convert_element_type3A_133 : vector<32x32xi32> to vector<32x32xf32>
    %dot_general3A_135 = arith.constant dense<0.000000e+00> : vector<32x256xf32>
    %dot_general3A_136 = tpu.matmul %convert_element_type3A_134, %select_n3A, %dot_general3A_135 {dimension_numbers = #tpu.dot_dimension_numbers<[1], [0], [0], [1], [0, 0, 1, 1], [], []>, precision = #tpu.contract_precision<fp32>, transpose_lhs_hint = false} : vector<32x32xf32>, vector<32x256xf32>, vector<32x256xf32> -> vector<32x256xf32>
    %sub3A_137 = arith.subf %dot_general3A_136, %select_n3A : vector<32x256xf32>
    %concatenate3A_138 = tpu.concatenate %sub3A_137, %select_n3A in 1 : vector<32x256xf32>, vector<32x256xf32> -> vector<32x512xf32>
    %dot_general3A_139 = arith.constant dense<0.000000e+00> : vector<32x128xf32>
    %dot_general3A_140 = tpu.matmul %concatenate3A_138, %get3A_77, %dot_general3A_139 {dimension_numbers = #tpu.dot_dimension_numbers<[1], [0], [0], [1], [0, 0, 1, 1], [], []>, transpose_lhs_hint = false} : vector<32x512xf32>, vector<512x128xf32>, vector<32x128xf32> -> vector<32x128xf32>
    %add3A_141 = vector.broadcast %get3A_80 : vector<1x128xf32> to vector<32x128xf32>
    %add3A_142 = arith.addf %dot_general3A_140, %add3A_141 : vector<32x128xf32>
    %max3A_143 = arith.maximumf %max3A_127, %add3A_142 : vector<32x128xf32>
    %gt3A_144 = arith.constant 0.000000e+00 : f32
    %gt3A_145 = vector.broadcast %gt3A_144 : f32 to vector<32x128xf32>
    %gt3A_146 = arith.cmpf ogt, %max3A_143, %gt3A_145 : vector<32x128xf32>
    %mul3A_147 = arith.constant 2.000000e-01 : f32
    %mul3A_148 = vector.broadcast %mul3A_147 : f32 to vector<32x128xf32>
    %mul3A_149 = arith.mulf %mul3A_148, %max3A_143 : vector<32x128xf32>
    %select_n3A_150 = arith.select %gt3A_146, %max3A_143, %mul3A_149 : vector<32x128xi1>, vector<32x128xf32>
    %get3A_151 = arith.constant 0 : index
    %get3A_152 = arith.constant 0 : index
    %get3A_153 = vector.load %arg6[%get3A_151, %get3A_152] : memref<256x64xf32, #tpu.memory_space<vmem>>, vector<256x64xf32>
    %get3A_154 = arith.constant 0 : index
    %get3A_155 = arith.constant 0 : index
    %get3A_156 = vector.load %arg7[%get3A_154, %get3A_155] : memref<1x64xf32, #tpu.memory_space<vmem>>, vector<1x64xf32>
    %get3A_157 = arith.constant 0 : index
    %get3A_158 = arith.constant 0 : index
    %get3A_159 = vector.load %arg1[%get3A_157, %get3A_158] : memref<32x8xi32, #tpu.memory_space<vmem>>, vector<32x1xi32>
    %eq3A_160 = vector.broadcast %get3A_159 : vector<32x1xi32> to vector<32x32xi32>
    %eq3A_161 = arith.cmpi eq, %eq3A_160, %iota3A : vector<32x32xi32>
    %convert_element_type3A_162 = arith.extui %eq3A_161 : vector<32x32xi1> to vector<32x32xi32>
    %convert_element_type3A_163 = arith.sitofp %convert_element_type3A_162 : vector<32x32xi32> to vector<32x32xf32>
    %dot_general3A_164 = arith.constant dense<0.000000e+00> : vector<32x128xf32>
    %dot_general3A_165 = tpu.matmul %convert_element_type3A_163, %select_n3A_150, %dot_general3A_164 {dimension_numbers = #tpu.dot_dimension_numbers<[1], [0], [0], [1], [0, 0, 1, 1], [], []>, precision = #tpu.contract_precision<fp32>, transpose_lhs_hint = false} : vector<32x32xf32>, vector<32x128xf32>, vector<32x128xf32> -> vector<32x128xf32>
    %sub3A_166 = arith.subf %dot_general3A_165, %select_n3A_150 : vector<32x128xf32>
    %concatenate3A_167 = tpu.concatenate %sub3A_166, %select_n3A_150 in 1 : vector<32x128xf32>, vector<32x128xf32> -> vector<32x256xf32>
    %dot_general3A_168 = arith.constant dense<0.000000e+00> : vector<32x64xf32>
    %dot_general3A_169 = tpu.matmul %concatenate3A_167, %get3A_153, %dot_general3A_168 {dimension_numbers = #tpu.dot_dimension_numbers<[1], [0], [0], [1], [0, 0, 1, 1], [], []>, transpose_lhs_hint = false} : vector<32x256xf32>, vector<256x64xf32>, vector<32x64xf32> -> vector<32x64xf32>
    %add3A_170 = vector.broadcast %get3A_156 : vector<1x64xf32> to vector<32x64xf32>
    %add3A_171 = arith.addf %dot_general3A_169, %add3A_170 : vector<32x64xf32>
    %get3A_172 = arith.constant 0 : index
    %get3A_173 = arith.constant 1 : index
    %get3A_174 = vector.load %arg1[%get3A_172, %get3A_173] : memref<32x8xi32, #tpu.memory_space<vmem>>, vector<32x1xi32>
    %eq3A_175 = vector.broadcast %get3A_174 : vector<32x1xi32> to vector<32x32xi32>
    %eq3A_176 = arith.cmpi eq, %eq3A_175, %iota3A : vector<32x32xi32>
    %convert_element_type3A_177 = arith.extui %eq3A_176 : vector<32x32xi1> to vector<32x32xi32>
    %convert_element_type3A_178 = arith.sitofp %convert_element_type3A_177 : vector<32x32xi32> to vector<32x32xf32>
    %dot_general3A_179 = arith.constant dense<0.000000e+00> : vector<32x128xf32>
    %dot_general3A_180 = tpu.matmul %convert_element_type3A_178, %select_n3A_150, %dot_general3A_179 {dimension_numbers = #tpu.dot_dimension_numbers<[1], [0], [0], [1], [0, 0, 1, 1], [], []>, precision = #tpu.contract_precision<fp32>, transpose_lhs_hint = false} : vector<32x32xf32>, vector<32x128xf32>, vector<32x128xf32> -> vector<32x128xf32>
    %sub3A_181 = arith.subf %dot_general3A_180, %select_n3A_150 : vector<32x128xf32>
    %concatenate3A_182 = tpu.concatenate %sub3A_181, %select_n3A_150 in 1 : vector<32x128xf32>, vector<32x128xf32> -> vector<32x256xf32>
    %dot_general3A_183 = arith.constant dense<0.000000e+00> : vector<32x64xf32>
    %dot_general3A_184 = tpu.matmul %concatenate3A_182, %get3A_153, %dot_general3A_183 {dimension_numbers = #tpu.dot_dimension_numbers<[1], [0], [0], [1], [0, 0, 1, 1], [], []>, transpose_lhs_hint = false} : vector<32x256xf32>, vector<256x64xf32>, vector<32x64xf32> -> vector<32x64xf32>
    %add3A_185 = vector.broadcast %get3A_156 : vector<1x64xf32> to vector<32x64xf32>
    %add3A_186 = arith.addf %dot_general3A_184, %add3A_185 : vector<32x64xf32>
    %max3A_187 = arith.maximumf %add3A_171, %add3A_186 : vector<32x64xf32>
    %get3A_188 = arith.constant 0 : index
    %get3A_189 = arith.constant 2 : index
    %get3A_190 = vector.load %arg1[%get3A_188, %get3A_189] : memref<32x8xi32, #tpu.memory_space<vmem>>, vector<32x1xi32>
    %eq3A_191 = vector.broadcast %get3A_190 : vector<32x1xi32> to vector<32x32xi32>
    %eq3A_192 = arith.cmpi eq, %eq3A_191, %iota3A : vector<32x32xi32>
    %convert_element_type3A_193 = arith.extui %eq3A_192 : vector<32x32xi1> to vector<32x32xi32>
    %convert_element_type3A_194 = arith.sitofp %convert_element_type3A_193 : vector<32x32xi32> to vector<32x32xf32>
    %dot_general3A_195 = arith.constant dense<0.000000e+00> : vector<32x128xf32>
    %dot_general3A_196 = tpu.matmul %convert_element_type3A_194, %select_n3A_150, %dot_general3A_195 {dimension_numbers = #tpu.dot_dimension_numbers<[1], [0], [0], [1], [0, 0, 1, 1], [], []>, precision = #tpu.contract_precision<fp32>, transpose_lhs_hint = false} : vector<32x32xf32>, vector<32x128xf32>, vector<32x128xf32> -> vector<32x128xf32>
    %sub3A_197 = arith.subf %dot_general3A_196, %select_n3A_150 : vector<32x128xf32>
    %concatenate3A_198 = tpu.concatenate %sub3A_197, %select_n3A_150 in 1 : vector<32x128xf32>, vector<32x128xf32> -> vector<32x256xf32>
    %dot_general3A_199 = arith.constant dense<0.000000e+00> : vector<32x64xf32>
    %dot_general3A_200 = tpu.matmul %concatenate3A_198, %get3A_153, %dot_general3A_199 {dimension_numbers = #tpu.dot_dimension_numbers<[1], [0], [0], [1], [0, 0, 1, 1], [], []>, transpose_lhs_hint = false} : vector<32x256xf32>, vector<256x64xf32>, vector<32x64xf32> -> vector<32x64xf32>
    %add3A_201 = vector.broadcast %get3A_156 : vector<1x64xf32> to vector<32x64xf32>
    %add3A_202 = arith.addf %dot_general3A_200, %add3A_201 : vector<32x64xf32>
    %max3A_203 = arith.maximumf %max3A_187, %add3A_202 : vector<32x64xf32>
    %get3A_204 = arith.constant 0 : index
    %get3A_205 = arith.constant 3 : index
    %get3A_206 = vector.load %arg1[%get3A_204, %get3A_205] : memref<32x8xi32, #tpu.memory_space<vmem>>, vector<32x1xi32>
    %eq3A_207 = vector.broadcast %get3A_206 : vector<32x1xi32> to vector<32x32xi32>
    %eq3A_208 = arith.cmpi eq, %eq3A_207, %iota3A : vector<32x32xi32>
    %convert_element_type3A_209 = arith.extui %eq3A_208 : vector<32x32xi1> to vector<32x32xi32>
    %convert_element_type3A_210 = arith.sitofp %convert_element_type3A_209 : vector<32x32xi32> to vector<32x32xf32>
    %dot_general3A_211 = arith.constant dense<0.000000e+00> : vector<32x128xf32>
    %dot_general3A_212 = tpu.matmul %convert_element_type3A_210, %select_n3A_150, %dot_general3A_211 {dimension_numbers = #tpu.dot_dimension_numbers<[1], [0], [0], [1], [0, 0, 1, 1], [], []>, precision = #tpu.contract_precision<fp32>, transpose_lhs_hint = false} : vector<32x32xf32>, vector<32x128xf32>, vector<32x128xf32> -> vector<32x128xf32>
    %sub3A_213 = arith.subf %dot_general3A_212, %select_n3A_150 : vector<32x128xf32>
    %concatenate3A_214 = tpu.concatenate %sub3A_213, %select_n3A_150 in 1 : vector<32x128xf32>, vector<32x128xf32> -> vector<32x256xf32>
    %dot_general3A_215 = arith.constant dense<0.000000e+00> : vector<32x64xf32>
    %dot_general3A_216 = tpu.matmul %concatenate3A_214, %get3A_153, %dot_general3A_215 {dimension_numbers = #tpu.dot_dimension_numbers<[1], [0], [0], [1], [0, 0, 1, 1], [], []>, transpose_lhs_hint = false} : vector<32x256xf32>, vector<256x64xf32>, vector<32x64xf32> -> vector<32x64xf32>
    %add3A_217 = vector.broadcast %get3A_156 : vector<1x64xf32> to vector<32x64xf32>
    %add3A_218 = arith.addf %dot_general3A_216, %add3A_217 : vector<32x64xf32>
    %max3A_219 = arith.maximumf %max3A_203, %add3A_218 : vector<32x64xf32>
    %gt3A_220 = arith.constant 0.000000e+00 : f32
    %gt3A_221 = vector.broadcast %gt3A_220 : f32 to vector<32x64xf32>
    %gt3A_222 = arith.cmpf ogt, %max3A_219, %gt3A_221 : vector<32x64xf32>
    %mul3A_223 = arith.constant 2.000000e-01 : f32
    %mul3A_224 = vector.broadcast %mul3A_223 : f32 to vector<32x64xf32>
    %mul3A_225 = arith.mulf %mul3A_224, %max3A_219 : vector<32x64xf32>
    %select_n3A_226 = arith.select %gt3A_222, %max3A_219, %mul3A_225 : vector<32x64xi1>, vector<32x64xf32>
    %concatenate3A_227 = tpu.concatenate %select_n3A, %select_n3A_150, %select_n3A_226 in 1 : vector<32x256xf32>, vector<32x128xf32>, vector<32x64xf32> -> vector<32x448xf32>
    %get3A_228 = arith.constant 0 : index
    %get3A_229 = arith.constant 0 : index
    %get3A_230 = vector.load %arg8[%get3A_228, %get3A_229] : memref<448x512xf32, #tpu.memory_space<vmem>>, vector<448x512xf32>
    %dot_general3A_231 = arith.constant dense<0.000000e+00> : vector<32x512xf32>
    %dot_general3A_232 = tpu.matmul %concatenate3A_227, %get3A_230, %dot_general3A_231 {dimension_numbers = #tpu.dot_dimension_numbers<[1], [0], [0], [1], [0, 0, 1, 1], [], []>, transpose_lhs_hint = false} : vector<32x448xf32>, vector<448x512xf32>, vector<32x512xf32> -> vector<32x512xf32>
    %get3A_233 = arith.constant 0 : index
    %get3A_234 = arith.constant 0 : index
    %get3A_235 = vector.load %arg9[%get3A_233, %get3A_234] : memref<1x512xf32, #tpu.memory_space<vmem>>, vector<1x512xf32>
    %add3A_236 = vector.broadcast %get3A_235 : vector<1x512xf32> to vector<32x512xf32>
    %add3A_237 = arith.addf %dot_general3A_232, %add3A_236 : vector<32x512xf32>
    %gt3A_238 = arith.constant 0.000000e+00 : f32
    %gt3A_239 = vector.broadcast %gt3A_238 : f32 to vector<32x512xf32>
    %gt3A_240 = arith.cmpf ogt, %add3A_237, %gt3A_239 : vector<32x512xf32>
    %mul3A_241 = arith.constant 2.000000e-01 : f32
    %mul3A_242 = vector.broadcast %mul3A_241 : f32 to vector<32x512xf32>
    %mul3A_243 = arith.mulf %mul3A_242, %add3A_237 : vector<32x512xf32>
    %select_n3A_244 = arith.select %gt3A_240, %add3A_237, %mul3A_243 : vector<32x512xi1>, vector<32x512xf32>
    %get3A_245 = arith.constant 0 : index
    %get3A_246 = arith.constant 0 : index
    %get3A_247 = vector.load %arg10[%get3A_245, %get3A_246] : memref<512x256xf32, #tpu.memory_space<vmem>>, vector<512x256xf32>
    %dot_general3A_248 = arith.constant dense<0.000000e+00> : vector<32x256xf32>
    %dot_general3A_249 = tpu.matmul %select_n3A_244, %get3A_247, %dot_general3A_248 {dimension_numbers = #tpu.dot_dimension_numbers<[1], [0], [0], [1], [0, 0, 1, 1], [], []>, transpose_lhs_hint = false} : vector<32x512xf32>, vector<512x256xf32>, vector<32x256xf32> -> vector<32x256xf32>
    %get3A_250 = arith.constant 0 : index
    %get3A_251 = arith.constant 0 : index
    %get3A_252 = vector.load %arg11[%get3A_250, %get3A_251] : memref<1x256xf32, #tpu.memory_space<vmem>>, vector<1x256xf32>
    %add3A_253 = vector.broadcast %get3A_252 : vector<1x256xf32> to vector<32x256xf32>
    %add3A_254 = arith.addf %dot_general3A_249, %add3A_253 : vector<32x256xf32>
    %gt3A_255 = arith.constant 0.000000e+00 : f32
    %gt3A_256 = vector.broadcast %gt3A_255 : f32 to vector<32x256xf32>
    %gt3A_257 = arith.cmpf ogt, %add3A_254, %gt3A_256 : vector<32x256xf32>
    %mul3A_258 = arith.constant 2.000000e-01 : f32
    %mul3A_259 = vector.broadcast %mul3A_258 : f32 to vector<32x256xf32>
    %mul3A_260 = arith.mulf %mul3A_259, %add3A_254 : vector<32x256xf32>
    %select_n3A_261 = arith.select %gt3A_257, %add3A_254, %mul3A_260 : vector<32x256xi1>, vector<32x256xf32>
    %get3A_262 = arith.constant 0 : index
    %get3A_263 = arith.constant 0 : index
    %get3A_264 = vector.load %arg12[%get3A_262, %get3A_263] : memref<256x8xf32, #tpu.memory_space<vmem>>, vector<256x8xf32>
    %dot_general3A_265 = arith.constant dense<0.000000e+00> : vector<32x8xf32>
    %dot_general3A_266 = tpu.matmul %select_n3A_261, %get3A_264, %dot_general3A_265 {dimension_numbers = #tpu.dot_dimension_numbers<[1], [0], [0], [1], [0, 0, 1, 1], [], []>, transpose_lhs_hint = false} : vector<32x256xf32>, vector<256x8xf32>, vector<32x8xf32> -> vector<32x8xf32>
    %get3A_267 = arith.constant 0 : index
    %get3A_268 = arith.constant 0 : index
    %get3A_269 = vector.load %arg13[%get3A_267, %get3A_268] : memref<1x8xf32, #tpu.memory_space<vmem>>, vector<1x8xf32>
    %add3A_270 = vector.broadcast %get3A_269 : vector<1x8xf32> to vector<32x8xf32>
    %add3A_271 = arith.addf %dot_general3A_266, %add3A_270 : vector<32x8xf32>
    %swap3A = arith.constant 0 : index
    %swap3A_272 = arith.constant 0 : index
    %swap3A_273 = vector.load %arg14[%swap3A, %swap3A_272] : memref<32x8xf32, #tpu.memory_space<vmem>>, vector<32x8xf32>
    tpu.vector_store %arg14[%swap3A, %swap3A_272], %add3A_271 {strides = array<i32>} : memref<32x8xf32, #tpu.memory_space<vmem>>, vector<32x8xf32>,
    return
  }
}

</mosaic_0001>

<sc_bundles>
// kernel: sc_gather_rows_128.4.cloned.1.call-start
scs
__scs_entry_jumppad:
0x0: {  	(pc) =	sbr.rel $0x88, $3  }
0x1: {  	(tag) =	ssettag $0x0;
	lr =	simm.s32 $0x1  }
0x2: {  	[smem:$0x3F83] =	sst lr;
	_ =	strace $0xD0000000  }
0x3: {  	_ = 	snop  }
0x4: {  	_ = 	snop  }
0x5: {  	_ = 	snop  }
0x6: {  	_ = 	snop  }
0x7: {  	_ = 	snop  }
__scs_overlays_trampoline_lowered:
0x8: {  	[smem:$0x3F92] =	sst s0  }
0x9: {  	[smem:$0x3F93] =	sst s1  }
0xa: {  	[smem:$0x3F94] =	sst s2  }
0xb: {  	[smem:$0x3F95] =	sst s3  }
0xc: {  	[smem:$0x3F96] =	sst s4  }
0xd: {  	[smem:$0x3F97] =	sst s5  }
0xe: {  	[smem:$0x3F98] =	sst s6  }
0xf: {  	[smem:$0x3F99] =	sst s7  }
0x10: {  	[smem:$0x3F9A] =	sst s8  }
0x11: {  	[smem:$0x3F9B] =	sst s9;
	s0 =	simm.s32 @!p0 $0x0  }
0x12: {  	s1 =	sld [smem:$0x3F81];
	s0 =	simm.s32 @p0 $0x1  }
0x13: {  	[smem:$0x3F9C] =	sst s0;
	s0 =	simm.s32 @!p1 $0x0  }
0x14: {  	s2 =	sld [smem:$0x3F80];
	s0 =	simm.s32 @p1 $0x1  }
0x15: {  	[smem:$0x3F9D] =	sst s0;
	s0 =	simm.s32 @!p2 $0x0  }
0x16: {  	s3 =	sld [smem:$0x3FDB];
	s0 =	simm.s32 @p2 $0x1  }
0x17: {  	s4 =	simm.s32 $0x1BF5;
	[smem:$0x3F9F] =	sst s0  }
0x18: {  	s0 =	sld [smem:$0x3F82];
	_ =	swait.ge [sflag:s4], $0x0  }
0x19: {  	s7 =	sld [smem:$0x3F83]  }
0x1a: {  	s8 =	sadd.s32 $0xFFFFE003, lr  }
0x1b: {  	s9 =	sadd.s32 $0xFFFFFEF7, lr;
	s5 =	simm.s32 $0xFFFFFFFF;
	p2 =	slt.u32 s8, $0xFFFFF086  }
0x1c: {  	p1 =	slt.u32 s9, $0xF7A;
	s5 =	simm.s32 @!p2 $0x0  }
0x1d: {  	s5 =	simm.s32 @p1 $0x1;
	p0 =	seq.s32 s7, s2  }
0x1e: {  	s7 =	smul.u32 @!p0 $0xF7A, s2;
	p2 =	seq.s32 @!p0 s5, $0x0  }
0x1f: {  	s9 =	smul.u32 $0xF7A, s1;
	s8 =	simm.s32 @!p0 $0x1BF5;
	p2 =	por !p2, p0  }
0x20: {  	[sflag:s8] =	ssyncset.s32 @!p0 $0xFFFFF086;
	s6 =	sadd.s32 @!p0 s3, s7;
	s7 =	simm.s32 @!p0 $0x108  }
0x21: {  	s3 =	sadd.s32 s3, s9;
	s6 =	sadd.s32 @!p0 $0x88, s6;
	s7 =	simm.s32 @p2 $0x1082  }
0x22: {  	[simem:s7], [sflag:s8] =	dma.local @!p0 [hbm:s6], $0xF7A  }
0x23: {  	s9 =	sor.u32 $0xD0000000, s2;
	s6 =	simm.s32 $0x108;
	_ =	swait.ge @!p0 [sflag:s8], $0x0  }
0x24: {  	s3 =	sadd.s32 $0x88, s3;
	s6 =	simm.s32 @!p1 $0x1082;
	[sflag:s4] =	ssyncset.s32 $0xFFFFF086  }
0x25: {  	[simem:s6], [sflag:s4] =	dma.local [hbm:s3], $0xF7A  }
0x26: {  	[smem:$0x3F83] =	sst s1;
	(tag) =	ssettag s2;
	_ =	strace s9  }
0x27: {  	s1 =	sld [smem:$0x3F93]  }
0x28: {  	s2 =	sld [smem:$0x3F94]  }
0x29: {  	s4 =	sld [smem:$0x3F96]  }
0x2a: {  	p0 =	seq.s32 s5, $0x0;
	s5 =	sld [smem:$0x3F97]  }
0x2b: {  	s6 =	sld [smem:$0x3F98]  }
0x2c: {  	s7 =	sld [smem:$0x3F99]  }
0x2d: {  	s3 =	simm.s32 $0x108;
	s8 =	sld [smem:$0x3F9A]  }
0x2e: {  	s3 =	simm.s32 @!p0 $0x1082;
	s9 =	sld [smem:$0x3F9B]  }
0x2f: {  	lr =	sadd.s32 s0, s3;
	s0 =	sld [smem:$0x3F92]  }
0x30: {  	s3 =	sld [smem:$0x3F95]  }
0x31: {  	[smem:$0x3F9E] =	sst s10  }
0x32: {  	s10 =	sld [smem:$0x3F9C];
	_ =	sdelay $0x3  }
0x33: {  	p0 =	seq.s32 s10, $0x1;
	s10 =	sld [smem:$0x3F9E];
	_ =	sdelay $0x3  }
0x34: {  	[smem:$0x3F9E] =	sst s10  }
0x35: {  	s10 =	sld [smem:$0x3F9D];
	_ =	sdelay $0x3  }
0x36: {  	p1 =	seq.s32 s10, $0x1;
	s10 =	sld [smem:$0x3F9E];
	_ =	sdelay $0x3  }
0x37: {  	[smem:$0x3F9E] =	sst s10  }
0x38: {  	s10 =	sld [smem:$0x3F9F]  }
0x39: {  	_ = 	snop;
	(pc) =	sbr.ind lr, $3  }
0x3a: {  	_ = 	snop  }
0x3b: {  	_ = 	snop  }
0x3c: {  	p2 =	seq.s32 s10, $0x1;
	s10 =	sld [smem:$0x3F9E]  }
0x3d: {  	_ =	shalt  }
0x3e: {  	_ =	shalt  }
0x3f: {  	_ =	shalt  }
0x40: {  	_ =	shalt  }
0x41: {  	_ =	shalt  }
0x42: {  	_ =	shalt  }
0x43: {  	_ =	shalt  }
0x44: {  	_ =	shalt  }
0x45: {  	_ =	shalt  }
0x46: {  	_ =	shalt  }
0x47: {  	_ =	shalt  }
0x48: {  	_ =	shalt  }
0x49: {  	_ =	shalt  }
0x4a: {  	_ =	shalt  }
0x4b: {  	_ =	shalt  }
0x4c: {  	_ =	shalt  }
0x4d: {  	_ =	shalt  }
0x4e: {  	_ =	shalt  }
0x4f: {  	_ =	shalt  }
0x50: {  	_ =	shalt  }
0x51: {  	_ =	shalt  }
0x52: {  	_ =	shalt  }
0x53: {  	_ =	shalt  }
0x54: {  	_ =	shalt  }
0x55: {  	_ =	shalt  }
0x56: {  	_ =	shalt  }
0x57: {  	_ =	shalt  }
0x58: {  	_ =	shalt  }
0x59: {  	_ =	shalt  }
0x5a: {  	_ =	shalt  }
0x5b: {  	_ =	shalt  }
0x5c: {  	_ =	shalt  }
0x5d: {  	_ =	shalt  }
0x5e: {  	_ =	shalt  }
0x5f: {  	_ =	shalt  }
0x60: {  	_ =	shalt  }
0x61: {  	_ =	shalt  }
0x62: {  	_ =	shalt  }
0x63: {  	_ =	shalt  }
0x64: {  	_ =	shalt  }
0x65: {  	_ =	shalt  }
0x66: {  	_ =	shalt  }
0x67: {  	_ =	shalt  }
0x68: {  	_ =	shalt  }
0x69: {  	_ =	shalt  }
0x6a: {  	_ =	shalt  }
0x6b: {  	_ =	shalt  }
0x6c: {  	_ =	shalt  }
0x6d: {  	_ =	shalt  }
0x6e: {  	_ =	shalt  }
0x6f: {  	_ =	shalt  }
0x70: {  	_ =	shalt  }
0x71: {  	_ =	shalt  }
0x72: {  	_ =	shalt  }
0x73: {  	_ =	shalt  }
0x74: {  	_ =	shalt  }
0x75: {  	_ =	shalt  }
0x76: {  	_ =	shalt  }
0x77: {  	_ =	shalt  }
0x78: {  	_ =	shalt  }
0x79: {  	_ =	shalt  }
0x7a: {  	_ =	shalt  }
0x7b: {  	_ =	shalt  }
0x7c: {  	_ =	shalt  }
0x7d: {  	_ =	shalt  }
0x7e: {  	_ =	shalt  }
0x7f: {  	_ =	shalt  }
0x80: {  	_ =	shalt  }
0x81: {  	_ =	shalt  }
0x82: {  	_ =	shalt  }
0x83: {  	_ =	shalt  }
0x84: {  	_ =	shalt  }
0x85: {  	_ =	shalt  }
0x86: {  	_ =	shalt  }
0x87: {  	_ =	shalt  }
.Lfunc_end0:
.L_simem_size_0:
called_computation.2_lowered:
.L_overlay_start_0:
0x88: {  	s2 =	sld [smem:$0x3FD9]  }
0x89: {  	s3 =	sld [smem:$0x3FFE];
	_ =	sdelay $0x1  }
0x8a: {  	s1 =	srdreg.scid  }
0x8b: {  	s0 =	sand.u32 $0x1, s1  }
0x8c: {  	s17 =	sshll.u32 s0, $0xA;
	s2 =	sadd.s32 s3, s2  }
0x8d: {  	s2 =	sadd.s32 s2, s17  }
0x8e: {  	[smem:$0x3FAA] =	sst s2  }
0x8f: {  	_ = 	snop  }
0x90: {  	(tm) =	ssettm $0x1  }
0x91: {  	s18 =	sld [smem:$0x3FFB];
	_ =	sdelay $0x3  }
0x92: {  	_ =	strace s18  }
0x93: {  	s2 =	sld [smem:$0x3FFC];
	_ =	sdelay $0x3  }
0x94: {  	_ =	strace s2  }
0x95: {  	s2 =	sld [smem:$0x3FFD];
	_ =	sdelay $0x3  }
0x96: {  	_ =	strace s2  }
0x97: {  	_ =	strace $0x8FFFFFFF  }
0x98: {  	s19 =	sld [smem:$0x3FDB];
	_ =	sdelay $0x1  }
0x99: {  	s20 =	simm.s32 $_scs_section_size  }
0x9a: {  	s4 =	simm.s32 $_size__tile_overlayer_lowered;
	s5 =	simm.s32 $_tile_overlayer_lowered  }
0x9b: {  	s6 =	simm.s32 $0x1BFF;
	s21 =	sshll.u32 s5, $0x1;
	s3 =	sadd.s32 s20, s19  }
0x9c: {  	s22 =	simm.s32 $0x0;
	s4 =	sshll.u32 s4, $0x1;
	s5 =	sadd.s32 s21, s3  }
0x9d: {  	[timem:s22], [sflag:s6] =	dma.local [hbm:s5], s4  }
0x9e: {  	_ =	swait.ge [sflag:s6], s4  }
0x9f: {  	s4 =	ssub.s32 $0x0, s4;
	[sflag:s6] =	ssyncset.done $0x0  }
0xa0: {  	[sflag:s6] =	ssyncadd.s32 s4;
	_ =	sdelay $0x1  }
0xa1: {  	s23 =	simm.s32 $0x1B8B  }
0xa2: {  	_ =	swait.ge [sflag:s23], $0x1  }
0xa3: {  	[sflag:s23] =	ssyncset.done $0x0  }
0xa4: {  	[sflag:s23] =	ssyncadd.s32 $0xFFFFFFFF  }
0xa5: {  	s4 =	sld [smem:$0x0]  }
0xa6: {  	s5 =	sand.u32 $0xFFFFFFFE, s1  }
0xa7: {  	p0 =	sne.s32 s1, s5  }
0xa8: {  	s5 =	sshll.u32 @p0 s5, $0xE  }
0xa9: {  	s5 =	sadd.s32 @p0 $0x11B8D, s5;
	s6 =	sshll.u32 @p0 s4, $0x11  }
0xaa: {  	s5 =	sor.u32 @p0 s6, s5  }
0xab: {  	[sflag:s5] =	ssyncadd.remote.s32 @p0 $0x1;
	_ =	sdelay $0x1  }
0xac: {  	s5 =	simm.s32 @p0 $0x1B8D  }
0xad: {  	_ =	swait.eq @p0 [sflag:s5], $0x1  }
0xae: {  	[sflag:s5] =	ssyncadd.s32 @p0 $0xFFFFFFFF  }
0xaf: {  	s6 =	sshll.u32 @!p0 s1, $0xE  }
0xb0: {  	s6 =	sor.u32 @!p0 $0x4000, s6;
	s5 =	simm.s32 @!p0 $0x1B8D  }
0xb1: {  	s4 =	sshll.u32 @!p0 s4, $0x11;
	s6 =	sadd.s32 @!p0 $0x11B8D, s6;
	_ =	swait.eq @!p0 [sflag:s5], $0x1  }
0xb2: {  	s4 =	sor.u32 @!p0 s4, s6;
	[sflag:s5] =	ssyncadd.s32 @!p0 $0xFFFFFFFF  }
0xb3: {  	s25 =	simm.s32 $0x1B8E;
	s24 =	sld [smem:$0x3FFE];
	[sflag:s4] =	ssyncadd.remote.s32 @!p0 $0x1  }
0xb4: {  	s26 =	simm.s32 $execute0_lowered;
	[smem:$0x3FD2] =	sst s25  }
0xb5: {  	s5 =	sshll.u32 s26, $0x1;
	_ =	strace $0x8000004F;
	[dreg:$0x1] =	wrdreg $0xFFFFFFFF  }
0xb6: {  	s28 =	simm.s32 $_size_execute0_lowered;
	s3 =	sadd.s32 s3, s5;
	[dreg:$0x0] =	wrdreg $0x0  }
0xb7: {  	s5 =	sshll.u32 s28, $0x1;
	[dreg:$0x2] =	wrdreg s3  }
0xb8: {  	[dreg:$0x3] =	wrdreg s5  }
0xb9: {  	[dreg:$0x4] =	wrdreg $0xC0  }
0xba: {  	_ =	task [dreg:s22], $0x5FFFF  }
0xbb: {  	[dreg:$0x1] =	wrdreg $0xFFFFFFFF  }
0xbc: {  	[dreg:$0x0] =	wrdreg $0x60  }
0xbd: {  	[dreg:$0x2] =	wrdreg s24  }
0xbe: {  	[dreg:$0x3] =	wrdreg $0x9  }
0xbf: {  	_ =	task.clear_ibuf [dreg:s22], $0x4FFFF;
	_ =	strace $0x9000004F  }
0xc0: {  	s29 =	simm.s32 $0x9;
	_ =	strace $0x80000051  }
0xc1: {  	_ =	swait.ge [sflag:s29], $0x1  }
0xc2: {  	[sflag:s29] =	ssyncadd.s32 $0xFFFFFFFF  }
0xc3: {  	_ =	strace $0x90000051  }
0xc4: {  	_ =	sfence  }
0xc5: {  	s30 =	sld [smem:$0x0];
	_ =	sdelay $0x2  }
0xc6: {  	s31 =	sshll.u32 s1, $0xD;
	s1 =	sshrl.u32 s1, $0x2  }
0xc7: {  	s4 =	sand.u32 $0x4000, s31;
	s1 =	sadd.s32 s1, s30  }
0xc8: {  	s0 =	sor.u32 s4, s0;
	s1 =	sshll.u32 s1, $0x11  }
0xc9: {  	s0 =	sor.u32 s1, s0  }
0xca: {  	s0 =	sadd.s32 $0x8F2B, s0  }
0xcb: {  	[sflag:s0] =	ssyncadd.remote.s32 $0x1  }
0xcc: {  	_ =	sfence.sel $0xFFFF  }
0xcd: {  	[dreg:$0x0] =	wrdreg $0xFFFFFFFF;
	(pc) =	sbr.abs _section_cstart, $3  }
0xce: {  	[dreg:$0x1] =	wrdreg $0xFFFFFFFF  }
0xcf: {  	_ =	task.clear_ibuf [dreg:s22], $0x2FFFF;
	_ =	strace $0x9FFFFFFF  }
0xd0: {  	(tm) =	ssettm $0x7FFFFFFF  }
0xd1: {  	_ =	shalt  }
tec
execute0_lowered:
.L_overlay_start_1:
0x0: {  	(tag) =	ssettag $0x1  }
0x1: {  	s4 =	rddreg [dreg:$0x0]  }
0x2: {  	s0 =	rddreg [dreg:$0x1];
	s2 =	simm.s32 $0x0;
	s1 =	stileid.u32  }
0x3: {  	s5 =	srdreg.scid;
	[smem:$0x7FF] =	sst s2;
	s3 =	sadd.s32 $0x63200, s4  }
0x4: {  	s6 =	sshll.u32 s1, $0x5;
	s7 =	sand.u32 $0x1, s5;
	s28 =	sshll.u32 s1, $0xC  }
0x5: {  	s31 =	sshll.u32 s1, $0x1;
	_ =	strace $0x80000050;
	s26 =	sadd.s32 s6, s4  }
0x6: {  	s8 =	ssub.s32 $0x2, s7;
	s6 =	sadd.s32 s28, s4;
	s9 =	sshll.u32 s7, $0x4  }
0x7: {  	s30 =	sshll.u32 s7, $0xB;
	s7 =	sor.u32 s7, s31;
	s29 =	sshrl.u32 s8, $0x1  }
0x8: {  	s5 =	sadd.s32 s9, s26;
	s6 =	sadd.s32 s30, s6;
	s4 =	ssub.s32 s8, s29  }
0x9: {  	s5 =	sadd.s32 $0x4D000, s5;
	s6 =	sadd.s32 $0x1C2C00, s6;
	s4 =	smax.u32 s4, $0x1  }
.LBB2_1:
0xa: {  	s8 =	sadd.s32 $0x0, s7  }
0xb: {  	p0 =	sgt.u32 s8, $0x270  }
0xc: {  	s8 =	simm.s32 @!p0 $0x0;
	s9 =	simm.s32 @!p0 $0x3  }
0xd: {  	[tilespmem:s8], [sflag:$0x3] =	stream.linear.gather @!p0 [hbm4b:s5+s8], $0x80, $0x38;
	[tilespmem:$0x4080] =	vst v63  }
0xe: {  	_ =	swait.ge @!p0 [sflag:s9], $0x80  }
0xf: {  	[sflag:s9] =	ssyncset.done @!p0 $0x0;
	p0 =	por p0, p0  }
0x10: {  	[sflag:s9] =	ssyncadd.s32 @!p0 $0xFFFFFF80;
	s10 =	simm.s32 @!p0 $0x80;
	s11 =	simm.s32 @!p0 $0x1  }
0x11: {  	[tilespmem:s10], [sflag:$0x1] =	stream.indirect.gather @!p0 [hbm4b:s3+s10], $0x80, s8, s10, $0xb8;
	[tilespmem:$0x4080] =	vst v63  }
0x12: {  	_ =	swait.ge @!p0 [sflag:s11], $0x4000  }
0x13: {  	[sflag:s11] =	ssyncset.done @!p0 $0x0  }
0x14: {  	s31 =	sadd.s32 $0x20, s7;
	[sflag:s11] =	ssyncadd.s32 @!p0 $0xFFFFC000;
	s11 =	simm.s32 @!p0 $0x2  }
0x15: {  	[hbm4b:s6+s8] =	stream.linear.scatter @!p0 [tilespmem:s10], [sflag:$0x2], $0x4000, $0x38;
	[tilespmem:$0x4080] =	vst v63  }
0x16: {  	p1 =	sgt.u32 s31, $0x270;
	s9 =	simm.s32 $0x40;
	_ =	swait.ge @!p0 [sflag:s11], $0x4000  }
0x17: {  	s8 =	sadd.s32 $0x10000, s6;
	s10 =	sadd.s32 $0x200, s5;
	[sflag:s11] =	ssyncset.done @!p0 $0x0  }
.LBB2_2:
0x18: {  	s12 =	simm.s32 @!p1 $0x0;
	s13 =	simm.s32 @!p1 $0x3;
	[sflag:s11] =	ssyncadd.s32 @!p0 $0xFFFFC000  }
0x19: {  	[tilespmem:s12], [sflag:$0x3] =	stream.linear.gather @!p1 [hbm4b:s10+s12], $0x80, $0x38;
	[tilespmem:$0x4080] =	vst v63  }
0x1a: {  	s14 =	smov.u32 s9;
	s9 =	sadd.s32 $0x20, s9;
	_ =	swait.ge @!p1 [sflag:s13], $0x80  }
0x1b: {  	p0 =	por p1, p1;
	p2 =	sne.s32 s9, $0x280;
	[sflag:s13] =	ssyncset.done @!p1 $0x0  }
0x1c: {  	s11 =	simm.s32 @!p0 $0x1;
	[sflag:s13] =	ssyncadd.s32 @!p0 $0xFFFFFF80;
	s13 =	simm.s32 @!p0 $0x80  }
0x1d: {  	[tilespmem:s13], [sflag:$0x1] =	stream.indirect.gather @!p0 [hbm4b:s3+s13], $0x80, s12, s13, $0xb8;
	[tilespmem:$0x4080] =	vst v63  }
0x1e: {  	_ =	swait.ge @!p0 [sflag:s11], $0x4000  }
.Ltmp0:
0x1f: {  	[sflag:s11] =	ssyncset.done @!p0 $0x0;
	(pc) =	sbr.rel @p2 .LBB2_2-.Ltmp0, $4  }
0x20: {  	[sflag:s11] =	ssyncadd.s32 @!p0 $0xFFFFC000;
	s11 =	simm.s32 @!p0 $0x2  }
0x21: {  	[hbm4b:s8+s12] =	stream.linear.scatter @!p0 [tilespmem:s13], [sflag:$0x2], $0x4000, $0x38;
	[tilespmem:$0x4080] =	vst v63  }
0x22: {  	s12 =	sadd.s32 s14, s7;
	s8 =	sadd.s32 $0x10000, s8;
	_ =	swait.ge @!p0 [sflag:s11], $0x4000  }
0x23: {  	s10 =	sadd.s32 $0x200, s10;
	p1 =	sgt.u32 s12, $0x270;
	[sflag:s11] =	ssyncset.done @!p0 $0x0  }
0x24: {  	s9 =	simm.s32 @!p1 $0x0;
	s12 =	simm.s32 @!p1 $0x3;
	[sflag:s11] =	ssyncadd.s32 @!p0 $0xFFFFC000  }
0x25: {  	[tilespmem:s9], [sflag:$0x3] =	stream.linear.gather @!p1 [hbm4b:s10+s9], $0x80, $0x38;
	[tilespmem:$0x4080] =	vst v63  }
0x26: {  	_ =	swait.ge @!p1 [sflag:s12], $0x80  }
0x27: {  	p0 =	por p1, p1;
	[sflag:s12] =	ssyncset.done @!p1 $0x0  }
0x28: {  	s10 =	simm.s32 @!p0 $0x80;
	s11 =	simm.s32 @!p0 $0x1;
	[sflag:s12] =	ssyncadd.s32 @!p0 $0xFFFFFF80  }
0x29: {  	[tilespmem:s10], [sflag:$0x1] =	stream.indirect.gather @!p0 [hbm4b:s3+s10], $0x80, s9, s10, $0xb8;
	[tilespmem:$0x4080] =	vst v63  }
0x2a: {  	s2 =	sadd.s32 $0x1, s2;
	_ =	swait.ge @!p0 [sflag:s11], $0x4000  }
0x2b: {  	p1 =	sne.s32 s2, s4;
	[sflag:s11] =	ssyncset.done @!p0 $0x0  }
.Ltmp1:
0x2c: {  	[sflag:s11] =	ssyncadd.s32 @!p0 $0xFFFFC000;
	s11 =	simm.s32 @!p0 $0x2;
	(pc) =	sbr.rel @p1 .LBB2_1-.Ltmp1, $4  }
0x2d: {  	[hbm4b:s8+s9] =	stream.linear.scatter @!p0 [tilespmem:s10], [sflag:$0x2], $0x4000, $0x38;
	[tilespmem:$0x4080] =	vst v63  }
0x2e: {  	_ =	swait.ge @!p0 [sflag:s11], $0x4000  }
0x2f: {  	[sflag:s11] =	ssyncset.done @!p0 $0x0  }
0x30: {  	[sflag:s11] =	ssyncadd.s32 @!p0 $0xFFFFC000  }
0x31: {  	_ =	sfence.sel $0x180000  }
0x32: {  	[bflag:$0x0] =	sbarrier.arrive $0xFFFF  }
0x33: {  	p0 =	sne.s32 s1, $0x0;
	_ =	strace $0x90000050  }
0x34: {  	s0 =	sadd.s32 @!p0 $0x100000, s0;
	[bflag:$0x2] =	sbarrier.arrive $0xFFFF  }
0x35: {  	[sflag:s0] =	ssyncadd.tile.s32 @!p0 $0x1;
	_ =	shalt  }
.Lfunc_end2:
_tile_overlayer_lowered:
.L_overlay_start_2:
0x36: {  	(tag) =	ssettag $0x2  }
0x37: {  	s0 =	rddreg [dreg:$0x0];
	s2 =	stileid.u32  }
0x38: {  	s1 =	rddreg [dreg:$0x1];
	p0 =	sne.s32 s2, $0x0  }
0x39: {  	s3 =	rddreg [dreg:$0x2];
	[bflag:$0x3] =	sbarrier.arrive $0xFFFF;
	s2 =	simm.s32 @!p0 $0x1C02  }
0x3a: {  	[timem:s3], [sflag:s2] =	dma.local @!p0 [hbm:s0], s1  }
0x3b: {  	s0 =	simm.s32 @!p0 $0x2  }
0x3c: {  	_ =	swait.ge @!p0 [sflag:s0], s1  }
0x3d: {  	s1 =	ssub.s32 @!p0 $0x0, s1;
	[sflag:s0] =	ssyncset.done @!p0 $0x0  }
0x3e: {  	[sflag:s0] =	ssyncadd.s32 @!p0 s1  }
0x3f: {  	[bflag:$0x3] =	sbarrier.arrive $0xFFFF  }
0x40: {  	_ =	shalt  }

// kernel: sc_gather_rows_128.7.cloned.1.call-start
scs
__scs_entry_jumppad:
0x0: {  	(pc) =	sbr.rel $0x88, $3  }
0x1: {  	(tag) =	ssettag $0x0;
	lr =	simm.s32 $0x1  }
0x2: {  	[smem:$0x3F83] =	sst lr;
	_ =	strace $0xD0000000  }
0x3: {  	_ = 	snop  }
0x4: {  	_ = 	snop  }
0x5: {  	_ = 	snop  }
0x6: {  	_ = 	snop  }
0x7: {  	_ = 	snop  }
__scs_overlays_trampoline_lowered:
0x8: {  	[smem:$0x3F92] =	sst s0  }
0x9: {  	[smem:$0x3F93] =	sst s1  }
0xa: {  	[smem:$0x3F94] =	sst s2  }
0xb: {  	[smem:$0x3F95] =	sst s3  }
0xc: {  	[smem:$0x3F96] =	sst s4  }
0xd: {  	[smem:$0x3F97] =	sst s5  }
0xe: {  	[smem:$0x3F98] =	sst s6  }
0xf: {  	[smem:$0x3F99] =	sst s7  }
0x10: {  	[smem:$0x3F9A] =	sst s8  }
0x11: {  	[smem:$0x3F9B] =	sst s9;
	s0 =	simm.s32 @!p0 $0x0  }
0x12: {  	s1 =	sld [smem:$0x3F81];
	s0 =	simm.s32 @p0 $0x1  }
0x13: {  	[smem:$0x3F9C] =	sst s0;
	s0 =	simm.s32 @!p1 $0x0  }
0x14: {  	s2 =	sld [smem:$0x3F80];
	s0 =	simm.s32 @p1 $0x1  }
0x15: {  	[smem:$0x3F9D] =	sst s0;
	s0 =	simm.s32 @!p2 $0x0  }
0x16: {  	s3 =	sld [smem:$0x3FDB];
	s0 =	simm.s32 @p2 $0x1  }
0x17: {  	s4 =	simm.s32 $0x1BF5;
	[smem:$0x3F9F] =	sst s0  }
0x18: {  	s0 =	sld [smem:$0x3F82];
	_ =	swait.ge [sflag:s4], $0x0  }
0x19: {  	s7 =	sld [smem:$0x3F83]  }
0x1a: {  	s8 =	sadd.s32 $0xFFFFE003, lr  }
0x1b: {  	s9 =	sadd.s32 $0xFFFFFEF7, lr;
	s5 =	simm.s32 $0xFFFFFFFF;
	p2 =	slt.u32 s8, $0xFFFFF086  }
0x1c: {  	p1 =	slt.u32 s9, $0xF7A;
	s5 =	simm.s32 @!p2 $0x0  }
0x1d: {  	s5 =	simm.s32 @p1 $0x1;
	p0 =	seq.s32 s7, s2  }
0x1e: {  	s7 =	smul.u32 @!p0 $0xF7A, s2;
	p2 =	seq.s32 @!p0 s5, $0x0  }
0x1f: {  	s9 =	smul.u32 $0xF7A, s1;
	s8 =	simm.s32 @!p0 $0x1BF5;
	p2 =	por !p2, p0  }
0x20: {  	[sflag:s8] =	ssyncset.s32 @!p0 $0xFFFFF086;
	s6 =	sadd.s32 @!p0 s3, s7;
	s7 =	simm.s32 @!p0 $0x108  }
0x21: {  	s3 =	sadd.s32 s3, s9;
	s6 =	sadd.s32 @!p0 $0x88, s6;
	s7 =	simm.s32 @p2 $0x1082  }
0x22: {  	[simem:s7], [sflag:s8] =	dma.local @!p0 [hbm:s6], $0xF7A  }
0x23: {  	s9 =	sor.u32 $0xD0000000, s2;
	s6 =	simm.s32 $0x108;
	_ =	swait.ge @!p0 [sflag:s8], $0x0  }
0x24: {  	s3 =	sadd.s32 $0x88, s3;
	s6 =	simm.s32 @!p1 $0x1082;
	[sflag:s4] =	ssyncset.s32 $0xFFFFF086  }
0x25: {  	[simem:s6], [sflag:s4] =	dma.local [hbm:s3], $0xF7A  }
0x26: {  	[smem:$0x3F83] =	sst s1;
	(tag) =	ssettag s2;
	_ =	strace s9  }
0x27: {  	s1 =	sld [smem:$0x3F93]  }
0x28: {  	s2 =	sld [smem:$0x3F94]  }
0x29: {  	s4 =	sld [smem:$0x3F96]  }
0x2a: {  	p0 =	seq.s32 s5, $0x0;
	s5 =	sld [smem:$0x3F97]  }
0x2b: {  	s6 =	sld [smem:$0x3F98]  }
0x2c: {  	s7 =	sld [smem:$0x3F99]  }
0x2d: {  	s3 =	simm.s32 $0x108;
	s8 =	sld [smem:$0x3F9A]  }
0x2e: {  	s3 =	simm.s32 @!p0 $0x1082;
	s9 =	sld [smem:$0x3F9B]  }
0x2f: {  	lr =	sadd.s32 s0, s3;
	s0 =	sld [smem:$0x3F92]  }
0x30: {  	s3 =	sld [smem:$0x3F95]  }
0x31: {  	[smem:$0x3F9E] =	sst s10  }
0x32: {  	s10 =	sld [smem:$0x3F9C];
	_ =	sdelay $0x3  }
0x33: {  	p0 =	seq.s32 s10, $0x1;
	s10 =	sld [smem:$0x3F9E];
	_ =	sdelay $0x3  }
0x34: {  	[smem:$0x3F9E] =	sst s10  }
0x35: {  	s10 =	sld [smem:$0x3F9D];
	_ =	sdelay $0x3  }
0x36: {  	p1 =	seq.s32 s10, $0x1;
	s10 =	sld [smem:$0x3F9E];
	_ =	sdelay $0x3  }
0x37: {  	[smem:$0x3F9E] =	sst s10  }
0x38: {  	s10 =	sld [smem:$0x3F9F]  }
0x39: {  	_ = 	snop;
	(pc) =	sbr.ind lr, $3  }
0x3a: {  	_ = 	snop  }
0x3b: {  	_ = 	snop  }
0x3c: {  	p2 =	seq.s32 s10, $0x1;
	s10 =	sld [smem:$0x3F9E]  }
0x3d: {  	_ =	shalt  }
0x3e: {  	_ =	shalt  }
0x3f: {  	_ =	shalt  }
0x40: {  	_ =	shalt  }
0x41: {  	_ =	shalt  }
0x42: {  	_ =	shalt  }
0x43: {  	_ =	shalt  }
0x44: {  	_ =	shalt  }
0x45: {  	_ =	shalt  }
0x46: {  	_ =	shalt  }
0x47: {  	_ =	shalt  }
0x48: {  	_ =	shalt  }
0x49: {  	_ =	shalt  }
0x4a: {  	_ =	shalt  }
0x4b: {  	_ =	shalt  }
0x4c: {  	_ =	shalt  }
0x4d: {  	_ =	shalt  }
0x4e: {  	_ =	shalt  }
0x4f: {  	_ =	shalt  }
0x50: {  	_ =	shalt  }
0x51: {  	_ =	shalt  }
0x52: {  	_ =	shalt  }
0x53: {  	_ =	shalt  }
0x54: {  	_ =	shalt  }
0x55: {  	_ =	shalt  }
0x56: {  	_ =	shalt  }
0x57: {  	_ =	shalt  }
0x58: {  	_ =	shalt  }
0x59: {  	_ =	shalt  }
0x5a: {  	_ =	shalt  }
0x5b: {  	_ =	shalt  }
0x5c: {  	_ =	shalt  }
0x5d: {  	_ =	shalt  }
0x5e: {  	_ =	shalt  }
0x5f: {  	_ =	shalt  }
0x60: {  	_ =	shalt  }
0x61: {  	_ =	shalt  }
0x62: {  	_ =	shalt  }
0x63: {  	_ =	shalt  }
0x64: {  	_ =	shalt  }
0x65: {  	_ =	shalt  }
0x66: {  	_ =	shalt  }
0x67: {  	_ =	shalt  }
0x68: {  	_ =	shalt  }
0x69: {  	_ =	shalt  }
0x6a: {  	_ =	shalt  }
0x6b: {  	_ =	shalt  }
0x6c: {  	_ =	shalt  }
0x6d: {  	_ =	shalt  }
0x6e: {  	_ =	shalt  }
0x6f: {  	_ =	shalt  }
0x70: {  	_ =	shalt  }
0x71: {  	_ =	shalt  }
0x72: {  	_ =	shalt  }
0x73: {  	_ =	shalt  }
0x74: {  	_ =	shalt  }
0x75: {  	_ =	shalt  }
0x76: {  	_ =	shalt  }
0x77: {  	_ =	shalt  }
0x78: {  	_ =	shalt  }
0x79: {  	_ =	shalt  }
0x7a: {  	_ =	shalt  }
0x7b: {  	_ =	shalt  }
0x7c: {  	_ =	shalt  }
0x7d: {  	_ =	shalt  }
0x7e: {  	_ =	shalt  }
0x7f: {  	_ =	shalt  }
0x80: {  	_ =	shalt  }
0x81: {  	_ =	shalt  }
0x82: {  	_ =	shalt  }
0x83: {  	_ =	shalt  }
0x84: {  	_ =	shalt  }
0x85: {  	_ =	shalt  }
0x86: {  	_ =	shalt  }
0x87: {  	_ =	shalt  }
.Lfunc_end0:
.L_simem_size_0:
called_computation.3_lowered:
.L_overlay_start_0:
0x88: {  	s2 =	sld [smem:$0x3FD9]  }
0x89: {  	s3 =	sld [smem:$0x3FFE];
	_ =	sdelay $0x1  }
0x8a: {  	s1 =	srdreg.scid  }
0x8b: {  	s0 =	sand.u32 $0x1, s1  }
0x8c: {  	s16 =	sshll.u32 s0, $0xA;
	s2 =	sadd.s32 s3, s2  }
0x8d: {  	s2 =	sadd.s32 s2, s16  }
0x8e: {  	[smem:$0x3FAA] =	sst s2  }
0x8f: {  	_ = 	snop  }
0x90: {  	(tm) =	ssettm $0x1  }
0x91: {  	s17 =	sld [smem:$0x3FFB];
	_ =	sdelay $0x3  }
0x92: {  	_ =	strace s17  }
0x93: {  	s2 =	sld [smem:$0x3FFC];
	_ =	sdelay $0x3  }
0x94: {  	_ =	strace s2  }
0x95: {  	s2 =	sld [smem:$0x3FFD];
	_ =	sdelay $0x3  }
0x96: {  	_ =	strace s2  }
0x97: {  	_ =	strace $0x8FFFFFFF  }
0x98: {  	s18 =	sld [smem:$0x3FDB];
	_ =	sdelay $0x1  }
0x99: {  	s19 =	simm.s32 $_scs_section_size  }
0x9a: {  	s4 =	simm.s32 $_size__tile_overlayer_lowered;
	s5 =	simm.s32 $_tile_overlayer_lowered  }
0x9b: {  	s22 =	simm.s32 $0x1BFF;
	s21 =	sshll.u32 s5, $0x1;
	s2 =	sadd.s32 s19, s18  }
0x9c: {  	s6 =	simm.s32 $0x0;
	s20 =	sshll.u32 s4, $0x1;
	s4 =	sadd.s32 s21, s2  }
0x9d: {  	[timem:s6], [sflag:s22] =	dma.local [hbm:s4], s20  }
0x9e: {  	_ =	swait.ge [sflag:s22], s20  }
0x9f: {  	s3 =	ssub.s32 $0x0, s20;
	[sflag:s22] =	ssyncset.done $0x0  }
0xa0: {  	[sflag:s22] =	ssyncadd.s32 s3;
	_ =	sdelay $0x1  }
0xa1: {  	s23 =	simm.s32 $0x1B8B  }
0xa2: {  	_ =	swait.ge [sflag:s23], $0x1  }
0xa3: {  	[sflag:s23] =	ssyncset.done $0x0  }
0xa4: {  	s25 =	simm.s32 $0x1B8E;
	s24 =	sld [smem:$0x3FFE];
	[sflag:s23] =	ssyncadd.s32 $0xFFFFFFFF  }
0xa5: {  	s26 =	simm.s32 $execute0_lowered;
	[smem:$0x3FD2] =	sst s25  }
0xa6: {  	s4 =	sshll.u32 s26, $0x1;
	_ =	strace $0x8000004C;
	[dreg:$0x1] =	wrdreg $0xFFFFFFFF  }
0xa7: {  	s28 =	simm.s32 $_size_execute0_lowered;
	s2 =	sadd.s32 s2, s4;
	[dreg:$0x0] =	wrdreg $0x0  }
0xa8: {  	s4 =	sshll.u32 s28, $0x1;
	[dreg:$0x2] =	wrdreg s2  }
0xa9: {  	[dreg:$0x3] =	wrdreg s4  }
0xaa: {  	[dreg:$0x4] =	wrdreg $0xC0  }
0xab: {  	_ =	task [dreg:s6], $0x5FFFF  }
0xac: {  	[dreg:$0x1] =	wrdreg $0xFFFFFFFF  }
0xad: {  	[dreg:$0x0] =	wrdreg $0x60  }
0xae: {  	[dreg:$0x2] =	wrdreg s24  }
0xaf: {  	[dreg:$0x3] =	wrdreg $0xA  }
0xb0: {  	_ =	task.clear_ibuf [dreg:s6], $0x4FFFF;
	_ =	strace $0x9000004C  }
0xb1: {  	s29 =	simm.s32 $0xA;
	_ =	strace $0x8000004E  }
0xb2: {  	_ =	swait.ge [sflag:s29], $0x1  }
0xb3: {  	[sflag:s29] =	ssyncadd.s32 $0xFFFFFFFF  }
0xb4: {  	_ =	strace $0x9000004E  }
0xb5: {  	_ =	sfence  }
0xb6: {  	s30 =	sld [smem:$0x0];
	_ =	sdelay $0x2  }
0xb7: {  	s31 =	sshll.u32 s1, $0xD;
	s1 =	sshrl.u32 s1, $0x2  }
0xb8: {  	s3 =	sand.u32 $0x4000, s31;
	s1 =	sadd.s32 s1, s30  }
0xb9: {  	s0 =	sor.u32 s3, s0;
	s1 =	sshll.u32 s1, $0x11  }
0xba: {  	s0 =	sor.u32 s1, s0  }
0xbb: {  	s0 =	sadd.s32 $0x8F2B, s0  }
0xbc: {  	[sflag:s0] =	ssyncadd.remote.s32 $0x1  }
0xbd: {  	_ =	sfence.sel $0xFFFF  }
0xbe: {  	[dreg:$0x0] =	wrdreg $0xFFFFFFFF;
	(pc) =	sbr.abs _section_cstart, $3  }
0xbf: {  	[dreg:$0x1] =	wrdreg $0xFFFFFFFF  }
0xc0: {  	_ =	task.clear_ibuf [dreg:s6], $0x2FFFF;
	_ =	strace $0x9FFFFFFF  }
0xc1: {  	(tm) =	ssettm $0x7FFFFFFF  }
tec
execute0_lowered:
.L_overlay_start_1:
0x0: {  	(tag) =	ssettag $0x1  }
0x1: {  	s4 =	rddreg [dreg:$0x0]  }
0x2: {  	s0 =	rddreg [dreg:$0x1];
	s2 =	simm.s32 $0x0;
	s1 =	stileid.u32  }
0x3: {  	s5 =	srdreg.scid;
	[smem:$0x7FF] =	sst s2;
	s3 =	sadd.s32 $0x63200, s4  }
0x4: {  	s6 =	sshll.u32 s1, $0x5;
	s7 =	sand.u32 $0x1, s5;
	s28 =	sshll.u32 s1, $0xC  }
0x5: {  	s31 =	sshll.u32 s1, $0x1;
	_ =	strace $0x8000004D;
	s26 =	sadd.s32 s6, s4  }
0x6: {  	s8 =	ssub.s32 $0x2, s7;
	s6 =	sadd.s32 s28, s4;
	s9 =	sshll.u32 s7, $0x4  }
0x7: {  	s30 =	sshll.u32 s7, $0xB;
	s7 =	sor.u32 s7, s31;
	s29 =	sshrl.u32 s8, $0x1  }
0x8: {  	s5 =	sadd.s32 s9, s26;
	s6 =	sadd.s32 s30, s6;
	s4 =	ssub.s32 s8, s29  }
0x9: {  	s5 =	sadd.s32 $0x36E00, s5;
	s6 =	sadd.s32 $0x8A400, s6;
	s4 =	smax.u32 s4, $0x1  }
.LBB2_1:
0xa: {  	s8 =	sadd.s32 $0x0, s7  }
0xb: {  	p0 =	sgt.u32 s8, $0x270  }
0xc: {  	s8 =	simm.s32 @!p0 $0x0;
	s9 =	simm.s32 @!p0 $0x3  }
0xd: {  	[tilespmem:s8], [sflag:$0x3] =	stream.linear.gather @!p0 [hbm4b:s5+s8], $0x80, $0x38;
	[tilespmem:$0x4080] =	vst v63  }
0xe: {  	_ =	swait.ge @!p0 [sflag:s9], $0x80  }
0xf: {  	[sflag:s9] =	ssyncset.done @!p0 $0x0;
	p0 =	por p0, p0  }
0x10: {  	[sflag:s9] =	ssyncadd.s32 @!p0 $0xFFFFFF80;
	s10 =	simm.s32 @!p0 $0x80;
	s11 =	simm.s32 @!p0 $0x1  }
0x11: {  	[tilespmem:s10], [sflag:$0x1] =	stream.indirect.gather @!p0 [hbm4b:s3+s10], $0x80, s8, s10, $0xb8;
	[tilespmem:$0x4080] =	vst v63  }
0x12: {  	_ =	swait.ge @!p0 [sflag:s11], $0x4000  }
0x13: {  	[sflag:s11] =	ssyncset.done @!p0 $0x0  }
0x14: {  	s31 =	sadd.s32 $0x20, s7;
	[sflag:s11] =	ssyncadd.s32 @!p0 $0xFFFFC000;
	s11 =	simm.s32 @!p0 $0x2  }
0x15: {  	[hbm4b:s6+s8] =	stream.linear.scatter @!p0 [tilespmem:s10], [sflag:$0x2], $0x4000, $0x38;
	[tilespmem:$0x4080] =	vst v63  }
0x16: {  	p1 =	sgt.u32 s31, $0x270;
	s9 =	simm.s32 $0x40;
	_ =	swait.ge @!p0 [sflag:s11], $0x4000  }
0x17: {  	s8 =	sadd.s32 $0x10000, s6;
	s10 =	sadd.s32 $0x200, s5;
	[sflag:s11] =	ssyncset.done @!p0 $0x0  }
.LBB2_2:
0x18: {  	s12 =	simm.s32 @!p1 $0x0;
	s13 =	simm.s32 @!p1 $0x3;
	[sflag:s11] =	ssyncadd.s32 @!p0 $0xFFFFC000  }
0x19: {  	[tilespmem:s12], [sflag:$0x3] =	stream.linear.gather @!p1 [hbm4b:s10+s12], $0x80, $0x38;
	[tilespmem:$0x4080] =	vst v63  }
0x1a: {  	s14 =	smov.u32 s9;
	s9 =	sadd.s32 $0x20, s9;
	_ =	swait.ge @!p1 [sflag:s13], $0x80  }
0x1b: {  	p0 =	por p1, p1;
	p2 =	sne.s32 s9, $0x280;
	[sflag:s13] =	ssyncset.done @!p1 $0x0  }
0x1c: {  	s11 =	simm.s32 @!p0 $0x1;
	[sflag:s13] =	ssyncadd.s32 @!p0 $0xFFFFFF80;
	s13 =	simm.s32 @!p0 $0x80  }
0x1d: {  	[tilespmem:s13], [sflag:$0x1] =	stream.indirect.gather @!p0 [hbm4b:s3+s13], $0x80, s12, s13, $0xb8;
	[tilespmem:$0x4080] =	vst v63  }
0x1e: {  	_ =	swait.ge @!p0 [sflag:s11], $0x4000  }
.Ltmp0:
0x1f: {  	[sflag:s11] =	ssyncset.done @!p0 $0x0;
	(pc) =	sbr.rel @p2 .LBB2_2-.Ltmp0, $4  }
0x20: {  	[sflag:s11] =	ssyncadd.s32 @!p0 $0xFFFFC000;
	s11 =	simm.s32 @!p0 $0x2  }
0x21: {  	[hbm4b:s8+s12] =	stream.linear.scatter @!p0 [tilespmem:s13], [sflag:$0x2], $0x4000, $0x38;
	[tilespmem:$0x4080] =	vst v63  }
0x22: {  	s12 =	sadd.s32 s14, s7;
	s8 =	sadd.s32 $0x10000, s8;
	_ =	swait.ge @!p0 [sflag:s11], $0x4000  }
0x23: {  	s10 =	sadd.s32 $0x200, s10;
	p1 =	sgt.u32 s12, $0x270;
	[sflag:s11] =	ssyncset.done @!p0 $0x0  }
0x24: {  	s9 =	simm.s32 @!p1 $0x0;
	s12 =	simm.s32 @!p1 $0x3;
	[sflag:s11] =	ssyncadd.s32 @!p0 $0xFFFFC000  }
0x25: {  	[tilespmem:s9], [sflag:$0x3] =	stream.linear.gather @!p1 [hbm4b:s10+s9], $0x80, $0x38;
	[tilespmem:$0x4080] =	vst v63  }
0x26: {  	_ =	swait.ge @!p1 [sflag:s12], $0x80  }
0x27: {  	p0 =	por p1, p1;
	[sflag:s12] =	ssyncset.done @!p1 $0x0  }
0x28: {  	s10 =	simm.s32 @!p0 $0x80;
	s11 =	simm.s32 @!p0 $0x1;
	[sflag:s12] =	ssyncadd.s32 @!p0 $0xFFFFFF80  }
0x29: {  	[tilespmem:s10], [sflag:$0x1] =	stream.indirect.gather @!p0 [hbm4b:s3+s10], $0x80, s9, s10, $0xb8;
	[tilespmem:$0x4080] =	vst v63  }
0x2a: {  	s2 =	sadd.s32 $0x1, s2;
	_ =	swait.ge @!p0 [sflag:s11], $0x4000  }
0x2b: {  	p1 =	sne.s32 s2, s4;
	[sflag:s11] =	ssyncset.done @!p0 $0x0  }
.Ltmp1:
0x2c: {  	[sflag:s11] =	ssyncadd.s32 @!p0 $0xFFFFC000;
	s11 =	simm.s32 @!p0 $0x2;
	(pc) =	sbr.rel @p1 .LBB2_1-.Ltmp1, $4  }
0x2d: {  	[hbm4b:s8+s9] =	stream.linear.scatter @!p0 [tilespmem:s10], [sflag:$0x2], $0x4000, $0x38;
	[tilespmem:$0x4080] =	vst v63  }
0x2e: {  	_ =	swait.ge @!p0 [sflag:s11], $0x4000  }
0x2f: {  	[sflag:s11] =	ssyncset.done @!p0 $0x0  }
0x30: {  	[sflag:s11] =	ssyncadd.s32 @!p0 $0xFFFFC000  }
0x31: {  	_ =	sfence.sel $0x180000  }
0x32: {  	[bflag:$0x0] =	sbarrier.arrive $0xFFFF  }
0x33: {  	p0 =	sne.s32 s1, $0x0;
	_ =	strace $0x9000004D  }
0x34: {  	s0 =	sadd.s32 @!p0 $0x100000, s0;
	[bflag:$0x2] =	sbarrier.arrive $0xFFFF  }
0x35: {  	[sflag:s0] =	ssyncadd.tile.s32 @!p0 $0x1;
	_ =	shalt  }
.Lfunc_end2:
_tile_overlayer_lowered:
.L_overlay_start_2:
0x36: {  	(tag) =	ssettag $0x2  }
0x37: {  	s0 =	rddreg [dreg:$0x0];
	s2 =	stileid.u32  }
0x38: {  	s1 =	rddreg [dreg:$0x1];
	p0 =	sne.s32 s2, $0x0  }
0x39: {  	s3 =	rddreg [dreg:$0x2];
	[bflag:$0x3] =	sbarrier.arrive $0xFFFF;
	s2 =	simm.s32 @!p0 $0x1C02  }
0x3a: {  	[timem:s3], [sflag:s2] =	dma.local @!p0 [hbm:s0], s1  }
0x3b: {  	s0 =	simm.s32 @!p0 $0x2  }
0x3c: {  	_ =	swait.ge @!p0 [sflag:s0], s1  }
0x3d: {  	s1 =	ssub.s32 @!p0 $0x0, s1;
	[sflag:s0] =	ssyncset.done @!p0 $0x0  }
0x3e: {  	[sflag:s0] =	ssyncadd.s32 @!p0 s1  }
0x3f: {  	[bflag:$0x3] =	sbarrier.arrive $0xFFFF  }
0x40: {  	_ =	shalt  }

// kernel: sc_gather_rows_256.4.cloned.1.call-start
scs
__scs_entry_jumppad:
0x0: {  	(pc) =	sbr.rel $0x88, $3  }
0x1: {  	(tag) =	ssettag $0x0;
	lr =	simm.s32 $0x1  }
0x2: {  	[smem:$0x3F83] =	sst lr;
	_ =	strace $0xD0000000  }
0x3: {  	_ = 	snop  }
0x4: {  	_ = 	snop  }
0x5: {  	_ = 	snop  }
0x6: {  	_ = 	snop  }
0x7: {  	_ = 	snop  }
__scs_overlays_trampoline_lowered:
0x8: {  	[smem:$0x3F92] =	sst s0  }
0x9: {  	[smem:$0x3F93] =	sst s1  }
0xa: {  	[smem:$0x3F94] =	sst s2  }
0xb: {  	[smem:$0x3F95] =	sst s3  }
0xc: {  	[smem:$0x3F96] =	sst s4  }
0xd: {  	[smem:$0x3F97] =	sst s5  }
0xe: {  	[smem:$0x3F98] =	sst s6  }
0xf: {  	[smem:$0x3F99] =	sst s7  }
0x10: {  	[smem:$0x3F9A] =	sst s8  }
0x11: {  	[smem:$0x3F9B] =	sst s9;
	s0 =	simm.s32 @!p0 $0x0  }
0x12: {  	s1 =	sld [smem:$0x3F81];
	s0 =	simm.s32 @p0 $0x1  }
0x13: {  	[smem:$0x3F9C] =	sst s0;
	s0 =	simm.s32 @!p1 $0x0  }
0x14: {  	s2 =	sld [smem:$0x3F80];
	s0 =	simm.s32 @p1 $0x1  }
0x15: {  	[smem:$0x3F9D] =	sst s0;
	s0 =	simm.s32 @!p2 $0x0  }
0x16: {  	s3 =	sld [smem:$0x3FDB];
	s0 =	simm.s32 @p2 $0x1  }
0x17: {  	s4 =	simm.s32 $0x1BF5;
	[smem:$0x3F9F] =	sst s0  }
0x18: {  	s0 =	sld [smem:$0x3F82];
	_ =	swait.ge [sflag:s4], $0x0  }
0x19: {  	s7 =	sld [smem:$0x3F83]  }
0x1a: {  	s8 =	sadd.s32 $0xFFFFE003, lr  }
0x1b: {  	s9 =	sadd.s32 $0xFFFFFEF7, lr;
	s5 =	simm.s32 $0xFFFFFFFF;
	p2 =	slt.u32 s8, $0xFFFFF086  }
0x1c: {  	p1 =	slt.u32 s9, $0xF7A;
	s5 =	simm.s32 @!p2 $0x0  }
0x1d: {  	s5 =	simm.s32 @p1 $0x1;
	p0 =	seq.s32 s7, s2  }
0x1e: {  	s7 =	smul.u32 @!p0 $0xF7A, s2;
	p2 =	seq.s32 @!p0 s5, $0x0  }
0x1f: {  	s9 =	smul.u32 $0xF7A, s1;
	s8 =	simm.s32 @!p0 $0x1BF5;
	p2 =	por !p2, p0  }
0x20: {  	[sflag:s8] =	ssyncset.s32 @!p0 $0xFFFFF086;
	s6 =	sadd.s32 @!p0 s3, s7;
	s7 =	simm.s32 @!p0 $0x108  }
0x21: {  	s3 =	sadd.s32 s3, s9;
	s6 =	sadd.s32 @!p0 $0x88, s6;
	s7 =	simm.s32 @p2 $0x1082  }
0x22: {  	[simem:s7], [sflag:s8] =	dma.local @!p0 [hbm:s6], $0xF7A  }
0x23: {  	s9 =	sor.u32 $0xD0000000, s2;
	s6 =	simm.s32 $0x108;
	_ =	swait.ge @!p0 [sflag:s8], $0x0  }
0x24: {  	s3 =	sadd.s32 $0x88, s3;
	s6 =	simm.s32 @!p1 $0x1082;
	[sflag:s4] =	ssyncset.s32 $0xFFFFF086  }
0x25: {  	[simem:s6], [sflag:s4] =	dma.local [hbm:s3], $0xF7A  }
0x26: {  	[smem:$0x3F83] =	sst s1;
	(tag) =	ssettag s2;
	_ =	strace s9  }
0x27: {  	s1 =	sld [smem:$0x3F93]  }
0x28: {  	s2 =	sld [smem:$0x3F94]  }
0x29: {  	s4 =	sld [smem:$0x3F96]  }
0x2a: {  	p0 =	seq.s32 s5, $0x0;
	s5 =	sld [smem:$0x3F97]  }
0x2b: {  	s6 =	sld [smem:$0x3F98]  }
0x2c: {  	s7 =	sld [smem:$0x3F99]  }
0x2d: {  	s3 =	simm.s32 $0x108;
	s8 =	sld [smem:$0x3F9A]  }
0x2e: {  	s3 =	simm.s32 @!p0 $0x1082;
	s9 =	sld [smem:$0x3F9B]  }
0x2f: {  	lr =	sadd.s32 s0, s3;
	s0 =	sld [smem:$0x3F92]  }
0x30: {  	s3 =	sld [smem:$0x3F95]  }
0x31: {  	[smem:$0x3F9E] =	sst s10  }
0x32: {  	s10 =	sld [smem:$0x3F9C];
	_ =	sdelay $0x3  }
0x33: {  	p0 =	seq.s32 s10, $0x1;
	s10 =	sld [smem:$0x3F9E];
	_ =	sdelay $0x3  }
0x34: {  	[smem:$0x3F9E] =	sst s10  }
0x35: {  	s10 =	sld [smem:$0x3F9D];
	_ =	sdelay $0x3  }
0x36: {  	p1 =	seq.s32 s10, $0x1;
	s10 =	sld [smem:$0x3F9E];
	_ =	sdelay $0x3  }
0x37: {  	[smem:$0x3F9E] =	sst s10  }
0x38: {  	s10 =	sld [smem:$0x3F9F]  }
0x39: {  	_ = 	snop;
	(pc) =	sbr.ind lr, $3  }
0x3a: {  	_ = 	snop  }
0x3b: {  	_ = 	snop  }
0x3c: {  	p2 =	seq.s32 s10, $0x1;
	s10 =	sld [smem:$0x3F9E]  }
0x3d: {  	_ =	shalt  }
0x3e: {  	_ =	shalt  }
0x3f: {  	_ =	shalt  }
0x40: {  	_ =	shalt  }
0x41: {  	_ =	shalt  }
0x42: {  	_ =	shalt  }
0x43: {  	_ =	shalt  }
0x44: {  	_ =	shalt  }
0x45: {  	_ =	shalt  }
0x46: {  	_ =	shalt  }
0x47: {  	_ =	shalt  }
0x48: {  	_ =	shalt  }
0x49: {  	_ =	shalt  }
0x4a: {  	_ =	shalt  }
0x4b: {  	_ =	shalt  }
0x4c: {  	_ =	shalt  }
0x4d: {  	_ =	shalt  }
0x4e: {  	_ =	shalt  }
0x4f: {  	_ =	shalt  }
0x50: {  	_ =	shalt  }
0x51: {  	_ =	shalt  }
0x52: {  	_ =	shalt  }
0x53: {  	_ =	shalt  }
0x54: {  	_ =	shalt  }
0x55: {  	_ =	shalt  }
0x56: {  	_ =	shalt  }
0x57: {  	_ =	shalt  }
0x58: {  	_ =	shalt  }
0x59: {  	_ =	shalt  }
0x5a: {  	_ =	shalt  }
0x5b: {  	_ =	shalt  }
0x5c: {  	_ =	shalt  }
0x5d: {  	_ =	shalt  }
0x5e: {  	_ =	shalt  }
0x5f: {  	_ =	shalt  }
0x60: {  	_ =	shalt  }
0x61: {  	_ =	shalt  }
0x62: {  	_ =	shalt  }
0x63: {  	_ =	shalt  }
0x64: {  	_ =	shalt  }
0x65: {  	_ =	shalt  }
0x66: {  	_ =	shalt  }
0x67: {  	_ =	shalt  }
0x68: {  	_ =	shalt  }
0x69: {  	_ =	shalt  }
0x6a: {  	_ =	shalt  }
0x6b: {  	_ =	shalt  }
0x6c: {  	_ =	shalt  }
0x6d: {  	_ =	shalt  }
0x6e: {  	_ =	shalt  }
0x6f: {  	_ =	shalt  }
0x70: {  	_ =	shalt  }
0x71: {  	_ =	shalt  }
0x72: {  	_ =	shalt  }
0x73: {  	_ =	shalt  }
0x74: {  	_ =	shalt  }
0x75: {  	_ =	shalt  }
0x76: {  	_ =	shalt  }
0x77: {  	_ =	shalt  }
0x78: {  	_ =	shalt  }
0x79: {  	_ =	shalt  }
0x7a: {  	_ =	shalt  }
0x7b: {  	_ =	shalt  }
0x7c: {  	_ =	shalt  }
0x7d: {  	_ =	shalt  }
0x7e: {  	_ =	shalt  }
0x7f: {  	_ =	shalt  }
0x80: {  	_ =	shalt  }
0x81: {  	_ =	shalt  }
0x82: {  	_ =	shalt  }
0x83: {  	_ =	shalt  }
0x84: {  	_ =	shalt  }
0x85: {  	_ =	shalt  }
0x86: {  	_ =	shalt  }
0x87: {  	_ =	shalt  }
.Lfunc_end0:
.L_simem_size_0:
called_computation.4_lowered:
.L_overlay_start_0:
0x88: {  	s2 =	sld [smem:$0x3FD9]  }
0x89: {  	s3 =	sld [smem:$0x3FFE];
	_ =	sdelay $0x1  }
0x8a: {  	s1 =	srdreg.scid  }
0x8b: {  	s0 =	sand.u32 $0x1, s1  }
0x8c: {  	s16 =	sshll.u32 s0, $0xA;
	s2 =	sadd.s32 s3, s2  }
0x8d: {  	s2 =	sadd.s32 s2, s16  }
0x8e: {  	[smem:$0x3FAA] =	sst s2  }
0x8f: {  	_ = 	snop  }
0x90: {  	(tm) =	ssettm $0x1  }
0x91: {  	s17 =	sld [smem:$0x3FFB];
	_ =	sdelay $0x3  }
0x92: {  	_ =	strace s17  }
0x93: {  	s2 =	sld [smem:$0x3FFC];
	_ =	sdelay $0x3  }
0x94: {  	_ =	strace s2  }
0x95: {  	s2 =	sld [smem:$0x3FFD];
	_ =	sdelay $0x3  }
0x96: {  	_ =	strace s2  }
0x97: {  	_ =	strace $0x8FFFFFFF  }
0x98: {  	s18 =	sld [smem:$0x3FDB];
	_ =	sdelay $0x1  }
0x99: {  	s19 =	simm.s32 $_scs_section_size  }
0x9a: {  	s4 =	simm.s32 $_size__tile_overlayer_lowered;
	s5 =	simm.s32 $_tile_overlayer_lowered  }
0x9b: {  	s22 =	simm.s32 $0x1BFF;
	s21 =	sshll.u32 s5, $0x1;
	s2 =	sadd.s32 s19, s18  }
0x9c: {  	s6 =	simm.s32 $0x0;
	s20 =	sshll.u32 s4, $0x1;
	s4 =	sadd.s32 s21, s2  }
0x9d: {  	[timem:s6], [sflag:s22] =	dma.local [hbm:s4], s20  }
0x9e: {  	_ =	swait.ge [sflag:s22], s20  }
0x9f: {  	s3 =	ssub.s32 $0x0, s20;
	[sflag:s22] =	ssyncset.done $0x0  }
0xa0: {  	[sflag:s22] =	ssyncadd.s32 s3;
	_ =	sdelay $0x1  }
0xa1: {  	s23 =	simm.s32 $0x1B8B  }
0xa2: {  	_ =	swait.ge [sflag:s23], $0x1  }
0xa3: {  	[sflag:s23] =	ssyncset.done $0x0  }
0xa4: {  	s25 =	simm.s32 $0x1B8E;
	s24 =	sld [smem:$0x3FFE];
	[sflag:s23] =	ssyncadd.s32 $0xFFFFFFFF  }
0xa5: {  	s26 =	simm.s32 $execute0_lowered;
	[smem:$0x3FD2] =	sst s25  }
0xa6: {  	s4 =	sshll.u32 s26, $0x1;
	_ =	strace $0x80000052;
	[dreg:$0x1] =	wrdreg $0xFFFFFFFF  }
0xa7: {  	s28 =	simm.s32 $_size_execute0_lowered;
	s2 =	sadd.s32 s2, s4;
	[dreg:$0x0] =	wrdreg $0x0  }
0xa8: {  	s4 =	sshll.u32 s28, $0x1;
	[dreg:$0x2] =	wrdreg s2  }
0xa9: {  	[dreg:$0x3] =	wrdreg s4  }
0xaa: {  	[dreg:$0x4] =	wrdreg $0xC0  }
0xab: {  	_ =	task [dreg:s6], $0x5FFFF  }
0xac: {  	[dreg:$0x1] =	wrdreg $0xFFFFFFFF  }
0xad: {  	[dreg:$0x0] =	wrdreg $0x60  }
0xae: {  	[dreg:$0x2] =	wrdreg s24  }
0xaf: {  	[dreg:$0x3] =	wrdreg $0x9  }
0xb0: {  	_ =	task.clear_ibuf [dreg:s6], $0x4FFFF;
	_ =	strace $0x90000052  }
0xb1: {  	s29 =	simm.s32 $0x9;
	_ =	strace $0x80000054  }
0xb2: {  	_ =	swait.ge [sflag:s29], $0x1  }
0xb3: {  	[sflag:s29] =	ssyncadd.s32 $0xFFFFFFFF  }
0xb4: {  	_ =	strace $0x90000054  }
0xb5: {  	_ =	sfence  }
0xb6: {  	s30 =	sld [smem:$0x0];
	_ =	sdelay $0x2  }
0xb7: {  	s31 =	sshll.u32 s1, $0xD;
	s1 =	sshrl.u32 s1, $0x2  }
0xb8: {  	s3 =	sand.u32 $0x4000, s31;
	s1 =	sadd.s32 s1, s30  }
0xb9: {  	s0 =	sor.u32 s3, s0;
	s1 =	sshll.u32 s1, $0x11  }
0xba: {  	s0 =	sor.u32 s1, s0  }
0xbb: {  	s0 =	sadd.s32 $0x8F2B, s0  }
0xbc: {  	[sflag:s0] =	ssyncadd.remote.s32 $0x1  }
0xbd: {  	_ =	sfence.sel $0xFFFF  }
0xbe: {  	[dreg:$0x0] =	wrdreg $0xFFFFFFFF;
	(pc) =	sbr.abs _section_cstart, $3  }
0xbf: {  	[dreg:$0x1] =	wrdreg $0xFFFFFFFF  }
0xc0: {  	_ =	task.clear_ibuf [dreg:s6], $0x2FFFF;
	_ =	strace $0x9FFFFFFF  }
0xc1: {  	(tm) =	ssettm $0x7FFFFFFF  }
tec
execute0_lowered:
.L_overlay_start_1:
0x0: {  	(tag) =	ssettag $0x1  }
0x1: {  	s4 =	rddreg [dreg:$0x0];
	s1 =	simm.s32 $0x0;
	s5 =	srdreg.scid  }
0x2: {  	s2 =	stileid.u32;
	s11 =	simm.s32 $0x1080;
	s12 =	simm.s32 $0x1880  }
0x3: {  	s13 =	simm.s32 $0x2080;
	s14 =	simm.s32 $0x2880;
	s15 =	simm.s32 $0x3080  }
0x4: {  	s16 =	simm.s32 $0x3880;
	s17 =	simm.s32 $0x4080;
	s18 =	simm.s32 $0x4880  }
0x5: {  	s19 =	simm.s32 $0x5080;
	s20 =	simm.s32 $0x5880;
	s21 =	simm.s32 $0x6080  }
0x6: {  	s22 =	simm.s32 $0x6880;
	s23 =	simm.s32 $0x7080;
	s24 =	simm.s32 $0x7880  }
0x7: {  	s25 =	simm.s32 $0x1;
	s28 =	simm.s32 $0x0;
	[smem:$0x7FF] =	sst s1  }
0x8: {  	s3 =	sadd.s32 $0xB1600, s4;
	s7 =	sand.u32 $0x1, s5;
	s26 =	sshll.u32 s2, $0x5  }
0x9: {  	s6 =	sshll.u32 s2, $0xD;
	s10 =	sshll.u32 s2, $0x1;
	_ =	strace $0x80000053  }
0xa: {  	s8 =	ssub.s32 $0x2, s7;
	s5 =	sadd.s32 s26, s4;
	s4 =	sadd.s32 s6, s4  }
.Ltmp0:
0xb: {  	s30 =	sshll.u32 s7, $0x4;
	s9 =	sshll.u32 s7, $0xC;
	(pc) =	sbr.rel .LBB2_1-.Ltmp0, $4  }
0xc: {  	s7 =	sor.u32 s7, s10;
	s10 =	simm.s32 $0x880;
	s26 =	simm.s32 $0x2  }
0xd: {  	v2 =	vlaneseq.u32;
	s29 =	sshrl.u32 s8, $0x1;
	s5 =	sadd.s32 s30, s5;
	s31 =	sadd.s32 s9, s4  }
0xe: {  	vm0 =	vmmov $0xffff;
	v1 =	vshrl.u32 v2, $0x3;
	s9 =	simm.s32 $0x80;
	s6 =	ssub.s32 s8, s29;
	s5 =	sadd.s32 $0x4D000, s5  }
0xf: {  	v0 =	vand.u32 $0x7, v2;
	v2 =	vor.u32 $0x8, v2;
	v1 =	vmul.u32 $0x8, v1;
	s8 =	simm.s32 $0x3;
	s4 =	smax.u32 s6, $0x1;
	s6 =	sadd.s32 $0xFF800, s31  }
.LBB2_5:
0x10: {  	s28 =	sadd.s32 $0x1, s28  }
0x11: {  	p0 =	sne.s32 s28, s4  }
.Ltmp1:
0x12: {  	_ = 	snop;
	(pc) =	sbr.rel @!p0 .LBB2_6-.Ltmp1, $1  }
0x13: {  	_ =	sdelay $0x3  }
.LBB2_1:
.Ltmp2:
0x14: {  	(pc) =	sbr.rel .LBB2_2-.Ltmp2, $2  }
0x15: {  	_ =	sdelay $0x2  }
0x16: {  	s29 =	smov.u32 s6;
	s30 =	smov.u32 s5;
	s31 =	simm.s32 $0x0  }
.LBB2_4:
0x17: {  	s31 =	sadd.s32 $0x20, s31  }
0x18: {  	p0 =	sne.s32 s31, $0x280  }
.Ltmp3:
0x19: {  	_ = 	snop;
	(pc) =	sbr.rel @!p0 .LBB2_5-.Ltmp3, $2  }
0x1a: {  	_ =	sdelay $0x2  }
0x1b: {  	s30 =	sadd.s32 $0x200, s30;
	s29 =	sadd.s32 $0x20000, s29  }
.LBB2_2:
0x1c: {  	s0 =	sadd.s32 s31, s7  }
0x1d: {  	p0 =	sgt.u32 s0, $0x270  }
.Ltmp4:
0x1e: {  	_ = 	snop;
	(pc) =	sbr.rel @p0 .LBB2_4-.Ltmp4, $1  }
0x1f: {  	_ =	sdelay $0x3  }
0x20: {  	[tilespmem:s1], [sflag:$0x3] =	stream.linear.gather [hbm4b:s30+s1], $0x80, $0x38;
	[tilespmem:$0x8080] =	vst v63  }
0x21: {  	_ =	swait.ge [sflag:s8], $0x80  }
0x22: {  	[sflag:s8] =	ssyncset.done $0x0  }
0x23: {  	[sflag:s8] =	ssyncadd.s32 $0xFFFFFF80  }
0x24: {  	v3 =	vld [tilespmem:$0x0];
	_ =	sdelay $0x4  }
0x25: {  	v4 =	vshll.u32 v3, $0x1  }
0x26: {  	v3 =	vand.u32 $0x7, v3;
	v4 =	vand.u32 $0xFFFFFFF0, v4  }
0x27: {  	v3 =	vor.u32 v3, v4  }
0x28: {  	v4 =	vperm.xlane v3, v0;
	_ =	sdelay $0x1  }
0x29: {  	v3 =	vperm.xlane v3, v2;
	v4 =	vadd.s32 v1, v4;
	_ =	sdelay $0x1  }
0x2a: {  	v3 =	vadd.s32 v1, v3;
	_ =	sdelay $0x2  }
0x2b: {  	[tilespmem:s9], [sflag:$0x1] =	stream.indirect_vreg.gather [hbm4b:s3+s1], $0x80, v4, vm0, $0xb8;
	[tilespmem:$0x8080] =	vst v63  }
0x2c: {  	_ = 	snop  }
0x2d: {  	[tilespmem:s10], [sflag:$0x1] =	stream.indirect_vreg.gather [hbm4b:s3+s1], $0x80, v3, vm0, $0xb8;
	[tilespmem:$0x8080] =	vst v63  }
0x2e: {  	v3 =	vld [tilespmem:$0x10];
	_ =	sdelay $0x4  }
0x2f: {  	v57 =	vshll.u32 v3, $0x1  }
0x30: {  	v3 =	vand.u32 $0x7, v3;
	v4 =	vand.u32 $0xFFFFFFF0, v57  }
0x31: {  	v3 =	vor.u32 v3, v4  }
0x32: {  	v4 =	vperm.xlane v3, v0;
	_ =	sdelay $0x1  }
0x33: {  	v3 =	vperm.xlane v3, v2;
	v4 =	vadd.s32 v1, v4;
	_ =	sdelay $0x1  }
0x34: {  	v3 =	vadd.s32 v1, v3;
	_ =	sdelay $0x2  }
0x35: {  	[tilespmem:s11], [sflag:$0x1] =	stream.indirect_vreg.gather [hbm4b:s3+s1], $0x80, v4, vm0, $0xb8;
	[tilespmem:$0x8080] =	vst v63  }
0x36: {  	_ = 	snop  }
0x37: {  	[tilespmem:s12], [sflag:$0x1] =	stream.indirect_vreg.gather [hbm4b:s3+s1], $0x80, v3, vm0, $0xb8;
	[tilespmem:$0x8080] =	vst v63  }
0x38: {  	v3 =	vld [tilespmem:$0x20];
	_ =	sdelay $0x4  }
0x39: {  	v58 =	vshll.u32 v3, $0x1  }
0x3a: {  	v3 =	vand.u32 $0x7, v3;
	v4 =	vand.u32 $0xFFFFFFF0, v58  }
0x3b: {  	v3 =	vor.u32 v3, v4  }
0x3c: {  	v4 =	vperm.xlane v3, v0;
	_ =	sdelay $0x1  }
0x3d: {  	v3 =	vperm.xlane v3, v2;
	v4 =	vadd.s32 v1, v4;
	_ =	sdelay $0x1  }
0x3e: {  	v3 =	vadd.s32 v1, v3;
	_ =	sdelay $0x2  }
0x3f: {  	[tilespmem:s13], [sflag:$0x1] =	stream.indirect_vreg.gather [hbm4b:s3+s1], $0x80, v4, vm0, $0xb8;
	[tilespmem:$0x8080] =	vst v63  }
0x40: {  	_ = 	snop  }
0x41: {  	[tilespmem:s14], [sflag:$0x1] =	stream.indirect_vreg.gather [hbm4b:s3+s1], $0x80, v3, vm0, $0xb8;
	[tilespmem:$0x8080] =	vst v63  }
0x42: {  	v3 =	vld [tilespmem:$0x30];
	_ =	sdelay $0x4  }
0x43: {  	v59 =	vshll.u32 v3, $0x1  }
0x44: {  	v3 =	vand.u32 $0x7, v3;
	v4 =	vand.u32 $0xFFFFFFF0, v59  }
0x45: {  	v3 =	vor.u32 v3, v4  }
0x46: {  	v4 =	vperm.xlane v3, v0;
	_ =	sdelay $0x1  }
0x47: {  	v3 =	vperm.xlane v3, v2;
	v4 =	vadd.s32 v1, v4;
	_ =	sdelay $0x1  }
0x48: {  	v3 =	vadd.s32 v1, v3;
	_ =	sdelay $0x2  }
0x49: {  	[tilespmem:s15], [sflag:$0x1] =	stream.indirect_vreg.gather [hbm4b:s3+s1], $0x80, v4, vm0, $0xb8;
	[tilespmem:$0x8080] =	vst v63  }
0x4a: {  	_ = 	snop  }
0x4b: {  	[tilespmem:s16], [sflag:$0x1] =	stream.indirect_vreg.gather [hbm4b:s3+s1], $0x80, v3, vm0, $0xb8;
	[tilespmem:$0x8080] =	vst v63  }
0x4c: {  	v3 =	vld [tilespmem:$0x40];
	_ =	sdelay $0x4  }
0x4d: {  	v60 =	vshll.u32 v3, $0x1  }
0x4e: {  	v3 =	vand.u32 $0x7, v3;
	v4 =	vand.u32 $0xFFFFFFF0, v60  }
0x4f: {  	v3 =	vor.u32 v3, v4  }
0x50: {  	v4 =	vperm.xlane v3, v0;
	_ =	sdelay $0x1  }
0x51: {  	v3 =	vperm.xlane v3, v2;
	v4 =	vadd.s32 v1, v4;
	_ =	sdelay $0x1  }
0x52: {  	v3 =	vadd.s32 v1, v3;
	_ =	sdelay $0x2  }
0x53: {  	[tilespmem:s17], [sflag:$0x1] =	stream.indirect_vreg.gather [hbm4b:s3+s1], $0x80, v4, vm0, $0xb8;
	[tilespmem:$0x8080] =	vst v63  }
0x54: {  	_ = 	snop  }
0x55: {  	[tilespmem:s18], [sflag:$0x1] =	stream.indirect_vreg.gather [hbm4b:s3+s1], $0x80, v3, vm0, $0xb8;
	[tilespmem:$0x8080] =	vst v63  }
0x56: {  	v3 =	vld [tilespmem:$0x50];
	_ =	sdelay $0x4  }
0x57: {  	v61 =	vshll.u32 v3, $0x1  }
0x58: {  	v3 =	vand.u32 $0x7, v3;
	v4 =	vand.u32 $0xFFFFFFF0, v61  }
0x59: {  	v3 =	vor.u32 v3, v4  }
0x5a: {  	v4 =	vperm.xlane v3, v0;
	_ =	sdelay $0x1  }
0x5b: {  	v3 =	vperm.xlane v3, v2;
	v4 =	vadd.s32 v1, v4;
	_ =	sdelay $0x1  }
0x5c: {  	v3 =	vadd.s32 v1, v3;
	_ =	sdelay $0x2  }
0x5d: {  	[tilespmem:s19], [sflag:$0x1] =	stream.indirect_vreg.gather [hbm4b:s3+s1], $0x80, v4, vm0, $0xb8;
	[tilespmem:$0x8080] =	vst v63  }
0x5e: {  	_ = 	snop  }
0x5f: {  	[tilespmem:s20], [sflag:$0x1] =	stream.indirect_vreg.gather [hbm4b:s3+s1], $0x80, v3, vm0, $0xb8;
	[tilespmem:$0x8080] =	vst v63  }
0x60: {  	v3 =	vld [tilespmem:$0x60];
	_ =	sdelay $0x4  }
0x61: {  	v62 =	vshll.u32 v3, $0x1  }
0x62: {  	v3 =	vand.u32 $0x7, v3;
	v4 =	vand.u32 $0xFFFFFFF0, v62  }
0x63: {  	v3 =	vor.u32 v3, v4  }
0x64: {  	v4 =	vperm.xlane v3, v0;
	_ =	sdelay $0x1  }
0x65: {  	v3 =	vperm.xlane v3, v2;
	v4 =	vadd.s32 v1, v4;
	_ =	sdelay $0x1  }
0x66: {  	v3 =	vadd.s32 v1, v3;
	_ =	sdelay $0x2  }
0x67: {  	[tilespmem:s21], [sflag:$0x1] =	stream.indirect_vreg.gather [hbm4b:s3+s1], $0x80, v4, vm0, $0xb8;
	[tilespmem:$0x8080] =	vst v63  }
0x68: {  	_ = 	snop  }
0x69: {  	[tilespmem:s22], [sflag:$0x1] =	stream.indirect_vreg.gather [hbm4b:s3+s1], $0x80, v3, vm0, $0xb8;
	[tilespmem:$0x8080] =	vst v63  }
0x6a: {  	v3 =	vld [tilespmem:$0x70];
	_ =	sdelay $0x4  }
0x6b: {  	v63 =	vshll.u32 v3, $0x1  }
0x6c: {  	v3 =	vand.u32 $0x7, v3;
	v4 =	vand.u32 $0xFFFFFFF0, v63  }
0x6d: {  	v3 =	vor.u32 v3, v4  }
0x6e: {  	v4 =	vperm.xlane v3, v0;
	_ =	sdelay $0x1  }
0x6f: {  	v3 =	vperm.xlane v3, v2;
	v4 =	vadd.s32 v1, v4;
	_ =	sdelay $0x1  }
0x70: {  	v3 =	vadd.s32 v1, v3;
	_ =	sdelay $0x2  }
0x71: {  	[tilespmem:s23], [sflag:$0x1] =	stream.indirect_vreg.gather [hbm4b:s3+s1], $0x80, v4, vm0, $0xb8;
	[tilespmem:$0x8080] =	vst v63  }
0x72: {  	_ = 	snop  }
0x73: {  	[tilespmem:s24], [sflag:$0x1] =	stream.indirect_vreg.gather [hbm4b:s3+s1], $0x80, v3, vm0, $0xb8;
	[tilespmem:$0x8080] =	vst v63  }
0x74: {  	_ =	swait.ge [sflag:s25], $0x8000  }
0x75: {  	[sflag:s25] =	ssyncset.done $0x0  }
.Ltmp5:
0x76: {  	[sflag:s25] =	ssyncadd.s32 $0xFFFF8000;
	(pc) =	sbr.rel .LBB2_4-.Ltmp5, $4  }
0x77: {  	[hbm4b:s29+s1] =	stream.linear.scatter [tilespmem:s9], [sflag:$0x2], $0x8000, $0x38;
	[tilespmem:$0x8080] =	vst v63  }
0x78: {  	_ =	swait.ge [sflag:s26], $0x8000  }
0x79: {  	[sflag:s26] =	ssyncset.done $0x0  }
0x7a: {  	[sflag:s26] =	ssyncadd.s32 $0xFFFF8000  }
.LBB2_6:
0x7b: {  	_ =	sfence.sel $0x180000  }
0x7c: {  	[bflag:$0x0] =	sbarrier.arrive $0xFFFF  }
0x7d: {  	_ =	strace $0x90000053  }
0x7e: {  	[bflag:$0x2] =	sbarrier.arrive $0xFFFF  }
0x7f: {  	p0 =	sne.s32 s2, $0x0;
	s0 =	rddreg [dreg:$0x1]  }
0x80: {  	s0 =	sadd.s32 @!p0 $0x100000, s0  }
0x81: {  	[sflag:s0] =	ssyncadd.tile.s32 @!p0 $0x1;
	_ =	shalt  }
.Lfunc_end2:
_tile_overlayer_lowered:
.L_overlay_start_2:
0x82: {  	(tag) =	ssettag $0x2  }
0x83: {  	s0 =	rddreg [dreg:$0x0];
	s2 =	stileid.u32  }
0x84: {  	s1 =	rddreg [dreg:$0x1];
	p0 =	sne.s32 s2, $0x0  }
0x85: {  	s3 =	rddreg [dreg:$0x2];
	[bflag:$0x3] =	sbarrier.arrive $0xFFFF;
	s2 =	simm.s32 @!p0 $0x1C02  }
0x86: {  	[timem:s3], [sflag:s2] =	dma.local @!p0 [hbm:s0], s1  }
0x87: {  	s0 =	simm.s32 @!p0 $0x2  }
0x88: {  	_ =	swait.ge @!p0 [sflag:s0], s1  }
0x89: {  	s1 =	ssub.s32 @!p0 $0x0, s1;
	[sflag:s0] =	ssyncset.done @!p0 $0x0  }
0x8a: {  	[sflag:s0] =	ssyncadd.s32 @!p0 s1  }
0x8b: {  	[bflag:$0x3] =	sbarrier.arrive $0xFFFF  }
0x8c: {  	_ =	shalt  }

// kernel: sc_gather_rows_256.7.cloned.1.call-start
scs
__scs_entry_jumppad:
0x0: {  	(pc) =	sbr.rel $0x88, $3  }
0x1: {  	(tag) =	ssettag $0x0;
	lr =	simm.s32 $0x1  }
0x2: {  	[smem:$0x3F83] =	sst lr;
	_ =	strace $0xD0000000  }
0x3: {  	_ = 	snop  }
0x4: {  	_ = 	snop  }
0x5: {  	_ = 	snop  }
0x6: {  	_ = 	snop  }
0x7: {  	_ = 	snop  }
__scs_overlays_trampoline_lowered:
0x8: {  	[smem:$0x3F92] =	sst s0  }
0x9: {  	[smem:$0x3F93] =	sst s1  }
0xa: {  	[smem:$0x3F94] =	sst s2  }
0xb: {  	[smem:$0x3F95] =	sst s3  }
0xc: {  	[smem:$0x3F96] =	sst s4  }
0xd: {  	[smem:$0x3F97] =	sst s5  }
0xe: {  	[smem:$0x3F98] =	sst s6  }
0xf: {  	[smem:$0x3F99] =	sst s7  }
0x10: {  	[smem:$0x3F9A] =	sst s8  }
0x11: {  	[smem:$0x3F9B] =	sst s9;
	s0 =	simm.s32 @!p0 $0x0  }
0x12: {  	s1 =	sld [smem:$0x3F81];
	s0 =	simm.s32 @p0 $0x1  }
0x13: {  	[smem:$0x3F9C] =	sst s0;
	s0 =	simm.s32 @!p1 $0x0  }
0x14: {  	s2 =	sld [smem:$0x3F80];
	s0 =	simm.s32 @p1 $0x1  }
0x15: {  	[smem:$0x3F9D] =	sst s0;
	s0 =	simm.s32 @!p2 $0x0  }
0x16: {  	s3 =	sld [smem:$0x3FDB];
	s0 =	simm.s32 @p2 $0x1  }
0x17: {  	s4 =	simm.s32 $0x1BF5;
	[smem:$0x3F9F] =	sst s0  }
0x18: {  	s0 =	sld [smem:$0x3F82];
	_ =	swait.ge [sflag:s4], $0x0  }
0x19: {  	s7 =	sld [smem:$0x3F83]  }
0x1a: {  	s8 =	sadd.s32 $0xFFFFE003, lr  }
0x1b: {  	s9 =	sadd.s32 $0xFFFFFEF7, lr;
	s5 =	simm.s32 $0xFFFFFFFF;
	p2 =	slt.u32 s8, $0xFFFFF086  }
0x1c: {  	p1 =	slt.u32 s9, $0xF7A;
	s5 =	simm.s32 @!p2 $0x0  }
0x1d: {  	s5 =	simm.s32 @p1 $0x1;
	p0 =	seq.s32 s7, s2  }
0x1e: {  	s7 =	smul.u32 @!p0 $0xF7A, s2;
	p2 =	seq.s32 @!p0 s5, $0x0  }
0x1f: {  	s9 =	smul.u32 $0xF7A, s1;
	s8 =	simm.s32 @!p0 $0x1BF5;
	p2 =	por !p2, p0  }
0x20: {  	[sflag:s8] =	ssyncset.s32 @!p0 $0xFFFFF086;
	s6 =	sadd.s32 @!p0 s3, s7;
	s7 =	simm.s32 @!p0 $0x108  }
0x21: {  	s3 =	sadd.s32 s3, s9;
	s6 =	sadd.s32 @!p0 $0x88, s6;
	s7 =	simm.s32 @p2 $0x1082  }
0x22: {  	[simem:s7], [sflag:s8] =	dma.local @!p0 [hbm:s6], $0xF7A  }
0x23: {  	s9 =	sor.u32 $0xD0000000, s2;
	s6 =	simm.s32 $0x108;
	_ =	swait.ge @!p0 [sflag:s8], $0x0  }
0x24: {  	s3 =	sadd.s32 $0x88, s3;
	s6 =	simm.s32 @!p1 $0x1082;
	[sflag:s4] =	ssyncset.s32 $0xFFFFF086  }
0x25: {  	[simem:s6], [sflag:s4] =	dma.local [hbm:s3], $0xF7A  }
0x26: {  	[smem:$0x3F83] =	sst s1;
	(tag) =	ssettag s2;
	_ =	strace s9  }
0x27: {  	s1 =	sld [smem:$0x3F93]  }
0x28: {  	s2 =	sld [smem:$0x3F94]  }
0x29: {  	s4 =	sld [smem:$0x3F96]  }
0x2a: {  	p0 =	seq.s32 s5, $0x0;
	s5 =	sld [smem:$0x3F97]  }
0x2b: {  	s6 =	sld [smem:$0x3F98]  }
0x2c: {  	s7 =	sld [smem:$0x3F99]  }
0x2d: {  	s3 =	simm.s32 $0x108;
	s8 =	sld [smem:$0x3F9A]  }
0x2e: {  	s3 =	simm.s32 @!p0 $0x1082;
	s9 =	sld [smem:$0x3F9B]  }
0x2f: {  	lr =	sadd.s32 s0, s3;
	s0 =	sld [smem:$0x3F92]  }
0x30: {  	s3 =	sld [smem:$0x3F95]  }
0x31: {  	[smem:$0x3F9E] =	sst s10  }
0x32: {  	s10 =	sld [smem:$0x3F9C];
	_ =	sdelay $0x3  }
0x33: {  	p0 =	seq.s32 s10, $0x1;
	s10 =	sld [smem:$0x3F9E];
	_ =	sdelay $0x3  }
0x34: {  	[smem:$0x3F9E] =	sst s10  }
0x35: {  	s10 =	sld [smem:$0x3F9D];
	_ =	sdelay $0x3  }
0x36: {  	p1 =	seq.s32 s10, $0x1;
	s10 =	sld [smem:$0x3F9E];
	_ =	sdelay $0x3  }
0x37: {  	[smem:$0x3F9E] =	sst s10  }
0x38: {  	s10 =	sld [smem:$0x3F9F]  }
0x39: {  	_ = 	snop;
	(pc) =	sbr.ind lr, $3  }
0x3a: {  	_ = 	snop  }
0x3b: {  	_ = 	snop  }
0x3c: {  	p2 =	seq.s32 s10, $0x1;
	s10 =	sld [smem:$0x3F9E]  }
0x3d: {  	_ =	shalt  }
0x3e: {  	_ =	shalt  }
0x3f: {  	_ =	shalt  }
0x40: {  	_ =	shalt  }
0x41: {  	_ =	shalt  }
0x42: {  	_ =	shalt  }
0x43: {  	_ =	shalt  }
0x44: {  	_ =	shalt  }
0x45: {  	_ =	shalt  }
0x46: {  	_ =	shalt  }
0x47: {  	_ =	shalt  }
0x48: {  	_ =	shalt  }
0x49: {  	_ =	shalt  }
0x4a: {  	_ =	shalt  }
0x4b: {  	_ =	shalt  }
0x4c: {  	_ =	shalt  }
0x4d: {  	_ =	shalt  }
0x4e: {  	_ =	shalt  }
0x4f: {  	_ =	shalt  }
0x50: {  	_ =	shalt  }
0x51: {  	_ =	shalt  }
0x52: {  	_ =	shalt  }
0x53: {  	_ =	shalt  }
0x54: {  	_ =	shalt  }
0x55: {  	_ =	shalt  }
0x56: {  	_ =	shalt  }
0x57: {  	_ =	shalt  }
0x58: {  	_ =	shalt  }
0x59: {  	_ =	shalt  }
0x5a: {  	_ =	shalt  }
0x5b: {  	_ =	shalt  }
0x5c: {  	_ =	shalt  }
0x5d: {  	_ =	shalt  }
0x5e: {  	_ =	shalt  }
0x5f: {  	_ =	shalt  }
0x60: {  	_ =	shalt  }
0x61: {  	_ =	shalt  }
0x62: {  	_ =	shalt  }
0x63: {  	_ =	shalt  }
0x64: {  	_ =	shalt  }
0x65: {  	_ =	shalt  }
0x66: {  	_ =	shalt  }
0x67: {  	_ =	shalt  }
0x68: {  	_ =	shalt  }
0x69: {  	_ =	shalt  }
0x6a: {  	_ =	shalt  }
0x6b: {  	_ =	shalt  }
0x6c: {  	_ =	shalt  }
0x6d: {  	_ =	shalt  }
0x6e: {  	_ =	shalt  }
0x6f: {  	_ =	shalt  }
0x70: {  	_ =	shalt  }
0x71: {  	_ =	shalt  }
0x72: {  	_ =	shalt  }
0x73: {  	_ =	shalt  }
0x74: {  	_ =	shalt  }
0x75: {  	_ =	shalt  }
0x76: {  	_ =	shalt  }
0x77: {  	_ =	shalt  }
0x78: {  	_ =	shalt  }
0x79: {  	_ =	shalt  }
0x7a: {  	_ =	shalt  }
0x7b: {  	_ =	shalt  }
0x7c: {  	_ =	shalt  }
0x7d: {  	_ =	shalt  }
0x7e: {  	_ =	shalt  }
0x7f: {  	_ =	shalt  }
0x80: {  	_ =	shalt  }
0x81: {  	_ =	shalt  }
0x82: {  	_ =	shalt  }
0x83: {  	_ =	shalt  }
0x84: {  	_ =	shalt  }
0x85: {  	_ =	shalt  }
0x86: {  	_ =	shalt  }
0x87: {  	_ =	shalt  }
.Lfunc_end0:
.L_simem_size_0:
called_computation.5_lowered:
.L_overlay_start_0:
0x88: {  	s2 =	sld [smem:$0x3FD9]  }
0x89: {  	s3 =	sld [smem:$0x3FFE];
	_ =	sdelay $0x1  }
0x8a: {  	s1 =	srdreg.scid  }
0x8b: {  	s0 =	sand.u32 $0x1, s1  }
0x8c: {  	s17 =	sshll.u32 s0, $0xA;
	s2 =	sadd.s32 s3, s2  }
0x8d: {  	s2 =	sadd.s32 s2, s17  }
0x8e: {  	[smem:$0x3FAA] =	sst s2  }
0x8f: {  	_ = 	snop  }
0x90: {  	(tm) =	ssettm $0x1  }
0x91: {  	s18 =	sld [smem:$0x3FFB];
	_ =	sdelay $0x3  }
0x92: {  	_ =	strace s18  }
0x93: {  	s2 =	sld [smem:$0x3FFC];
	_ =	sdelay $0x3  }
0x94: {  	_ =	strace s2  }
0x95: {  	s2 =	sld [smem:$0x3FFD];
	_ =	sdelay $0x3  }
0x96: {  	_ =	strace s2  }
0x97: {  	_ =	strace $0x8FFFFFFF  }
0x98: {  	s19 =	sld [smem:$0x3FDB];
	_ =	sdelay $0x1  }
0x99: {  	s20 =	simm.s32 $_scs_section_size  }
0x9a: {  	s4 =	simm.s32 $_size__tile_overlayer_lowered;
	s5 =	simm.s32 $_tile_overlayer_lowered  }
0x9b: {  	s6 =	simm.s32 $0x1BFF;
	s21 =	sshll.u32 s5, $0x1;
	s3 =	sadd.s32 s20, s19  }
0x9c: {  	s22 =	simm.s32 $0x0;
	s4 =	sshll.u32 s4, $0x1;
	s5 =	sadd.s32 s21, s3  }
0x9d: {  	[timem:s22], [sflag:s6] =	dma.local [hbm:s5], s4  }
0x9e: {  	_ =	swait.ge [sflag:s6], s4  }
0x9f: {  	s4 =	ssub.s32 $0x0, s4;
	[sflag:s6] =	ssyncset.done $0x0  }
0xa0: {  	[sflag:s6] =	ssyncadd.s32 s4;
	_ =	sdelay $0x1  }
0xa1: {  	s23 =	simm.s32 $0x1B8B  }
0xa2: {  	_ =	swait.ge [sflag:s23], $0x1  }
0xa3: {  	[sflag:s23] =	ssyncset.done $0x0  }
0xa4: {  	[sflag:s23] =	ssyncadd.s32 $0xFFFFFFFF  }
0xa5: {  	s4 =	sld [smem:$0x0]  }
0xa6: {  	s5 =	sand.u32 $0xFFFFFFFE, s1  }
0xa7: {  	p0 =	sne.s32 s1, s5  }
0xa8: {  	s5 =	sshll.u32 @p0 s5, $0xE  }
0xa9: {  	s5 =	sadd.s32 @p0 $0x11B8D, s5;
	s6 =	sshll.u32 @p0 s4, $0x11  }
0xaa: {  	s5 =	sor.u32 @p0 s6, s5  }
0xab: {  	[sflag:s5] =	ssyncadd.remote.s32 @p0 $0x1;
	_ =	sdelay $0x1  }
0xac: {  	s5 =	simm.s32 @p0 $0x1B8D  }
0xad: {  	_ =	swait.eq @p0 [sflag:s5], $0x1  }
0xae: {  	[sflag:s5] =	ssyncadd.s32 @p0 $0xFFFFFFFF  }
0xaf: {  	s6 =	sshll.u32 @!p0 s1, $0xE  }
0xb0: {  	s6 =	sor.u32 @!p0 $0x4000, s6;
	s5 =	simm.s32 @!p0 $0x1B8D  }
0xb1: {  	s4 =	sshll.u32 @!p0 s4, $0x11;
	s6 =	sadd.s32 @!p0 $0x11B8D, s6;
	_ =	swait.eq @!p0 [sflag:s5], $0x1  }
0xb2: {  	s4 =	sor.u32 @!p0 s4, s6;
	[sflag:s5] =	ssyncadd.s32 @!p0 $0xFFFFFFFF  }
0xb3: {  	s25 =	simm.s32 $0x1B8E;
	s24 =	sld [smem:$0x3FFE];
	[sflag:s4] =	ssyncadd.remote.s32 @!p0 $0x1  }
0xb4: {  	s26 =	simm.s32 $execute0_lowered;
	[smem:$0x3FD2] =	sst s25  }
0xb5: {  	s5 =	sshll.u32 s26, $0x1;
	_ =	strace $0x80000055;
	[dreg:$0x1] =	wrdreg $0xFFFFFFFF  }
0xb6: {  	s28 =	simm.s32 $_size_execute0_lowered;
	s3 =	sadd.s32 s3, s5;
	[dreg:$0x0] =	wrdreg $0x0  }
0xb7: {  	s5 =	sshll.u32 s28, $0x1;
	[dreg:$0x2] =	wrdreg s3  }
0xb8: {  	[dreg:$0x3] =	wrdreg s5  }
0xb9: {  	[dreg:$0x4] =	wrdreg $0xC0  }
0xba: {  	_ =	task [dreg:s22], $0x5FFFF  }
0xbb: {  	[dreg:$0x1] =	wrdreg $0xFFFFFFFF  }
0xbc: {  	[dreg:$0x0] =	wrdreg $0x60  }
0xbd: {  	[dreg:$0x2] =	wrdreg s24  }
0xbe: {  	[dreg:$0x3] =	wrdreg $0xA  }
0xbf: {  	_ =	task.clear_ibuf [dreg:s22], $0x4FFFF;
	_ =	strace $0x90000055  }
0xc0: {  	s29 =	simm.s32 $0xA;
	_ =	strace $0x80000057  }
0xc1: {  	_ =	swait.ge [sflag:s29], $0x1  }
0xc2: {  	[sflag:s29] =	ssyncadd.s32 $0xFFFFFFFF  }
0xc3: {  	_ =	strace $0x90000057  }
0xc4: {  	_ =	sfence  }
0xc5: {  	s30 =	sld [smem:$0x0];
	_ =	sdelay $0x2  }
0xc6: {  	s31 =	sshll.u32 s1, $0xD;
	s1 =	sshrl.u32 s1, $0x2  }
0xc7: {  	s4 =	sand.u32 $0x4000, s31;
	s1 =	sadd.s32 s1, s30  }
0xc8: {  	s0 =	sor.u32 s4, s0;
	s1 =	sshll.u32 s1, $0x11  }
0xc9: {  	s0 =	sor.u32 s1, s0  }
0xca: {  	s0 =	sadd.s32 $0x8F2B, s0  }
0xcb: {  	[sflag:s0] =	ssyncadd.remote.s32 $0x1  }
0xcc: {  	_ =	sfence.sel $0xFFFF  }
0xcd: {  	[dreg:$0x0] =	wrdreg $0xFFFFFFFF;
	(pc) =	sbr.abs _section_cstart, $3  }
0xce: {  	[dreg:$0x1] =	wrdreg $0xFFFFFFFF  }
0xcf: {  	_ =	task.clear_ibuf [dreg:s22], $0x2FFFF;
	_ =	strace $0x9FFFFFFF  }
0xd0: {  	(tm) =	ssettm $0x7FFFFFFF  }
0xd1: {  	_ =	shalt  }
tec
execute0_lowered:
.L_overlay_start_1:
0x0: {  	(tag) =	ssettag $0x1  }
0x1: {  	s4 =	rddreg [dreg:$0x0];
	s1 =	simm.s32 $0x0;
	s5 =	srdreg.scid  }
0x2: {  	s2 =	stileid.u32;
	s11 =	simm.s32 $0x1080;
	s12 =	simm.s32 $0x1880  }
0x3: {  	s13 =	simm.s32 $0x2080;
	s14 =	simm.s32 $0x2880;
	s15 =	simm.s32 $0x3080  }
0x4: {  	s16 =	simm.s32 $0x3880;
	s17 =	simm.s32 $0x4080;
	s18 =	simm.s32 $0x4880  }
0x5: {  	s19 =	simm.s32 $0x5080;
	s20 =	simm.s32 $0x5880;
	s21 =	simm.s32 $0x6080  }
0x6: {  	s22 =	simm.s32 $0x6880;
	s23 =	simm.s32 $0x7080;
	s24 =	simm.s32 $0x7880  }
0x7: {  	s25 =	simm.s32 $0x1;
	s28 =	simm.s32 $0x0;
	[smem:$0x7FF] =	sst s1  }
0x8: {  	s3 =	sadd.s32 $0xB1600, s4;
	s7 =	sand.u32 $0x1, s5;
	s26 =	sshll.u32 s2, $0x5  }
0x9: {  	s6 =	sshll.u32 s2, $0xD;
	s10 =	sshll.u32 s2, $0x1;
	_ =	strace $0x80000056  }
0xa: {  	s8 =	ssub.s32 $0x2, s7;
	s5 =	sadd.s32 s26, s4;
	s4 =	sadd.s32 s6, s4  }
.Ltmp0:
0xb: {  	s30 =	sshll.u32 s7, $0x4;
	s9 =	sshll.u32 s7, $0xC;
	(pc) =	sbr.rel .LBB2_1-.Ltmp0, $4  }
0xc: {  	s7 =	sor.u32 s7, s10;
	s10 =	simm.s32 $0x880;
	s26 =	simm.s32 $0x2  }
0xd: {  	v2 =	vlaneseq.u32;
	s29 =	sshrl.u32 s8, $0x1;
	s5 =	sadd.s32 s30, s5;
	s31 =	sadd.s32 s9, s4  }
0xe: {  	vm0 =	vmmov $0xffff;
	v1 =	vshrl.u32 v2, $0x3;
	s9 =	simm.s32 $0x80;
	s6 =	ssub.s32 s8, s29;
	s5 =	sadd.s32 $0x36E00, s5  }
0xf: {  	v0 =	vand.u32 $0x7, v2;
	v2 =	vor.u32 $0x8, v2;
	v1 =	vmul.u32 $0x8, v1;
	s8 =	simm.s32 $0x3;
	s4 =	smax.u32 s6, $0x1;
	s6 =	sadd.s32 $0x370800, s31  }
.LBB2_5:
0x10: {  	s28 =	sadd.s32 $0x1, s28  }
0x11: {  	p0 =	sne.s32 s28, s4  }
.Ltmp1:
0x12: {  	_ = 	snop;
	(pc) =	sbr.rel @!p0 .LBB2_6-.Ltmp1, $1  }
0x13: {  	_ =	sdelay $0x3  }
.LBB2_1:
.Ltmp2:
0x14: {  	(pc) =	sbr.rel .LBB2_2-.Ltmp2, $2  }
0x15: {  	_ =	sdelay $0x2  }
0x16: {  	s29 =	smov.u32 s6;
	s30 =	smov.u32 s5;
	s31 =	simm.s32 $0x0  }
.LBB2_4:
0x17: {  	s31 =	sadd.s32 $0x20, s31  }
0x18: {  	p0 =	sne.s32 s31, $0x280  }
.Ltmp3:
0x19: {  	_ = 	snop;
	(pc) =	sbr.rel @!p0 .LBB2_5-.Ltmp3, $2  }
0x1a: {  	_ =	sdelay $0x2  }
0x1b: {  	s30 =	sadd.s32 $0x200, s30;
	s29 =	sadd.s32 $0x20000, s29  }
.LBB2_2:
0x1c: {  	s0 =	sadd.s32 s31, s7  }
0x1d: {  	p0 =	sgt.u32 s0, $0x270  }
.Ltmp4:
0x1e: {  	_ = 	snop;
	(pc) =	sbr.rel @p0 .LBB2_4-.Ltmp4, $1  }
0x1f: {  	_ =	sdelay $0x3  }
0x20: {  	[tilespmem:s1], [sflag:$0x3] =	stream.linear.gather [hbm4b:s30+s1], $0x80, $0x38;
	[tilespmem:$0x8080] =	vst v63  }
0x21: {  	_ =	swait.ge [sflag:s8], $0x80  }
0x22: {  	[sflag:s8] =	ssyncset.done $0x0  }
0x23: {  	[sflag:s8] =	ssyncadd.s32 $0xFFFFFF80  }
0x24: {  	v3 =	vld [tilespmem:$0x0];
	_ =	sdelay $0x4  }
0x25: {  	v4 =	vshll.u32 v3, $0x1  }
0x26: {  	v3 =	vand.u32 $0x7, v3;
	v4 =	vand.u32 $0xFFFFFFF0, v4  }
0x27: {  	v3 =	vor.u32 v3, v4  }
0x28: {  	v4 =	vperm.xlane v3, v0;
	_ =	sdelay $0x1  }
0x29: {  	v3 =	vperm.xlane v3, v2;
	v4 =	vadd.s32 v1, v4;
	_ =	sdelay $0x1  }
0x2a: {  	v3 =	vadd.s32 v1, v3;
	_ =	sdelay $0x2  }
0x2b: {  	[tilespmem:s9], [sflag:$0x1] =	stream.indirect_vreg.gather [hbm4b:s3+s1], $0x80, v4, vm0, $0xb8;
	[tilespmem:$0x8080] =	vst v63  }
0x2c: {  	_ = 	snop  }
0x2d: {  	[tilespmem:s10], [sflag:$0x1] =	stream.indirect_vreg.gather [hbm4b:s3+s1], $0x80, v3, vm0, $0xb8;
	[tilespmem:$0x8080] =	vst v63  }
0x2e: {  	v3 =	vld [tilespmem:$0x10];
	_ =	sdelay $0x4  }
0x2f: {  	v57 =	vshll.u32 v3, $0x1  }
0x30: {  	v3 =	vand.u32 $0x7, v3;
	v4 =	vand.u32 $0xFFFFFFF0, v57  }
0x31: {  	v3 =	vor.u32 v3, v4  }
0x32: {  	v4 =	vperm.xlane v3, v0;
	_ =	sdelay $0x1  }
0x33: {  	v3 =	vperm.xlane v3, v2;
	v4 =	vadd.s32 v1, v4;
	_ =	sdelay $0x1  }
0x34: {  	v3 =	vadd.s32 v1, v3;
	_ =	sdelay $0x2  }
0x35: {  	[tilespmem:s11], [sflag:$0x1] =	stream.indirect_vreg.gather [hbm4b:s3+s1], $0x80, v4, vm0, $0xb8;
	[tilespmem:$0x8080] =	vst v63  }
0x36: {  	_ = 	snop  }
0x37: {  	[tilespmem:s12], [sflag:$0x1] =	stream.indirect_vreg.gather [hbm4b:s3+s1], $0x80, v3, vm0, $0xb8;
	[tilespmem:$0x8080] =	vst v63  }
0x38: {  	v3 =	vld [tilespmem:$0x20];
	_ =	sdelay $0x4  }
0x39: {  	v58 =	vshll.u32 v3, $0x1  }
0x3a: {  	v3 =	vand.u32 $0x7, v3;
	v4 =	vand.u32 $0xFFFFFFF0, v58  }
0x3b: {  	v3 =	vor.u32 v3, v4  }
0x3c: {  	v4 =	vperm.xlane v3, v0;
	_ =	sdelay $0x1  }
0x3d: {  	v3 =	vperm.xlane v3, v2;
	v4 =	vadd.s32 v1, v4;
	_ =	sdelay $0x1  }
0x3e: {  	v3 =	vadd.s32 v1, v3;
	_ =	sdelay $0x2  }
0x3f: {  	[tilespmem:s13], [sflag:$0x1] =	stream.indirect_vreg.gather [hbm4b:s3+s1], $0x80, v4, vm0, $0xb8;
	[tilespmem:$0x8080] =	vst v63  }
0x40: {  	_ = 	snop  }
0x41: {  	[tilespmem:s14], [sflag:$0x1] =	stream.indirect_vreg.gather [hbm4b:s3+s1], $0x80, v3, vm0, $0xb8;
	[tilespmem:$0x8080] =	vst v63  }
0x42: {  	v3 =	vld [tilespmem:$0x30];
	_ =	sdelay $0x4  }
0x43: {  	v59 =	vshll.u32 v3, $0x1  }
0x44: {  	v3 =	vand.u32 $0x7, v3;
	v4 =	vand.u32 $0xFFFFFFF0, v59  }
0x45: {  	v3 =	vor.u32 v3, v4  }
0x46: {  	v4 =	vperm.xlane v3, v0;
	_ =	sdelay $0x1  }
0x47: {  	v3 =	vperm.xlane v3, v2;
	v4 =	vadd.s32 v1, v4;
	_ =	sdelay $0x1  }
0x48: {  	v3 =	vadd.s32 v1, v3;
	_ =	sdelay $0x2  }
0x49: {  	[tilespmem:s15], [sflag:$0x1] =	stream.indirect_vreg.gather [hbm4b:s3+s1], $0x80, v4, vm0, $0xb8;
	[tilespmem:$0x8080] =	vst v63  }
0x4a: {  	_ = 	snop  }
0x4b: {  	[tilespmem:s16], [sflag:$0x1] =	stream.indirect_vreg.gather [hbm4b:s3+s1], $0x80, v3, vm0, $0xb8;
	[tilespmem:$0x8080] =	vst v63  }
0x4c: {  	v3 =	vld [tilespmem:$0x40];
	_ =	sdelay $0x4  }
0x4d: {  	v60 =	vshll.u32 v3, $0x1  }
0x4e: {  	v3 =	vand.u32 $0x7, v3;
	v4 =	vand.u32 $0xFFFFFFF0, v60  }
0x4f: {  	v3 =	vor.u32 v3, v4  }
0x50: {  	v4 =	vperm.xlane v3, v0;
	_ =	sdelay $0x1  }
0x51: {  	v3 =	vperm.xlane v3, v2;
	v4 =	vadd.s32 v1, v4;
	_ =	sdelay $0x1  }
0x52: {  	v3 =	vadd.s32 v1, v3;
	_ =	sdelay $0x2  }
0x53: {  	[tilespmem:s17], [sflag:$0x1] =	stream.indirect_vreg.gather [hbm4b:s3+s1], $0x80, v4, vm0, $0xb8;
	[tilespmem:$0x8080] =	vst v63  }
0x54: {  	_ = 	snop  }
0x55: {  	[tilespmem:s18], [sflag:$0x1] =	stream.indirect_vreg.gather [hbm4b:s3+s1], $0x80, v3, vm0, $0xb8;
	[tilespmem:$0x8080] =	vst v63  }
0x56: {  	v3 =	vld [tilespmem:$0x50];
	_ =	sdelay $0x4  }
0x57: {  	v61 =	vshll.u32 v3, $0x1  }
0x58: {  	v3 =	vand.u32 $0x7, v3;
	v4 =	vand.u32 $0xFFFFFFF0, v61  }
0x59: {  	v3 =	vor.u32 v3, v4  }
0x5a: {  	v4 =	vperm.xlane v3, v0;
	_ =	sdelay $0x1  }
0x5b: {  	v3 =	vperm.xlane v3, v2;
	v4 =	vadd.s32 v1, v4;
	_ =	sdelay $0x1  }
0x5c: {  	v3 =	vadd.s32 v1, v3;
	_ =	sdelay $0x2  }
0x5d: {  	[tilespmem:s19], [sflag:$0x1] =	stream.indirect_vreg.gather [hbm4b:s3+s1], $0x80, v4, vm0, $0xb8;
	[tilespmem:$0x8080] =	vst v63  }
0x5e: {  	_ = 	snop  }
0x5f: {  	[tilespmem:s20], [sflag:$0x1] =	stream.indirect_vreg.gather [hbm4b:s3+s1], $0x80, v3, vm0, $0xb8;
	[tilespmem:$0x8080] =	vst v63  }
0x60: {  	v3 =	vld [tilespmem:$0x60];
	_ =	sdelay $0x4  }
0x61: {  	v62 =	vshll.u32 v3, $0x1  }
0x62: {  	v3 =	vand.u32 $0x7, v3;
	v4 =	vand.u32 $0xFFFFFFF0, v62  }
0x63: {  	v3 =	vor.u32 v3, v4  }
0x64: {  	v4 =	vperm.xlane v3, v0;
	_ =	sdelay $0x1  }
0x65: {  	v3 =	vperm.xlane v3, v2;
	v4 =	vadd.s32 v1, v4;
	_ =	sdelay $0x1  }
0x66: {  	v3 =	vadd.s32 v1, v3;
	_ =	sdelay $0x2  }
0x67: {  	[tilespmem:s21], [sflag:$0x1] =	stream.indirect_vreg.gather [hbm4b:s3+s1], $0x80, v4, vm0, $0xb8;
	[tilespmem:$0x8080] =	vst v63  }
0x68: {  	_ = 	snop  }
0x69: {  	[tilespmem:s22], [sflag:$0x1] =	stream.indirect_vreg.gather [hbm4b:s3+s1], $0x80, v3, vm0, $0xb8;
	[tilespmem:$0x8080] =	vst v63  }
0x6a: {  	v3 =	vld [tilespmem:$0x70];
	_ =	sdelay $0x4  }
0x6b: {  	v63 =	vshll.u32 v3, $0x1  }
0x6c: {  	v3 =	vand.u32 $0x7, v3;
	v4 =	vand.u32 $0xFFFFFFF0, v63  }
0x6d: {  	v3 =	vor.u32 v3, v4  }
0x6e: {  	v4 =	vperm.xlane v3, v0;
	_ =	sdelay $0x1  }
0x6f: {  	v3 =	vperm.xlane v3, v2;
	v4 =	vadd.s32 v1, v4;
	_ =	sdelay $0x1  }
0x70: {  	v3 =	vadd.s32 v1, v3;
	_ =	sdelay $0x2  }
0x71: {  	[tilespmem:s23], [sflag:$0x1] =	stream.indirect_vreg.gather [hbm4b:s3+s1], $0x80, v4, vm0, $0xb8;
	[tilespmem:$0x8080] =	vst v63  }
0x72: {  	_ = 	snop  }
0x73: {  	[tilespmem:s24], [sflag:$0x1] =	stream.indirect_vreg.gather [hbm4b:s3+s1], $0x80, v3, vm0, $0xb8;
	[tilespmem:$0x8080] =	vst v63  }
0x74: {  	_ =	swait.ge [sflag:s25], $0x8000  }
0x75: {  	[sflag:s25] =	ssyncset.done $0x0  }
.Ltmp5:
0x76: {  	[sflag:s25] =	ssyncadd.s32 $0xFFFF8000;
	(pc) =	sbr.rel .LBB2_4-.Ltmp5, $4  }
0x77: {  	[hbm4b:s29+s1] =	stream.linear.scatter [tilespmem:s9], [sflag:$0x2], $0x8000, $0x38;
	[tilespmem:$0x8080] =	vst v63  }
0x78: {  	_ =	swait.ge [sflag:s26], $0x8000  }
0x79: {  	[sflag:s26] =	ssyncset.done $0x0  }
0x7a: {  	[sflag:s26] =	ssyncadd.s32 $0xFFFF8000  }
.LBB2_6:
0x7b: {  	_ =	sfence.sel $0x180000  }
0x7c: {  	[bflag:$0x0] =	sbarrier.arrive $0xFFFF  }
0x7d: {  	_ =	strace $0x90000056  }
0x7e: {  	[bflag:$0x2] =	sbarrier.arrive $0xFFFF  }
0x7f: {  	p0 =	sne.s32 s2, $0x0;
	s0 =	rddreg [dreg:$0x1]  }
0x80: {  	s0 =	sadd.s32 @!p0 $0x100000, s0  }
0x81: {  	[sflag:s0] =	ssyncadd.tile.s32 @!p0 $0x1;
	_ =	shalt  }
.Lfunc_end2:
_tile_overlayer_lowered:
.L_overlay_start_2:
0x82: {  	(tag) =	ssettag $0x2  }
0x83: {  	s0 =	rddreg [dreg:$0x0];
	s2 =	stileid.u32  }
0x84: {  	s1 =	rddreg [dreg:$0x1];
	p0 =	sne.s32 s2, $0x0  }
0x85: {  	s3 =	rddreg [dreg:$0x2];
	[bflag:$0x3] =	sbarrier.arrive $0xFFFF;
	s2 =	simm.s32 @!p0 $0x1C02  }
0x86: {  	[timem:s3], [sflag:s2] =	dma.local @!p0 [hbm:s0], s1  }
0x87: {  	s0 =	simm.s32 @!p0 $0x2  }
0x88: {  	_ =	swait.ge @!p0 [sflag:s0], s1  }
0x89: {  	s1 =	ssub.s32 @!p0 $0x0, s1;
	[sflag:s0] =	ssyncset.done @!p0 $0x0  }
0x8a: {  	[sflag:s0] =	ssyncadd.s32 @!p0 s1  }
0x8b: {  	[bflag:$0x3] =	sbarrier.arrive $0xFFFF  }
0x8c: {  	_ =	shalt  }

// kernel: sc_gather_rows_8.4.cloned.1.call-start
scs
__scs_entry_jumppad:
0x0: {  	(pc) =	sbr.rel $0x88, $3  }
0x1: {  	(tag) =	ssettag $0x0;
	lr =	simm.s32 $0x1  }
0x2: {  	[smem:$0x3F83] =	sst lr;
	_ =	strace $0xD0000000  }
0x3: {  	_ = 	snop  }
0x4: {  	_ = 	snop  }
0x5: {  	_ = 	snop  }
0x6: {  	_ = 	snop  }
0x7: {  	_ = 	snop  }
__scs_overlays_trampoline_lowered:
0x8: {  	[smem:$0x3F92] =	sst s0  }
0x9: {  	[smem:$0x3F93] =	sst s1  }
0xa: {  	[smem:$0x3F94] =	sst s2  }
0xb: {  	[smem:$0x3F95] =	sst s3  }
0xc: {  	[smem:$0x3F96] =	sst s4  }
0xd: {  	[smem:$0x3F97] =	sst s5  }
0xe: {  	[smem:$0x3F98] =	sst s6  }
0xf: {  	[smem:$0x3F99] =	sst s7  }
0x10: {  	[smem:$0x3F9A] =	sst s8  }
0x11: {  	[smem:$0x3F9B] =	sst s9;
	s0 =	simm.s32 @!p0 $0x0  }
0x12: {  	s1 =	sld [smem:$0x3F81];
	s0 =	simm.s32 @p0 $0x1  }
0x13: {  	[smem:$0x3F9C] =	sst s0;
	s0 =	simm.s32 @!p1 $0x0  }
0x14: {  	s2 =	sld [smem:$0x3F80];
	s0 =	simm.s32 @p1 $0x1  }
0x15: {  	[smem:$0x3F9D] =	sst s0;
	s0 =	simm.s32 @!p2 $0x0  }
0x16: {  	s3 =	sld [smem:$0x3FDB];
	s0 =	simm.s32 @p2 $0x1  }
0x17: {  	s4 =	simm.s32 $0x1BF5;
	[smem:$0x3F9F] =	sst s0  }
0x18: {  	s0 =	sld [smem:$0x3F82];
	_ =	swait.ge [sflag:s4], $0x0  }
0x19: {  	s7 =	sld [smem:$0x3F83]  }
0x1a: {  	s8 =	sadd.s32 $0xFFFFE003, lr  }
0x1b: {  	s9 =	sadd.s32 $0xFFFFFEF7, lr;
	s5 =	simm.s32 $0xFFFFFFFF;
	p2 =	slt.u32 s8, $0xFFFFF086  }
0x1c: {  	p1 =	slt.u32 s9, $0xF7A;
	s5 =	simm.s32 @!p2 $0x0  }
0x1d: {  	s5 =	simm.s32 @p1 $0x1;
	p0 =	seq.s32 s7, s2  }
0x1e: {  	s7 =	smul.u32 @!p0 $0xF7A, s2;
	p2 =	seq.s32 @!p0 s5, $0x0  }
0x1f: {  	s9 =	smul.u32 $0xF7A, s1;
	s8 =	simm.s32 @!p0 $0x1BF5;
	p2 =	por !p2, p0  }
0x20: {  	[sflag:s8] =	ssyncset.s32 @!p0 $0xFFFFF086;
	s6 =	sadd.s32 @!p0 s3, s7;
	s7 =	simm.s32 @!p0 $0x108  }
0x21: {  	s3 =	sadd.s32 s3, s9;
	s6 =	sadd.s32 @!p0 $0x88, s6;
	s7 =	simm.s32 @p2 $0x1082  }
0x22: {  	[simem:s7], [sflag:s8] =	dma.local @!p0 [hbm:s6], $0xF7A  }
0x23: {  	s9 =	sor.u32 $0xD0000000, s2;
	s6 =	simm.s32 $0x108;
	_ =	swait.ge @!p0 [sflag:s8], $0x0  }
0x24: {  	s3 =	sadd.s32 $0x88, s3;
	s6 =	simm.s32 @!p1 $0x1082;
	[sflag:s4] =	ssyncset.s32 $0xFFFFF086  }
0x25: {  	[simem:s6], [sflag:s4] =	dma.local [hbm:s3], $0xF7A  }
0x26: {  	[smem:$0x3F83] =	sst s1;
	(tag) =	ssettag s2;
	_ =	strace s9  }
0x27: {  	s1 =	sld [smem:$0x3F93]  }
0x28: {  	s2 =	sld [smem:$0x3F94]  }
0x29: {  	s4 =	sld [smem:$0x3F96]  }
0x2a: {  	p0 =	seq.s32 s5, $0x0;
	s5 =	sld [smem:$0x3F97]  }
0x2b: {  	s6 =	sld [smem:$0x3F98]  }
0x2c: {  	s7 =	sld [smem:$0x3F99]  }
0x2d: {  	s3 =	simm.s32 $0x108;
	s8 =	sld [smem:$0x3F9A]  }
0x2e: {  	s3 =	simm.s32 @!p0 $0x1082;
	s9 =	sld [smem:$0x3F9B]  }
0x2f: {  	lr =	sadd.s32 s0, s3;
	s0 =	sld [smem:$0x3F92]  }
0x30: {  	s3 =	sld [smem:$0x3F95]  }
0x31: {  	[smem:$0x3F9E] =	sst s10  }
0x32: {  	s10 =	sld [smem:$0x3F9C];
	_ =	sdelay $0x3  }
0x33: {  	p0 =	seq.s32 s10, $0x1;
	s10 =	sld [smem:$0x3F9E];
	_ =	sdelay $0x3  }
0x34: {  	[smem:$0x3F9E] =	sst s10  }
0x35: {  	s10 =	sld [smem:$0x3F9D];
	_ =	sdelay $0x3  }
0x36: {  	p1 =	seq.s32 s10, $0x1;
	s10 =	sld [smem:$0x3F9E];
	_ =	sdelay $0x3  }
0x37: {  	[smem:$0x3F9E] =	sst s10  }
0x38: {  	s10 =	sld [smem:$0x3F9F]  }
0x39: {  	_ = 	snop;
	(pc) =	sbr.ind lr, $3  }
0x3a: {  	_ = 	snop  }
0x3b: {  	_ = 	snop  }
0x3c: {  	p2 =	seq.s32 s10, $0x1;
	s10 =	sld [smem:$0x3F9E]  }
0x3d: {  	_ =	shalt  }
0x3e: {  	_ =	shalt  }
0x3f: {  	_ =	shalt  }
0x40: {  	_ =	shalt  }
0x41: {  	_ =	shalt  }
0x42: {  	_ =	shalt  }
0x43: {  	_ =	shalt  }
0x44: {  	_ =	shalt  }
0x45: {  	_ =	shalt  }
0x46: {  	_ =	shalt  }
0x47: {  	_ =	shalt  }
0x48: {  	_ =	shalt  }
0x49: {  	_ =	shalt  }
0x4a: {  	_ =	shalt  }
0x4b: {  	_ =	shalt  }
0x4c: {  	_ =	shalt  }
0x4d: {  	_ =	shalt  }
0x4e: {  	_ =	shalt  }
0x4f: {  	_ =	shalt  }
0x50: {  	_ =	shalt  }
0x51: {  	_ =	shalt  }
0x52: {  	_ =	shalt  }
0x53: {  	_ =	shalt  }
0x54: {  	_ =	shalt  }
0x55: {  	_ =	shalt  }
0x56: {  	_ =	shalt  }
0x57: {  	_ =	shalt  }
0x58: {  	_ =	shalt  }
0x59: {  	_ =	shalt  }
0x5a: {  	_ =	shalt  }
0x5b: {  	_ =	shalt  }
0x5c: {  	_ =	shalt  }
0x5d: {  	_ =	shalt  }
0x5e: {  	_ =	shalt  }
0x5f: {  	_ =	shalt  }
0x60: {  	_ =	shalt  }
0x61: {  	_ =	shalt  }
0x62: {  	_ =	shalt  }
0x63: {  	_ =	shalt  }
0x64: {  	_ =	shalt  }
0x65: {  	_ =	shalt  }
0x66: {  	_ =	shalt  }
0x67: {  	_ =	shalt  }
0x68: {  	_ =	shalt  }
0x69: {  	_ =	shalt  }
0x6a: {  	_ =	shalt  }
0x6b: {  	_ =	shalt  }
0x6c: {  	_ =	shalt  }
0x6d: {  	_ =	shalt  }
0x6e: {  	_ =	shalt  }
0x6f: {  	_ =	shalt  }
0x70: {  	_ =	shalt  }
0x71: {  	_ =	shalt  }
0x72: {  	_ =	shalt  }
0x73: {  	_ =	shalt  }
0x74: {  	_ =	shalt  }
0x75: {  	_ =	shalt  }
0x76: {  	_ =	shalt  }
0x77: {  	_ =	shalt  }
0x78: {  	_ =	shalt  }
0x79: {  	_ =	shalt  }
0x7a: {  	_ =	shalt  }
0x7b: {  	_ =	shalt  }
0x7c: {  	_ =	shalt  }
0x7d: {  	_ =	shalt  }
0x7e: {  	_ =	shalt  }
0x7f: {  	_ =	shalt  }
0x80: {  	_ =	shalt  }
0x81: {  	_ =	shalt  }
0x82: {  	_ =	shalt  }
0x83: {  	_ =	shalt  }
0x84: {  	_ =	shalt  }
0x85: {  	_ =	shalt  }
0x86: {  	_ =	shalt  }
0x87: {  	_ =	shalt  }
.Lfunc_end0:
.L_simem_size_0:
called_computation_lowered:
.L_overlay_start_0:
0x88: {  	s2 =	sld [smem:$0x3FD9]  }
0x89: {  	s3 =	sld [smem:$0x3FFE];
	_ =	sdelay $0x1  }
0x8a: {  	s1 =	srdreg.scid  }
0x8b: {  	s0 =	sand.u32 $0x1, s1  }
0x8c: {  	s15 =	sshll.u32 s0, $0xA;
	s2 =	sadd.s32 s3, s2  }
0x8d: {  	s2 =	sadd.s32 s2, s15  }
0x8e: {  	[smem:$0x3FAA] =	sst s2  }
0x8f: {  	_ = 	snop  }
0x90: {  	s2 =	sld [smem:$0x3FD0];
	_ =	sdelay $0x2  }
0x91: {  	s16 =	simm.s32 $0xB;
	s4 =	simm.s32 $0x10  }
0x92: {  	[smem:s4], [sflag:s16] =	dma.local [hbm:s2], $0x1  }
0x93: {  	_ =	swait.eq [sflag:s16], $0x1  }
0x94: {  	[sflag:s16] =	ssyncset.done $0x0  }
0x95: {  	[sflag:s16] =	ssyncadd.s32 $0xFFFFFFFF  }
0x96: {  	s17 =	sld [smem:$0x11];
	(tm) =	ssettm $0x1  }
0x97: {  	s18 =	sld [smem:$0x3FFB];
	_ =	sdelay $0x3  }
0x98: {  	_ =	strace s18  }
0x99: {  	s2 =	sld [smem:$0x3FFC];
	_ =	sdelay $0x3  }
0x9a: {  	_ =	strace s2  }
0x9b: {  	s2 =	sld [smem:$0x3FFD];
	_ =	sdelay $0x3  }
0x9c: {  	_ =	strace s2  }
0x9d: {  	_ =	strace $0x8FFFFFFF  }
0x9e: {  	s19 =	sld [smem:$0x3FDB];
	_ =	sdelay $0x1  }
0x9f: {  	s20 =	simm.s32 $_scs_section_size  }
0xa0: {  	s5 =	simm.s32 $_size__tile_overlayer_lowered;
	s6 =	simm.s32 $_tile_overlayer_lowered  }
0xa1: {  	s7 =	simm.s32 $0x1BFF;
	s21 =	sshll.u32 s6, $0x1;
	s4 =	sadd.s32 s20, s19  }
0xa2: {  	s22 =	simm.s32 $0x0;
	s5 =	sshll.u32 s5, $0x1;
	s6 =	sadd.s32 s21, s4  }
0xa3: {  	[timem:s22], [sflag:s7] =	dma.local [hbm:s6], s5  }
0xa4: {  	_ =	swait.ge [sflag:s7], s5  }
0xa5: {  	s5 =	ssub.s32 $0x0, s5;
	[sflag:s7] =	ssyncset.done $0x0  }
0xa6: {  	[sflag:s7] =	ssyncadd.s32 s5;
	_ =	sdelay $0x1  }
0xa7: {  	s23 =	simm.s32 $0x1B8B  }
0xa8: {  	_ =	swait.ge [sflag:s23], $0x1  }
0xa9: {  	[sflag:s23] =	ssyncset.done $0x0  }
0xaa: {  	[sflag:s23] =	ssyncadd.s32 $0xFFFFFFFF  }
0xab: {  	s5 =	sld [smem:$0x0]  }
0xac: {  	s6 =	sand.u32 $0xFFFFFFFE, s1  }
0xad: {  	p0 =	sne.s32 s1, s6  }
0xae: {  	s6 =	sshll.u32 @p0 s6, $0xE  }
0xaf: {  	s6 =	sadd.s32 @p0 $0x11B8D, s6;
	s7 =	sshll.u32 @p0 s5, $0x11  }
0xb0: {  	s6 =	sor.u32 @p0 s7, s6  }
0xb1: {  	[sflag:s6] =	ssyncadd.remote.s32 @p0 $0x1;
	_ =	sdelay $0x1  }
0xb2: {  	s6 =	simm.s32 @p0 $0x1B8D  }
0xb3: {  	_ =	swait.eq @p0 [sflag:s6], $0x1  }
0xb4: {  	[sflag:s6] =	ssyncadd.s32 @p0 $0xFFFFFFFF  }
0xb5: {  	s7 =	sshll.u32 @!p0 s1, $0xE  }
0xb6: {  	s7 =	sor.u32 @!p0 $0x4000, s7;
	s6 =	simm.s32 @!p0 $0x1B8D  }
0xb7: {  	s5 =	sshll.u32 @!p0 s5, $0x11;
	s7 =	sadd.s32 @!p0 $0x11B8D, s7;
	_ =	swait.eq @!p0 [sflag:s6], $0x1  }
0xb8: {  	s5 =	sor.u32 @!p0 s5, s7;
	[sflag:s6] =	ssyncadd.s32 @!p0 $0xFFFFFFFF  }
0xb9: {  	s25 =	simm.s32 $0x1B8E;
	s24 =	sld [smem:$0x3FFE];
	[sflag:s5] =	ssyncadd.remote.s32 @!p0 $0x1  }
0xba: {  	s26 =	simm.s32 $execute0_lowered;
	[smem:$0x3FD2] =	sst s25  }
0xbb: {  	s6 =	sshll.u32 s26, $0x1;
	_ =	strace $0x80000049;
	[dreg:$0x1] =	wrdreg $0xFFFFFFFF  }
0xbc: {  	s28 =	simm.s32 $_size_execute0_lowered;
	s4 =	sadd.s32 s4, s6;
	[dreg:$0x0] =	wrdreg $0x0  }
0xbd: {  	s6 =	sshll.u32 s28, $0x1;
	[dreg:$0x2] =	wrdreg s4  }
0xbe: {  	[dreg:$0x3] =	wrdreg s6  }
0xbf: {  	[dreg:$0x4] =	wrdreg $0xC0  }
0xc0: {  	_ =	task [dreg:s22], $0x5FFFF  }
0xc1: {  	[dreg:$0x1] =	wrdreg $0xFFFFFFFF  }
0xc2: {  	[dreg:$0x0] =	wrdreg $0x60  }
0xc3: {  	[dreg:$0x2] =	wrdreg s17  }
0xc4: {  	[dreg:$0x3] =	wrdreg s24  }
0xc5: {  	[dreg:$0x4] =	wrdreg $0x9  }
0xc6: {  	_ =	task.clear_ibuf [dreg:s22], $0x5FFFF;
	_ =	strace $0x90000049  }
0xc7: {  	s29 =	simm.s32 $0x9;
	_ =	strace $0x8000004B  }
0xc8: {  	_ =	swait.ge [sflag:s29], $0x1  }
0xc9: {  	[sflag:s29] =	ssyncadd.s32 $0xFFFFFFFF  }
0xca: {  	_ =	strace $0x9000004B  }
0xcb: {  	_ =	sfence  }
0xcc: {  	s30 =	sld [smem:$0x0];
	_ =	sdelay $0x2  }
0xcd: {  	s31 =	sshll.u32 s1, $0xD;
	s1 =	sshrl.u32 s1, $0x2  }
0xce: {  	s4 =	sand.u32 $0x4000, s31;
	s1 =	sadd.s32 s1, s30  }
0xcf: {  	s0 =	sor.u32 s4, s0;
	s1 =	sshll.u32 s1, $0x11  }
0xd0: {  	s0 =	sor.u32 s1, s0  }
0xd1: {  	s0 =	sadd.s32 $0x8F2B, s0  }
0xd2: {  	[sflag:s0] =	ssyncadd.remote.s32 $0x1  }
0xd3: {  	_ =	sfence.sel $0xFFFF  }
0xd4: {  	[dreg:$0x0] =	wrdreg $0xFFFFFFFF;
	(pc) =	sbr.abs _section_cstart, $3  }
0xd5: {  	[dreg:$0x1] =	wrdreg $0xFFFFFFFF  }
0xd6: {  	_ =	task.clear_ibuf [dreg:s22], $0x2FFFF;
	_ =	strace $0x9FFFFFFF  }
0xd7: {  	(tm) =	ssettm $0x7FFFFFFF  }
tec
execute0_lowered:
.L_overlay_start_1:
0x0: {  	(tag) =	ssettag $0x1  }
0x1: {  	s2 =	rddreg [dreg:$0x0]  }
0x2: {  	s4 =	rddreg [dreg:$0x1]  }
0x3: {  	s0 =	rddreg [dreg:$0x2];
	s1 =	stileid.u32  }
0x4: {  	s3 =	simm.s32 $0x0;
	s6 =	srdreg.scid;
	s5 =	smul.u32 $0xA0, s1  }
0x5: {  	[smem:$0x7FF] =	sst s3;
	s7 =	smul.u32 $0x500, s1;
	s8 =	sand.u32 $0x1, s6  }
0x6: {  	s30 =	sshll.u32 s1, $0x1;
	s6 =	ssub.s32 $0x2, s8;
	s9 =	smul.u32 $0x50, s8  }
0x7: {  	s10 =	smul.u32 $0x280, s8;
	_ =	strace $0x8000004A;
	s29 =	sshrl.u32 s6, $0x1  }
0x8: {  	s5 =	sadd.s32 s5, s4;
	s7 =	sadd.s32 s7, s4;
	s4 =	ssub.s32 s6, s29  }
0x9: {  	s5 =	sadd.s32 s9, s5;
	s31 =	sadd.s32 s10, s7;
	s7 =	sor.u32 s8, s30  }
0xa: {  	s4 =	smax.u32 s4, $0x1;
	s5 =	sadd.s32 $0x4D000, s5;
	s6 =	sadd.s32 $0x4F800, s31  }
.LBB2_1:
0xb: {  	s8 =	sadd.s32 $0x0, s7  }
0xc: {  	p0 =	sgt.u32 s8, $0x7C  }
0xd: {  	s8 =	simm.s32 @!p0 $0x0;
	s9 =	simm.s32 @!p0 $0x3  }
0xe: {  	[tilespmem:s8], [sflag:$0x3] =	stream.linear.gather @!p0 [hbm4b:s5+s8], $0x280, $0x38;
	[tilespmem:$0x1680] =	vst v63  }
0xf: {  	_ =	swait.ge @!p0 [sflag:s9], $0x280  }
0x10: {  	[sflag:s9] =	ssyncset.done @!p0 $0x0;
	p0 =	por p0, p0  }
0x11: {  	[sflag:s9] =	ssyncadd.s32 @!p0 $0xFFFFFD80;
	s9 =	simm.s32 @!p0 $0x80;
	s10 =	simm.s32 @!p0 $0x280  }
0x12: {  	[tilespmem:s10], [sflag:$0x1] =	stream.indirect.gather @!p0 [hbm4b:s2+s9], $0x8, s8, s9, $0xb8;
	[tilespmem:$0x1680] =	vst v63  }
0x13: {  	s11 =	simm.s32 @!p0 $0x680  }
0x14: {  	[tilespmem:s11], [sflag:$0x1] =	stream.indirect.gather @!p0 [hbm4b:s2+s9], $0x8, s9, s9, $0xb8;
	[tilespmem:$0x1680] =	vst v63  }
0x15: {  	s12 =	simm.s32 @!p0 $0xA80;
	s11 =	simm.s32 @!p0 $0x100  }
0x16: {  	[tilespmem:s12], [sflag:$0x1] =	stream.indirect.gather @!p0 [hbm4b:s2+s9], $0x8, s11, s9, $0xb8;
	[tilespmem:$0x1680] =	vst v63  }
0x17: {  	s11 =	simm.s32 @!p0 $0x180;
	s12 =	simm.s32 @!p0 $0xE80  }
0x18: {  	[tilespmem:s12], [sflag:$0x1] =	stream.indirect.gather @!p0 [hbm4b:s2+s9], $0x8, s11, s9, $0xb8;
	[tilespmem:$0x1680] =	vst v63  }
0x19: {  	s13 =	simm.s32 @!p0 $0x1;
	s11 =	simm.s32 @!p0 $0x200;
	s12 =	simm.s32 @!p0 $0x1280  }
0x1a: {  	[tilespmem:s12], [sflag:$0x1] =	stream.indirect.gather @!p0 [hbm4b:s2+s9], $0x8, s11, s9, $0xb8;
	[tilespmem:$0x1680] =	vst v63  }
0x1b: {  	_ =	swait.ge @!p0 [sflag:s13], $0x400  }
0x1c: {  	[sflag:s13] =	ssyncset.done @!p0 $0x0  }
0x1d: {  	[sflag:s13] =	ssyncadd.s32 @!p0 $0xFFFFFC00  }
0x1e: {  	_ =	swait.ge @!p0 [sflag:s13], $0x400  }
0x1f: {  	[sflag:s13] =	ssyncset.done @!p0 $0x0  }
0x20: {  	[sflag:s13] =	ssyncadd.s32 @!p0 $0xFFFFFC00  }
0x21: {  	_ =	swait.ge @!p0 [sflag:s13], $0x400  }
0x22: {  	[sflag:s13] =	ssyncset.done @!p0 $0x0  }
0x23: {  	[sflag:s13] =	ssyncadd.s32 @!p0 $0xFFFFFC00  }
0x24: {  	_ =	swait.ge @!p0 [sflag:s13], $0x400  }
0x25: {  	[sflag:s13] =	ssyncset.done @!p0 $0x0  }
0x26: {  	[sflag:s13] =	ssyncadd.s32 @!p0 $0xFFFFFC00  }
0x27: {  	_ =	swait.ge @!p0 [sflag:s13], $0x400  }
0x28: {  	[sflag:s13] =	ssyncset.done @!p0 $0x0  }
0x29: {  	s31 =	sadd.s32 $0x20, s7;
	[sflag:s13] =	ssyncadd.s32 @!p0 $0xFFFFFC00;
	s13 =	simm.s32 @!p0 $0x2  }
0x2a: {  	[hbm4b:s6+s8] =	stream.linear.scatter @!p0 [tilespmem:s10], [sflag:$0x2], $0x1400, $0x38;
	[tilespmem:$0x1680] =	vst v63  }
0x2b: {  	p2 =	sgt.u32 s31, $0x7C;
	s9 =	simm.s32 $0x40;
	_ =	swait.ge @!p0 [sflag:s13], $0x1400  }
0x2c: {  	s8 =	sadd.s32 $0x5000, s6;
	s10 =	sadd.s32 $0xA00, s5;
	[sflag:s13] =	ssyncset.done @!p0 $0x0  }
.LBB2_2:
0x2d: {  	s11 =	simm.s32 @!p2 $0x0;
	s14 =	simm.s32 @!p2 $0x3;
	[sflag:s13] =	ssyncadd.s32 @!p0 $0xFFFFEC00  }
0x2e: {  	[tilespmem:s11], [sflag:$0x3] =	stream.linear.gather @!p2 [hbm4b:s10+s11], $0x280, $0x38;
	[tilespmem:$0x1680] =	vst v63  }
0x2f: {  	s12 =	smov.u32 s9;
	s9 =	sadd.s32 $0x20, s9;
	_ =	swait.ge @!p2 [sflag:s14], $0x280  }
0x30: {  	p0 =	por p2, p2;
	p1 =	sne.s32 s9, $0x80;
	[sflag:s14] =	ssyncset.done @!p2 $0x0  }
0x31: {  	s13 =	simm.s32 @!p0 $0x80;
	[sflag:s14] =	ssyncadd.s32 @!p0 $0xFFFFFD80;
	s14 =	simm.s32 @!p0 $0x280  }
0x32: {  	[tilespmem:s14], [sflag:$0x1] =	stream.indirect.gather @!p0 [hbm4b:s2+s13], $0x8, s11, s13, $0xb8;
	[tilespmem:$0x1680] =	vst v63  }
0x33: {  	s15 =	simm.s32 @!p0 $0x680  }
0x34: {  	[tilespmem:s15], [sflag:$0x1] =	stream.indirect.gather @!p0 [hbm4b:s2+s13], $0x8, s13, s13, $0xb8;
	[tilespmem:$0x1680] =	vst v63  }
0x35: {  	s16 =	simm.s32 @!p0 $0xA80;
	s15 =	simm.s32 @!p0 $0x100  }
0x36: {  	[tilespmem:s16], [sflag:$0x1] =	stream.indirect.gather @!p0 [hbm4b:s2+s13], $0x8, s15, s13, $0xb8;
	[tilespmem:$0x1680] =	vst v63  }
0x37: {  	s15 =	simm.s32 @!p0 $0x180;
	s16 =	simm.s32 @!p0 $0xE80  }
0x38: {  	[tilespmem:s16], [sflag:$0x1] =	stream.indirect.gather @!p0 [hbm4b:s2+s13], $0x8, s15, s13, $0xb8;
	[tilespmem:$0x1680] =	vst v63  }
0x39: {  	s17 =	simm.s32 @!p0 $0x1;
	s15 =	simm.s32 @!p0 $0x200;
	s16 =	simm.s32 @!p0 $0x1280  }
0x3a: {  	[tilespmem:s16], [sflag:$0x1] =	stream.indirect.gather @!p0 [hbm4b:s2+s13], $0x8, s15, s13, $0xb8;
	[tilespmem:$0x1680] =	vst v63  }
0x3b: {  	_ =	swait.ge @!p0 [sflag:s17], $0x400  }
0x3c: {  	[sflag:s17] =	ssyncset.done @!p0 $0x0  }
0x3d: {  	[sflag:s17] =	ssyncadd.s32 @!p0 $0xFFFFFC00  }
0x3e: {  	_ =	swait.ge @!p0 [sflag:s17], $0x400  }
0x3f: {  	[sflag:s17] =	ssyncset.done @!p0 $0x0  }
0x40: {  	[sflag:s17] =	ssyncadd.s32 @!p0 $0xFFFFFC00  }
0x41: {  	_ =	swait.ge @!p0 [sflag:s17], $0x400  }
0x42: {  	[sflag:s17] =	ssyncset.done @!p0 $0x0  }
0x43: {  	[sflag:s17] =	ssyncadd.s32 @!p0 $0xFFFFFC00  }
0x44: {  	_ =	swait.ge @!p0 [sflag:s17], $0x400  }
0x45: {  	[sflag:s17] =	ssyncset.done @!p0 $0x0  }
0x46: {  	[sflag:s17] =	ssyncadd.s32 @!p0 $0xFFFFFC00  }
0x47: {  	_ =	swait.ge @!p0 [sflag:s17], $0x400  }
.Ltmp0:
0x48: {  	[sflag:s17] =	ssyncset.done @!p0 $0x0;
	(pc) =	sbr.rel @p1 .LBB2_2-.Ltmp0, $4  }
0x49: {  	s13 =	simm.s32 @!p0 $0x2;
	[sflag:s17] =	ssyncadd.s32 @!p0 $0xFFFFFC00  }
0x4a: {  	[hbm4b:s8+s11] =	stream.linear.scatter @!p0 [tilespmem:s14], [sflag:$0x2], $0x1400, $0x38;
	[tilespmem:$0x1680] =	vst v63  }
0x4b: {  	s11 =	sadd.s32 s12, s7;
	s8 =	sadd.s32 $0x5000, s8;
	_ =	swait.ge @!p0 [sflag:s13], $0x1400  }
0x4c: {  	s10 =	sadd.s32 $0xA00, s10;
	p2 =	sgt.u32 s11, $0x7C;
	[sflag:s13] =	ssyncset.done @!p0 $0x0  }
0x4d: {  	s9 =	simm.s32 @!p2 $0x0;
	s11 =	simm.s32 @!p2 $0x3;
	[sflag:s13] =	ssyncadd.s32 @!p0 $0xFFFFEC00  }
0x4e: {  	[tilespmem:s9], [sflag:$0x3] =	stream.linear.gather @!p2 [hbm4b:s10+s9], $0x280, $0x38;
	[tilespmem:$0x1680] =	vst v63  }
0x4f: {  	_ =	swait.ge @!p2 [sflag:s11], $0x280  }
0x50: {  	p0 =	por p2, p2;
	[sflag:s11] =	ssyncset.done @!p2 $0x0  }
0x51: {  	s10 =	simm.s32 @!p0 $0x80;
	[sflag:s11] =	ssyncadd.s32 @!p0 $0xFFFFFD80;
	s11 =	simm.s32 @!p0 $0x280  }
0x52: {  	[tilespmem:s11], [sflag:$0x1] =	stream.indirect.gather @!p0 [hbm4b:s2+s10], $0x8, s9, s10, $0xb8;
	[tilespmem:$0x1680] =	vst v63  }
0x53: {  	s12 =	simm.s32 @!p0 $0x680  }
0x54: {  	[tilespmem:s12], [sflag:$0x1] =	stream.indirect.gather @!p0 [hbm4b:s2+s10], $0x8, s10, s10, $0xb8;
	[tilespmem:$0x1680] =	vst v63  }
0x55: {  	s13 =	simm.s32 @!p0 $0xA80;
	s12 =	simm.s32 @!p0 $0x100  }
0x56: {  	[tilespmem:s13], [sflag:$0x1] =	stream.indirect.gather @!p0 [hbm4b:s2+s10], $0x8, s12, s10, $0xb8;
	[tilespmem:$0x1680] =	vst v63  }
0x57: {  	s12 =	simm.s32 @!p0 $0x180;
	s13 =	simm.s32 @!p0 $0xE80  }
0x58: {  	[tilespmem:s13], [sflag:$0x1] =	stream.indirect.gather @!p0 [hbm4b:s2+s10], $0x8, s12, s10, $0xb8;
	[tilespmem:$0x1680] =	vst v63  }
0x59: {  	s14 =	simm.s32 @!p0 $0x1;
	s12 =	simm.s32 @!p0 $0x200;
	s13 =	simm.s32 @!p0 $0x1280  }
0x5a: {  	[tilespmem:s13], [sflag:$0x1] =	stream.indirect.gather @!p0 [hbm4b:s2+s10], $0x8, s12, s10, $0xb8;
	[tilespmem:$0x1680] =	vst v63  }
0x5b: {  	_ =	swait.ge @!p0 [sflag:s14], $0x400  }
0x5c: {  	[sflag:s14] =	ssyncset.done @!p0 $0x0  }
0x5d: {  	[sflag:s14] =	ssyncadd.s32 @!p0 $0xFFFFFC00  }
0x5e: {  	_ =	swait.ge @!p0 [sflag:s14], $0x400  }
0x5f: {  	[sflag:s14] =	ssyncset.done @!p0 $0x0  }
0x60: {  	[sflag:s14] =	ssyncadd.s32 @!p0 $0xFFFFFC00  }
0x61: {  	_ =	swait.ge @!p0 [sflag:s14], $0x400  }
0x62: {  	[sflag:s14] =	ssyncset.done @!p0 $0x0  }
0x63: {  	[sflag:s14] =	ssyncadd.s32 @!p0 $0xFFFFFC00  }
0x64: {  	_ =	swait.ge @!p0 [sflag:s14], $0x400  }
0x65: {  	[sflag:s14] =	ssyncset.done @!p0 $0x0  }
0x66: {  	[sflag:s14] =	ssyncadd.s32 @!p0 $0xFFFFFC00  }
0x67: {  	s3 =	sadd.s32 $0x1, s3;
	_ =	swait.ge @!p0 [sflag:s14], $0x400  }
0x68: {  	p1 =	sne.s32 s3, s4;
	[sflag:s14] =	ssyncset.done @!p0 $0x0  }
.Ltmp1:
0x69: {  	s10 =	simm.s32 @!p0 $0x2;
	[sflag:s14] =	ssyncadd.s32 @!p0 $0xFFFFFC00;
	(pc) =	sbr.rel @p1 .LBB2_1-.Ltmp1, $4  }
0x6a: {  	[hbm4b:s8+s9] =	stream.linear.scatter @!p0 [tilespmem:s11], [sflag:$0x2], $0x1400, $0x38;
	[tilespmem:$0x1680] =	vst v63  }
0x6b: {  	_ =	swait.ge @!p0 [sflag:s10], $0x1400  }
0x6c: {  	[sflag:s10] =	ssyncset.done @!p0 $0x0  }
0x6d: {  	[sflag:s10] =	ssyncadd.s32 @!p0 $0xFFFFEC00  }
0x6e: {  	_ =	sfence.sel $0x180000  }
0x6f: {  	[bflag:$0x0] =	sbarrier.arrive $0xFFFF  }
0x70: {  	p0 =	sne.s32 s1, $0x0;
	_ =	strace $0x9000004A  }
0x71: {  	s0 =	sadd.s32 @!p0 $0x100000, s0;
	[bflag:$0x2] =	sbarrier.arrive $0xFFFF  }
0x72: {  	[sflag:s0] =	ssyncadd.tile.s32 @!p0 $0x1;
	_ =	shalt  }
.Lfunc_end2:
_tile_overlayer_lowered:
.L_overlay_start_2:
0x73: {  	(tag) =	ssettag $0x2  }
0x74: {  	s0 =	rddreg [dreg:$0x0];
	s2 =	stileid.u32  }
0x75: {  	s1 =	rddreg [dreg:$0x1];
	p0 =	sne.s32 s2, $0x0  }
0x76: {  	s3 =	rddreg [dreg:$0x2];
	[bflag:$0x3] =	sbarrier.arrive $0xFFFF;
	s2 =	simm.s32 @!p0 $0x1C02  }
0x77: {  	[timem:s3], [sflag:s2] =	dma.local @!p0 [hbm:s0], s1  }
0x78: {  	s0 =	simm.s32 @!p0 $0x2  }
0x79: {  	_ =	swait.ge @!p0 [sflag:s0], s1  }
0x7a: {  	s1 =	ssub.s32 @!p0 $0x0, s1;
	[sflag:s0] =	ssyncset.done @!p0 $0x0  }
0x7b: {  	[sflag:s0] =	ssyncadd.s32 @!p0 s1  }
0x7c: {  	[bflag:$0x3] =	sbarrier.arrive $0xFFFF  }
0x7d: {  	_ =	shalt  }

// kernel: sc_gather_rows_8.7.cloned.1.call-start
scs
__scs_entry_jumppad:
0x0: {  	(pc) =	sbr.rel $0x88, $3  }
0x1: {  	(tag) =	ssettag $0x0;
	lr =	simm.s32 $0x1  }
0x2: {  	[smem:$0x3F83] =	sst lr;
	_ =	strace $0xD0000000  }
0x3: {  	_ = 	snop  }
0x4: {  	_ = 	snop  }
0x5: {  	_ = 	snop  }
0x6: {  	_ = 	snop  }
0x7: {  	_ = 	snop  }
__scs_overlays_trampoline_lowered:
0x8: {  	[smem:$0x3F92] =	sst s0  }
0x9: {  	[smem:$0x3F93] =	sst s1  }
0xa: {  	[smem:$0x3F94] =	sst s2  }
0xb: {  	[smem:$0x3F95] =	sst s3  }
0xc: {  	[smem:$0x3F96] =	sst s4  }
0xd: {  	[smem:$0x3F97] =	sst s5  }
0xe: {  	[smem:$0x3F98] =	sst s6  }
0xf: {  	[smem:$0x3F99] =	sst s7  }
0x10: {  	[smem:$0x3F9A] =	sst s8  }
0x11: {  	[smem:$0x3F9B] =	sst s9;
	s0 =	simm.s32 @!p0 $0x0  }
0x12: {  	s1 =	sld [smem:$0x3F81];
	s0 =	simm.s32 @p0 $0x1  }
0x13: {  	[smem:$0x3F9C] =	sst s0;
	s0 =	simm.s32 @!p1 $0x0  }
0x14: {  	s2 =	sld [smem:$0x3F80];
	s0 =	simm.s32 @p1 $0x1  }
0x15: {  	[smem:$0x3F9D] =	sst s0;
	s0 =	simm.s32 @!p2 $0x0  }
0x16: {  	s3 =	sld [smem:$0x3FDB];
	s0 =	simm.s32 @p2 $0x1  }
0x17: {  	s4 =	simm.s32 $0x1BF5;
	[smem:$0x3F9F] =	sst s0  }
0x18: {  	s0 =	sld [smem:$0x3F82];
	_ =	swait.ge [sflag:s4], $0x0  }
0x19: {  	s7 =	sld [smem:$0x3F83]  }
0x1a: {  	s8 =	sadd.s32 $0xFFFFE003, lr  }
0x1b: {  	s9 =	sadd.s32 $0xFFFFFEF7, lr;
	s5 =	simm.s32 $0xFFFFFFFF;
	p2 =	slt.u32 s8, $0xFFFFF086  }
0x1c: {  	p1 =	slt.u32 s9, $0xF7A;
	s5 =	simm.s32 @!p2 $0x0  }
0x1d: {  	s5 =	simm.s32 @p1 $0x1;
	p0 =	seq.s32 s7, s2  }
0x1e: {  	s7 =	smul.u32 @!p0 $0xF7A, s2;
	p2 =	seq.s32 @!p0 s5, $0x0  }
0x1f: {  	s9 =	smul.u32 $0xF7A, s1;
	s8 =	simm.s32 @!p0 $0x1BF5;
	p2 =	por !p2, p0  }
0x20: {  	[sflag:s8] =	ssyncset.s32 @!p0 $0xFFFFF086;
	s6 =	sadd.s32 @!p0 s3, s7;
	s7 =	simm.s32 @!p0 $0x108  }
0x21: {  	s3 =	sadd.s32 s3, s9;
	s6 =	sadd.s32 @!p0 $0x88, s6;
	s7 =	simm.s32 @p2 $0x1082  }
0x22: {  	[simem:s7], [sflag:s8] =	dma.local @!p0 [hbm:s6], $0xF7A  }
0x23: {  	s9 =	sor.u32 $0xD0000000, s2;
	s6 =	simm.s32 $0x108;
	_ =	swait.ge @!p0 [sflag:s8], $0x0  }
0x24: {  	s3 =	sadd.s32 $0x88, s3;
	s6 =	simm.s32 @!p1 $0x1082;
	[sflag:s4] =	ssyncset.s32 $0xFFFFF086  }
0x25: {  	[simem:s6], [sflag:s4] =	dma.local [hbm:s3], $0xF7A  }
0x26: {  	[smem:$0x3F83] =	sst s1;
	(tag) =	ssettag s2;
	_ =	strace s9  }
0x27: {  	s1 =	sld [smem:$0x3F93]  }
0x28: {  	s2 =	sld [smem:$0x3F94]  }
0x29: {  	s4 =	sld [smem:$0x3F96]  }
0x2a: {  	p0 =	seq.s32 s5, $0x0;
	s5 =	sld [smem:$0x3F97]  }
0x2b: {  	s6 =	sld [smem:$0x3F98]  }
0x2c: {  	s7 =	sld [smem:$0x3F99]  }
0x2d: {  	s3 =	simm.s32 $0x108;
	s8 =	sld [smem:$0x3F9A]  }
0x2e: {  	s3 =	simm.s32 @!p0 $0x1082;
	s9 =	sld [smem:$0x3F9B]  }
0x2f: {  	lr =	sadd.s32 s0, s3;
	s0 =	sld [smem:$0x3F92]  }
0x30: {  	s3 =	sld [smem:$0x3F95]  }
0x31: {  	[smem:$0x3F9E] =	sst s10  }
0x32: {  	s10 =	sld [smem:$0x3F9C];
	_ =	sdelay $0x3  }
0x33: {  	p0 =	seq.s32 s10, $0x1;
	s10 =	sld [smem:$0x3F9E];
	_ =	sdelay $0x3  }
0x34: {  	[smem:$0x3F9E] =	sst s10  }
0x35: {  	s10 =	sld [smem:$0x3F9D];
	_ =	sdelay $0x3  }
0x36: {  	p1 =	seq.s32 s10, $0x1;
	s10 =	sld [smem:$0x3F9E];
	_ =	sdelay $0x3  }
0x37: {  	[smem:$0x3F9E] =	sst s10  }
0x38: {  	s10 =	sld [smem:$0x3F9F]  }
0x39: {  	_ = 	snop;
	(pc) =	sbr.ind lr, $3  }
0x3a: {  	_ = 	snop  }
0x3b: {  	_ = 	snop  }
0x3c: {  	p2 =	seq.s32 s10, $0x1;
	s10 =	sld [smem:$0x3F9E]  }
0x3d: {  	_ =	shalt  }
0x3e: {  	_ =	shalt  }
0x3f: {  	_ =	shalt  }
0x40: {  	_ =	shalt  }
0x41: {  	_ =	shalt  }
0x42: {  	_ =	shalt  }
0x43: {  	_ =	shalt  }
0x44: {  	_ =	shalt  }
0x45: {  	_ =	shalt  }
0x46: {  	_ =	shalt  }
0x47: {  	_ =	shalt  }
0x48: {  	_ =	shalt  }
0x49: {  	_ =	shalt  }
0x4a: {  	_ =	shalt  }
0x4b: {  	_ =	shalt  }
0x4c: {  	_ =	shalt  }
0x4d: {  	_ =	shalt  }
0x4e: {  	_ =	shalt  }
0x4f: {  	_ =	shalt  }
0x50: {  	_ =	shalt  }
0x51: {  	_ =	shalt  }
0x52: {  	_ =	shalt  }
0x53: {  	_ =	shalt  }
0x54: {  	_ =	shalt  }
0x55: {  	_ =	shalt  }
0x56: {  	_ =	shalt  }
0x57: {  	_ =	shalt  }
0x58: {  	_ =	shalt  }
0x59: {  	_ =	shalt  }
0x5a: {  	_ =	shalt  }
0x5b: {  	_ =	shalt  }
0x5c: {  	_ =	shalt  }
0x5d: {  	_ =	shalt  }
0x5e: {  	_ =	shalt  }
0x5f: {  	_ =	shalt  }
0x60: {  	_ =	shalt  }
0x61: {  	_ =	shalt  }
0x62: {  	_ =	shalt  }
0x63: {  	_ =	shalt  }
0x64: {  	_ =	shalt  }
0x65: {  	_ =	shalt  }
0x66: {  	_ =	shalt  }
0x67: {  	_ =	shalt  }
0x68: {  	_ =	shalt  }
0x69: {  	_ =	shalt  }
0x6a: {  	_ =	shalt  }
0x6b: {  	_ =	shalt  }
0x6c: {  	_ =	shalt  }
0x6d: {  	_ =	shalt  }
0x6e: {  	_ =	shalt  }
0x6f: {  	_ =	shalt  }
0x70: {  	_ =	shalt  }
0x71: {  	_ =	shalt  }
0x72: {  	_ =	shalt  }
0x73: {  	_ =	shalt  }
0x74: {  	_ =	shalt  }
0x75: {  	_ =	shalt  }
0x76: {  	_ =	shalt  }
0x77: {  	_ =	shalt  }
0x78: {  	_ =	shalt  }
0x79: {  	_ =	shalt  }
0x7a: {  	_ =	shalt  }
0x7b: {  	_ =	shalt  }
0x7c: {  	_ =	shalt  }
0x7d: {  	_ =	shalt  }
0x7e: {  	_ =	shalt  }
0x7f: {  	_ =	shalt  }
0x80: {  	_ =	shalt  }
0x81: {  	_ =	shalt  }
0x82: {  	_ =	shalt  }
0x83: {  	_ =	shalt  }
0x84: {  	_ =	shalt  }
0x85: {  	_ =	shalt  }
0x86: {  	_ =	shalt  }
0x87: {  	_ =	shalt  }
.Lfunc_end0:
.L_simem_size_0:
called_computation.1_lowered:
.L_overlay_start_0:
0x88: {  	s2 =	sld [smem:$0x3FD9]  }
0x89: {  	s3 =	sld [smem:$0x3FFE];
	_ =	sdelay $0x1  }
0x8a: {  	s1 =	srdreg.scid  }
0x8b: {  	s0 =	sand.u32 $0x1, s1  }
0x8c: {  	s14 =	sshll.u32 s0, $0xA;
	s2 =	sadd.s32 s3, s2  }
0x8d: {  	s2 =	sadd.s32 s2, s14  }
0x8e: {  	[smem:$0x3FAA] =	sst s2  }
0x8f: {  	_ = 	snop  }
0x90: {  	s2 =	sld [smem:$0x3FD0];
	_ =	sdelay $0x2  }
0x91: {  	s15 =	simm.s32 $0xB;
	s4 =	simm.s32 $0x10  }
0x92: {  	[smem:s4], [sflag:s15] =	dma.local [hbm:s2], $0x1  }
0x93: {  	_ =	swait.eq [sflag:s15], $0x1  }
0x94: {  	[sflag:s15] =	ssyncset.done $0x0  }
0x95: {  	[sflag:s15] =	ssyncadd.s32 $0xFFFFFFFF  }
0x96: {  	s16 =	sld [smem:$0x11];
	(tm) =	ssettm $0x1  }
0x97: {  	s17 =	sld [smem:$0x3FFB];
	_ =	sdelay $0x3  }
0x98: {  	_ =	strace s17  }
0x99: {  	s3 =	sld [smem:$0x3FFC];
	_ =	sdelay $0x3  }
0x9a: {  	_ =	strace s3  }
0x9b: {  	s3 =	sld [smem:$0x3FFD];
	_ =	sdelay $0x3  }
0x9c: {  	_ =	strace s3  }
0x9d: {  	_ =	strace $0x8FFFFFFF  }
0x9e: {  	s18 =	sld [smem:$0x3FDB];
	_ =	sdelay $0x1  }
0x9f: {  	s19 =	simm.s32 $_scs_section_size  }
0xa0: {  	s5 =	simm.s32 $_size__tile_overlayer_lowered;
	s6 =	simm.s32 $_tile_overlayer_lowered  }
0xa1: {  	s22 =	simm.s32 $0x1BFF;
	s21 =	sshll.u32 s6, $0x1;
	s3 =	sadd.s32 s19, s18  }
0xa2: {  	s7 =	simm.s32 $0x0;
	s20 =	sshll.u32 s5, $0x1;
	s5 =	sadd.s32 s21, s3  }
0xa3: {  	[timem:s7], [sflag:s22] =	dma.local [hbm:s5], s20  }
0xa4: {  	_ =	swait.ge [sflag:s22], s20  }
0xa5: {  	s4 =	ssub.s32 $0x0, s20;
	[sflag:s22] =	ssyncset.done $0x0  }
0xa6: {  	[sflag:s22] =	ssyncadd.s32 s4;
	_ =	sdelay $0x1  }
0xa7: {  	s23 =	simm.s32 $0x1B8B  }
0xa8: {  	_ =	swait.ge [sflag:s23], $0x1  }
0xa9: {  	[sflag:s23] =	ssyncset.done $0x0  }
0xaa: {  	s25 =	simm.s32 $0x1B8E;
	s24 =	sld [smem:$0x3FFE];
	[sflag:s23] =	ssyncadd.s32 $0xFFFFFFFF  }
0xab: {  	s26 =	simm.s32 $execute0_lowered;
	[smem:$0x3FD2] =	sst s25  }
0xac: {  	s5 =	sshll.u32 s26, $0x1;
	_ =	strace $0x80000046;
	[dreg:$0x1] =	wrdreg $0xFFFFFFFF  }
0xad: {  	s28 =	simm.s32 $_size_execute0_lowered;
	s3 =	sadd.s32 s3, s5;
	[dreg:$0x0] =	wrdreg $0x0  }
0xae: {  	s5 =	sshll.u32 s28, $0x1;
	[dreg:$0x2] =	wrdreg s3  }
0xaf: {  	[dreg:$0x3] =	wrdreg s5  }
0xb0: {  	[dreg:$0x4] =	wrdreg $0xC0  }
0xb1: {  	_ =	task [dreg:s7], $0x5FFFF  }
0xb2: {  	[dreg:$0x1] =	wrdreg $0xFFFFFFFF  }
0xb3: {  	[dreg:$0x0] =	wrdreg $0x60  }
0xb4: {  	[dreg:$0x2] =	wrdreg s16  }
0xb5: {  	[dreg:$0x3] =	wrdreg s24  }
0xb6: {  	[dreg:$0x4] =	wrdreg $0xA  }
0xb7: {  	_ =	task.clear_ibuf [dreg:s7], $0x5FFFF;
	_ =	strace $0x90000046  }
0xb8: {  	s29 =	simm.s32 $0xA;
	_ =	strace $0x80000048  }
0xb9: {  	_ =	swait.ge [sflag:s29], $0x1  }
0xba: {  	[sflag:s29] =	ssyncadd.s32 $0xFFFFFFFF  }
0xbb: {  	_ =	strace $0x90000048  }
0xbc: {  	_ =	sfence  }
0xbd: {  	s30 =	sld [smem:$0x0];
	_ =	sdelay $0x2  }
0xbe: {  	s31 =	sshll.u32 s1, $0xD;
	s1 =	sshrl.u32 s1, $0x2  }
0xbf: {  	s3 =	sand.u32 $0x4000, s31;
	s1 =	sadd.s32 s1, s30  }
0xc0: {  	s0 =	sor.u32 s3, s0;
	s1 =	sshll.u32 s1, $0x11  }
0xc1: {  	s0 =	sor.u32 s1, s0  }
0xc2: {  	s0 =	sadd.s32 $0x8F2B, s0  }
0xc3: {  	[sflag:s0] =	ssyncadd.remote.s32 $0x1  }
0xc4: {  	_ =	sfence.sel $0xFFFF  }
0xc5: {  	[dreg:$0x0] =	wrdreg $0xFFFFFFFF;
	(pc) =	sbr.abs _section_cstart, $3  }
0xc6: {  	[dreg:$0x1] =	wrdreg $0xFFFFFFFF  }
0xc7: {  	_ =	task.clear_ibuf [dreg:s7], $0x2FFFF;
	_ =	strace $0x9FFFFFFF  }
0xc8: {  	(tm) =	ssettm $0x7FFFFFFF  }
0xc9: {  	_ =	shalt  }
tec
execute0_lowered:
.L_overlay_start_1:
0x0: {  	(tag) =	ssettag $0x1  }
0x1: {  	s2 =	rddreg [dreg:$0x0]  }
0x2: {  	s4 =	rddreg [dreg:$0x1]  }
0x3: {  	s0 =	rddreg [dreg:$0x2];
	s1 =	stileid.u32  }
0x4: {  	s3 =	simm.s32 $0x0;
	s6 =	srdreg.scid;
	s5 =	smul.u32 $0xA0, s1  }
0x5: {  	[smem:$0x7FF] =	sst s3;
	s7 =	smul.u32 $0x500, s1;
	s8 =	sand.u32 $0x1, s6  }
0x6: {  	s30 =	sshll.u32 s1, $0x1;
	s6 =	ssub.s32 $0x2, s8;
	s9 =	smul.u32 $0x50, s8  }
0x7: {  	s10 =	smul.u32 $0x280, s8;
	_ =	strace $0x80000047;
	s29 =	sshrl.u32 s6, $0x1  }
0x8: {  	s5 =	sadd.s32 s5, s4;
	s7 =	sadd.s32 s7, s4;
	s4 =	ssub.s32 s6, s29  }
0x9: {  	s5 =	sadd.s32 s9, s5;
	s31 =	sadd.s32 s10, s7;
	s7 =	sor.u32 s8, s30  }
0xa: {  	s4 =	smax.u32 s4, $0x1;
	s5 =	sadd.s32 $0x36E00, s5;
	s6 =	sadd.s32 $0x39600, s31  }
.LBB2_1:
0xb: {  	s8 =	sadd.s32 $0x0, s7  }
0xc: {  	p0 =	sgt.u32 s8, $0x7C  }
0xd: {  	s8 =	simm.s32 @!p0 $0x0;
	s9 =	simm.s32 @!p0 $0x3  }
0xe: {  	[tilespmem:s8], [sflag:$0x3] =	stream.linear.gather @!p0 [hbm4b:s5+s8], $0x280, $0x38;
	[tilespmem:$0x1680] =	vst v63  }
0xf: {  	_ =	swait.ge @!p0 [sflag:s9], $0x280  }
0x10: {  	[sflag:s9] =	ssyncset.done @!p0 $0x0;
	p0 =	por p0, p0  }
0x11: {  	[sflag:s9] =	ssyncadd.s32 @!p0 $0xFFFFFD80;
	s9 =	simm.s32 @!p0 $0x80;
	s10 =	simm.s32 @!p0 $0x280  }
0x12: {  	[tilespmem:s10], [sflag:$0x1] =	stream.indirect.gather @!p0 [hbm4b:s2+s9], $0x8, s8, s9, $0xb8;
	[tilespmem:$0x1680] =	vst v63  }
0x13: {  	s11 =	simm.s32 @!p0 $0x680  }
0x14: {  	[tilespmem:s11], [sflag:$0x1] =	stream.indirect.gather @!p0 [hbm4b:s2+s9], $0x8, s9, s9, $0xb8;
	[tilespmem:$0x1680] =	vst v63  }
0x15: {  	s12 =	simm.s32 @!p0 $0xA80;
	s11 =	simm.s32 @!p0 $0x100  }
0x16: {  	[tilespmem:s12], [sflag:$0x1] =	stream.indirect.gather @!p0 [hbm4b:s2+s9], $0x8, s11, s9, $0xb8;
	[tilespmem:$0x1680] =	vst v63  }
0x17: {  	s11 =	simm.s32 @!p0 $0x180;
	s12 =	simm.s32 @!p0 $0xE80  }
0x18: {  	[tilespmem:s12], [sflag:$0x1] =	stream.indirect.gather @!p0 [hbm4b:s2+s9], $0x8, s11, s9, $0xb8;
	[tilespmem:$0x1680] =	vst v63  }
0x19: {  	s13 =	simm.s32 @!p0 $0x1;
	s11 =	simm.s32 @!p0 $0x200;
	s12 =	simm.s32 @!p0 $0x1280  }
0x1a: {  	[tilespmem:s12], [sflag:$0x1] =	stream.indirect.gather @!p0 [hbm4b:s2+s9], $0x8, s11, s9, $0xb8;
	[tilespmem:$0x1680] =	vst v63  }
0x1b: {  	_ =	swait.ge @!p0 [sflag:s13], $0x400  }
0x1c: {  	[sflag:s13] =	ssyncset.done @!p0 $0x0  }
0x1d: {  	[sflag:s13] =	ssyncadd.s32 @!p0 $0xFFFFFC00  }
0x1e: {  	_ =	swait.ge @!p0 [sflag:s13], $0x400  }
0x1f: {  	[sflag:s13] =	ssyncset.done @!p0 $0x0  }
0x20: {  	[sflag:s13] =	ssyncadd.s32 @!p0 $0xFFFFFC00  }
0x21: {  	_ =	swait.ge @!p0 [sflag:s13], $0x400  }
0x22: {  	[sflag:s13] =	ssyncset.done @!p0 $0x0  }
0x23: {  	[sflag:s13] =	ssyncadd.s32 @!p0 $0xFFFFFC00  }
0x24: {  	_ =	swait.ge @!p0 [sflag:s13], $0x400  }
0x25: {  	[sflag:s13] =	ssyncset.done @!p0 $0x0  }
0x26: {  	[sflag:s13] =	ssyncadd.s32 @!p0 $0xFFFFFC00  }
0x27: {  	_ =	swait.ge @!p0 [sflag:s13], $0x400  }
0x28: {  	[sflag:s13] =	ssyncset.done @!p0 $0x0  }
0x29: {  	s31 =	sadd.s32 $0x20, s7;
	[sflag:s13] =	ssyncadd.s32 @!p0 $0xFFFFFC00;
	s13 =	simm.s32 @!p0 $0x2  }
0x2a: {  	[hbm4b:s6+s8] =	stream.linear.scatter @!p0 [tilespmem:s10], [sflag:$0x2], $0x1400, $0x38;
	[tilespmem:$0x1680] =	vst v63  }
0x2b: {  	p2 =	sgt.u32 s31, $0x7C;
	s9 =	simm.s32 $0x40;
	_ =	swait.ge @!p0 [sflag:s13], $0x1400  }
0x2c: {  	s8 =	sadd.s32 $0x5000, s6;
	s10 =	sadd.s32 $0xA00, s5;
	[sflag:s13] =	ssyncset.done @!p0 $0x0  }
.LBB2_2:
0x2d: {  	s11 =	simm.s32 @!p2 $0x0;
	s14 =	simm.s32 @!p2 $0x3;
	[sflag:s13] =	ssyncadd.s32 @!p0 $0xFFFFEC00  }
0x2e: {  	[tilespmem:s11], [sflag:$0x3] =	stream.linear.gather @!p2 [hbm4b:s10+s11], $0x280, $0x38;
	[tilespmem:$0x1680] =	vst v63  }
0x2f: {  	s12 =	smov.u32 s9;
	s9 =	sadd.s32 $0x20, s9;
	_ =	swait.ge @!p2 [sflag:s14], $0x280  }
0x30: {  	p0 =	por p2, p2;
	p1 =	sne.s32 s9, $0x80;
	[sflag:s14] =	ssyncset.done @!p2 $0x0  }
0x31: {  	s13 =	simm.s32 @!p0 $0x80;
	[sflag:s14] =	ssyncadd.s32 @!p0 $0xFFFFFD80;
	s14 =	simm.s32 @!p0 $0x280  }
0x32: {  	[tilespmem:s14], [sflag:$0x1] =	stream.indirect.gather @!p0 [hbm4b:s2+s13], $0x8, s11, s13, $0xb8;
	[tilespmem:$0x1680] =	vst v63  }
0x33: {  	s15 =	simm.s32 @!p0 $0x680  }
0x34: {  	[tilespmem:s15], [sflag:$0x1] =	stream.indirect.gather @!p0 [hbm4b:s2+s13], $0x8, s13, s13, $0xb8;
	[tilespmem:$0x1680] =	vst v63  }
0x35: {  	s16 =	simm.s32 @!p0 $0xA80;
	s15 =	simm.s32 @!p0 $0x100  }
0x36: {  	[tilespmem:s16], [sflag:$0x1] =	stream.indirect.gather @!p0 [hbm4b:s2+s13], $0x8, s15, s13, $0xb8;
	[tilespmem:$0x1680] =	vst v63  }
0x37: {  	s15 =	simm.s32 @!p0 $0x180;
	s16 =	simm.s32 @!p0 $0xE80  }
0x38: {  	[tilespmem:s16], [sflag:$0x1] =	stream.indirect.gather @!p0 [hbm4b:s2+s13], $0x8, s15, s13, $0xb8;
	[tilespmem:$0x1680] =	vst v63  }
0x39: {  	s17 =	simm.s32 @!p0 $0x1;
	s15 =	simm.s32 @!p0 $0x200;
	s16 =	simm.s32 @!p0 $0x1280  }
0x3a: {  	[tilespmem:s16], [sflag:$0x1] =	stream.indirect.gather @!p0 [hbm4b:s2+s13], $0x8, s15, s13, $0xb8;
	[tilespmem:$0x1680] =	vst v63  }
0x3b: {  	_ =	swait.ge @!p0 [sflag:s17], $0x400  }
0x3c: {  	[sflag:s17] =	ssyncset.done @!p0 $0x0  }
0x3d: {  	[sflag:s17] =	ssyncadd.s32 @!p0 $0xFFFFFC00  }
0x3e: {  	_ =	swait.ge @!p0 [sflag:s17], $0x400  }
0x3f: {  	[sflag:s17] =	ssyncset.done @!p0 $0x0  }
0x40: {  	[sflag:s17] =	ssyncadd.s32 @!p0 $0xFFFFFC00  }
0x41: {  	_ =	swait.ge @!p0 [sflag:s17], $0x400  }
0x42: {  	[sflag:s17] =	ssyncset.done @!p0 $0x0  }
0x43: {  	[sflag:s17] =	ssyncadd.s32 @!p0 $0xFFFFFC00  }
0x44: {  	_ =	swait.ge @!p0 [sflag:s17], $0x400  }
0x45: {  	[sflag:s17] =	ssyncset.done @!p0 $0x0  }
0x46: {  	[sflag:s17] =	ssyncadd.s32 @!p0 $0xFFFFFC00  }
0x47: {  	_ =	swait.ge @!p0 [sflag:s17], $0x400  }
.Ltmp0:
0x48: {  	[sflag:s17] =	ssyncset.done @!p0 $0x0;
	(pc) =	sbr.rel @p1 .LBB2_2-.Ltmp0, $4  }
0x49: {  	s13 =	simm.s32 @!p0 $0x2;
	[sflag:s17] =	ssyncadd.s32 @!p0 $0xFFFFFC00  }
0x4a: {  	[hbm4b:s8+s11] =	stream.linear.scatter @!p0 [tilespmem:s14], [sflag:$0x2], $0x1400, $0x38;
	[tilespmem:$0x1680] =	vst v63  }
0x4b: {  	s11 =	sadd.s32 s12, s7;
	s8 =	sadd.s32 $0x5000, s8;
	_ =	swait.ge @!p0 [sflag:s13], $0x1400  }
0x4c: {  	s10 =	sadd.s32 $0xA00, s10;
	p2 =	sgt.u32 s11, $0x7C;
	[sflag:s13] =	ssyncset.done @!p0 $0x0  }
0x4d: {  	s9 =	simm.s32 @!p2 $0x0;
	s11 =	simm.s32 @!p2 $0x3;
	[sflag:s13] =	ssyncadd.s32 @!p0 $0xFFFFEC00  }
0x4e: {  	[tilespmem:s9], [sflag:$0x3] =	stream.linear.gather @!p2 [hbm4b:s10+s9], $0x280, $0x38;
	[tilespmem:$0x1680] =	vst v63  }
0x4f: {  	_ =	swait.ge @!p2 [sflag:s11], $0x280  }
0x50: {  	p0 =	por p2, p2;
	[sflag:s11] =	ssyncset.done @!p2 $0x0  }
0x51: {  	s10 =	simm.s32 @!p0 $0x80;
	[sflag:s11] =	ssyncadd.s32 @!p0 $0xFFFFFD80;
	s11 =	simm.s32 @!p0 $0x280  }
0x52: {  	[tilespmem:s11], [sflag:$0x1] =	stream.indirect.gather @!p0 [hbm4b:s2+s10], $0x8, s9, s10, $0xb8;
	[tilespmem:$0x1680] =	vst v63  }
0x53: {  	s12 =	simm.s32 @!p0 $0x680  }
0x54: {  	[tilespmem:s12], [sflag:$0x1] =	stream.indirect.gather @!p0 [hbm4b:s2+s10], $0x8, s10, s10, $0xb8;
	[tilespmem:$0x1680] =	vst v63  }
0x55: {  	s13 =	simm.s32 @!p0 $0xA80;
	s12 =	simm.s32 @!p0 $0x100  }
0x56: {  	[tilespmem:s13], [sflag:$0x1] =	stream.indirect.gather @!p0 [hbm4b:s2+s10], $0x8, s12, s10, $0xb8;
	[tilespmem:$0x1680] =	vst v63  }
0x57: {  	s12 =	simm.s32 @!p0 $0x180;
	s13 =	simm.s32 @!p0 $0xE80  }
0x58: {  	[tilespmem:s13], [sflag:$0x1] =	stream.indirect.gather @!p0 [hbm4b:s2+s10], $0x8, s12, s10, $0xb8;
	[tilespmem:$0x1680] =	vst v63  }
0x59: {  	s14 =	simm.s32 @!p0 $0x1;
	s12 =	simm.s32 @!p0 $0x200;
	s13 =	simm.s32 @!p0 $0x1280  }
0x5a: {  	[tilespmem:s13], [sflag:$0x1] =	stream.indirect.gather @!p0 [hbm4b:s2+s10], $0x8, s12, s10, $0xb8;
	[tilespmem:$0x1680] =	vst v63  }
0x5b: {  	_ =	swait.ge @!p0 [sflag:s14], $0x400  }
0x5c: {  	[sflag:s14] =	ssyncset.done @!p0 $0x0  }
0x5d: {  	[sflag:s14] =	ssyncadd.s32 @!p0 $0xFFFFFC00  }
0x5e: {  	_ =	swait.ge @!p0 [sflag:s14], $0x400  }
0x5f: {  	[sflag:s14] =	ssyncset.done @!p0 $0x0  }
0x60: {  	[sflag:s14] =	ssyncadd.s32 @!p0 $0xFFFFFC00  }
0x61: {  	_ =	swait.ge @!p0 [sflag:s14], $0x400  }
0x62: {  	[sflag:s14] =	ssyncset.done @!p0 $0x0  }
0x63: {  	[sflag:s14] =	ssyncadd.s32 @!p0 $0xFFFFFC00  }
0x64: {  	_ =	swait.ge @!p0 [sflag:s14], $0x400  }
0x65: {  	[sflag:s14] =	ssyncset.done @!p0 $0x0  }
0x66: {  	[sflag:s14] =	ssyncadd.s32 @!p0 $0xFFFFFC00  }
0x67: {  	s3 =	sadd.s32 $0x1, s3;
	_ =	swait.ge @!p0 [sflag:s14], $0x400  }
0x68: {  	p1 =	sne.s32 s3, s4;
	[sflag:s14] =	ssyncset.done @!p0 $0x0  }
.Ltmp1:
0x69: {  	s10 =	simm.s32 @!p0 $0x2;
	[sflag:s14] =	ssyncadd.s32 @!p0 $0xFFFFFC00;
	(pc) =	sbr.rel @p1 .LBB2_1-.Ltmp1, $4  }
0x6a: {  	[hbm4b:s8+s9] =	stream.linear.scatter @!p0 [tilespmem:s11], [sflag:$0x2], $0x1400, $0x38;
	[tilespmem:$0x1680] =	vst v63  }
0x6b: {  	_ =	swait.ge @!p0 [sflag:s10], $0x1400  }
0x6c: {  	[sflag:s10] =	ssyncset.done @!p0 $0x0  }
0x6d: {  	[sflag:s10] =	ssyncadd.s32 @!p0 $0xFFFFEC00  }
0x6e: {  	_ =	sfence.sel $0x180000  }
0x6f: {  	[bflag:$0x0] =	sbarrier.arrive $0xFFFF  }
0x70: {  	p0 =	sne.s32 s1, $0x0;
	_ =	strace $0x90000047  }
0x71: {  	s0 =	sadd.s32 @!p0 $0x100000, s0;
	[bflag:$0x2] =	sbarrier.arrive $0xFFFF  }
0x72: {  	[sflag:s0] =	ssyncadd.tile.s32 @!p0 $0x1;
	_ =	shalt  }
.Lfunc_end2:
_tile_overlayer_lowered:
.L_overlay_start_2:
0x73: {  	(tag) =	ssettag $0x2  }
0x74: {  	s0 =	rddreg [dreg:$0x0];
	s2 =	stileid.u32  }
0x75: {  	s1 =	rddreg [dreg:$0x1];
	p0 =	sne.s32 s2, $0x0  }
0x76: {  	s3 =	rddreg [dreg:$0x2];
	[bflag:$0x3] =	sbarrier.arrive $0xFFFF;
	s2 =	simm.s32 @!p0 $0x1C02  }
0x77: {  	[timem:s3], [sflag:s2] =	dma.local @!p0 [hbm:s0], s1  }
0x78: {  	s0 =	simm.s32 @!p0 $0x2  }
0x79: {  	_ =	swait.ge @!p0 [sflag:s0], s1  }
0x7a: {  	s1 =	ssub.s32 @!p0 $0x0, s1;
	[sflag:s0] =	ssyncset.done @!p0 $0x0  }
0x7b: {  	[sflag:s0] =	ssyncadd.s32 @!p0 s1  }
0x7c: {  	[bflag:$0x3] =	sbarrier.arrive $0xFFFF  }
0x7d: {  	_ =	shalt  }

</sc_bundles>
